<compile_context>
chip_gen: v7x
topology: tpu7x:2x2x1
jax: 0.10.2.dev20260603
libtpu: 0.0.44.dev20260713+nightly
codegen_flags: <defaults>
</compile_context>

<pallas_src>
import functools

import jax
import jax.numpy as jnp
import jax.random as jr
from jax import lax
from jax.experimental import pallas as pl
from jax.experimental.pallas import tpu as pltpu
from jax.experimental.pallas import tpu_sc as plsc

G = 1024
NA = 8
L = 16
ROWS_PER_TILE = G // 16
SUB = 4
SUB_ROWS = ROWS_PER_TILE // SUB
APPLE = 1.0
ORCHARD = 2.0


def _subcore_id():
    return lax.axis_index("s")


_U = jnp.uint32


def _rotl(x, d):
    return (x << _U(d)) | (x >> _U(32 - d))


def _tf2x32(k1, k2, x0, x1):
    ks2 = k1 ^ k2 ^ _U(0x1BD11BDA)
    ks = (k1, k2, ks2)
    rot1 = (13, 15, 26, 6)
    rot2 = (17, 29, 16, 24)
    sched = ((1, 2, 1), (2, 0, 2), (0, 1, 3), (1, 2, 4), (2, 0, 5))
    rots = (rot1, rot2, rot1, rot2, rot1)
    x0 = x0 + k1
    x1 = x1 + k2
    for g in range(5):
        for r in rots[g]:
            x0 = x0 + x1
            x1 = _rotl(x1, r)
            x1 = x1 ^ x0
        a, b, c = sched[g]
        x0 = x0 + ks[a]
        x1 = x1 + ks[b] + _U(c)
    return x0, x1


def _tf_split(k1, k2):
    a0, b0 = _tf2x32(k1, k2, _U(0), _U(0))
    a1, b1 = _tf2x32(k1, k2, _U(0), _U(1))
    return (a0, b0), (a1, b1)


def _tf_bits32(k1, k2):
    a, b = _tf2x32(k1, k2, _U(0), _U(0))
    return a ^ b


def _body(grid_in, scal_in, act_in, grid_out, obs_out, pos_out,
          buf, cnts_l, ttl_l, cnts_sh, ttl_sh, cnts_v, ttl_v, rowb, scal_v,
          act_v, rows16, rid_v, p_v, obs_v,
          sem_i0, sem_i1, sem_i2, sem_i3, sem_o, sem2):
    w = _subcore_id()
    base = w * ROWS_PER_TILE
    lanes = lax.iota(jnp.int32, L)

    @pl.when(w == 0)
    def _prefetch():
        pltpu.sync_copy(scal_in, scal_v)
        pltpu.sync_copy(act_in, act_v)

    sems_in = (sem_i0, sem_i1, sem_i2, sem_i3)
    cps_in = [
        pltpu.async_copy(grid_in.at[pl.ds(base + c * SUB_ROWS, SUB_ROWS)],
                         buf.at[pl.ds(c * SUB_ROWS, SUB_ROWS)], sems_in[c])
        for c in range(SUB)
    ]
    cps_out = []
    tvec = jnp.zeros(L, jnp.int32)
    for c in range(SUB):
        cps_in[c].wait()
        cps_out.append(
            pltpu.async_copy(buf.at[pl.ds(c * SUB_ROWS, SUB_ROWS)],
                             grid_out.at[pl.ds(base + c * SUB_ROWS, SUB_ROWS)],
                             sem_o))

        def row_body(r16, cvec, _c=c):
            r = _c * SUB_ROWS + r16

            def chunk_body(j, accs):
                accs = list(accs)
                for u in range(8):
                    v = buf[r, pl.ds((j * 8 + u) * L, L)]
                    accs[u % 4] = accs[u % 4] + jnp.where(v == ORCHARD, 1, 0)
                return tuple(accs)

            z = jnp.zeros(L, jnp.int32)
            a0, a1, a2, a3 = lax.fori_loop(0, G // L // 8, chunk_body,
                                           (z, z, z, z))
            acc = (a0 + a1) + (a2 + a3)
            return jnp.where(lanes == r16, jnp.sum(acc), cvec)

        cvec = lax.fori_loop(0, SUB_ROWS, row_body, jnp.zeros(L, jnp.int32))
        cnts_l[pl.ds(c * SUB_ROWS, L)] = cvec
        tvec = tvec + cvec

    ttl_l[...] = jnp.broadcast_to(jnp.sum(tvec), (L,))
    pltpu.sync_copy(cnts_l, cnts_sh.at[pl.ds(base, ROWS_PER_TILE)])
    pltpu.sync_copy(ttl_l, ttl_sh.at[pl.ds(w * L, L)])
    for c in range(SUB):
        cps_out[c].wait()
    plsc.subcore_barrier()

    @pl.when(w == 0)
    def _tile0():
        pltpu.sync_copy(cnts_sh, cnts_v)
        pltpu.sync_copy(ttl_sh, ttl_v)
        sv = scal_v[pl.ds(0, L)]
        eatv = plsc.load_gather(act_v, [(lanes * 2 + 1) & (L - 1)])
        mov = plsc.load_gather(act_v, [(lanes * 2) & (L - 1)])

        k1 = lax.bitcast_convert_type(sv[NA], jnp.uint32)
        k2 = lax.bitcast_convert_type(sv[NA + 1], jnp.uint32)
        _, ske = _tf_split(k1, k2)
        r1m, skm = _tf_split(*ske)
        dec_bits = _tf_bits32(*skm)
        dec = lax.bitcast_convert_type(
            (dec_bits >> _U(9)) | _U(0x3F800000), jnp.float32) - jnp.float32(1.0)
        sf = dec < jnp.float32(0.5)
        _, sk2 = _tf_split(*r1m)
        ka, kb = _tf_split(*sk2)
        hi = _tf_bits32(*ka)
        lo = _tf_bits32(*kb)

        totals = plsc.load_gather(ttl_v, [lanes * L])
        tot = jnp.sum(totals)

        span = jnp.where(tot <= 0, jnp.uint32(1), tot.astype(jnp.uint32))
        mult = jnp.uint32(2 ** 16) % span
        mult = (mult * mult) % span
        ridx = (((hi % span) * mult + (lo % span)) % span).astype(jnp.int32)

        tcs = jnp.cumsum(totals)
        tlane = jnp.min(jnp.where(tcs > ridx, lanes, L))
        tcs_at = jnp.sum(jnp.where(lanes == tlane, tcs, 0))
        t_at = jnp.sum(jnp.where(lanes == tlane, totals, 0))
        rem0 = ridx - (tcs_at - t_at)

        def loc_row(j, carry):
            found, row, k, rem = carry
            c = cnts_v[pl.ds(tlane * ROWS_PER_TILE + j * L, L)]
            tot_j = jnp.sum(c)
            cs = jnp.cumsum(c)
            hit = (found == 0) & (tot_j > rem)
            lane = jnp.min(jnp.where(cs > rem, lanes, L))
            cs_at = jnp.sum(jnp.where(lanes == lane, cs, 0))
            c_at = jnp.sum(jnp.where(lanes == lane, c, 0))
            row2 = jnp.where(hit, tlane * ROWS_PER_TILE + j * L + lane, row)
            k2 = jnp.where(hit, rem - (cs_at - c_at), k)
            rem2 = jnp.where((found == 0) & jnp.logical_not(hit), rem - tot_j, rem)
            return (jnp.where(hit, 1, found), row2, k2, rem2)

        _, row, k, _ = lax.fori_loop(0, ROWS_PER_TILE // L, loc_row,
                                     (jnp.int32(0), jnp.int32(0), jnp.int32(0),
                                      rem0))

        pltpu.sync_copy(grid_in.at[row], rowb)

        def loc_col(j, carry):
            found, col, rem = carry
            c = jnp.where(rowb[pl.ds(j * L, L)] == ORCHARD, 1, 0)
            tot_j = jnp.sum(c)
            cs = jnp.cumsum(c)
            hit = (found == 0) & (tot_j > rem)
            lane = jnp.min(jnp.where(cs > rem, lanes, L))
            col2 = jnp.where(hit, j * L + lane, col)
            rem2 = jnp.where((found == 0) & jnp.logical_not(hit), rem - tot_j, rem)
            return (jnp.where(hit, 1, found), col2, rem2)

        _, col, _ = lax.fori_loop(0, G // L, loc_col,
                                  (jnp.int32(0), jnp.int32(0), k))

        spawn_on = sf & (tot > 0)
        spawnP = row * G + col

        pos = sv
        x = pos >> 10
        y = pos & (G - 1)
        a = jnp.clip(mov, 0, 4)
        dx = jnp.where(a == 1, -1, 0) + jnp.where(a == 2, 1, 0)
        dy = jnp.where(a == 3, -1, 0) + jnp.where(a == 4, 1, 0)
        nx = jnp.clip(x + dx, 0, G - 1)
        ny = jnp.clip(y + dy, 0, G - 1)
        P = nx * G + ny
        p_v[...] = P

        nx0 = nx[0]
        srow = jnp.where(spawn_on, row, nx0)
        rid = jnp.where(lanes < NA, nx, jnp.where(lanes == NA, srow, nx0))
        rid_v[...] = rid
        pltpu.async_copy(grid_in.at[rid_v], rows16, sem2).wait()
        O = plsc.load_gather(rows16, [lanes, ny])
        base_vals = jnp.where(spawn_on & (P == spawnP), APPLE, O)

        ate_vec = jnp.zeros(L, jnp.int32)
        ate_s = [None] * NA
        for i in reversed(range(NA)):
            prior = jnp.sum(jnp.where((ate_vec > 0) & (P == P[i]), 1, 0))
            cur = jnp.where(prior > 0, ORCHARD, base_vals[i])
            ate_i = (eatv[i] >= 1) & (cur == APPLE)
            ate_s[i] = ate_i
            ate_vec = jnp.where((lanes == i) & ate_i, 1, ate_vec)

        eaten_at = jnp.zeros(L, jnp.int32)
        for j in range(NA):
            eaten_at = eaten_at | jnp.where((P == P[j]) & ate_s[j], 1, 0)

        vfin = jnp.where(eaten_at > 0, ORCHARD, base_vals)
        item = jnp.where(nx == 1, 0.0, jnp.where(vfin == APPLE, 1.0, 2.0))
        obs_v[pl.ds(0, L)] = P.astype(jnp.float32)
        obs_v[pl.ds(L, L)] = item
        obs_v[pl.ds(2 * L, L)] = ate_vec.astype(jnp.float32)
        obs_v[pl.ds(3 * L, L)] = jnp.zeros(L, jnp.float32)
        pltpu.sync_copy(obs_v, obs_out)
        pltpu.sync_copy(p_v, pos_out)

        ate_b = ate_vec > 0
        ones_f = jnp.full(L, APPLE, jnp.float32)
        twos_f = jnp.full(L, ORCHARD, jnp.float32)
        for s in range(L):
            rs = rid[s]
            s_vec = jnp.full(L, s, jnp.int32)
            plsc.store_scatter(rows16, [s_vec, jnp.full(L, col, jnp.int32)],
                               ones_f,
                               mask=(lanes == 0) & spawn_on & (row == rs))
            plsc.store_scatter(rows16, [s_vec, ny], twos_f,
                               mask=(lanes < NA) & ate_b & (nx == rs))

        pltpu.async_copy(rows16, grid_out.at[rid_v], sem2).wait()


@functools.partial(jax.jit, static_argnames=())
def kernel(grid, agent_position, actions, rng_key):
    kd = lax.bitcast_convert_type(
        jr.key_data(rng_key).astype(jnp.uint32), jnp.int32)
    scal = jnp.concatenate([
        agent_position[0].astype(jnp.int32), kd, jnp.zeros(6, jnp.int32),
    ])
    act = actions.astype(jnp.int32).reshape(NA * 2)

    mesh = plsc.VectorSubcoreMesh(core_axis_name="c", subcore_axis_name="s",
                                  num_cores=1, num_subcores=16)
    grid_out, obs, poso = pl.kernel(
        _body,
        out_type=[
            jax.ShapeDtypeStruct((G, G), jnp.float32),
            jax.ShapeDtypeStruct((4 * L,), jnp.float32),
            jax.ShapeDtypeStruct((L,), jnp.int32),
        ],
        mesh=mesh,
        compiler_params=pltpu.CompilerParams(needs_layout_passes=False),
        scratch_types=[
            pltpu.VMEM((ROWS_PER_TILE, G), jnp.float32),
            pltpu.VMEM((ROWS_PER_TILE,), jnp.int32),
            pltpu.VMEM((L,), jnp.int32),
            pltpu.VMEM_SHARED((G,), jnp.int32),
            pltpu.VMEM_SHARED((L * L,), jnp.int32),
            pltpu.VMEM((G,), jnp.int32),
            pltpu.VMEM((L * L,), jnp.int32),
            pltpu.VMEM((G,), jnp.float32),
            pltpu.VMEM((L,), jnp.int32),
            pltpu.VMEM((L,), jnp.int32),
            pltpu.VMEM((L, G), jnp.float32),
            pltpu.VMEM((L,), jnp.int32),
            pltpu.VMEM((L,), jnp.int32),
            pltpu.VMEM((4 * L,), jnp.float32),
            pltpu.SemaphoreType.DMA,
            pltpu.SemaphoreType.DMA,
            pltpu.SemaphoreType.DMA,
            pltpu.SemaphoreType.DMA,
            pltpu.SemaphoreType.DMA,
            pltpu.SemaphoreType.DMA,
        ],
    )(grid[0], scal, act)

    loc_obs = obs[0:NA].reshape(NA, 1)
    item_obs = obs[L:L + NA].reshape(NA, 1)
    rew_obs = obs[2 * L:2 * L + NA].reshape(NA, 1)
    return (loc_obs, item_obs, rew_obs, grid_out[None],
            poso[0:NA].reshape(1, NA))

# --- scband reference (transcript-rebuilt; emitter-appended) ---
"""Pipeline reference for scband-foraging-env-13030930776395 (READ-ONLY COPY).

The authoritative reference and input builder live on the scoring server;
editing this copy changes nothing except your own understanding.
"""

import jax, jax.numpy as jnp
import jax.lax as lax
import jax.random as jr
import numpy as np

WASTELAND, APPLE, ORCHARD = 0, 1, 2
GRID_SIZE = 1024
NUM_AGENTS = 8
APPLE_SPAWN_RATE = 0.5


def _initialise_grid():
    g = jnp.zeros((GRID_SIZE, GRID_SIZE), dtype=jnp.float32)
    g = g.at[1, :].set(float(WASTELAND))
    g = g.at[0, :].set(float(ORCHARD))
    g = g.at[-1, :].set(float(ORCHARD))
    g = g.at[-1, 0].set(float(APPLE))
    g = g.at[-1, -1].set(float(APPLE))
    return g


def setup_inputs(seed: int = 0):
    key = jax.random.key(seed)
    k1, k2 = jr.split(key)
    grid = _initialise_grid()[None, ...]
    middle_row = jnp.arange(GRID_SIZE, dtype=jnp.int32) + GRID_SIZE
    agent_position = jr.choice(k1, middle_row, (NUM_AGENTS,), replace=False).astype(jnp.int32)[None, ...]
    actions = jr.randint(k2, (NUM_AGENTS, 2), 0, 2, dtype=jnp.int32)
    rng_key = jax.random.key(42)
    return {"grid": grid, "agent_position": agent_position, "actions": actions, "rng_key": rng_key}


def _update_environment(grid, rng_key):
    rng_key, subkey = jr.split(rng_key)
    orchard_mask = grid[0] == ORCHARD
    oi = jnp.where(orchard_mask, size=GRID_SIZE * GRID_SIZE, fill_value=-1)
    orchard_coords = jnp.stack([oi[0], oi[1]], axis=1)
    num_orchards = jnp.sum(orchard_mask)

    def spawn_apple(k):
        random_idx = jr.randint(k, (), 0, num_orchards)
        c = orchard_coords[random_idx]
        return grid.at[0, c[0], c[1]].set(float(APPLE))

    def no_spawn(k):
        return grid

    spawn_decision = jr.uniform(subkey, shape=())
    rng_key, subkey2 = jr.split(rng_key)
    new_grid = lax.cond(spawn_decision < APPLE_SPAWN_RATE, spawn_apple, no_spawn, subkey2)
    final_grid = lax.cond(num_orchards > 0, lambda g: new_grid, lambda g: grid, new_grid)
    return final_grid


def _move_agent(action, agent_index, agent_positions):
    move_offsets = jnp.array([[0, 0], [-1, 0], [1, 0], [0, -1], [0, 1]], dtype=jnp.int32)
    x, y = jnp.divmod(agent_positions[agent_index], GRID_SIZE)
    d = move_offsets[action]
    new_x = jnp.clip(x + d[0], 0, GRID_SIZE - 1)
    new_y = jnp.clip(y + d[1], 0, GRID_SIZE - 1)
    return new_x * GRID_SIZE + new_y


def _action_agent(agent_idx, grid, position, action):
    action = jnp.asarray(action, dtype=jnp.int32)
    x, y = jnp.divmod(position, GRID_SIZE)

    def eat(g):
        return lax.cond(g[0, x, y] == APPLE,
                        lambda gg: (gg.at[0, x, y].set(float(ORCHARD)),
                                    jnp.zeros(NUM_AGENTS, jnp.float32).at[agent_idx].set(1.0)),
                        lambda gg: (gg, jnp.zeros(NUM_AGENTS, jnp.float32)),
                        g)

    def noop(g):
        return (g, jnp.zeros(NUM_AGENTS, jnp.float32))

    new_grid, reward_array = lax.switch(action, [noop, eat], grid)
    return new_grid, reward_array


def _get_observation(grid, agent_position, rewards):
    location = agent_position[0]
    x, y = jnp.divmod(location, GRID_SIZE)
    item_state = grid[0, x, y]
    is_wasteland = x == 1
    apple_obs = jnp.where(item_state == APPLE, 1.0, 2.0)
    mapped_item_state = jnp.where(is_wasteland, 0.0, apple_obs)
    location_obs = location.reshape((NUM_AGENTS, 1)).astype(jnp.float32)
    item_obs = mapped_item_state.reshape((NUM_AGENTS, 1))
    reward_obs = rewards.reshape((NUM_AGENTS, 1))
    return location_obs, item_obs, reward_obs


def reference(grid, agent_position, actions, rng_key):
    rng_key, subkey_env = jr.split(rng_key)
    new_grid = _update_environment(grid, subkey_env)
    new_agent_position = agent_position
    rewards = jnp.zeros(NUM_AGENTS, jnp.float32)
    for i in reversed(range(NUM_AGENTS)):
        move_action, grid_action = actions[i, 0], actions[i, 1]
        new_agent_position = new_agent_position.at[0, i].set(
            _move_agent(move_action, i, new_agent_position[0]))
        new_grid, reward_array = _action_agent(i, new_grid, new_agent_position[0, i], grid_action)
        rewards = rewards + reward_array
    location_obs, item_obs, reward_obs = _get_observation(new_grid, new_agent_position, rewards)
    return (location_obs, item_obs, reward_obs, new_grid, new_agent_position)

if __name__ == "__main__":
    import jax
    _d = setup_inputs()
    print(jax.jit(kernel)(*tuple(_d.values())))

</pallas_src>

<mosaic_0001>
#map = affine_map<(d0, d1) -> (0, 0)>
#map1 = affine_map<(d0, d1) -> (0)>
module attributes {stable_mosaic.version = 14 : i64} {
  func.func @_body(%arg0: i32, %arg1: i32, %arg2: memref<1024x1024xf32, #tpu.memory_space<hbm>>, %arg3: memref<16xi32, #tpu.memory_space<hbm>>, %arg4: memref<16xi32, #tpu.memory_space<hbm>>, %arg5: memref<1024x1024xf32, #tpu.memory_space<hbm>>, %arg6: memref<64xf32, #tpu.memory_space<hbm>>, %arg7: memref<16xi32, #tpu.memory_space<hbm>>, %arg8: memref<64x1024xf32, #tpu.memory_space<vmem>>, %arg9: memref<64xi32, #tpu.memory_space<vmem>>, %arg10: memref<16xi32, #tpu.memory_space<vmem>>, %arg11: memref<1024xi32, #tpu.memory_space<vmem_shared>>, %arg12: memref<256xi32, #tpu.memory_space<vmem_shared>>, %arg13: memref<1024xi32, #tpu.memory_space<vmem>>, %arg14: memref<256xi32, #tpu.memory_space<vmem>>, %arg15: memref<1024xf32, #tpu.memory_space<vmem>>, %arg16: memref<16xi32, #tpu.memory_space<vmem>>, %arg17: memref<16xi32, #tpu.memory_space<vmem>>, %arg18: memref<16x1024xf32, #tpu.memory_space<vmem>>, %arg19: memref<16xi32, #tpu.memory_space<vmem>>, %arg20: memref<16xi32, #tpu.memory_space<vmem>>, %arg21: memref<64xf32, #tpu.memory_space<vmem>>, %arg22: memref<!tpu.dma_semaphore, #tpu.memory_space<semaphore_mem>>, %arg23: memref<!tpu.dma_semaphore, #tpu.memory_space<semaphore_mem>>, %arg24: memref<!tpu.dma_semaphore, #tpu.memory_space<semaphore_mem>>, %arg25: memref<!tpu.dma_semaphore, #tpu.memory_space<semaphore_mem>>, %arg26: memref<!tpu.dma_semaphore, #tpu.memory_space<semaphore_mem>>, %arg27: memref<!tpu.dma_semaphore, #tpu.memory_space<semaphore_mem>>) attributes {dimension_semantics = [#tpu.dimension_semantics<core_parallel>, #tpu.dimension_semantics<subcore_parallel>], iteration_bounds = array<i64: 1, 16>, scalar_prefetch = 0 : i64, scratch_operands = 20 : i64, tpu.core_type = #tpu.core_type<sc_vector_subcore>, window_params = [{transform_indices = #map}, {transform_indices = #map1}, {transform_indices = #map1}, {transform_indices = #map}, {transform_indices = #map1}, {transform_indices = #map1}]} {
    %mul3A = arith.constant 64 : i32
    %mul3A_0 = arith.muli %arg1, %mul3A : i32
    %iota3A = tpu.iota {dimensions = array<i32: 0>} : vector<16xi32>
    %eq3A = arith.constant 0 : i32
    %eq3A_1 = arith.cmpi eq, %arg1, %eq3A : i32
    %convert_element_type3A = arith.extui %eq3A_1 : i1 to i32
    %cond3A = arith.constant 0 : i32
    %cond3A_2 = arith.cmpi ne, %convert_element_type3A, %cond3A : i32
    scf.if %cond3A_2 {
      "tpu.region"() ({
        %run_scoped3A = tpu.sem_alloc : memref<!tpu.dma_semaphore, #tpu.memory_space<semaphore_mem>>
        tpu.enqueue_dma source(%arg3 : memref<16xi32, #tpu.memory_space<hbm>>) target(%arg16 : memref<16xi32, #tpu.memory_space<vmem>>) target_semaphore(%run_scoped3A : memref<!tpu.dma_semaphore, #tpu.memory_space<semaphore_mem>>)
        tpu.wait_dma2 semaphore(%run_scoped3A : memref<!tpu.dma_semaphore, #tpu.memory_space<semaphore_mem>>) src(%arg3 : memref<16xi32, #tpu.memory_space<hbm>>) dst(%arg16 : memref<16xi32, #tpu.memory_space<vmem>>)
        tpu.yield
      }) : () -> ()
      "tpu.region"() ({
        %run_scoped3A = tpu.sem_alloc : memref<!tpu.dma_semaphore, #tpu.memory_space<semaphore_mem>>
        tpu.enqueue_dma source(%arg4 : memref<16xi32, #tpu.memory_space<hbm>>) target(%arg17 : memref<16xi32, #tpu.memory_space<vmem>>) target_semaphore(%run_scoped3A : memref<!tpu.dma_semaphore, #tpu.memory_space<semaphore_mem>>)
        tpu.wait_dma2 semaphore(%run_scoped3A : memref<!tpu.dma_semaphore, #tpu.memory_space<semaphore_mem>>) src(%arg4 : memref<16xi32, #tpu.memory_space<hbm>>) dst(%arg17 : memref<16xi32, #tpu.memory_space<vmem>>)
        tpu.yield
      }) : () -> ()
    } else {
    }
    %add3A = arith.constant 0 : i32
    %add3A_3 = arith.addi %mul3A_0, %add3A : i32
    %dma_start3A = arith.constant 0 : i32
    %dma_start3A_4 = arith.constant 0 : i32
    %dma_start3A_5 = tpu.memref_slice %arg8[%dma_start3A, %dma_start3A_4] : memref<64x1024xf32, #tpu.memory_space<vmem>> -> memref<16x1024xf32, #tpu.memory_space<vmem>>
    %dma_start3A_6 = arith.constant 0 : i32
    %dma_start3A_7 = tpu.memref_slice %arg2[%add3A_3, %dma_start3A_6] : memref<1024x1024xf32, #tpu.memory_space<hbm>> -> memref<16x1024xf32, #tpu.memory_space<hbm>>
    %dma_start3A_8 = arith.constant 0 : i32
    %dma_start3A_9 = arith.constant 0 : i32
    %dma_start3A_10 = tpu.memref_slice %arg8[%dma_start3A_8, %dma_start3A_9] : memref<64x1024xf32, #tpu.memory_space<vmem>> -> memref<16x1024xf32, #tpu.memory_space<vmem>>
    %dma_start3A_11 = arith.constant 0 : i32
    %dma_start3A_12 = tpu.memref_slice %arg2[%add3A_3, %dma_start3A_11] : memref<1024x1024xf32, #tpu.memory_space<hbm>> -> memref<16x1024xf32, #tpu.memory_space<hbm>>
    tpu.enqueue_dma source(%dma_start3A_12 : memref<16x1024xf32, #tpu.memory_space<hbm>>) target(%dma_start3A_10 : memref<16x1024xf32, #tpu.memory_space<vmem>>) target_semaphore(%arg22 : memref<!tpu.dma_semaphore, #tpu.memory_space<semaphore_mem>>)
    %add3A_13 = arith.constant 16 : i32
    %add3A_14 = arith.addi %mul3A_0, %add3A_13 : i32
    %dma_start3A_15 = arith.constant 16 : i32
    %dma_start3A_16 = arith.constant 0 : i32
    %dma_start3A_17 = tpu.memref_slice %arg8[%dma_start3A_15, %dma_start3A_16] : memref<64x1024xf32, #tpu.memory_space<vmem>> -> memref<16x1024xf32, #tpu.memory_space<vmem>>
    %dma_start3A_18 = arith.constant 0 : i32
    %dma_start3A_19 = tpu.memref_slice %arg2[%add3A_14, %dma_start3A_18] : memref<1024x1024xf32, #tpu.memory_space<hbm>> -> memref<16x1024xf32, #tpu.memory_space<hbm>>
    %dma_start3A_20 = arith.constant 16 : i32
    %dma_start3A_21 = arith.constant 0 : i32
    %dma_start3A_22 = tpu.memref_slice %arg8[%dma_start3A_20, %dma_start3A_21] : memref<64x1024xf32, #tpu.memory_space<vmem>> -> memref<16x1024xf32, #tpu.memory_space<vmem>>
    %dma_start3A_23 = arith.constant 0 : i32
    %dma_start3A_24 = tpu.memref_slice %arg2[%add3A_14, %dma_start3A_23] : memref<1024x1024xf32, #tpu.memory_space<hbm>> -> memref<16x1024xf32, #tpu.memory_space<hbm>>
    tpu.enqueue_dma source(%dma_start3A_24 : memref<16x1024xf32, #tpu.memory_space<hbm>>) target(%dma_start3A_22 : memref<16x1024xf32, #tpu.memory_space<vmem>>) target_semaphore(%arg23 : memref<!tpu.dma_semaphore, #tpu.memory_space<semaphore_mem>>)
    %add3A_25 = arith.constant 32 : i32
    %add3A_26 = arith.addi %mul3A_0, %add3A_25 : i32
    %dma_start3A_27 = arith.constant 32 : i32
    %dma_start3A_28 = arith.constant 0 : i32
    %dma_start3A_29 = tpu.memref_slice %arg8[%dma_start3A_27, %dma_start3A_28] : memref<64x1024xf32, #tpu.memory_space<vmem>> -> memref<16x1024xf32, #tpu.memory_space<vmem>>
    %dma_start3A_30 = arith.constant 0 : i32
    %dma_start3A_31 = tpu.memref_slice %arg2[%add3A_26, %dma_start3A_30] : memref<1024x1024xf32, #tpu.memory_space<hbm>> -> memref<16x1024xf32, #tpu.memory_space<hbm>>
    %dma_start3A_32 = arith.constant 32 : i32
    %dma_start3A_33 = arith.constant 0 : i32
    %dma_start3A_34 = tpu.memref_slice %arg8[%dma_start3A_32, %dma_start3A_33] : memref<64x1024xf32, #tpu.memory_space<vmem>> -> memref<16x1024xf32, #tpu.memory_space<vmem>>
    %dma_start3A_35 = arith.constant 0 : i32
    %dma_start3A_36 = tpu.memref_slice %arg2[%add3A_26, %dma_start3A_35] : memref<1024x1024xf32, #tpu.memory_space<hbm>> -> memref<16x1024xf32, #tpu.memory_space<hbm>>
    tpu.enqueue_dma source(%dma_start3A_36 : memref<16x1024xf32, #tpu.memory_space<hbm>>) target(%dma_start3A_34 : memref<16x1024xf32, #tpu.memory_space<vmem>>) target_semaphore(%arg24 : memref<!tpu.dma_semaphore, #tpu.memory_space<semaphore_mem>>)
    %add3A_37 = arith.constant 48 : i32
    %add3A_38 = arith.addi %mul3A_0, %add3A_37 : i32
    %dma_start3A_39 = arith.constant 48 : i32
    %dma_start3A_40 = arith.constant 0 : i32
    %dma_start3A_41 = tpu.memref_slice %arg8[%dma_start3A_39, %dma_start3A_40] : memref<64x1024xf32, #tpu.memory_space<vmem>> -> memref<16x1024xf32, #tpu.memory_space<vmem>>
    %dma_start3A_42 = arith.constant 0 : i32
    %dma_start3A_43 = tpu.memref_slice %arg2[%add3A_38, %dma_start3A_42] : memref<1024x1024xf32, #tpu.memory_space<hbm>> -> memref<16x1024xf32, #tpu.memory_space<hbm>>
    %dma_start3A_44 = arith.constant 48 : i32
    %dma_start3A_45 = arith.constant 0 : i32
    %dma_start3A_46 = tpu.memref_slice %arg8[%dma_start3A_44, %dma_start3A_45] : memref<64x1024xf32, #tpu.memory_space<vmem>> -> memref<16x1024xf32, #tpu.memory_space<vmem>>
    %dma_start3A_47 = arith.constant 0 : i32
    %dma_start3A_48 = tpu.memref_slice %arg2[%add3A_38, %dma_start3A_47] : memref<1024x1024xf32, #tpu.memory_space<hbm>> -> memref<16x1024xf32, #tpu.memory_space<hbm>>
    tpu.enqueue_dma source(%dma_start3A_48 : memref<16x1024xf32, #tpu.memory_space<hbm>>) target(%dma_start3A_46 : memref<16x1024xf32, #tpu.memory_space<vmem>>) target_semaphore(%arg25 : memref<!tpu.dma_semaphore, #tpu.memory_space<semaphore_mem>>)
    %broadcast_in_dim3A = arith.constant 0 : i32
    %broadcast_in_dim3A_49 = vector.broadcast %broadcast_in_dim3A : i32 to vector<16xi32>
    %dma_wait3A = arith.constant 0 : i32
    %dma_wait3A_50 = arith.constant 0 : i32
    %dma_wait3A_51 = tpu.memref_slice %arg8[%dma_wait3A, %dma_wait3A_50] : memref<64x1024xf32, #tpu.memory_space<vmem>> -> memref<16x1024xf32, #tpu.memory_space<vmem>>
    %dma_wait3A_52 = arith.constant 0 : i32
    %dma_wait3A_53 = tpu.memref_slice %arg2[%add3A_3, %dma_wait3A_52] : memref<1024x1024xf32, #tpu.memory_space<hbm>> -> memref<16x1024xf32, #tpu.memory_space<hbm>>
    %dma_wait3A_54 = arith.constant 0 : i32
    %dma_wait3A_55 = arith.constant 0 : i32
    %dma_wait3A_56 = tpu.memref_slice %arg8[%dma_wait3A_54, %dma_wait3A_55] : memref<64x1024xf32, #tpu.memory_space<vmem>> -> memref<16x1024xf32, #tpu.memory_space<vmem>>
    %dma_wait3A_57 = arith.constant 0 : i32
    %dma_wait3A_58 = tpu.memref_slice %arg2[%add3A_3, %dma_wait3A_57] : memref<1024x1024xf32, #tpu.memory_space<hbm>> -> memref<16x1024xf32, #tpu.memory_space<hbm>>
    tpu.wait_dma2 semaphore(%arg22 : memref<!tpu.dma_semaphore, #tpu.memory_space<semaphore_mem>>) src(%dma_wait3A_58 : memref<16x1024xf32, #tpu.memory_space<hbm>>) dst(%dma_wait3A_56 : memref<16x1024xf32, #tpu.memory_space<vmem>>)
    %add3A_59 = arith.constant 0 : i32
    %add3A_60 = arith.addi %mul3A_0, %add3A_59 : i32
    %dma_start3A_61 = arith.constant 0 : i32
    %dma_start3A_62 = arith.constant 0 : i32
    %dma_start3A_63 = tpu.memref_slice %arg8[%dma_start3A_61, %dma_start3A_62] : memref<64x1024xf32, #tpu.memory_space<vmem>> -> memref<16x1024xf32, #tpu.memory_space<vmem>>
    %dma_start3A_64 = arith.constant 0 : i32
    %dma_start3A_65 = tpu.memref_slice %arg5[%add3A_60, %dma_start3A_64] : memref<1024x1024xf32, #tpu.memory_space<hbm>> -> memref<16x1024xf32, #tpu.memory_space<hbm>>
    %dma_start3A_66 = arith.constant 0 : i32
    %dma_start3A_67 = tpu.memref_slice %arg5[%add3A_60, %dma_start3A_66] : memref<1024x1024xf32, #tpu.memory_space<hbm>> -> memref<16x1024xf32, #tpu.memory_space<hbm>>
    %dma_start3A_68 = arith.constant 0 : i32
    %dma_start3A_69 = arith.constant 0 : i32
    %dma_start3A_70 = tpu.memref_slice %arg8[%dma_start3A_68, %dma_start3A_69] : memref<64x1024xf32, #tpu.memory_space<vmem>> -> memref<16x1024xf32, #tpu.memory_space<vmem>>
    tpu.enqueue_dma source(%dma_start3A_70 : memref<16x1024xf32, #tpu.memory_space<vmem>>) target(%dma_start3A_67 : memref<16x1024xf32, #tpu.memory_space<hbm>>) target_semaphore(%arg26 : memref<!tpu.dma_semaphore, #tpu.memory_space<semaphore_mem>>)
    %broadcast_in_dim3A_71 = arith.constant 0 : i32
    %broadcast_in_dim3A_72 = vector.broadcast %broadcast_in_dim3A_71 : i32 to vector<16xi32>
    %scan3A = arith.constant 0 : i32
    %scan3A_73 = arith.constant 16 : i32
    %scan3A_74 = arith.addi %scan3A, %scan3A_73 : i32
    %scan3A_75 = arith.constant 1 : i32
    %scan3A_76 = scf.for %scan3A_232 = %scan3A to %scan3A_74 step %scan3A_75 iter_args(%scan3A_233 = %broadcast_in_dim3A_72) -> (vector<16xi32>)  : i32 {
      %add3A_234 = arith.constant 0 : i32
      %add3A_235 = arith.addi %add3A_234, %scan3A_232 : i32
      %broadcast_in_dim3A_236 = arith.constant 0 : i32
      %broadcast_in_dim3A_237 = vector.broadcast %broadcast_in_dim3A_236 : i32 to vector<16xi32>
      %scan3A_238 = arith.constant 0 : i32
      %scan3A_239 = arith.constant 8 : i32
      %scan3A_240 = arith.addi %scan3A_238, %scan3A_239 : i32
      %scan3A_241 = arith.constant 1 : i32
      %scan3A_242:4 = scf.for %scan3A_254 = %scan3A_238 to %scan3A_240 step %scan3A_241 iter_args(%scan3A_255 = %broadcast_in_dim3A_237, %scan3A_256 = %broadcast_in_dim3A_237, %scan3A_257 = %broadcast_in_dim3A_237, %scan3A_258 = %broadcast_in_dim3A_237) -> (vector<16xi32>, vector<16xi32>, vector<16xi32>, vector<16xi32>)  : i32 {
        %mul3A_259 = arith.constant 8 : i32
        %mul3A_260 = arith.muli %scan3A_254, %mul3A_259 : i32
        %add3A_261 = arith.constant 0 : i32
        %add3A_262 = arith.addi %mul3A_260, %add3A_261 : i32
        %mul3A_263 = arith.constant 16 : i32
        %mul3A_264 = arith.muli %add3A_262, %mul3A_263 : i32
        %get3A = arith.index_cast %add3A_235 : i32 to index
        %get3A_265 = arith.index_cast %mul3A_264 : i32 to index
        %get3A_266 = tpu.vector_load %arg8[%get3A, %get3A_265] {strides = array<i32>} : memref<64x1024xf32, #tpu.memory_space<vmem>>, vector<16xf32>,
        %eq3A_267 = arith.constant 2.000000e+00 : f32
        %eq3A_268 = vector.broadcast %eq3A_267 : f32 to vector<16xf32>
        %eq3A_269 = arith.cmpf oeq, %get3A_266, %eq3A_268 : vector<16xf32>
        %jit3A = arith.constant 1 : i32
        %jit3A_270 = arith.constant 0 : i32
        %broadcast_in_dim3A_271 = vector.broadcast %jit3A : i32 to vector<16xi32>
        %broadcast_in_dim3A_272 = vector.broadcast %jit3A_270 : i32 to vector<16xi32>
        %select_n3A_273 = arith.select %eq3A_269, %broadcast_in_dim3A_271, %broadcast_in_dim3A_272 : vector<16xi1>, vector<16xi32>
        %add3A_274 = arith.addi %scan3A_255, %select_n3A_273 : vector<16xi32>
        %mul3A_275 = arith.constant 8 : i32
        %mul3A_276 = arith.muli %scan3A_254, %mul3A_275 : i32
        %add3A_277 = arith.constant 1 : i32
        %add3A_278 = arith.addi %mul3A_276, %add3A_277 : i32
        %mul3A_279 = arith.constant 16 : i32
        %mul3A_280 = arith.muli %add3A_278, %mul3A_279 : i32
        %get3A_281 = arith.index_cast %add3A_235 : i32 to index
        %get3A_282 = arith.index_cast %mul3A_280 : i32 to index
        %get3A_283 = tpu.vector_load %arg8[%get3A_281, %get3A_282] {strides = array<i32>} : memref<64x1024xf32, #tpu.memory_space<vmem>>, vector<16xf32>,
        %eq3A_284 = arith.constant 2.000000e+00 : f32
        %eq3A_285 = vector.broadcast %eq3A_284 : f32 to vector<16xf32>
        %eq3A_286 = arith.cmpf oeq, %get3A_283, %eq3A_285 : vector<16xf32>
        %jit3A_287 = arith.constant 1 : i32
        %jit3A_288 = arith.constant 0 : i32
        %broadcast_in_dim3A_289 = vector.broadcast %jit3A_287 : i32 to vector<16xi32>
        %broadcast_in_dim3A_290 = vector.broadcast %jit3A_288 : i32 to vector<16xi32>
        %select_n3A_291 = arith.select %eq3A_286, %broadcast_in_dim3A_289, %broadcast_in_dim3A_290 : vector<16xi1>, vector<16xi32>
        %add3A_292 = arith.addi %scan3A_256, %select_n3A_291 : vector<16xi32>
        %mul3A_293 = arith.constant 8 : i32
        %mul3A_294 = arith.muli %scan3A_254, %mul3A_293 : i32
        %add3A_295 = arith.constant 2 : i32
        %add3A_296 = arith.addi %mul3A_294, %add3A_295 : i32
        %mul3A_297 = arith.constant 16 : i32
        %mul3A_298 = arith.muli %add3A_296, %mul3A_297 : i32
        %get3A_299 = arith.index_cast %add3A_235 : i32 to index
        %get3A_300 = arith.index_cast %mul3A_298 : i32 to index
        %get3A_301 = tpu.vector_load %arg8[%get3A_299, %get3A_300] {strides = array<i32>} : memref<64x1024xf32, #tpu.memory_space<vmem>>, vector<16xf32>,
        %eq3A_302 = arith.constant 2.000000e+00 : f32
        %eq3A_303 = vector.broadcast %eq3A_302 : f32 to vector<16xf32>
        %eq3A_304 = arith.cmpf oeq, %get3A_301, %eq3A_303 : vector<16xf32>
        %jit3A_305 = arith.constant 1 : i32
        %jit3A_306 = arith.constant 0 : i32
        %broadcast_in_dim3A_307 = vector.broadcast %jit3A_305 : i32 to vector<16xi32>
        %broadcast_in_dim3A_308 = vector.broadcast %jit3A_306 : i32 to vector<16xi32>
        %select_n3A_309 = arith.select %eq3A_304, %broadcast_in_dim3A_307, %broadcast_in_dim3A_308 : vector<16xi1>, vector<16xi32>
        %add3A_310 = arith.addi %scan3A_257, %select_n3A_309 : vector<16xi32>
        %mul3A_311 = arith.constant 8 : i32
        %mul3A_312 = arith.muli %scan3A_254, %mul3A_311 : i32
        %add3A_313 = arith.constant 3 : i32
        %add3A_314 = arith.addi %mul3A_312, %add3A_313 : i32
        %mul3A_315 = arith.constant 16 : i32
        %mul3A_316 = arith.muli %add3A_314, %mul3A_315 : i32
        %get3A_317 = arith.index_cast %add3A_235 : i32 to index
        %get3A_318 = arith.index_cast %mul3A_316 : i32 to index
        %get3A_319 = tpu.vector_load %arg8[%get3A_317, %get3A_318] {strides = array<i32>} : memref<64x1024xf32, #tpu.memory_space<vmem>>, vector<16xf32>,
        %eq3A_320 = arith.constant 2.000000e+00 : f32
        %eq3A_321 = vector.broadcast %eq3A_320 : f32 to vector<16xf32>
        %eq3A_322 = arith.cmpf oeq, %get3A_319, %eq3A_321 : vector<16xf32>
        %jit3A_323 = arith.constant 1 : i32
        %jit3A_324 = arith.constant 0 : i32
        %broadcast_in_dim3A_325 = vector.broadcast %jit3A_323 : i32 to vector<16xi32>
        %broadcast_in_dim3A_326 = vector.broadcast %jit3A_324 : i32 to vector<16xi32>
        %select_n3A_327 = arith.select %eq3A_322, %broadcast_in_dim3A_325, %broadcast_in_dim3A_326 : vector<16xi1>, vector<16xi32>
        %add3A_328 = arith.addi %scan3A_258, %select_n3A_327 : vector<16xi32>
        %mul3A_329 = arith.constant 8 : i32
        %mul3A_330 = arith.muli %scan3A_254, %mul3A_329 : i32
        %add3A_331 = arith.constant 4 : i32
        %add3A_332 = arith.addi %mul3A_330, %add3A_331 : i32
        %mul3A_333 = arith.constant 16 : i32
        %mul3A_334 = arith.muli %add3A_332, %mul3A_333 : i32
        %get3A_335 = arith.index_cast %add3A_235 : i32 to index
        %get3A_336 = arith.index_cast %mul3A_334 : i32 to index
        %get3A_337 = tpu.vector_load %arg8[%get3A_335, %get3A_336] {strides = array<i32>} : memref<64x1024xf32, #tpu.memory_space<vmem>>, vector<16xf32>,
        %eq3A_338 = arith.constant 2.000000e+00 : f32
        %eq3A_339 = vector.broadcast %eq3A_338 : f32 to vector<16xf32>
        %eq3A_340 = arith.cmpf oeq, %get3A_337, %eq3A_339 : vector<16xf32>
        %jit3A_341 = arith.constant 1 : i32
        %jit3A_342 = arith.constant 0 : i32
        %broadcast_in_dim3A_343 = vector.broadcast %jit3A_341 : i32 to vector<16xi32>
        %broadcast_in_dim3A_344 = vector.broadcast %jit3A_342 : i32 to vector<16xi32>
        %select_n3A_345 = arith.select %eq3A_340, %broadcast_in_dim3A_343, %broadcast_in_dim3A_344 : vector<16xi1>, vector<16xi32>
        %add3A_346 = arith.addi %add3A_274, %select_n3A_345 : vector<16xi32>
        %mul3A_347 = arith.constant 8 : i32
        %mul3A_348 = arith.muli %scan3A_254, %mul3A_347 : i32
        %add3A_349 = arith.constant 5 : i32
        %add3A_350 = arith.addi %mul3A_348, %add3A_349 : i32
        %mul3A_351 = arith.constant 16 : i32
        %mul3A_352 = arith.muli %add3A_350, %mul3A_351 : i32
        %get3A_353 = arith.index_cast %add3A_235 : i32 to index
        %get3A_354 = arith.index_cast %mul3A_352 : i32 to index
        %get3A_355 = tpu.vector_load %arg8[%get3A_353, %get3A_354] {strides = array<i32>} : memref<64x1024xf32, #tpu.memory_space<vmem>>, vector<16xf32>,
        %eq3A_356 = arith.constant 2.000000e+00 : f32
        %eq3A_357 = vector.broadcast %eq3A_356 : f32 to vector<16xf32>
        %eq3A_358 = arith.cmpf oeq, %get3A_355, %eq3A_357 : vector<16xf32>
        %jit3A_359 = arith.constant 1 : i32
        %jit3A_360 = arith.constant 0 : i32
        %broadcast_in_dim3A_361 = vector.broadcast %jit3A_359 : i32 to vector<16xi32>
        %broadcast_in_dim3A_362 = vector.broadcast %jit3A_360 : i32 to vector<16xi32>
        %select_n3A_363 = arith.select %eq3A_358, %broadcast_in_dim3A_361, %broadcast_in_dim3A_362 : vector<16xi1>, vector<16xi32>
        %add3A_364 = arith.addi %add3A_292, %select_n3A_363 : vector<16xi32>
        %mul3A_365 = arith.constant 8 : i32
        %mul3A_366 = arith.muli %scan3A_254, %mul3A_365 : i32
        %add3A_367 = arith.constant 6 : i32
        %add3A_368 = arith.addi %mul3A_366, %add3A_367 : i32
        %mul3A_369 = arith.constant 16 : i32
        %mul3A_370 = arith.muli %add3A_368, %mul3A_369 : i32
        %get3A_371 = arith.index_cast %add3A_235 : i32 to index
        %get3A_372 = arith.index_cast %mul3A_370 : i32 to index
        %get3A_373 = tpu.vector_load %arg8[%get3A_371, %get3A_372] {strides = array<i32>} : memref<64x1024xf32, #tpu.memory_space<vmem>>, vector<16xf32>,
        %eq3A_374 = arith.constant 2.000000e+00 : f32
        %eq3A_375 = vector.broadcast %eq3A_374 : f32 to vector<16xf32>
        %eq3A_376 = arith.cmpf oeq, %get3A_373, %eq3A_375 : vector<16xf32>
        %jit3A_377 = arith.constant 1 : i32
        %jit3A_378 = arith.constant 0 : i32
        %broadcast_in_dim3A_379 = vector.broadcast %jit3A_377 : i32 to vector<16xi32>
        %broadcast_in_dim3A_380 = vector.broadcast %jit3A_378 : i32 to vector<16xi32>
        %select_n3A_381 = arith.select %eq3A_376, %broadcast_in_dim3A_379, %broadcast_in_dim3A_380 : vector<16xi1>, vector<16xi32>
        %add3A_382 = arith.addi %add3A_310, %select_n3A_381 : vector<16xi32>
        %mul3A_383 = arith.constant 8 : i32
        %mul3A_384 = arith.muli %scan3A_254, %mul3A_383 : i32
        %add3A_385 = arith.constant 7 : i32
        %add3A_386 = arith.addi %mul3A_384, %add3A_385 : i32
        %mul3A_387 = arith.constant 16 : i32
        %mul3A_388 = arith.muli %add3A_386, %mul3A_387 : i32
        %get3A_389 = arith.index_cast %add3A_235 : i32 to index
        %get3A_390 = arith.index_cast %mul3A_388 : i32 to index
        %get3A_391 = tpu.vector_load %arg8[%get3A_389, %get3A_390] {strides = array<i32>} : memref<64x1024xf32, #tpu.memory_space<vmem>>, vector<16xf32>,
        %eq3A_392 = arith.constant 2.000000e+00 : f32
        %eq3A_393 = vector.broadcast %eq3A_392 : f32 to vector<16xf32>
        %eq3A_394 = arith.cmpf oeq, %get3A_391, %eq3A_393 : vector<16xf32>
        %jit3A_395 = arith.constant 1 : i32
        %jit3A_396 = arith.constant 0 : i32
        %broadcast_in_dim3A_397 = vector.broadcast %jit3A_395 : i32 to vector<16xi32>
        %broadcast_in_dim3A_398 = vector.broadcast %jit3A_396 : i32 to vector<16xi32>
        %select_n3A_399 = arith.select %eq3A_394, %broadcast_in_dim3A_397, %broadcast_in_dim3A_398 : vector<16xi1>, vector<16xi32>
        %add3A_400 = arith.addi %add3A_328, %select_n3A_399 : vector<16xi32>
        scf.yield %add3A_346, %add3A_364, %add3A_382, %add3A_400 : vector<16xi32>, vector<16xi32>, vector<16xi32>, vector<16xi32>
      }
      %scan3A_243 = arith.constant 8 : i32
      %add3A_244 = arith.addi %scan3A_242#0, %scan3A_242#1 : vector<16xi32>
      %add3A_245 = arith.addi %scan3A_242#2, %scan3A_242#3 : vector<16xi32>
      %add3A_246 = arith.addi %add3A_244, %add3A_245 : vector<16xi32>
      %eq3A_247 = vector.broadcast %scan3A_232 : i32 to vector<16xi32>
      %eq3A_248 = arith.cmpi eq, %iota3A, %eq3A_247 : vector<16xi32>
      %reduce_sum3A_249 = arith.constant true
      %reduce_sum3A_250 = vector.broadcast %reduce_sum3A_249 : i1 to vector<16xi1>
      %reduce_sum3A_251 = tpu.scan <sum>, %add3A_246 masked %reduce_sum3A_250 : vector<16xi32>, vector<16xi1> -> vector<16xi32>
      %reduce_sum3A_252 = vector.extract %reduce_sum3A_251[15] : i32 from vector<16xi32>
      %broadcast_in_dim3A_253 = vector.broadcast %reduce_sum3A_252 : i32 to vector<16xi32>
      %select_n3A = arith.select %eq3A_248, %broadcast_in_dim3A_253, %scan3A_233 : vector<16xi1>, vector<16xi32>
      scf.yield %select_n3A : vector<16xi32>
    }
    %scan3A_77 = arith.constant 16 : i32
    %swap3A = arith.constant 0 : index
    %swap3A_78 = tpu.vector_load %arg9[%swap3A] {strides = array<i32>} : memref<64xi32, #tpu.memory_space<vmem>>, vector<16xi32>,
    tpu.vector_store %arg9[%swap3A], %scan3A_76 {strides = array<i32>} : memref<64xi32, #tpu.memory_space<vmem>>, vector<16xi32>,
    %add3A_79 = arith.addi %broadcast_in_dim3A_49, %scan3A_76 : vector<16xi32>
    %dma_wait3A_80 = arith.constant 16 : i32
    %dma_wait3A_81 = arith.constant 0 : i32
    %dma_wait3A_82 = tpu.memref_slice %arg8[%dma_wait3A_80, %dma_wait3A_81] : memref<64x1024xf32, #tpu.memory_space<vmem>> -> memref<16x1024xf32, #tpu.memory_space<vmem>>
    %dma_wait3A_83 = arith.constant 0 : i32
    %dma_wait3A_84 = tpu.memref_slice %arg2[%add3A_14, %dma_wait3A_83] : memref<1024x1024xf32, #tpu.memory_space<hbm>> -> memref<16x1024xf32, #tpu.memory_space<hbm>>
    %dma_wait3A_85 = arith.constant 16 : i32
    %dma_wait3A_86 = arith.constant 0 : i32
    %dma_wait3A_87 = tpu.memref_slice %arg8[%dma_wait3A_85, %dma_wait3A_86] : memref<64x1024xf32, #tpu.memory_space<vmem>> -> memref<16x1024xf32, #tpu.memory_space<vmem>>
    %dma_wait3A_88 = arith.constant 0 : i32
    %dma_wait3A_89 = tpu.memref_slice %arg2[%add3A_14, %dma_wait3A_88] : memref<1024x1024xf32, #tpu.memory_space<hbm>> -> memref<16x1024xf32, #tpu.memory_space<hbm>>
    tpu.wait_dma2 semaphore(%arg23 : memref<!tpu.dma_semaphore, #tpu.memory_space<semaphore_mem>>) src(%dma_wait3A_89 : memref<16x1024xf32, #tpu.memory_space<hbm>>) dst(%dma_wait3A_87 : memref<16x1024xf32, #tpu.memory_space<vmem>>)
    %add3A_90 = arith.constant 16 : i32
    %add3A_91 = arith.addi %mul3A_0, %add3A_90 : i32
    %dma_start3A_92 = arith.constant 16 : i32
    %dma_start3A_93 = arith.constant 0 : i32
    %dma_start3A_94 = tpu.memref_slice %arg8[%dma_start3A_92, %dma_start3A_93] : memref<64x1024xf32, #tpu.memory_space<vmem>> -> memref<16x1024xf32, #tpu.memory_space<vmem>>
    %dma_start3A_95 = arith.constant 0 : i32
    %dma_start3A_96 = tpu.memref_slice %arg5[%add3A_91, %dma_start3A_95] : memref<1024x1024xf32, #tpu.memory_space<hbm>> -> memref<16x1024xf32, #tpu.memory_space<hbm>>
    %dma_start3A_97 = arith.constant 0 : i32
    %dma_start3A_98 = tpu.memref_slice %arg5[%add3A_91, %dma_start3A_97] : memref<1024x1024xf32, #tpu.memory_space<hbm>> -> memref<16x1024xf32, #tpu.memory_space<hbm>>
    %dma_start3A_99 = arith.constant 16 : i32
    %dma_start3A_100 = arith.constant 0 : i32
    %dma_start3A_101 = tpu.memref_slice %arg8[%dma_start3A_99, %dma_start3A_100] : memref<64x1024xf32, #tpu.memory_space<vmem>> -> memref<16x1024xf32, #tpu.memory_space<vmem>>
    tpu.enqueue_dma source(%dma_start3A_101 : memref<16x1024xf32, #tpu.memory_space<vmem>>) target(%dma_start3A_98 : memref<16x1024xf32, #tpu.memory_space<hbm>>) target_semaphore(%arg26 : memref<!tpu.dma_semaphore, #tpu.memory_space<semaphore_mem>>)
    %broadcast_in_dim3A_102 = arith.constant 0 : i32
    %broadcast_in_dim3A_103 = vector.broadcast %broadcast_in_dim3A_102 : i32 to vector<16xi32>
    %scan3A_104 = arith.constant 0 : i32
    %scan3A_105 = arith.constant 16 : i32
    %scan3A_106 = arith.addi %scan3A_104, %scan3A_105 : i32
    %scan3A_107 = arith.constant 1 : i32
    %scan3A_108 = scf.for %scan3A_232 = %scan3A_104 to %scan3A_106 step %scan3A_107 iter_args(%scan3A_233 = %broadcast_in_dim3A_103) -> (vector<16xi32>)  : i32 {
      %add3A_234 = arith.constant 16 : i32
      %add3A_235 = arith.addi %add3A_234, %scan3A_232 : i32
      %broadcast_in_dim3A_236 = arith.constant 0 : i32
      %broadcast_in_dim3A_237 = vector.broadcast %broadcast_in_dim3A_236 : i32 to vector<16xi32>
      %scan3A_238 = arith.constant 0 : i32
      %scan3A_239 = arith.constant 8 : i32
      %scan3A_240 = arith.addi %scan3A_238, %scan3A_239 : i32
      %scan3A_241 = arith.constant 1 : i32
      %scan3A_242:4 = scf.for %scan3A_254 = %scan3A_238 to %scan3A_240 step %scan3A_241 iter_args(%scan3A_255 = %broadcast_in_dim3A_237, %scan3A_256 = %broadcast_in_dim3A_237, %scan3A_257 = %broadcast_in_dim3A_237, %scan3A_258 = %broadcast_in_dim3A_237) -> (vector<16xi32>, vector<16xi32>, vector<16xi32>, vector<16xi32>)  : i32 {
        %mul3A_259 = arith.constant 8 : i32
        %mul3A_260 = arith.muli %scan3A_254, %mul3A_259 : i32
        %add3A_261 = arith.constant 0 : i32
        %add3A_262 = arith.addi %mul3A_260, %add3A_261 : i32
        %mul3A_263 = arith.constant 16 : i32
        %mul3A_264 = arith.muli %add3A_262, %mul3A_263 : i32
        %get3A = arith.index_cast %add3A_235 : i32 to index
        %get3A_265 = arith.index_cast %mul3A_264 : i32 to index
        %get3A_266 = tpu.vector_load %arg8[%get3A, %get3A_265] {strides = array<i32>} : memref<64x1024xf32, #tpu.memory_space<vmem>>, vector<16xf32>,
        %eq3A_267 = arith.constant 2.000000e+00 : f32
        %eq3A_268 = vector.broadcast %eq3A_267 : f32 to vector<16xf32>
        %eq3A_269 = arith.cmpf oeq, %get3A_266, %eq3A_268 : vector<16xf32>
        %jit3A = arith.constant 1 : i32
        %jit3A_270 = arith.constant 0 : i32
        %broadcast_in_dim3A_271 = vector.broadcast %jit3A : i32 to vector<16xi32>
        %broadcast_in_dim3A_272 = vector.broadcast %jit3A_270 : i32 to vector<16xi32>
        %select_n3A_273 = arith.select %eq3A_269, %broadcast_in_dim3A_271, %broadcast_in_dim3A_272 : vector<16xi1>, vector<16xi32>
        %add3A_274 = arith.addi %scan3A_255, %select_n3A_273 : vector<16xi32>
        %mul3A_275 = arith.constant 8 : i32
        %mul3A_276 = arith.muli %scan3A_254, %mul3A_275 : i32
        %add3A_277 = arith.constant 1 : i32
        %add3A_278 = arith.addi %mul3A_276, %add3A_277 : i32
        %mul3A_279 = arith.constant 16 : i32
        %mul3A_280 = arith.muli %add3A_278, %mul3A_279 : i32
        %get3A_281 = arith.index_cast %add3A_235 : i32 to index
        %get3A_282 = arith.index_cast %mul3A_280 : i32 to index
        %get3A_283 = tpu.vector_load %arg8[%get3A_281, %get3A_282] {strides = array<i32>} : memref<64x1024xf32, #tpu.memory_space<vmem>>, vector<16xf32>,
        %eq3A_284 = arith.constant 2.000000e+00 : f32
        %eq3A_285 = vector.broadcast %eq3A_284 : f32 to vector<16xf32>
        %eq3A_286 = arith.cmpf oeq, %get3A_283, %eq3A_285 : vector<16xf32>
        %jit3A_287 = arith.constant 1 : i32
        %jit3A_288 = arith.constant 0 : i32
        %broadcast_in_dim3A_289 = vector.broadcast %jit3A_287 : i32 to vector<16xi32>
        %broadcast_in_dim3A_290 = vector.broadcast %jit3A_288 : i32 to vector<16xi32>
        %select_n3A_291 = arith.select %eq3A_286, %broadcast_in_dim3A_289, %broadcast_in_dim3A_290 : vector<16xi1>, vector<16xi32>
        %add3A_292 = arith.addi %scan3A_256, %select_n3A_291 : vector<16xi32>
        %mul3A_293 = arith.constant 8 : i32
        %mul3A_294 = arith.muli %scan3A_254, %mul3A_293 : i32
        %add3A_295 = arith.constant 2 : i32
        %add3A_296 = arith.addi %mul3A_294, %add3A_295 : i32
        %mul3A_297 = arith.constant 16 : i32
        %mul3A_298 = arith.muli %add3A_296, %mul3A_297 : i32
        %get3A_299 = arith.index_cast %add3A_235 : i32 to index
        %get3A_300 = arith.index_cast %mul3A_298 : i32 to index
        %get3A_301 = tpu.vector_load %arg8[%get3A_299, %get3A_300] {strides = array<i32>} : memref<64x1024xf32, #tpu.memory_space<vmem>>, vector<16xf32>,
        %eq3A_302 = arith.constant 2.000000e+00 : f32
        %eq3A_303 = vector.broadcast %eq3A_302 : f32 to vector<16xf32>
        %eq3A_304 = arith.cmpf oeq, %get3A_301, %eq3A_303 : vector<16xf32>
        %jit3A_305 = arith.constant 1 : i32
        %jit3A_306 = arith.constant 0 : i32
        %broadcast_in_dim3A_307 = vector.broadcast %jit3A_305 : i32 to vector<16xi32>
        %broadcast_in_dim3A_308 = vector.broadcast %jit3A_306 : i32 to vector<16xi32>
        %select_n3A_309 = arith.select %eq3A_304, %broadcast_in_dim3A_307, %broadcast_in_dim3A_308 : vector<16xi1>, vector<16xi32>
        %add3A_310 = arith.addi %scan3A_257, %select_n3A_309 : vector<16xi32>
        %mul3A_311 = arith.constant 8 : i32
        %mul3A_312 = arith.muli %scan3A_254, %mul3A_311 : i32
        %add3A_313 = arith.constant 3 : i32
        %add3A_314 = arith.addi %mul3A_312, %add3A_313 : i32
        %mul3A_315 = arith.constant 16 : i32
        %mul3A_316 = arith.muli %add3A_314, %mul3A_315 : i32
        %get3A_317 = arith.index_cast %add3A_235 : i32 to index
        %get3A_318 = arith.index_cast %mul3A_316 : i32 to index
        %get3A_319 = tpu.vector_load %arg8[%get3A_317, %get3A_318] {strides = array<i32>} : memref<64x1024xf32, #tpu.memory_space<vmem>>, vector<16xf32>,
        %eq3A_320 = arith.constant 2.000000e+00 : f32
        %eq3A_321 = vector.broadcast %eq3A_320 : f32 to vector<16xf32>
        %eq3A_322 = arith.cmpf oeq, %get3A_319, %eq3A_321 : vector<16xf32>
        %jit3A_323 = arith.constant 1 : i32
        %jit3A_324 = arith.constant 0 : i32
        %broadcast_in_dim3A_325 = vector.broadcast %jit3A_323 : i32 to vector<16xi32>
        %broadcast_in_dim3A_326 = vector.broadcast %jit3A_324 : i32 to vector<16xi32>
        %select_n3A_327 = arith.select %eq3A_322, %broadcast_in_dim3A_325, %broadcast_in_dim3A_326 : vector<16xi1>, vector<16xi32>
        %add3A_328 = arith.addi %scan3A_258, %select_n3A_327 : vector<16xi32>
        %mul3A_329 = arith.constant 8 : i32
        %mul3A_330 = arith.muli %scan3A_254, %mul3A_329 : i32
        %add3A_331 = arith.constant 4 : i32
        %add3A_332 = arith.addi %mul3A_330, %add3A_331 : i32
        %mul3A_333 = arith.constant 16 : i32
        %mul3A_334 = arith.muli %add3A_332, %mul3A_333 : i32
        %get3A_335 = arith.index_cast %add3A_235 : i32 to index
        %get3A_336 = arith.index_cast %mul3A_334 : i32 to index
        %get3A_337 = tpu.vector_load %arg8[%get3A_335, %get3A_336] {strides = array<i32>} : memref<64x1024xf32, #tpu.memory_space<vmem>>, vector<16xf32>,
        %eq3A_338 = arith.constant 2.000000e+00 : f32
        %eq3A_339 = vector.broadcast %eq3A_338 : f32 to vector<16xf32>
        %eq3A_340 = arith.cmpf oeq, %get3A_337, %eq3A_339 : vector<16xf32>
        %jit3A_341 = arith.constant 1 : i32
        %jit3A_342 = arith.constant 0 : i32
        %broadcast_in_dim3A_343 = vector.broadcast %jit3A_341 : i32 to vector<16xi32>
        %broadcast_in_dim3A_344 = vector.broadcast %jit3A_342 : i32 to vector<16xi32>
        %select_n3A_345 = arith.select %eq3A_340, %broadcast_in_dim3A_343, %broadcast_in_dim3A_344 : vector<16xi1>, vector<16xi32>
        %add3A_346 = arith.addi %add3A_274, %select_n3A_345 : vector<16xi32>
        %mul3A_347 = arith.constant 8 : i32
        %mul3A_348 = arith.muli %scan3A_254, %mul3A_347 : i32
        %add3A_349 = arith.constant 5 : i32
        %add3A_350 = arith.addi %mul3A_348, %add3A_349 : i32
        %mul3A_351 = arith.constant 16 : i32
        %mul3A_352 = arith.muli %add3A_350, %mul3A_351 : i32
        %get3A_353 = arith.index_cast %add3A_235 : i32 to index
        %get3A_354 = arith.index_cast %mul3A_352 : i32 to index
        %get3A_355 = tpu.vector_load %arg8[%get3A_353, %get3A_354] {strides = array<i32>} : memref<64x1024xf32, #tpu.memory_space<vmem>>, vector<16xf32>,
        %eq3A_356 = arith.constant 2.000000e+00 : f32
        %eq3A_357 = vector.broadcast %eq3A_356 : f32 to vector<16xf32>
        %eq3A_358 = arith.cmpf oeq, %get3A_355, %eq3A_357 : vector<16xf32>
        %jit3A_359 = arith.constant 1 : i32
        %jit3A_360 = arith.constant 0 : i32
        %broadcast_in_dim3A_361 = vector.broadcast %jit3A_359 : i32 to vector<16xi32>
        %broadcast_in_dim3A_362 = vector.broadcast %jit3A_360 : i32 to vector<16xi32>
        %select_n3A_363 = arith.select %eq3A_358, %broadcast_in_dim3A_361, %broadcast_in_dim3A_362 : vector<16xi1>, vector<16xi32>
        %add3A_364 = arith.addi %add3A_292, %select_n3A_363 : vector<16xi32>
        %mul3A_365 = arith.constant 8 : i32
        %mul3A_366 = arith.muli %scan3A_254, %mul3A_365 : i32
        %add3A_367 = arith.constant 6 : i32
        %add3A_368 = arith.addi %mul3A_366, %add3A_367 : i32
        %mul3A_369 = arith.constant 16 : i32
        %mul3A_370 = arith.muli %add3A_368, %mul3A_369 : i32
        %get3A_371 = arith.index_cast %add3A_235 : i32 to index
        %get3A_372 = arith.index_cast %mul3A_370 : i32 to index
        %get3A_373 = tpu.vector_load %arg8[%get3A_371, %get3A_372] {strides = array<i32>} : memref<64x1024xf32, #tpu.memory_space<vmem>>, vector<16xf32>,
        %eq3A_374 = arith.constant 2.000000e+00 : f32
        %eq3A_375 = vector.broadcast %eq3A_374 : f32 to vector<16xf32>
        %eq3A_376 = arith.cmpf oeq, %get3A_373, %eq3A_375 : vector<16xf32>
        %jit3A_377 = arith.constant 1 : i32
        %jit3A_378 = arith.constant 0 : i32
        %broadcast_in_dim3A_379 = vector.broadcast %jit3A_377 : i32 to vector<16xi32>
        %broadcast_in_dim3A_380 = vector.broadcast %jit3A_378 : i32 to vector<16xi32>
        %select_n3A_381 = arith.select %eq3A_376, %broadcast_in_dim3A_379, %broadcast_in_dim3A_380 : vector<16xi1>, vector<16xi32>
        %add3A_382 = arith.addi %add3A_310, %select_n3A_381 : vector<16xi32>
        %mul3A_383 = arith.constant 8 : i32
        %mul3A_384 = arith.muli %scan3A_254, %mul3A_383 : i32
        %add3A_385 = arith.constant 7 : i32
        %add3A_386 = arith.addi %mul3A_384, %add3A_385 : i32
        %mul3A_387 = arith.constant 16 : i32
        %mul3A_388 = arith.muli %add3A_386, %mul3A_387 : i32
        %get3A_389 = arith.index_cast %add3A_235 : i32 to index
        %get3A_390 = arith.index_cast %mul3A_388 : i32 to index
        %get3A_391 = tpu.vector_load %arg8[%get3A_389, %get3A_390] {strides = array<i32>} : memref<64x1024xf32, #tpu.memory_space<vmem>>, vector<16xf32>,
        %eq3A_392 = arith.constant 2.000000e+00 : f32
        %eq3A_393 = vector.broadcast %eq3A_392 : f32 to vector<16xf32>
        %eq3A_394 = arith.cmpf oeq, %get3A_391, %eq3A_393 : vector<16xf32>
        %jit3A_395 = arith.constant 1 : i32
        %jit3A_396 = arith.constant 0 : i32
        %broadcast_in_dim3A_397 = vector.broadcast %jit3A_395 : i32 to vector<16xi32>
        %broadcast_in_dim3A_398 = vector.broadcast %jit3A_396 : i32 to vector<16xi32>
        %select_n3A_399 = arith.select %eq3A_394, %broadcast_in_dim3A_397, %broadcast_in_dim3A_398 : vector<16xi1>, vector<16xi32>
        %add3A_400 = arith.addi %add3A_328, %select_n3A_399 : vector<16xi32>
        scf.yield %add3A_346, %add3A_364, %add3A_382, %add3A_400 : vector<16xi32>, vector<16xi32>, vector<16xi32>, vector<16xi32>
      }
      %scan3A_243 = arith.constant 8 : i32
      %add3A_244 = arith.addi %scan3A_242#0, %scan3A_242#1 : vector<16xi32>
      %add3A_245 = arith.addi %scan3A_242#2, %scan3A_242#3 : vector<16xi32>
      %add3A_246 = arith.addi %add3A_244, %add3A_245 : vector<16xi32>
      %eq3A_247 = vector.broadcast %scan3A_232 : i32 to vector<16xi32>
      %eq3A_248 = arith.cmpi eq, %iota3A, %eq3A_247 : vector<16xi32>
      %reduce_sum3A_249 = arith.constant true
      %reduce_sum3A_250 = vector.broadcast %reduce_sum3A_249 : i1 to vector<16xi1>
      %reduce_sum3A_251 = tpu.scan <sum>, %add3A_246 masked %reduce_sum3A_250 : vector<16xi32>, vector<16xi1> -> vector<16xi32>
      %reduce_sum3A_252 = vector.extract %reduce_sum3A_251[15] : i32 from vector<16xi32>
      %broadcast_in_dim3A_253 = vector.broadcast %reduce_sum3A_252 : i32 to vector<16xi32>
      %select_n3A = arith.select %eq3A_248, %broadcast_in_dim3A_253, %scan3A_233 : vector<16xi1>, vector<16xi32>
      scf.yield %select_n3A : vector<16xi32>
    }
    %scan3A_109 = arith.constant 16 : i32
    %swap3A_110 = arith.constant 16 : index
    %swap3A_111 = tpu.vector_load %arg9[%swap3A_110] {strides = array<i32>} : memref<64xi32, #tpu.memory_space<vmem>>, vector<16xi32>,
    tpu.vector_store %arg9[%swap3A_110], %scan3A_108 {strides = array<i32>} : memref<64xi32, #tpu.memory_space<vmem>>, vector<16xi32>,
    %add3A_112 = arith.addi %add3A_79, %scan3A_108 : vector<16xi32>
    %dma_wait3A_113 = arith.constant 32 : i32
    %dma_wait3A_114 = arith.constant 0 : i32
    %dma_wait3A_115 = tpu.memref_slice %arg8[%dma_wait3A_113, %dma_wait3A_114] : memref<64x1024xf32, #tpu.memory_space<vmem>> -> memref<16x1024xf32, #tpu.memory_space<vmem>>
    %dma_wait3A_116 = arith.constant 0 : i32
    %dma_wait3A_117 = tpu.memref_slice %arg2[%add3A_26, %dma_wait3A_116] : memref<1024x1024xf32, #tpu.memory_space<hbm>> -> memref<16x1024xf32, #tpu.memory_space<hbm>>
    %dma_wait3A_118 = arith.constant 32 : i32
    %dma_wait3A_119 = arith.constant 0 : i32
    %dma_wait3A_120 = tpu.memref_slice %arg8[%dma_wait3A_118, %dma_wait3A_119] : memref<64x1024xf32, #tpu.memory_space<vmem>> -> memref<16x1024xf32, #tpu.memory_space<vmem>>
    %dma_wait3A_121 = arith.constant 0 : i32
    %dma_wait3A_122 = tpu.memref_slice %arg2[%add3A_26, %dma_wait3A_121] : memref<1024x1024xf32, #tpu.memory_space<hbm>> -> memref<16x1024xf32, #tpu.memory_space<hbm>>
    tpu.wait_dma2 semaphore(%arg24 : memref<!tpu.dma_semaphore, #tpu.memory_space<semaphore_mem>>) src(%dma_wait3A_122 : memref<16x1024xf32, #tpu.memory_space<hbm>>) dst(%dma_wait3A_120 : memref<16x1024xf32, #tpu.memory_space<vmem>>)
    %add3A_123 = arith.constant 32 : i32
    %add3A_124 = arith.addi %mul3A_0, %add3A_123 : i32
    %dma_start3A_125 = arith.constant 32 : i32
    %dma_start3A_126 = arith.constant 0 : i32
    %dma_start3A_127 = tpu.memref_slice %arg8[%dma_start3A_125, %dma_start3A_126] : memref<64x1024xf32, #tpu.memory_space<vmem>> -> memref<16x1024xf32, #tpu.memory_space<vmem>>
    %dma_start3A_128 = arith.constant 0 : i32
    %dma_start3A_129 = tpu.memref_slice %arg5[%add3A_124, %dma_start3A_128] : memref<1024x1024xf32, #tpu.memory_space<hbm>> -> memref<16x1024xf32, #tpu.memory_space<hbm>>
    %dma_start3A_130 = arith.constant 0 : i32
    %dma_start3A_131 = tpu.memref_slice %arg5[%add3A_124, %dma_start3A_130] : memref<1024x1024xf32, #tpu.memory_space<hbm>> -> memref<16x1024xf32, #tpu.memory_space<hbm>>
    %dma_start3A_132 = arith.constant 32 : i32
    %dma_start3A_133 = arith.constant 0 : i32
    %dma_start3A_134 = tpu.memref_slice %arg8[%dma_start3A_132, %dma_start3A_133] : memref<64x1024xf32, #tpu.memory_space<vmem>> -> memref<16x1024xf32, #tpu.memory_space<vmem>>
    tpu.enqueue_dma source(%dma_start3A_134 : memref<16x1024xf32, #tpu.memory_space<vmem>>) target(%dma_start3A_131 : memref<16x1024xf32, #tpu.memory_space<hbm>>) target_semaphore(%arg26 : memref<!tpu.dma_semaphore, #tpu.memory_space<semaphore_mem>>)
    %broadcast_in_dim3A_135 = arith.constant 0 : i32
    %broadcast_in_dim3A_136 = vector.broadcast %broadcast_in_dim3A_135 : i32 to vector<16xi32>
    %scan3A_137 = arith.constant 0 : i32
    %scan3A_138 = arith.constant 16 : i32
    %scan3A_139 = arith.addi %scan3A_137, %scan3A_138 : i32
    %scan3A_140 = arith.constant 1 : i32
    %scan3A_141 = scf.for %scan3A_232 = %scan3A_137 to %scan3A_139 step %scan3A_140 iter_args(%scan3A_233 = %broadcast_in_dim3A_136) -> (vector<16xi32>)  : i32 {
      %add3A_234 = arith.constant 32 : i32
      %add3A_235 = arith.addi %add3A_234, %scan3A_232 : i32
      %broadcast_in_dim3A_236 = arith.constant 0 : i32
      %broadcast_in_dim3A_237 = vector.broadcast %broadcast_in_dim3A_236 : i32 to vector<16xi32>
      %scan3A_238 = arith.constant 0 : i32
      %scan3A_239 = arith.constant 8 : i32
      %scan3A_240 = arith.addi %scan3A_238, %scan3A_239 : i32
      %scan3A_241 = arith.constant 1 : i32
      %scan3A_242:4 = scf.for %scan3A_254 = %scan3A_238 to %scan3A_240 step %scan3A_241 iter_args(%scan3A_255 = %broadcast_in_dim3A_237, %scan3A_256 = %broadcast_in_dim3A_237, %scan3A_257 = %broadcast_in_dim3A_237, %scan3A_258 = %broadcast_in_dim3A_237) -> (vector<16xi32>, vector<16xi32>, vector<16xi32>, vector<16xi32>)  : i32 {
        %mul3A_259 = arith.constant 8 : i32
        %mul3A_260 = arith.muli %scan3A_254, %mul3A_259 : i32
        %add3A_261 = arith.constant 0 : i32
        %add3A_262 = arith.addi %mul3A_260, %add3A_261 : i32
        %mul3A_263 = arith.constant 16 : i32
        %mul3A_264 = arith.muli %add3A_262, %mul3A_263 : i32
        %get3A = arith.index_cast %add3A_235 : i32 to index
        %get3A_265 = arith.index_cast %mul3A_264 : i32 to index
        %get3A_266 = tpu.vector_load %arg8[%get3A, %get3A_265] {strides = array<i32>} : memref<64x1024xf32, #tpu.memory_space<vmem>>, vector<16xf32>,
        %eq3A_267 = arith.constant 2.000000e+00 : f32
        %eq3A_268 = vector.broadcast %eq3A_267 : f32 to vector<16xf32>
        %eq3A_269 = arith.cmpf oeq, %get3A_266, %eq3A_268 : vector<16xf32>
        %jit3A = arith.constant 1 : i32
        %jit3A_270 = arith.constant 0 : i32
        %broadcast_in_dim3A_271 = vector.broadcast %jit3A : i32 to vector<16xi32>
        %broadcast_in_dim3A_272 = vector.broadcast %jit3A_270 : i32 to vector<16xi32>
        %select_n3A_273 = arith.select %eq3A_269, %broadcast_in_dim3A_271, %broadcast_in_dim3A_272 : vector<16xi1>, vector<16xi32>
        %add3A_274 = arith.addi %scan3A_255, %select_n3A_273 : vector<16xi32>
        %mul3A_275 = arith.constant 8 : i32
        %mul3A_276 = arith.muli %scan3A_254, %mul3A_275 : i32
        %add3A_277 = arith.constant 1 : i32
        %add3A_278 = arith.addi %mul3A_276, %add3A_277 : i32
        %mul3A_279 = arith.constant 16 : i32
        %mul3A_280 = arith.muli %add3A_278, %mul3A_279 : i32
        %get3A_281 = arith.index_cast %add3A_235 : i32 to index
        %get3A_282 = arith.index_cast %mul3A_280 : i32 to index
        %get3A_283 = tpu.vector_load %arg8[%get3A_281, %get3A_282] {strides = array<i32>} : memref<64x1024xf32, #tpu.memory_space<vmem>>, vector<16xf32>,
        %eq3A_284 = arith.constant 2.000000e+00 : f32
        %eq3A_285 = vector.broadcast %eq3A_284 : f32 to vector<16xf32>
        %eq3A_286 = arith.cmpf oeq, %get3A_283, %eq3A_285 : vector<16xf32>
        %jit3A_287 = arith.constant 1 : i32
        %jit3A_288 = arith.constant 0 : i32
        %broadcast_in_dim3A_289 = vector.broadcast %jit3A_287 : i32 to vector<16xi32>
        %broadcast_in_dim3A_290 = vector.broadcast %jit3A_288 : i32 to vector<16xi32>
        %select_n3A_291 = arith.select %eq3A_286, %broadcast_in_dim3A_289, %broadcast_in_dim3A_290 : vector<16xi1>, vector<16xi32>
        %add3A_292 = arith.addi %scan3A_256, %select_n3A_291 : vector<16xi32>
        %mul3A_293 = arith.constant 8 : i32
        %mul3A_294 = arith.muli %scan3A_254, %mul3A_293 : i32
        %add3A_295 = arith.constant 2 : i32
        %add3A_296 = arith.addi %mul3A_294, %add3A_295 : i32
        %mul3A_297 = arith.constant 16 : i32
        %mul3A_298 = arith.muli %add3A_296, %mul3A_297 : i32
        %get3A_299 = arith.index_cast %add3A_235 : i32 to index
        %get3A_300 = arith.index_cast %mul3A_298 : i32 to index
        %get3A_301 = tpu.vector_load %arg8[%get3A_299, %get3A_300] {strides = array<i32>} : memref<64x1024xf32, #tpu.memory_space<vmem>>, vector<16xf32>,
        %eq3A_302 = arith.constant 2.000000e+00 : f32
        %eq3A_303 = vector.broadcast %eq3A_302 : f32 to vector<16xf32>
        %eq3A_304 = arith.cmpf oeq, %get3A_301, %eq3A_303 : vector<16xf32>
        %jit3A_305 = arith.constant 1 : i32
        %jit3A_306 = arith.constant 0 : i32
        %broadcast_in_dim3A_307 = vector.broadcast %jit3A_305 : i32 to vector<16xi32>
        %broadcast_in_dim3A_308 = vector.broadcast %jit3A_306 : i32 to vector<16xi32>
        %select_n3A_309 = arith.select %eq3A_304, %broadcast_in_dim3A_307, %broadcast_in_dim3A_308 : vector<16xi1>, vector<16xi32>
        %add3A_310 = arith.addi %scan3A_257, %select_n3A_309 : vector<16xi32>
        %mul3A_311 = arith.constant 8 : i32
        %mul3A_312 = arith.muli %scan3A_254, %mul3A_311 : i32
        %add3A_313 = arith.constant 3 : i32
        %add3A_314 = arith.addi %mul3A_312, %add3A_313 : i32
        %mul3A_315 = arith.constant 16 : i32
        %mul3A_316 = arith.muli %add3A_314, %mul3A_315 : i32
        %get3A_317 = arith.index_cast %add3A_235 : i32 to index
        %get3A_318 = arith.index_cast %mul3A_316 : i32 to index
        %get3A_319 = tpu.vector_load %arg8[%get3A_317, %get3A_318] {strides = array<i32>} : memref<64x1024xf32, #tpu.memory_space<vmem>>, vector<16xf32>,
        %eq3A_320 = arith.constant 2.000000e+00 : f32
        %eq3A_321 = vector.broadcast %eq3A_320 : f32 to vector<16xf32>
        %eq3A_322 = arith.cmpf oeq, %get3A_319, %eq3A_321 : vector<16xf32>
        %jit3A_323 = arith.constant 1 : i32
        %jit3A_324 = arith.constant 0 : i32
        %broadcast_in_dim3A_325 = vector.broadcast %jit3A_323 : i32 to vector<16xi32>
        %broadcast_in_dim3A_326 = vector.broadcast %jit3A_324 : i32 to vector<16xi32>
        %select_n3A_327 = arith.select %eq3A_322, %broadcast_in_dim3A_325, %broadcast_in_dim3A_326 : vector<16xi1>, vector<16xi32>
        %add3A_328 = arith.addi %scan3A_258, %select_n3A_327 : vector<16xi32>
        %mul3A_329 = arith.constant 8 : i32
        %mul3A_330 = arith.muli %scan3A_254, %mul3A_329 : i32
        %add3A_331 = arith.constant 4 : i32
        %add3A_332 = arith.addi %mul3A_330, %add3A_331 : i32
        %mul3A_333 = arith.constant 16 : i32
        %mul3A_334 = arith.muli %add3A_332, %mul3A_333 : i32
        %get3A_335 = arith.index_cast %add3A_235 : i32 to index
        %get3A_336 = arith.index_cast %mul3A_334 : i32 to index
        %get3A_337 = tpu.vector_load %arg8[%get3A_335, %get3A_336] {strides = array<i32>} : memref<64x1024xf32, #tpu.memory_space<vmem>>, vector<16xf32>,
        %eq3A_338 = arith.constant 2.000000e+00 : f32
        %eq3A_339 = vector.broadcast %eq3A_338 : f32 to vector<16xf32>
        %eq3A_340 = arith.cmpf oeq, %get3A_337, %eq3A_339 : vector<16xf32>
        %jit3A_341 = arith.constant 1 : i32
        %jit3A_342 = arith.constant 0 : i32
        %broadcast_in_dim3A_343 = vector.broadcast %jit3A_341 : i32 to vector<16xi32>
        %broadcast_in_dim3A_344 = vector.broadcast %jit3A_342 : i32 to vector<16xi32>
        %select_n3A_345 = arith.select %eq3A_340, %broadcast_in_dim3A_343, %broadcast_in_dim3A_344 : vector<16xi1>, vector<16xi32>
        %add3A_346 = arith.addi %add3A_274, %select_n3A_345 : vector<16xi32>
        %mul3A_347 = arith.constant 8 : i32
        %mul3A_348 = arith.muli %scan3A_254, %mul3A_347 : i32
        %add3A_349 = arith.constant 5 : i32
        %add3A_350 = arith.addi %mul3A_348, %add3A_349 : i32
        %mul3A_351 = arith.constant 16 : i32
        %mul3A_352 = arith.muli %add3A_350, %mul3A_351 : i32
        %get3A_353 = arith.index_cast %add3A_235 : i32 to index
        %get3A_354 = arith.index_cast %mul3A_352 : i32 to index
        %get3A_355 = tpu.vector_load %arg8[%get3A_353, %get3A_354] {strides = array<i32>} : memref<64x1024xf32, #tpu.memory_space<vmem>>, vector<16xf32>,
        %eq3A_356 = arith.constant 2.000000e+00 : f32
        %eq3A_357 = vector.broadcast %eq3A_356 : f32 to vector<16xf32>
        %eq3A_358 = arith.cmpf oeq, %get3A_355, %eq3A_357 : vector<16xf32>
        %jit3A_359 = arith.constant 1 : i32
        %jit3A_360 = arith.constant 0 : i32
        %broadcast_in_dim3A_361 = vector.broadcast %jit3A_359 : i32 to vector<16xi32>
        %broadcast_in_dim3A_362 = vector.broadcast %jit3A_360 : i32 to vector<16xi32>
        %select_n3A_363 = arith.select %eq3A_358, %broadcast_in_dim3A_361, %broadcast_in_dim3A_362 : vector<16xi1>, vector<16xi32>
        %add3A_364 = arith.addi %add3A_292, %select_n3A_363 : vector<16xi32>
        %mul3A_365 = arith.constant 8 : i32
        %mul3A_366 = arith.muli %scan3A_254, %mul3A_365 : i32
        %add3A_367 = arith.constant 6 : i32
        %add3A_368 = arith.addi %mul3A_366, %add3A_367 : i32
        %mul3A_369 = arith.constant 16 : i32
        %mul3A_370 = arith.muli %add3A_368, %mul3A_369 : i32
        %get3A_371 = arith.index_cast %add3A_235 : i32 to index
        %get3A_372 = arith.index_cast %mul3A_370 : i32 to index
        %get3A_373 = tpu.vector_load %arg8[%get3A_371, %get3A_372] {strides = array<i32>} : memref<64x1024xf32, #tpu.memory_space<vmem>>, vector<16xf32>,
        %eq3A_374 = arith.constant 2.000000e+00 : f32
        %eq3A_375 = vector.broadcast %eq3A_374 : f32 to vector<16xf32>
        %eq3A_376 = arith.cmpf oeq, %get3A_373, %eq3A_375 : vector<16xf32>
        %jit3A_377 = arith.constant 1 : i32
        %jit3A_378 = arith.constant 0 : i32
        %broadcast_in_dim3A_379 = vector.broadcast %jit3A_377 : i32 to vector<16xi32>
        %broadcast_in_dim3A_380 = vector.broadcast %jit3A_378 : i32 to vector<16xi32>
        %select_n3A_381 = arith.select %eq3A_376, %broadcast_in_dim3A_379, %broadcast_in_dim3A_380 : vector<16xi1>, vector<16xi32>
        %add3A_382 = arith.addi %add3A_310, %select_n3A_381 : vector<16xi32>
        %mul3A_383 = arith.constant 8 : i32
        %mul3A_384 = arith.muli %scan3A_254, %mul3A_383 : i32
        %add3A_385 = arith.constant 7 : i32
        %add3A_386 = arith.addi %mul3A_384, %add3A_385 : i32
        %mul3A_387 = arith.constant 16 : i32
        %mul3A_388 = arith.muli %add3A_386, %mul3A_387 : i32
        %get3A_389 = arith.index_cast %add3A_235 : i32 to index
        %get3A_390 = arith.index_cast %mul3A_388 : i32 to index
        %get3A_391 = tpu.vector_load %arg8[%get3A_389, %get3A_390] {strides = array<i32>} : memref<64x1024xf32, #tpu.memory_space<vmem>>, vector<16xf32>,
        %eq3A_392 = arith.constant 2.000000e+00 : f32
        %eq3A_393 = vector.broadcast %eq3A_392 : f32 to vector<16xf32>
        %eq3A_394 = arith.cmpf oeq, %get3A_391, %eq3A_393 : vector<16xf32>
        %jit3A_395 = arith.constant 1 : i32
        %jit3A_396 = arith.constant 0 : i32
        %broadcast_in_dim3A_397 = vector.broadcast %jit3A_395 : i32 to vector<16xi32>
        %broadcast_in_dim3A_398 = vector.broadcast %jit3A_396 : i32 to vector<16xi32>
        %select_n3A_399 = arith.select %eq3A_394, %broadcast_in_dim3A_397, %broadcast_in_dim3A_398 : vector<16xi1>, vector<16xi32>
        %add3A_400 = arith.addi %add3A_328, %select_n3A_399 : vector<16xi32>
        scf.yield %add3A_346, %add3A_364, %add3A_382, %add3A_400 : vector<16xi32>, vector<16xi32>, vector<16xi32>, vector<16xi32>
      }
      %scan3A_243 = arith.constant 8 : i32
      %add3A_244 = arith.addi %scan3A_242#0, %scan3A_242#1 : vector<16xi32>
      %add3A_245 = arith.addi %scan3A_242#2, %scan3A_242#3 : vector<16xi32>
      %add3A_246 = arith.addi %add3A_244, %add3A_245 : vector<16xi32>
      %eq3A_247 = vector.broadcast %scan3A_232 : i32 to vector<16xi32>
      %eq3A_248 = arith.cmpi eq, %iota3A, %eq3A_247 : vector<16xi32>
      %reduce_sum3A_249 = arith.constant true
      %reduce_sum3A_250 = vector.broadcast %reduce_sum3A_249 : i1 to vector<16xi1>
      %reduce_sum3A_251 = tpu.scan <sum>, %add3A_246 masked %reduce_sum3A_250 : vector<16xi32>, vector<16xi1> -> vector<16xi32>
      %reduce_sum3A_252 = vector.extract %reduce_sum3A_251[15] : i32 from vector<16xi32>
      %broadcast_in_dim3A_253 = vector.broadcast %reduce_sum3A_252 : i32 to vector<16xi32>
      %select_n3A = arith.select %eq3A_248, %broadcast_in_dim3A_253, %scan3A_233 : vector<16xi1>, vector<16xi32>
      scf.yield %select_n3A : vector<16xi32>
    }
    %scan3A_142 = arith.constant 16 : i32
    %swap3A_143 = arith.constant 32 : index
    %swap3A_144 = tpu.vector_load %arg9[%swap3A_143] {strides = array<i32>} : memref<64xi32, #tpu.memory_space<vmem>>, vector<16xi32>,
    tpu.vector_store %arg9[%swap3A_143], %scan3A_141 {strides = array<i32>} : memref<64xi32, #tpu.memory_space<vmem>>, vector<16xi32>,
    %add3A_145 = arith.addi %add3A_112, %scan3A_141 : vector<16xi32>
    %dma_wait3A_146 = arith.constant 48 : i32
    %dma_wait3A_147 = arith.constant 0 : i32
    %dma_wait3A_148 = tpu.memref_slice %arg8[%dma_wait3A_146, %dma_wait3A_147] : memref<64x1024xf32, #tpu.memory_space<vmem>> -> memref<16x1024xf32, #tpu.memory_space<vmem>>
    %dma_wait3A_149 = arith.constant 0 : i32
    %dma_wait3A_150 = tpu.memref_slice %arg2[%add3A_38, %dma_wait3A_149] : memref<1024x1024xf32, #tpu.memory_space<hbm>> -> memref<16x1024xf32, #tpu.memory_space<hbm>>
    %dma_wait3A_151 = arith.constant 48 : i32
    %dma_wait3A_152 = arith.constant 0 : i32
    %dma_wait3A_153 = tpu.memref_slice %arg8[%dma_wait3A_151, %dma_wait3A_152] : memref<64x1024xf32, #tpu.memory_space<vmem>> -> memref<16x1024xf32, #tpu.memory_space<vmem>>
    %dma_wait3A_154 = arith.constant 0 : i32
    %dma_wait3A_155 = tpu.memref_slice %arg2[%add3A_38, %dma_wait3A_154] : memref<1024x1024xf32, #tpu.memory_space<hbm>> -> memref<16x1024xf32, #tpu.memory_space<hbm>>
    tpu.wait_dma2 semaphore(%arg25 : memref<!tpu.dma_semaphore, #tpu.memory_space<semaphore_mem>>) src(%dma_wait3A_155 : memref<16x1024xf32, #tpu.memory_space<hbm>>) dst(%dma_wait3A_153 : memref<16x1024xf32, #tpu.memory_space<vmem>>)
    %add3A_156 = arith.constant 48 : i32
    %add3A_157 = arith.addi %mul3A_0, %add3A_156 : i32
    %dma_start3A_158 = arith.constant 48 : i32
    %dma_start3A_159 = arith.constant 0 : i32
    %dma_start3A_160 = tpu.memref_slice %arg8[%dma_start3A_158, %dma_start3A_159] : memref<64x1024xf32, #tpu.memory_space<vmem>> -> memref<16x1024xf32, #tpu.memory_space<vmem>>
    %dma_start3A_161 = arith.constant 0 : i32
    %dma_start3A_162 = tpu.memref_slice %arg5[%add3A_157, %dma_start3A_161] : memref<1024x1024xf32, #tpu.memory_space<hbm>> -> memref<16x1024xf32, #tpu.memory_space<hbm>>
    %dma_start3A_163 = arith.constant 0 : i32
    %dma_start3A_164 = tpu.memref_slice %arg5[%add3A_157, %dma_start3A_163] : memref<1024x1024xf32, #tpu.memory_space<hbm>> -> memref<16x1024xf32, #tpu.memory_space<hbm>>
    %dma_start3A_165 = arith.constant 48 : i32
    %dma_start3A_166 = arith.constant 0 : i32
    %dma_start3A_167 = tpu.memref_slice %arg8[%dma_start3A_165, %dma_start3A_166] : memref<64x1024xf32, #tpu.memory_space<vmem>> -> memref<16x1024xf32, #tpu.memory_space<vmem>>
    tpu.enqueue_dma source(%dma_start3A_167 : memref<16x1024xf32, #tpu.memory_space<vmem>>) target(%dma_start3A_164 : memref<16x1024xf32, #tpu.memory_space<hbm>>) target_semaphore(%arg26 : memref<!tpu.dma_semaphore, #tpu.memory_space<semaphore_mem>>)
    %broadcast_in_dim3A_168 = arith.constant 0 : i32
    %broadcast_in_dim3A_169 = vector.broadcast %broadcast_in_dim3A_168 : i32 to vector<16xi32>
    %scan3A_170 = arith.constant 0 : i32
    %scan3A_171 = arith.constant 16 : i32
    %scan3A_172 = arith.addi %scan3A_170, %scan3A_171 : i32
    %scan3A_173 = arith.constant 1 : i32
    %scan3A_174 = scf.for %scan3A_232 = %scan3A_170 to %scan3A_172 step %scan3A_173 iter_args(%scan3A_233 = %broadcast_in_dim3A_169) -> (vector<16xi32>)  : i32 {
      %add3A_234 = arith.constant 48 : i32
      %add3A_235 = arith.addi %add3A_234, %scan3A_232 : i32
      %broadcast_in_dim3A_236 = arith.constant 0 : i32
      %broadcast_in_dim3A_237 = vector.broadcast %broadcast_in_dim3A_236 : i32 to vector<16xi32>
      %scan3A_238 = arith.constant 0 : i32
      %scan3A_239 = arith.constant 8 : i32
      %scan3A_240 = arith.addi %scan3A_238, %scan3A_239 : i32
      %scan3A_241 = arith.constant 1 : i32
      %scan3A_242:4 = scf.for %scan3A_254 = %scan3A_238 to %scan3A_240 step %scan3A_241 iter_args(%scan3A_255 = %broadcast_in_dim3A_237, %scan3A_256 = %broadcast_in_dim3A_237, %scan3A_257 = %broadcast_in_dim3A_237, %scan3A_258 = %broadcast_in_dim3A_237) -> (vector<16xi32>, vector<16xi32>, vector<16xi32>, vector<16xi32>)  : i32 {
        %mul3A_259 = arith.constant 8 : i32
        %mul3A_260 = arith.muli %scan3A_254, %mul3A_259 : i32
        %add3A_261 = arith.constant 0 : i32
        %add3A_262 = arith.addi %mul3A_260, %add3A_261 : i32
        %mul3A_263 = arith.constant 16 : i32
        %mul3A_264 = arith.muli %add3A_262, %mul3A_263 : i32
        %get3A = arith.index_cast %add3A_235 : i32 to index
        %get3A_265 = arith.index_cast %mul3A_264 : i32 to index
        %get3A_266 = tpu.vector_load %arg8[%get3A, %get3A_265] {strides = array<i32>} : memref<64x1024xf32, #tpu.memory_space<vmem>>, vector<16xf32>,
        %eq3A_267 = arith.constant 2.000000e+00 : f32
        %eq3A_268 = vector.broadcast %eq3A_267 : f32 to vector<16xf32>
        %eq3A_269 = arith.cmpf oeq, %get3A_266, %eq3A_268 : vector<16xf32>
        %jit3A = arith.constant 1 : i32
        %jit3A_270 = arith.constant 0 : i32
        %broadcast_in_dim3A_271 = vector.broadcast %jit3A : i32 to vector<16xi32>
        %broadcast_in_dim3A_272 = vector.broadcast %jit3A_270 : i32 to vector<16xi32>
        %select_n3A_273 = arith.select %eq3A_269, %broadcast_in_dim3A_271, %broadcast_in_dim3A_272 : vector<16xi1>, vector<16xi32>
        %add3A_274 = arith.addi %scan3A_255, %select_n3A_273 : vector<16xi32>
        %mul3A_275 = arith.constant 8 : i32
        %mul3A_276 = arith.muli %scan3A_254, %mul3A_275 : i32
        %add3A_277 = arith.constant 1 : i32
        %add3A_278 = arith.addi %mul3A_276, %add3A_277 : i32
        %mul3A_279 = arith.constant 16 : i32
        %mul3A_280 = arith.muli %add3A_278, %mul3A_279 : i32
        %get3A_281 = arith.index_cast %add3A_235 : i32 to index
        %get3A_282 = arith.index_cast %mul3A_280 : i32 to index
        %get3A_283 = tpu.vector_load %arg8[%get3A_281, %get3A_282] {strides = array<i32>} : memref<64x1024xf32, #tpu.memory_space<vmem>>, vector<16xf32>,
        %eq3A_284 = arith.constant 2.000000e+00 : f32
        %eq3A_285 = vector.broadcast %eq3A_284 : f32 to vector<16xf32>
        %eq3A_286 = arith.cmpf oeq, %get3A_283, %eq3A_285 : vector<16xf32>
        %jit3A_287 = arith.constant 1 : i32
        %jit3A_288 = arith.constant 0 : i32
        %broadcast_in_dim3A_289 = vector.broadcast %jit3A_287 : i32 to vector<16xi32>
        %broadcast_in_dim3A_290 = vector.broadcast %jit3A_288 : i32 to vector<16xi32>
        %select_n3A_291 = arith.select %eq3A_286, %broadcast_in_dim3A_289, %broadcast_in_dim3A_290 : vector<16xi1>, vector<16xi32>
        %add3A_292 = arith.addi %scan3A_256, %select_n3A_291 : vector<16xi32>
        %mul3A_293 = arith.constant 8 : i32
        %mul3A_294 = arith.muli %scan3A_254, %mul3A_293 : i32
        %add3A_295 = arith.constant 2 : i32
        %add3A_296 = arith.addi %mul3A_294, %add3A_295 : i32
        %mul3A_297 = arith.constant 16 : i32
        %mul3A_298 = arith.muli %add3A_296, %mul3A_297 : i32
        %get3A_299 = arith.index_cast %add3A_235 : i32 to index
        %get3A_300 = arith.index_cast %mul3A_298 : i32 to index
        %get3A_301 = tpu.vector_load %arg8[%get3A_299, %get3A_300] {strides = array<i32>} : memref<64x1024xf32, #tpu.memory_space<vmem>>, vector<16xf32>,
        %eq3A_302 = arith.constant 2.000000e+00 : f32
        %eq3A_303 = vector.broadcast %eq3A_302 : f32 to vector<16xf32>
        %eq3A_304 = arith.cmpf oeq, %get3A_301, %eq3A_303 : vector<16xf32>
        %jit3A_305 = arith.constant 1 : i32
        %jit3A_306 = arith.constant 0 : i32
        %broadcast_in_dim3A_307 = vector.broadcast %jit3A_305 : i32 to vector<16xi32>
        %broadcast_in_dim3A_308 = vector.broadcast %jit3A_306 : i32 to vector<16xi32>
        %select_n3A_309 = arith.select %eq3A_304, %broadcast_in_dim3A_307, %broadcast_in_dim3A_308 : vector<16xi1>, vector<16xi32>
        %add3A_310 = arith.addi %scan3A_257, %select_n3A_309 : vector<16xi32>
        %mul3A_311 = arith.constant 8 : i32
        %mul3A_312 = arith.muli %scan3A_254, %mul3A_311 : i32
        %add3A_313 = arith.constant 3 : i32
        %add3A_314 = arith.addi %mul3A_312, %add3A_313 : i32
        %mul3A_315 = arith.constant 16 : i32
        %mul3A_316 = arith.muli %add3A_314, %mul3A_315 : i32
        %get3A_317 = arith.index_cast %add3A_235 : i32 to index
        %get3A_318 = arith.index_cast %mul3A_316 : i32 to index
        %get3A_319 = tpu.vector_load %arg8[%get3A_317, %get3A_318] {strides = array<i32>} : memref<64x1024xf32, #tpu.memory_space<vmem>>, vector<16xf32>,
        %eq3A_320 = arith.constant 2.000000e+00 : f32
        %eq3A_321 = vector.broadcast %eq3A_320 : f32 to vector<16xf32>
        %eq3A_322 = arith.cmpf oeq, %get3A_319, %eq3A_321 : vector<16xf32>
        %jit3A_323 = arith.constant 1 : i32
        %jit3A_324 = arith.constant 0 : i32
        %broadcast_in_dim3A_325 = vector.broadcast %jit3A_323 : i32 to vector<16xi32>
        %broadcast_in_dim3A_326 = vector.broadcast %jit3A_324 : i32 to vector<16xi32>
        %select_n3A_327 = arith.select %eq3A_322, %broadcast_in_dim3A_325, %broadcast_in_dim3A_326 : vector<16xi1>, vector<16xi32>
        %add3A_328 = arith.addi %scan3A_258, %select_n3A_327 : vector<16xi32>
        %mul3A_329 = arith.constant 8 : i32
        %mul3A_330 = arith.muli %scan3A_254, %mul3A_329 : i32
        %add3A_331 = arith.constant 4 : i32
        %add3A_332 = arith.addi %mul3A_330, %add3A_331 : i32
        %mul3A_333 = arith.constant 16 : i32
        %mul3A_334 = arith.muli %add3A_332, %mul3A_333 : i32
        %get3A_335 = arith.index_cast %add3A_235 : i32 to index
        %get3A_336 = arith.index_cast %mul3A_334 : i32 to index
        %get3A_337 = tpu.vector_load %arg8[%get3A_335, %get3A_336] {strides = array<i32>} : memref<64x1024xf32, #tpu.memory_space<vmem>>, vector<16xf32>,
        %eq3A_338 = arith.constant 2.000000e+00 : f32
        %eq3A_339 = vector.broadcast %eq3A_338 : f32 to vector<16xf32>
        %eq3A_340 = arith.cmpf oeq, %get3A_337, %eq3A_339 : vector<16xf32>
        %jit3A_341 = arith.constant 1 : i32
        %jit3A_342 = arith.constant 0 : i32
        %broadcast_in_dim3A_343 = vector.broadcast %jit3A_341 : i32 to vector<16xi32>
        %broadcast_in_dim3A_344 = vector.broadcast %jit3A_342 : i32 to vector<16xi32>
        %select_n3A_345 = arith.select %eq3A_340, %broadcast_in_dim3A_343, %broadcast_in_dim3A_344 : vector<16xi1>, vector<16xi32>
        %add3A_346 = arith.addi %add3A_274, %select_n3A_345 : vector<16xi32>
        %mul3A_347 = arith.constant 8 : i32
        %mul3A_348 = arith.muli %scan3A_254, %mul3A_347 : i32
        %add3A_349 = arith.constant 5 : i32
        %add3A_350 = arith.addi %mul3A_348, %add3A_349 : i32
        %mul3A_351 = arith.constant 16 : i32
        %mul3A_352 = arith.muli %add3A_350, %mul3A_351 : i32
        %get3A_353 = arith.index_cast %add3A_235 : i32 to index
        %get3A_354 = arith.index_cast %mul3A_352 : i32 to index
        %get3A_355 = tpu.vector_load %arg8[%get3A_353, %get3A_354] {strides = array<i32>} : memref<64x1024xf32, #tpu.memory_space<vmem>>, vector<16xf32>,
        %eq3A_356 = arith.constant 2.000000e+00 : f32
        %eq3A_357 = vector.broadcast %eq3A_356 : f32 to vector<16xf32>
        %eq3A_358 = arith.cmpf oeq, %get3A_355, %eq3A_357 : vector<16xf32>
        %jit3A_359 = arith.constant 1 : i32
        %jit3A_360 = arith.constant 0 : i32
        %broadcast_in_dim3A_361 = vector.broadcast %jit3A_359 : i32 to vector<16xi32>
        %broadcast_in_dim3A_362 = vector.broadcast %jit3A_360 : i32 to vector<16xi32>
        %select_n3A_363 = arith.select %eq3A_358, %broadcast_in_dim3A_361, %broadcast_in_dim3A_362 : vector<16xi1>, vector<16xi32>
        %add3A_364 = arith.addi %add3A_292, %select_n3A_363 : vector<16xi32>
        %mul3A_365 = arith.constant 8 : i32
        %mul3A_366 = arith.muli %scan3A_254, %mul3A_365 : i32
        %add3A_367 = arith.constant 6 : i32
        %add3A_368 = arith.addi %mul3A_366, %add3A_367 : i32
        %mul3A_369 = arith.constant 16 : i32
        %mul3A_370 = arith.muli %add3A_368, %mul3A_369 : i32
        %get3A_371 = arith.index_cast %add3A_235 : i32 to index
        %get3A_372 = arith.index_cast %mul3A_370 : i32 to index
        %get3A_373 = tpu.vector_load %arg8[%get3A_371, %get3A_372] {strides = array<i32>} : memref<64x1024xf32, #tpu.memory_space<vmem>>, vector<16xf32>,
        %eq3A_374 = arith.constant 2.000000e+00 : f32
        %eq3A_375 = vector.broadcast %eq3A_374 : f32 to vector<16xf32>
        %eq3A_376 = arith.cmpf oeq, %get3A_373, %eq3A_375 : vector<16xf32>
        %jit3A_377 = arith.constant 1 : i32
        %jit3A_378 = arith.constant 0 : i32
        %broadcast_in_dim3A_379 = vector.broadcast %jit3A_377 : i32 to vector<16xi32>
        %broadcast_in_dim3A_380 = vector.broadcast %jit3A_378 : i32 to vector<16xi32>
        %select_n3A_381 = arith.select %eq3A_376, %broadcast_in_dim3A_379, %broadcast_in_dim3A_380 : vector<16xi1>, vector<16xi32>
        %add3A_382 = arith.addi %add3A_310, %select_n3A_381 : vector<16xi32>
        %mul3A_383 = arith.constant 8 : i32
        %mul3A_384 = arith.muli %scan3A_254, %mul3A_383 : i32
        %add3A_385 = arith.constant 7 : i32
        %add3A_386 = arith.addi %mul3A_384, %add3A_385 : i32
        %mul3A_387 = arith.constant 16 : i32
        %mul3A_388 = arith.muli %add3A_386, %mul3A_387 : i32
        %get3A_389 = arith.index_cast %add3A_235 : i32 to index
        %get3A_390 = arith.index_cast %mul3A_388 : i32 to index
        %get3A_391 = tpu.vector_load %arg8[%get3A_389, %get3A_390] {strides = array<i32>} : memref<64x1024xf32, #tpu.memory_space<vmem>>, vector<16xf32>,
        %eq3A_392 = arith.constant 2.000000e+00 : f32
        %eq3A_393 = vector.broadcast %eq3A_392 : f32 to vector<16xf32>
        %eq3A_394 = arith.cmpf oeq, %get3A_391, %eq3A_393 : vector<16xf32>
        %jit3A_395 = arith.constant 1 : i32
        %jit3A_396 = arith.constant 0 : i32
        %broadcast_in_dim3A_397 = vector.broadcast %jit3A_395 : i32 to vector<16xi32>
        %broadcast_in_dim3A_398 = vector.broadcast %jit3A_396 : i32 to vector<16xi32>
        %select_n3A_399 = arith.select %eq3A_394, %broadcast_in_dim3A_397, %broadcast_in_dim3A_398 : vector<16xi1>, vector<16xi32>
        %add3A_400 = arith.addi %add3A_328, %select_n3A_399 : vector<16xi32>
        scf.yield %add3A_346, %add3A_364, %add3A_382, %add3A_400 : vector<16xi32>, vector<16xi32>, vector<16xi32>, vector<16xi32>
      }
      %scan3A_243 = arith.constant 8 : i32
      %add3A_244 = arith.addi %scan3A_242#0, %scan3A_242#1 : vector<16xi32>
      %add3A_245 = arith.addi %scan3A_242#2, %scan3A_242#3 : vector<16xi32>
      %add3A_246 = arith.addi %add3A_244, %add3A_245 : vector<16xi32>
      %eq3A_247 = vector.broadcast %scan3A_232 : i32 to vector<16xi32>
      %eq3A_248 = arith.cmpi eq, %iota3A, %eq3A_247 : vector<16xi32>
      %reduce_sum3A_249 = arith.constant true
      %reduce_sum3A_250 = vector.broadcast %reduce_sum3A_249 : i1 to vector<16xi1>
      %reduce_sum3A_251 = tpu.scan <sum>, %add3A_246 masked %reduce_sum3A_250 : vector<16xi32>, vector<16xi1> -> vector<16xi32>
      %reduce_sum3A_252 = vector.extract %reduce_sum3A_251[15] : i32 from vector<16xi32>
      %broadcast_in_dim3A_253 = vector.broadcast %reduce_sum3A_252 : i32 to vector<16xi32>
      %select_n3A = arith.select %eq3A_248, %broadcast_in_dim3A_253, %scan3A_233 : vector<16xi1>, vector<16xi32>
      scf.yield %select_n3A : vector<16xi32>
    }
    %scan3A_175 = arith.constant 16 : i32
    %swap3A_176 = arith.constant 48 : index
    %swap3A_177 = tpu.vector_load %arg9[%swap3A_176] {strides = array<i32>} : memref<64xi32, #tpu.memory_space<vmem>>, vector<16xi32>,
    tpu.vector_store %arg9[%swap3A_176], %scan3A_174 {strides = array<i32>} : memref<64xi32, #tpu.memory_space<vmem>>, vector<16xi32>,
    %add3A_178 = arith.addi %add3A_145, %scan3A_174 : vector<16xi32>
    %reduce_sum3A = arith.constant true
    %reduce_sum3A_179 = vector.broadcast %reduce_sum3A : i1 to vector<16xi1>
    %reduce_sum3A_180 = tpu.scan <sum>, %add3A_178 masked %reduce_sum3A_179 : vector<16xi32>, vector<16xi1> -> vector<16xi32>
    %reduce_sum3A_181 = vector.extract %reduce_sum3A_180[15] : i32 from vector<16xi32>
    %broadcast_in_dim3A_182 = vector.broadcast %reduce_sum3A_181 : i32 to vector<16xi32>
    %swap3A_183 = arith.constant 0 : index
    %swap3A_184 = tpu.vector_load %arg10[%swap3A_183] {strides = array<i32>} : memref<16xi32, #tpu.memory_space<vmem>>, vector<16xi32>,
    tpu.vector_store %arg10[%swap3A_183], %broadcast_in_dim3A_182 {strides = array<i32>} : memref<16xi32, #tpu.memory_space<vmem>>, vector<16xi32>,
    "tpu.region"() ({
      %run_scoped3A = tpu.sem_alloc : memref<!tpu.dma_semaphore, #tpu.memory_space<semaphore_mem>>
      %dma_start3A_232 = tpu.memref_slice %arg11[%mul3A_0] : memref<1024xi32, #tpu.memory_space<vmem_shared>> -> memref<64xi32, #tpu.memory_space<vmem_shared>>
      %dma_start3A_233 = tpu.memref_slice %arg11[%mul3A_0] : memref<1024xi32, #tpu.memory_space<vmem_shared>> -> memref<64xi32, #tpu.memory_space<vmem_shared>>
      tpu.enqueue_dma source(%arg9 : memref<64xi32, #tpu.memory_space<vmem>>) target(%dma_start3A_233 : memref<64xi32, #tpu.memory_space<vmem_shared>>) target_semaphore(%run_scoped3A : memref<!tpu.dma_semaphore, #tpu.memory_space<semaphore_mem>>)
      %dma_wait3A_234 = tpu.memref_slice %arg11[%mul3A_0] : memref<1024xi32, #tpu.memory_space<vmem_shared>> -> memref<64xi32, #tpu.memory_space<vmem_shared>>
      %dma_wait3A_235 = tpu.memref_slice %arg11[%mul3A_0] : memref<1024xi32, #tpu.memory_space<vmem_shared>> -> memref<64xi32, #tpu.memory_space<vmem_shared>>
      tpu.wait_dma2 semaphore(%run_scoped3A : memref<!tpu.dma_semaphore, #tpu.memory_space<semaphore_mem>>) src(%arg9 : memref<64xi32, #tpu.memory_space<vmem>>) dst(%dma_wait3A_235 : memref<64xi32, #tpu.memory_space<vmem_shared>>)
      tpu.yield
    }) : () -> ()
    %mul3A_185 = arith.constant 16 : i32
    %mul3A_186 = arith.muli %arg1, %mul3A_185 : i32
    "tpu.region"() ({
      %run_scoped3A = tpu.sem_alloc : memref<!tpu.dma_semaphore, #tpu.memory_space<semaphore_mem>>
      %dma_start3A_232 = tpu.memref_slice %arg12[%mul3A_186] : memref<256xi32, #tpu.memory_space<vmem_shared>> -> memref<16xi32, #tpu.memory_space<vmem_shared>>
      %dma_start3A_233 = tpu.memref_slice %arg12[%mul3A_186] : memref<256xi32, #tpu.memory_space<vmem_shared>> -> memref<16xi32, #tpu.memory_space<vmem_shared>>
      tpu.enqueue_dma source(%arg10 : memref<16xi32, #tpu.memory_space<vmem>>) target(%dma_start3A_233 : memref<16xi32, #tpu.memory_space<vmem_shared>>) target_semaphore(%run_scoped3A : memref<!tpu.dma_semaphore, #tpu.memory_space<semaphore_mem>>)
      %dma_wait3A_234 = tpu.memref_slice %arg12[%mul3A_186] : memref<256xi32, #tpu.memory_space<vmem_shared>> -> memref<16xi32, #tpu.memory_space<vmem_shared>>
      %dma_wait3A_235 = tpu.memref_slice %arg12[%mul3A_186] : memref<256xi32, #tpu.memory_space<vmem_shared>> -> memref<16xi32, #tpu.memory_space<vmem_shared>>
      tpu.wait_dma2 semaphore(%run_scoped3A : memref<!tpu.dma_semaphore, #tpu.memory_space<semaphore_mem>>) src(%arg10 : memref<16xi32, #tpu.memory_space<vmem>>) dst(%dma_wait3A_235 : memref<16xi32, #tpu.memory_space<vmem_shared>>)
      tpu.yield
    }) : () -> ()
    %dma_wait3A_187 = arith.constant 0 : i32
    %dma_wait3A_188 = arith.constant 0 : i32
    %dma_wait3A_189 = tpu.memref_slice %arg8[%dma_wait3A_187, %dma_wait3A_188] : memref<64x1024xf32, #tpu.memory_space<vmem>> -> memref<16x1024xf32, #tpu.memory_space<vmem>>
    %dma_wait3A_190 = arith.constant 0 : i32
    %dma_wait3A_191 = tpu.memref_slice %arg5[%add3A_60, %dma_wait3A_190] : memref<1024x1024xf32, #tpu.memory_space<hbm>> -> memref<16x1024xf32, #tpu.memory_space<hbm>>
    %dma_wait3A_192 = arith.constant 0 : i32
    %dma_wait3A_193 = tpu.memref_slice %arg5[%add3A_60, %dma_wait3A_192] : memref<1024x1024xf32, #tpu.memory_space<hbm>> -> memref<16x1024xf32, #tpu.memory_space<hbm>>
    %dma_wait3A_194 = arith.constant 0 : i32
    %dma_wait3A_195 = arith.constant 0 : i32
    %dma_wait3A_196 = tpu.memref_slice %arg8[%dma_wait3A_194, %dma_wait3A_195] : memref<64x1024xf32, #tpu.memory_space<vmem>> -> memref<16x1024xf32, #tpu.memory_space<vmem>>
    tpu.wait_dma2 semaphore(%arg26 : memref<!tpu.dma_semaphore, #tpu.memory_space<semaphore_mem>>) src(%dma_wait3A_196 : memref<16x1024xf32, #tpu.memory_space<vmem>>) dst(%dma_wait3A_193 : memref<16x1024xf32, #tpu.memory_space<hbm>>)
    %dma_wait3A_197 = arith.constant 16 : i32
    %dma_wait3A_198 = arith.constant 0 : i32
    %dma_wait3A_199 = tpu.memref_slice %arg8[%dma_wait3A_197, %dma_wait3A_198] : memref<64x1024xf32, #tpu.memory_space<vmem>> -> memref<16x1024xf32, #tpu.memory_space<vmem>>
    %dma_wait3A_200 = arith.constant 0 : i32
    %dma_wait3A_201 = tpu.memref_slice %arg5[%add3A_91, %dma_wait3A_200] : memref<1024x1024xf32, #tpu.memory_space<hbm>> -> memref<16x1024xf32, #tpu.memory_space<hbm>>
    %dma_wait3A_202 = arith.constant 0 : i32
    %dma_wait3A_203 = tpu.memref_slice %arg5[%add3A_91, %dma_wait3A_202] : memref<1024x1024xf32, #tpu.memory_space<hbm>> -> memref<16x1024xf32, #tpu.memory_space<hbm>>
    %dma_wait3A_204 = arith.constant 16 : i32
    %dma_wait3A_205 = arith.constant 0 : i32
    %dma_wait3A_206 = tpu.memref_slice %arg8[%dma_wait3A_204, %dma_wait3A_205] : memref<64x1024xf32, #tpu.memory_space<vmem>> -> memref<16x1024xf32, #tpu.memory_space<vmem>>
    tpu.wait_dma2 semaphore(%arg26 : memref<!tpu.dma_semaphore, #tpu.memory_space<semaphore_mem>>) src(%dma_wait3A_206 : memref<16x1024xf32, #tpu.memory_space<vmem>>) dst(%dma_wait3A_203 : memref<16x1024xf32, #tpu.memory_space<hbm>>)
    %dma_wait3A_207 = arith.constant 32 : i32
    %dma_wait3A_208 = arith.constant 0 : i32
    %dma_wait3A_209 = tpu.memref_slice %arg8[%dma_wait3A_207, %dma_wait3A_208] : memref<64x1024xf32, #tpu.memory_space<vmem>> -> memref<16x1024xf32, #tpu.memory_space<vmem>>
    %dma_wait3A_210 = arith.constant 0 : i32
    %dma_wait3A_211 = tpu.memref_slice %arg5[%add3A_124, %dma_wait3A_210] : memref<1024x1024xf32, #tpu.memory_space<hbm>> -> memref<16x1024xf32, #tpu.memory_space<hbm>>
    %dma_wait3A_212 = arith.constant 0 : i32
    %dma_wait3A_213 = tpu.memref_slice %arg5[%add3A_124, %dma_wait3A_212] : memref<1024x1024xf32, #tpu.memory_space<hbm>> -> memref<16x1024xf32, #tpu.memory_space<hbm>>
    %dma_wait3A_214 = arith.constant 32 : i32
    %dma_wait3A_215 = arith.constant 0 : i32
    %dma_wait3A_216 = tpu.memref_slice %arg8[%dma_wait3A_214, %dma_wait3A_215] : memref<64x1024xf32, #tpu.memory_space<vmem>> -> memref<16x1024xf32, #tpu.memory_space<vmem>>
    tpu.wait_dma2 semaphore(%arg26 : memref<!tpu.dma_semaphore, #tpu.memory_space<semaphore_mem>>) src(%dma_wait3A_216 : memref<16x1024xf32, #tpu.memory_space<vmem>>) dst(%dma_wait3A_213 : memref<16x1024xf32, #tpu.memory_space<hbm>>)
    %dma_wait3A_217 = arith.constant 48 : i32
    %dma_wait3A_218 = arith.constant 0 : i32
    %dma_wait3A_219 = tpu.memref_slice %arg8[%dma_wait3A_217, %dma_wait3A_218] : memref<64x1024xf32, #tpu.memory_space<vmem>> -> memref<16x1024xf32, #tpu.memory_space<vmem>>
    %dma_wait3A_220 = arith.constant 0 : i32
    %dma_wait3A_221 = tpu.memref_slice %arg5[%add3A_157, %dma_wait3A_220] : memref<1024x1024xf32, #tpu.memory_space<hbm>> -> memref<16x1024xf32, #tpu.memory_space<hbm>>
    %dma_wait3A_222 = arith.constant 0 : i32
    %dma_wait3A_223 = tpu.memref_slice %arg5[%add3A_157, %dma_wait3A_222] : memref<1024x1024xf32, #tpu.memory_space<hbm>> -> memref<16x1024xf32, #tpu.memory_space<hbm>>
    %dma_wait3A_224 = arith.constant 48 : i32
    %dma_wait3A_225 = arith.constant 0 : i32
    %dma_wait3A_226 = tpu.memref_slice %arg8[%dma_wait3A_224, %dma_wait3A_225] : memref<64x1024xf32, #tpu.memory_space<vmem>> -> memref<16x1024xf32, #tpu.memory_space<vmem>>
    tpu.wait_dma2 semaphore(%arg26 : memref<!tpu.dma_semaphore, #tpu.memory_space<semaphore_mem>>) src(%dma_wait3A_226 : memref<16x1024xf32, #tpu.memory_space<vmem>>) dst(%dma_wait3A_223 : memref<16x1024xf32, #tpu.memory_space<hbm>>)
    %barrier3A = arith.constant 0 : index
    tpu.barrier barrier_id(%barrier3A)
    %eq3A_227 = arith.constant 0 : i32
    %eq3A_228 = arith.cmpi eq, %arg1, %eq3A_227 : i32
    %convert_element_type3A_229 = arith.extui %eq3A_228 : i1 to i32
    %cond3A_230 = arith.constant 0 : i32
    %cond3A_231 = arith.cmpi ne, %convert_element_type3A_229, %cond3A_230 : i32
    scf.if %cond3A_231 {
      "tpu.region"() ({
        %run_scoped3A = tpu.sem_alloc : memref<!tpu.dma_semaphore, #tpu.memory_space<semaphore_mem>>
        tpu.enqueue_dma source(%arg11 : memref<1024xi32, #tpu.memory_space<vmem_shared>>) target(%arg13 : memref<1024xi32, #tpu.memory_space<vmem>>) target_semaphore(%run_scoped3A : memref<!tpu.dma_semaphore, #tpu.memory_space<semaphore_mem>>)
        tpu.wait_dma2 semaphore(%run_scoped3A : memref<!tpu.dma_semaphore, #tpu.memory_space<semaphore_mem>>) src(%arg11 : memref<1024xi32, #tpu.memory_space<vmem_shared>>) dst(%arg13 : memref<1024xi32, #tpu.memory_space<vmem>>)
        tpu.yield
      }) : () -> ()
      "tpu.region"() ({
        %run_scoped3A = tpu.sem_alloc : memref<!tpu.dma_semaphore, #tpu.memory_space<semaphore_mem>>
        tpu.enqueue_dma source(%arg12 : memref<256xi32, #tpu.memory_space<vmem_shared>>) target(%arg14 : memref<256xi32, #tpu.memory_space<vmem>>) target_semaphore(%run_scoped3A : memref<!tpu.dma_semaphore, #tpu.memory_space<semaphore_mem>>)
        tpu.wait_dma2 semaphore(%run_scoped3A : memref<!tpu.dma_semaphore, #tpu.memory_space<semaphore_mem>>) src(%arg12 : memref<256xi32, #tpu.memory_space<vmem_shared>>) dst(%arg14 : memref<256xi32, #tpu.memory_space<vmem>>)
        tpu.yield
      }) : () -> ()
      %get3A = arith.constant 0 : index
      %get3A_232 = tpu.vector_load %arg16[%get3A] {strides = array<i32>} : memref<16xi32, #tpu.memory_space<vmem>>, vector<16xi32>,
      %mul3A_233 = arith.constant 2 : i32
      %mul3A_234 = vector.broadcast %mul3A_233 : i32 to vector<16xi32>
      %mul3A_235 = arith.muli %iota3A, %mul3A_234 : vector<16xi32>
      %add3A_236 = arith.constant 1 : i32
      %add3A_237 = vector.broadcast %add3A_236 : i32 to vector<16xi32>
      %add3A_238 = arith.addi %mul3A_235, %add3A_237 : vector<16xi32>
      %and3A = arith.constant 15 : i32
      %and3A_239 = vector.broadcast %and3A : i32 to vector<16xi32>
      %and3A_240 = arith.andi %add3A_238, %and3A_239 : vector<16xi32>
      %gather3A = tpu.vector_load_idx %arg17[%and3A_240] : memref<16xi32, #tpu.memory_space<vmem>>[vector<16xi32>], vector<16xi32>,
      %mul3A_241 = arith.constant 2 : i32
      %mul3A_242 = vector.broadcast %mul3A_241 : i32 to vector<16xi32>
      %mul3A_243 = arith.muli %iota3A, %mul3A_242 : vector<16xi32>
      %and3A_244 = arith.constant 15 : i32
      %and3A_245 = vector.broadcast %and3A_244 : i32 to vector<16xi32>
      %and3A_246 = arith.andi %mul3A_243, %and3A_245 : vector<16xi32>
      %gather3A_247 = tpu.vector_load_idx %arg17[%and3A_246] : memref<16xi32, #tpu.memory_space<vmem>>[vector<16xi32>], vector<16xi32>,
      %slice3A = vector.extract_strided_slice %get3A_232 {offsets = [8], sizes = [1], strides = [1]} : vector<16xi32> to vector<1xi32>
      %squeeze3A = vector.extract %slice3A[0] : i32 from vector<1xi32>
      %bitcast_convert_type3A = arith.bitcast %squeeze3A : i32 to i32
      %slice3A_248 = vector.extract_strided_slice %get3A_232 {offsets = [9], sizes = [1], strides = [1]} : vector<16xi32> to vector<1xi32>
      %squeeze3A_249 = vector.extract %slice3A_248[0] : i32 from vector<1xi32>
      %bitcast_convert_type3A_250 = arith.bitcast %squeeze3A_249 : i32 to i32
      %xor3A = arith.xori %bitcast_convert_type3A, %bitcast_convert_type3A_250 : i32
      %xor3A_251 = arith.constant 466688986 : i32
      %xor3A_252 = arith.xori %xor3A, %xor3A_251 : i32
      %add3A_253 = arith.constant 0 : i32
      %add3A_254 = arith.addi %add3A_253, %bitcast_convert_type3A : i32
      %add3A_255 = arith.constant 0 : i32
      %add3A_256 = arith.addi %add3A_255, %bitcast_convert_type3A_250 : i32
      %add3A_257 = arith.addi %add3A_254, %add3A_256 : i32
      %shift_left3A = arith.constant 13 : i32
      %shift_left3A_258 = arith.shli %add3A_256, %shift_left3A : i32
      %shift_right_logical3A = arith.constant 19 : i32
      %shift_right_logical3A_259 = arith.shrui %add3A_256, %shift_right_logical3A : i32
      %or3A = arith.ori %shift_left3A_258, %shift_right_logical3A_259 : i32
      %xor3A_260 = arith.xori %or3A, %add3A_257 : i32
      %add3A_261 = arith.addi %add3A_257, %xor3A_260 : i32
      %shift_left3A_262 = arith.constant 15 : i32
      %shift_left3A_263 = arith.shli %xor3A_260, %shift_left3A_262 : i32
      %shift_right_logical3A_264 = arith.constant 17 : i32
      %shift_right_logical3A_265 = arith.shrui %xor3A_260, %shift_right_logical3A_264 : i32
      %or3A_266 = arith.ori %shift_left3A_263, %shift_right_logical3A_265 : i32
      %xor3A_267 = arith.xori %or3A_266, %add3A_261 : i32
      %add3A_268 = arith.addi %add3A_261, %xor3A_267 : i32
      %shift_left3A_269 = arith.constant 26 : i32
      %shift_left3A_270 = arith.shli %xor3A_267, %shift_left3A_269 : i32
      %shift_right_logical3A_271 = arith.constant 6 : i32
      %shift_right_logical3A_272 = arith.shrui %xor3A_267, %shift_right_logical3A_271 : i32
      %or3A_273 = arith.ori %shift_left3A_270, %shift_right_logical3A_272 : i32
      %xor3A_274 = arith.xori %or3A_273, %add3A_268 : i32
      %add3A_275 = arith.addi %add3A_268, %xor3A_274 : i32
      %shift_left3A_276 = arith.constant 6 : i32
      %shift_left3A_277 = arith.shli %xor3A_274, %shift_left3A_276 : i32
      %shift_right_logical3A_278 = arith.constant 26 : i32
      %shift_right_logical3A_279 = arith.shrui %xor3A_274, %shift_right_logical3A_278 : i32
      %or3A_280 = arith.ori %shift_left3A_277, %shift_right_logical3A_279 : i32
      %xor3A_281 = arith.xori %or3A_280, %add3A_275 : i32
      %add3A_282 = arith.addi %add3A_275, %bitcast_convert_type3A_250 : i32
      %add3A_283 = arith.addi %xor3A_281, %xor3A_252 : i32
      %add3A_284 = arith.constant 1 : i32
      %add3A_285 = arith.addi %add3A_283, %add3A_284 : i32
      %add3A_286 = arith.addi %add3A_282, %add3A_285 : i32
      %shift_left3A_287 = arith.constant 17 : i32
      %shift_left3A_288 = arith.shli %add3A_285, %shift_left3A_287 : i32
      %shift_right_logical3A_289 = arith.constant 15 : i32
      %shift_right_logical3A_290 = arith.shrui %add3A_285, %shift_right_logical3A_289 : i32
      %or3A_291 = arith.ori %shift_left3A_288, %shift_right_logical3A_290 : i32
      %xor3A_292 = arith.xori %or3A_291, %add3A_286 : i32
      %add3A_293 = arith.addi %add3A_286, %xor3A_292 : i32
      %shift_left3A_294 = arith.constant 29 : i32
      %shift_left3A_295 = arith.shli %xor3A_292, %shift_left3A_294 : i32
      %shift_right_logical3A_296 = arith.constant 3 : i32
      %shift_right_logical3A_297 = arith.shrui %xor3A_292, %shift_right_logical3A_296 : i32
      %or3A_298 = arith.ori %shift_left3A_295, %shift_right_logical3A_297 : i32
      %xor3A_299 = arith.xori %or3A_298, %add3A_293 : i32
      %add3A_300 = arith.addi %add3A_293, %xor3A_299 : i32
      %shift_left3A_301 = arith.constant 16 : i32
      %shift_left3A_302 = arith.shli %xor3A_299, %shift_left3A_301 : i32
      %shift_right_logical3A_303 = arith.constant 16 : i32
      %shift_right_logical3A_304 = arith.shrui %xor3A_299, %shift_right_logical3A_303 : i32
      %or3A_305 = arith.ori %shift_left3A_302, %shift_right_logical3A_304 : i32
      %xor3A_306 = arith.xori %or3A_305, %add3A_300 : i32
      %add3A_307 = arith.addi %add3A_300, %xor3A_306 : i32
      %shift_left3A_308 = arith.constant 24 : i32
      %shift_left3A_309 = arith.shli %xor3A_306, %shift_left3A_308 : i32
      %shift_right_logical3A_310 = arith.constant 8 : i32
      %shift_right_logical3A_311 = arith.shrui %xor3A_306, %shift_right_logical3A_310 : i32
      %or3A_312 = arith.ori %shift_left3A_309, %shift_right_logical3A_311 : i32
      %xor3A_313 = arith.xori %or3A_312, %add3A_307 : i32
      %add3A_314 = arith.addi %add3A_307, %xor3A_252 : i32
      %add3A_315 = arith.addi %xor3A_313, %bitcast_convert_type3A : i32
      %add3A_316 = arith.constant 2 : i32
      %add3A_317 = arith.addi %add3A_315, %add3A_316 : i32
      %add3A_318 = arith.addi %add3A_314, %add3A_317 : i32
      %shift_left3A_319 = arith.constant 13 : i32
      %shift_left3A_320 = arith.shli %add3A_317, %shift_left3A_319 : i32
      %shift_right_logical3A_321 = arith.constant 19 : i32
      %shift_right_logical3A_322 = arith.shrui %add3A_317, %shift_right_logical3A_321 : i32
      %or3A_323 = arith.ori %shift_left3A_320, %shift_right_logical3A_322 : i32
      %xor3A_324 = arith.xori %or3A_323, %add3A_318 : i32
      %add3A_325 = arith.addi %add3A_318, %xor3A_324 : i32
      %shift_left3A_326 = arith.constant 15 : i32
      %shift_left3A_327 = arith.shli %xor3A_324, %shift_left3A_326 : i32
      %shift_right_logical3A_328 = arith.constant 17 : i32
      %shift_right_logical3A_329 = arith.shrui %xor3A_324, %shift_right_logical3A_328 : i32
      %or3A_330 = arith.ori %shift_left3A_327, %shift_right_logical3A_329 : i32
      %xor3A_331 = arith.xori %or3A_330, %add3A_325 : i32
      %add3A_332 = arith.addi %add3A_325, %xor3A_331 : i32
      %shift_left3A_333 = arith.constant 26 : i32
      %shift_left3A_334 = arith.shli %xor3A_331, %shift_left3A_333 : i32
      %shift_right_logical3A_335 = arith.constant 6 : i32
      %shift_right_logical3A_336 = arith.shrui %xor3A_331, %shift_right_logical3A_335 : i32
      %or3A_337 = arith.ori %shift_left3A_334, %shift_right_logical3A_336 : i32
      %xor3A_338 = arith.xori %or3A_337, %add3A_332 : i32
      %add3A_339 = arith.addi %add3A_332, %xor3A_338 : i32
      %shift_left3A_340 = arith.constant 6 : i32
      %shift_left3A_341 = arith.shli %xor3A_338, %shift_left3A_340 : i32
      %shift_right_logical3A_342 = arith.constant 26 : i32
      %shift_right_logical3A_343 = arith.shrui %xor3A_338, %shift_right_logical3A_342 : i32
      %or3A_344 = arith.ori %shift_left3A_341, %shift_right_logical3A_343 : i32
      %xor3A_345 = arith.xori %or3A_344, %add3A_339 : i32
      %add3A_346 = arith.addi %add3A_339, %bitcast_convert_type3A : i32
      %add3A_347 = arith.addi %xor3A_345, %bitcast_convert_type3A_250 : i32
      %add3A_348 = arith.constant 3 : i32
      %add3A_349 = arith.addi %add3A_347, %add3A_348 : i32
      %add3A_350 = arith.addi %add3A_346, %add3A_349 : i32
      %shift_left3A_351 = arith.constant 17 : i32
      %shift_left3A_352 = arith.shli %add3A_349, %shift_left3A_351 : i32
      %shift_right_logical3A_353 = arith.constant 15 : i32
      %shift_right_logical3A_354 = arith.shrui %add3A_349, %shift_right_logical3A_353 : i32
      %or3A_355 = arith.ori %shift_left3A_352, %shift_right_logical3A_354 : i32
      %xor3A_356 = arith.xori %or3A_355, %add3A_350 : i32
      %add3A_357 = arith.addi %add3A_350, %xor3A_356 : i32
      %shift_left3A_358 = arith.constant 29 : i32
      %shift_left3A_359 = arith.shli %xor3A_356, %shift_left3A_358 : i32
      %shift_right_logical3A_360 = arith.constant 3 : i32
      %shift_right_logical3A_361 = arith.shrui %xor3A_356, %shift_right_logical3A_360 : i32
      %or3A_362 = arith.ori %shift_left3A_359, %shift_right_logical3A_361 : i32
      %xor3A_363 = arith.xori %or3A_362, %add3A_357 : i32
      %add3A_364 = arith.addi %add3A_357, %xor3A_363 : i32
      %shift_left3A_365 = arith.constant 16 : i32
      %shift_left3A_366 = arith.shli %xor3A_363, %shift_left3A_365 : i32
      %shift_right_logical3A_367 = arith.constant 16 : i32
      %shift_right_logical3A_368 = arith.shrui %xor3A_363, %shift_right_logical3A_367 : i32
      %or3A_369 = arith.ori %shift_left3A_366, %shift_right_logical3A_368 : i32
      %xor3A_370 = arith.xori %or3A_369, %add3A_364 : i32
      %add3A_371 = arith.addi %add3A_364, %xor3A_370 : i32
      %shift_left3A_372 = arith.constant 24 : i32
      %shift_left3A_373 = arith.shli %xor3A_370, %shift_left3A_372 : i32
      %shift_right_logical3A_374 = arith.constant 8 : i32
      %shift_right_logical3A_375 = arith.shrui %xor3A_370, %shift_right_logical3A_374 : i32
      %or3A_376 = arith.ori %shift_left3A_373, %shift_right_logical3A_375 : i32
      %xor3A_377 = arith.xori %or3A_376, %add3A_371 : i32
      %add3A_378 = arith.addi %add3A_371, %bitcast_convert_type3A_250 : i32
      %add3A_379 = arith.addi %xor3A_377, %xor3A_252 : i32
      %add3A_380 = arith.constant 4 : i32
      %add3A_381 = arith.addi %add3A_379, %add3A_380 : i32
      %add3A_382 = arith.addi %add3A_378, %add3A_381 : i32
      %shift_left3A_383 = arith.constant 13 : i32
      %shift_left3A_384 = arith.shli %add3A_381, %shift_left3A_383 : i32
      %shift_right_logical3A_385 = arith.constant 19 : i32
      %shift_right_logical3A_386 = arith.shrui %add3A_381, %shift_right_logical3A_385 : i32
      %or3A_387 = arith.ori %shift_left3A_384, %shift_right_logical3A_386 : i32
      %xor3A_388 = arith.xori %or3A_387, %add3A_382 : i32
      %add3A_389 = arith.addi %add3A_382, %xor3A_388 : i32
      %shift_left3A_390 = arith.constant 15 : i32
      %shift_left3A_391 = arith.shli %xor3A_388, %shift_left3A_390 : i32
      %shift_right_logical3A_392 = arith.constant 17 : i32
      %shift_right_logical3A_393 = arith.shrui %xor3A_388, %shift_right_logical3A_392 : i32
      %or3A_394 = arith.ori %shift_left3A_391, %shift_right_logical3A_393 : i32
      %xor3A_395 = arith.xori %or3A_394, %add3A_389 : i32
      %add3A_396 = arith.addi %add3A_389, %xor3A_395 : i32
      %shift_left3A_397 = arith.constant 26 : i32
      %shift_left3A_398 = arith.shli %xor3A_395, %shift_left3A_397 : i32
      %shift_right_logical3A_399 = arith.constant 6 : i32
      %shift_right_logical3A_400 = arith.shrui %xor3A_395, %shift_right_logical3A_399 : i32
      %or3A_401 = arith.ori %shift_left3A_398, %shift_right_logical3A_400 : i32
      %xor3A_402 = arith.xori %or3A_401, %add3A_396 : i32
      %add3A_403 = arith.addi %add3A_396, %xor3A_402 : i32
      %shift_left3A_404 = arith.constant 6 : i32
      %shift_left3A_405 = arith.shli %xor3A_402, %shift_left3A_404 : i32
      %shift_right_logical3A_406 = arith.constant 26 : i32
      %shift_right_logical3A_407 = arith.shrui %xor3A_402, %shift_right_logical3A_406 : i32
      %or3A_408 = arith.ori %shift_left3A_405, %shift_right_logical3A_407 : i32
      %xor3A_409 = arith.xori %or3A_408, %add3A_403 : i32
      %add3A_410 = arith.addi %add3A_403, %xor3A_252 : i32
      %add3A_411 = arith.addi %xor3A_409, %bitcast_convert_type3A : i32
      %add3A_412 = arith.constant 5 : i32
      %add3A_413 = arith.addi %add3A_411, %add3A_412 : i32
      %xor3A_414 = arith.xori %bitcast_convert_type3A, %bitcast_convert_type3A_250 : i32
      %xor3A_415 = arith.constant 466688986 : i32
      %xor3A_416 = arith.xori %xor3A_414, %xor3A_415 : i32
      %add3A_417 = arith.constant 0 : i32
      %add3A_418 = arith.addi %add3A_417, %bitcast_convert_type3A : i32
      %add3A_419 = arith.constant 1 : i32
      %add3A_420 = arith.addi %add3A_419, %bitcast_convert_type3A_250 : i32
      %add3A_421 = arith.addi %add3A_418, %add3A_420 : i32
      %shift_left3A_422 = arith.constant 13 : i32
      %shift_left3A_423 = arith.shli %add3A_420, %shift_left3A_422 : i32
      %shift_right_logical3A_424 = arith.constant 19 : i32
      %shift_right_logical3A_425 = arith.shrui %add3A_420, %shift_right_logical3A_424 : i32
      %or3A_426 = arith.ori %shift_left3A_423, %shift_right_logical3A_425 : i32
      %xor3A_427 = arith.xori %or3A_426, %add3A_421 : i32
      %add3A_428 = arith.addi %add3A_421, %xor3A_427 : i32
      %shift_left3A_429 = arith.constant 15 : i32
      %shift_left3A_430 = arith.shli %xor3A_427, %shift_left3A_429 : i32
      %shift_right_logical3A_431 = arith.constant 17 : i32
      %shift_right_logical3A_432 = arith.shrui %xor3A_427, %shift_right_logical3A_431 : i32
      %or3A_433 = arith.ori %shift_left3A_430, %shift_right_logical3A_432 : i32
      %xor3A_434 = arith.xori %or3A_433, %add3A_428 : i32
      %add3A_435 = arith.addi %add3A_428, %xor3A_434 : i32
      %shift_left3A_436 = arith.constant 26 : i32
      %shift_left3A_437 = arith.shli %xor3A_434, %shift_left3A_436 : i32
      %shift_right_logical3A_438 = arith.constant 6 : i32
      %shift_right_logical3A_439 = arith.shrui %xor3A_434, %shift_right_logical3A_438 : i32
      %or3A_440 = arith.ori %shift_left3A_437, %shift_right_logical3A_439 : i32
      %xor3A_441 = arith.xori %or3A_440, %add3A_435 : i32
      %add3A_442 = arith.addi %add3A_435, %xor3A_441 : i32
      %shift_left3A_443 = arith.constant 6 : i32
      %shift_left3A_444 = arith.shli %xor3A_441, %shift_left3A_443 : i32
      %shift_right_logical3A_445 = arith.constant 26 : i32
      %shift_right_logical3A_446 = arith.shrui %xor3A_441, %shift_right_logical3A_445 : i32
      %or3A_447 = arith.ori %shift_left3A_444, %shift_right_logical3A_446 : i32
      %xor3A_448 = arith.xori %or3A_447, %add3A_442 : i32
      %add3A_449 = arith.addi %add3A_442, %bitcast_convert_type3A_250 : i32
      %add3A_450 = arith.addi %xor3A_448, %xor3A_416 : i32
      %add3A_451 = arith.constant 1 : i32
      %add3A_452 = arith.addi %add3A_450, %add3A_451 : i32
      %add3A_453 = arith.addi %add3A_449, %add3A_452 : i32
      %shift_left3A_454 = arith.constant 17 : i32
      %shift_left3A_455 = arith.shli %add3A_452, %shift_left3A_454 : i32
      %shift_right_logical3A_456 = arith.constant 15 : i32
      %shift_right_logical3A_457 = arith.shrui %add3A_452, %shift_right_logical3A_456 : i32
      %or3A_458 = arith.ori %shift_left3A_455, %shift_right_logical3A_457 : i32
      %xor3A_459 = arith.xori %or3A_458, %add3A_453 : i32
      %add3A_460 = arith.addi %add3A_453, %xor3A_459 : i32
      %shift_left3A_461 = arith.constant 29 : i32
      %shift_left3A_462 = arith.shli %xor3A_459, %shift_left3A_461 : i32
      %shift_right_logical3A_463 = arith.constant 3 : i32
      %shift_right_logical3A_464 = arith.shrui %xor3A_459, %shift_right_logical3A_463 : i32
      %or3A_465 = arith.ori %shift_left3A_462, %shift_right_logical3A_464 : i32
      %xor3A_466 = arith.xori %or3A_465, %add3A_460 : i32
      %add3A_467 = arith.addi %add3A_460, %xor3A_466 : i32
      %shift_left3A_468 = arith.constant 16 : i32
      %shift_left3A_469 = arith.shli %xor3A_466, %shift_left3A_468 : i32
      %shift_right_logical3A_470 = arith.constant 16 : i32
      %shift_right_logical3A_471 = arith.shrui %xor3A_466, %shift_right_logical3A_470 : i32
      %or3A_472 = arith.ori %shift_left3A_469, %shift_right_logical3A_471 : i32
      %xor3A_473 = arith.xori %or3A_472, %add3A_467 : i32
      %add3A_474 = arith.addi %add3A_467, %xor3A_473 : i32
      %shift_left3A_475 = arith.constant 24 : i32
      %shift_left3A_476 = arith.shli %xor3A_473, %shift_left3A_475 : i32
      %shift_right_logical3A_477 = arith.constant 8 : i32
      %shift_right_logical3A_478 = arith.shrui %xor3A_473, %shift_right_logical3A_477 : i32
      %or3A_479 = arith.ori %shift_left3A_476, %shift_right_logical3A_478 : i32
      %xor3A_480 = arith.xori %or3A_479, %add3A_474 : i32
      %add3A_481 = arith.addi %add3A_474, %xor3A_416 : i32
      %add3A_482 = arith.addi %xor3A_480, %bitcast_convert_type3A : i32
      %add3A_483 = arith.constant 2 : i32
      %add3A_484 = arith.addi %add3A_482, %add3A_483 : i32
      %add3A_485 = arith.addi %add3A_481, %add3A_484 : i32
      %shift_left3A_486 = arith.constant 13 : i32
      %shift_left3A_487 = arith.shli %add3A_484, %shift_left3A_486 : i32
      %shift_right_logical3A_488 = arith.constant 19 : i32
      %shift_right_logical3A_489 = arith.shrui %add3A_484, %shift_right_logical3A_488 : i32
      %or3A_490 = arith.ori %shift_left3A_487, %shift_right_logical3A_489 : i32
      %xor3A_491 = arith.xori %or3A_490, %add3A_485 : i32
      %add3A_492 = arith.addi %add3A_485, %xor3A_491 : i32
      %shift_left3A_493 = arith.constant 15 : i32
      %shift_left3A_494 = arith.shli %xor3A_491, %shift_left3A_493 : i32
      %shift_right_logical3A_495 = arith.constant 17 : i32
      %shift_right_logical3A_496 = arith.shrui %xor3A_491, %shift_right_logical3A_495 : i32
      %or3A_497 = arith.ori %shift_left3A_494, %shift_right_logical3A_496 : i32
      %xor3A_498 = arith.xori %or3A_497, %add3A_492 : i32
      %add3A_499 = arith.addi %add3A_492, %xor3A_498 : i32
      %shift_left3A_500 = arith.constant 26 : i32
      %shift_left3A_501 = arith.shli %xor3A_498, %shift_left3A_500 : i32
      %shift_right_logical3A_502 = arith.constant 6 : i32
      %shift_right_logical3A_503 = arith.shrui %xor3A_498, %shift_right_logical3A_502 : i32
      %or3A_504 = arith.ori %shift_left3A_501, %shift_right_logical3A_503 : i32
      %xor3A_505 = arith.xori %or3A_504, %add3A_499 : i32
      %add3A_506 = arith.addi %add3A_499, %xor3A_505 : i32
      %shift_left3A_507 = arith.constant 6 : i32
      %shift_left3A_508 = arith.shli %xor3A_505, %shift_left3A_507 : i32
      %shift_right_logical3A_509 = arith.constant 26 : i32
      %shift_right_logical3A_510 = arith.shrui %xor3A_505, %shift_right_logical3A_509 : i32
      %or3A_511 = arith.ori %shift_left3A_508, %shift_right_logical3A_510 : i32
      %xor3A_512 = arith.xori %or3A_511, %add3A_506 : i32
      %add3A_513 = arith.addi %add3A_506, %bitcast_convert_type3A : i32
      %add3A_514 = arith.addi %xor3A_512, %bitcast_convert_type3A_250 : i32
      %add3A_515 = arith.constant 3 : i32
      %add3A_516 = arith.addi %add3A_514, %add3A_515 : i32
      %add3A_517 = arith.addi %add3A_513, %add3A_516 : i32
      %shift_left3A_518 = arith.constant 17 : i32
      %shift_left3A_519 = arith.shli %add3A_516, %shift_left3A_518 : i32
      %shift_right_logical3A_520 = arith.constant 15 : i32
      %shift_right_logical3A_521 = arith.shrui %add3A_516, %shift_right_logical3A_520 : i32
      %or3A_522 = arith.ori %shift_left3A_519, %shift_right_logical3A_521 : i32
      %xor3A_523 = arith.xori %or3A_522, %add3A_517 : i32
      %add3A_524 = arith.addi %add3A_517, %xor3A_523 : i32
      %shift_left3A_525 = arith.constant 29 : i32
      %shift_left3A_526 = arith.shli %xor3A_523, %shift_left3A_525 : i32
      %shift_right_logical3A_527 = arith.constant 3 : i32
      %shift_right_logical3A_528 = arith.shrui %xor3A_523, %shift_right_logical3A_527 : i32
      %or3A_529 = arith.ori %shift_left3A_526, %shift_right_logical3A_528 : i32
      %xor3A_530 = arith.xori %or3A_529, %add3A_524 : i32
      %add3A_531 = arith.addi %add3A_524, %xor3A_530 : i32
      %shift_left3A_532 = arith.constant 16 : i32
      %shift_left3A_533 = arith.shli %xor3A_530, %shift_left3A_532 : i32
      %shift_right_logical3A_534 = arith.constant 16 : i32
      %shift_right_logical3A_535 = arith.shrui %xor3A_530, %shift_right_logical3A_534 : i32
      %or3A_536 = arith.ori %shift_left3A_533, %shift_right_logical3A_535 : i32
      %xor3A_537 = arith.xori %or3A_536, %add3A_531 : i32
      %add3A_538 = arith.addi %add3A_531, %xor3A_537 : i32
      %shift_left3A_539 = arith.constant 24 : i32
      %shift_left3A_540 = arith.shli %xor3A_537, %shift_left3A_539 : i32
      %shift_right_logical3A_541 = arith.constant 8 : i32
      %shift_right_logical3A_542 = arith.shrui %xor3A_537, %shift_right_logical3A_541 : i32
      %or3A_543 = arith.ori %shift_left3A_540, %shift_right_logical3A_542 : i32
      %xor3A_544 = arith.xori %or3A_543, %add3A_538 : i32
      %add3A_545 = arith.addi %add3A_538, %bitcast_convert_type3A_250 : i32
      %add3A_546 = arith.addi %xor3A_544, %xor3A_416 : i32
      %add3A_547 = arith.constant 4 : i32
      %add3A_548 = arith.addi %add3A_546, %add3A_547 : i32
      %add3A_549 = arith.addi %add3A_545, %add3A_548 : i32
      %shift_left3A_550 = arith.constant 13 : i32
      %shift_left3A_551 = arith.shli %add3A_548, %shift_left3A_550 : i32
      %shift_right_logical3A_552 = arith.constant 19 : i32
      %shift_right_logical3A_553 = arith.shrui %add3A_548, %shift_right_logical3A_552 : i32
      %or3A_554 = arith.ori %shift_left3A_551, %shift_right_logical3A_553 : i32
      %xor3A_555 = arith.xori %or3A_554, %add3A_549 : i32
      %add3A_556 = arith.addi %add3A_549, %xor3A_555 : i32
      %shift_left3A_557 = arith.constant 15 : i32
      %shift_left3A_558 = arith.shli %xor3A_555, %shift_left3A_557 : i32
      %shift_right_logical3A_559 = arith.constant 17 : i32
      %shift_right_logical3A_560 = arith.shrui %xor3A_555, %shift_right_logical3A_559 : i32
      %or3A_561 = arith.ori %shift_left3A_558, %shift_right_logical3A_560 : i32
      %xor3A_562 = arith.xori %or3A_561, %add3A_556 : i32
      %add3A_563 = arith.addi %add3A_556, %xor3A_562 : i32
      %shift_left3A_564 = arith.constant 26 : i32
      %shift_left3A_565 = arith.shli %xor3A_562, %shift_left3A_564 : i32
      %shift_right_logical3A_566 = arith.constant 6 : i32
      %shift_right_logical3A_567 = arith.shrui %xor3A_562, %shift_right_logical3A_566 : i32
      %or3A_568 = arith.ori %shift_left3A_565, %shift_right_logical3A_567 : i32
      %xor3A_569 = arith.xori %or3A_568, %add3A_563 : i32
      %add3A_570 = arith.addi %add3A_563, %xor3A_569 : i32
      %shift_left3A_571 = arith.constant 6 : i32
      %shift_left3A_572 = arith.shli %xor3A_569, %shift_left3A_571 : i32
      %shift_right_logical3A_573 = arith.constant 26 : i32
      %shift_right_logical3A_574 = arith.shrui %xor3A_569, %shift_right_logical3A_573 : i32
      %or3A_575 = arith.ori %shift_left3A_572, %shift_right_logical3A_574 : i32
      %xor3A_576 = arith.xori %or3A_575, %add3A_570 : i32
      %add3A_577 = arith.addi %add3A_570, %xor3A_416 : i32
      %add3A_578 = arith.addi %xor3A_576, %bitcast_convert_type3A : i32
      %add3A_579 = arith.constant 5 : i32
      %add3A_580 = arith.addi %add3A_578, %add3A_579 : i32
      %xor3A_581 = arith.xori %add3A_577, %add3A_580 : i32
      %xor3A_582 = arith.constant 466688986 : i32
      %xor3A_583 = arith.xori %xor3A_581, %xor3A_582 : i32
      %add3A_584 = arith.constant 0 : i32
      %add3A_585 = arith.addi %add3A_584, %add3A_577 : i32
      %add3A_586 = arith.constant 0 : i32
      %add3A_587 = arith.addi %add3A_586, %add3A_580 : i32
      %add3A_588 = arith.addi %add3A_585, %add3A_587 : i32
      %shift_left3A_589 = arith.constant 13 : i32
      %shift_left3A_590 = arith.shli %add3A_587, %shift_left3A_589 : i32
      %shift_right_logical3A_591 = arith.constant 19 : i32
      %shift_right_logical3A_592 = arith.shrui %add3A_587, %shift_right_logical3A_591 : i32
      %or3A_593 = arith.ori %shift_left3A_590, %shift_right_logical3A_592 : i32
      %xor3A_594 = arith.xori %or3A_593, %add3A_588 : i32
      %add3A_595 = arith.addi %add3A_588, %xor3A_594 : i32
      %shift_left3A_596 = arith.constant 15 : i32
      %shift_left3A_597 = arith.shli %xor3A_594, %shift_left3A_596 : i32
      %shift_right_logical3A_598 = arith.constant 17 : i32
      %shift_right_logical3A_599 = arith.shrui %xor3A_594, %shift_right_logical3A_598 : i32
      %or3A_600 = arith.ori %shift_left3A_597, %shift_right_logical3A_599 : i32
      %xor3A_601 = arith.xori %or3A_600, %add3A_595 : i32
      %add3A_602 = arith.addi %add3A_595, %xor3A_601 : i32
      %shift_left3A_603 = arith.constant 26 : i32
      %shift_left3A_604 = arith.shli %xor3A_601, %shift_left3A_603 : i32
      %shift_right_logical3A_605 = arith.constant 6 : i32
      %shift_right_logical3A_606 = arith.shrui %xor3A_601, %shift_right_logical3A_605 : i32
      %or3A_607 = arith.ori %shift_left3A_604, %shift_right_logical3A_606 : i32
      %xor3A_608 = arith.xori %or3A_607, %add3A_602 : i32
      %add3A_609 = arith.addi %add3A_602, %xor3A_608 : i32
      %shift_left3A_610 = arith.constant 6 : i32
      %shift_left3A_611 = arith.shli %xor3A_608, %shift_left3A_610 : i32
      %shift_right_logical3A_612 = arith.constant 26 : i32
      %shift_right_logical3A_613 = arith.shrui %xor3A_608, %shift_right_logical3A_612 : i32
      %or3A_614 = arith.ori %shift_left3A_611, %shift_right_logical3A_613 : i32
      %xor3A_615 = arith.xori %or3A_614, %add3A_609 : i32
      %add3A_616 = arith.addi %add3A_609, %add3A_580 : i32
      %add3A_617 = arith.addi %xor3A_615, %xor3A_583 : i32
      %add3A_618 = arith.constant 1 : i32
      %add3A_619 = arith.addi %add3A_617, %add3A_618 : i32
      %add3A_620 = arith.addi %add3A_616, %add3A_619 : i32
      %shift_left3A_621 = arith.constant 17 : i32
      %shift_left3A_622 = arith.shli %add3A_619, %shift_left3A_621 : i32
      %shift_right_logical3A_623 = arith.constant 15 : i32
      %shift_right_logical3A_624 = arith.shrui %add3A_619, %shift_right_logical3A_623 : i32
      %or3A_625 = arith.ori %shift_left3A_622, %shift_right_logical3A_624 : i32
      %xor3A_626 = arith.xori %or3A_625, %add3A_620 : i32
      %add3A_627 = arith.addi %add3A_620, %xor3A_626 : i32
      %shift_left3A_628 = arith.constant 29 : i32
      %shift_left3A_629 = arith.shli %xor3A_626, %shift_left3A_628 : i32
      %shift_right_logical3A_630 = arith.constant 3 : i32
      %shift_right_logical3A_631 = arith.shrui %xor3A_626, %shift_right_logical3A_630 : i32
      %or3A_632 = arith.ori %shift_left3A_629, %shift_right_logical3A_631 : i32
      %xor3A_633 = arith.xori %or3A_632, %add3A_627 : i32
      %add3A_634 = arith.addi %add3A_627, %xor3A_633 : i32
      %shift_left3A_635 = arith.constant 16 : i32
      %shift_left3A_636 = arith.shli %xor3A_633, %shift_left3A_635 : i32
      %shift_right_logical3A_637 = arith.constant 16 : i32
      %shift_right_logical3A_638 = arith.shrui %xor3A_633, %shift_right_logical3A_637 : i32
      %or3A_639 = arith.ori %shift_left3A_636, %shift_right_logical3A_638 : i32
      %xor3A_640 = arith.xori %or3A_639, %add3A_634 : i32
      %add3A_641 = arith.addi %add3A_634, %xor3A_640 : i32
      %shift_left3A_642 = arith.constant 24 : i32
      %shift_left3A_643 = arith.shli %xor3A_640, %shift_left3A_642 : i32
      %shift_right_logical3A_644 = arith.constant 8 : i32
      %shift_right_logical3A_645 = arith.shrui %xor3A_640, %shift_right_logical3A_644 : i32
      %or3A_646 = arith.ori %shift_left3A_643, %shift_right_logical3A_645 : i32
      %xor3A_647 = arith.xori %or3A_646, %add3A_641 : i32
      %add3A_648 = arith.addi %add3A_641, %xor3A_583 : i32
      %add3A_649 = arith.addi %xor3A_647, %add3A_577 : i32
      %add3A_650 = arith.constant 2 : i32
      %add3A_651 = arith.addi %add3A_649, %add3A_650 : i32
      %add3A_652 = arith.addi %add3A_648, %add3A_651 : i32
      %shift_left3A_653 = arith.constant 13 : i32
      %shift_left3A_654 = arith.shli %add3A_651, %shift_left3A_653 : i32
      %shift_right_logical3A_655 = arith.constant 19 : i32
      %shift_right_logical3A_656 = arith.shrui %add3A_651, %shift_right_logical3A_655 : i32
      %or3A_657 = arith.ori %shift_left3A_654, %shift_right_logical3A_656 : i32
      %xor3A_658 = arith.xori %or3A_657, %add3A_652 : i32
      %add3A_659 = arith.addi %add3A_652, %xor3A_658 : i32
      %shift_left3A_660 = arith.constant 15 : i32
      %shift_left3A_661 = arith.shli %xor3A_658, %shift_left3A_660 : i32
      %shift_right_logical3A_662 = arith.constant 17 : i32
      %shift_right_logical3A_663 = arith.shrui %xor3A_658, %shift_right_logical3A_662 : i32
      %or3A_664 = arith.ori %shift_left3A_661, %shift_right_logical3A_663 : i32
      %xor3A_665 = arith.xori %or3A_664, %add3A_659 : i32
      %add3A_666 = arith.addi %add3A_659, %xor3A_665 : i32
      %shift_left3A_667 = arith.constant 26 : i32
      %shift_left3A_668 = arith.shli %xor3A_665, %shift_left3A_667 : i32
      %shift_right_logical3A_669 = arith.constant 6 : i32
      %shift_right_logical3A_670 = arith.shrui %xor3A_665, %shift_right_logical3A_669 : i32
      %or3A_671 = arith.ori %shift_left3A_668, %shift_right_logical3A_670 : i32
      %xor3A_672 = arith.xori %or3A_671, %add3A_666 : i32
      %add3A_673 = arith.addi %add3A_666, %xor3A_672 : i32
      %shift_left3A_674 = arith.constant 6 : i32
      %shift_left3A_675 = arith.shli %xor3A_672, %shift_left3A_674 : i32
      %shift_right_logical3A_676 = arith.constant 26 : i32
      %shift_right_logical3A_677 = arith.shrui %xor3A_672, %shift_right_logical3A_676 : i32
      %or3A_678 = arith.ori %shift_left3A_675, %shift_right_logical3A_677 : i32
      %xor3A_679 = arith.xori %or3A_678, %add3A_673 : i32
      %add3A_680 = arith.addi %add3A_673, %add3A_577 : i32
      %add3A_681 = arith.addi %xor3A_679, %add3A_580 : i32
      %add3A_682 = arith.constant 3 : i32
      %add3A_683 = arith.addi %add3A_681, %add3A_682 : i32
      %add3A_684 = arith.addi %add3A_680, %add3A_683 : i32
      %shift_left3A_685 = arith.constant 17 : i32
      %shift_left3A_686 = arith.shli %add3A_683, %shift_left3A_685 : i32
      %shift_right_logical3A_687 = arith.constant 15 : i32
      %shift_right_logical3A_688 = arith.shrui %add3A_683, %shift_right_logical3A_687 : i32
      %or3A_689 = arith.ori %shift_left3A_686, %shift_right_logical3A_688 : i32
      %xor3A_690 = arith.xori %or3A_689, %add3A_684 : i32
      %add3A_691 = arith.addi %add3A_684, %xor3A_690 : i32
      %shift_left3A_692 = arith.constant 29 : i32
      %shift_left3A_693 = arith.shli %xor3A_690, %shift_left3A_692 : i32
      %shift_right_logical3A_694 = arith.constant 3 : i32
      %shift_right_logical3A_695 = arith.shrui %xor3A_690, %shift_right_logical3A_694 : i32
      %or3A_696 = arith.ori %shift_left3A_693, %shift_right_logical3A_695 : i32
      %xor3A_697 = arith.xori %or3A_696, %add3A_691 : i32
      %add3A_698 = arith.addi %add3A_691, %xor3A_697 : i32
      %shift_left3A_699 = arith.constant 16 : i32
      %shift_left3A_700 = arith.shli %xor3A_697, %shift_left3A_699 : i32
      %shift_right_logical3A_701 = arith.constant 16 : i32
      %shift_right_logical3A_702 = arith.shrui %xor3A_697, %shift_right_logical3A_701 : i32
      %or3A_703 = arith.ori %shift_left3A_700, %shift_right_logical3A_702 : i32
      %xor3A_704 = arith.xori %or3A_703, %add3A_698 : i32
      %add3A_705 = arith.addi %add3A_698, %xor3A_704 : i32
      %shift_left3A_706 = arith.constant 24 : i32
      %shift_left3A_707 = arith.shli %xor3A_704, %shift_left3A_706 : i32
      %shift_right_logical3A_708 = arith.constant 8 : i32
      %shift_right_logical3A_709 = arith.shrui %xor3A_704, %shift_right_logical3A_708 : i32
      %or3A_710 = arith.ori %shift_left3A_707, %shift_right_logical3A_709 : i32
      %xor3A_711 = arith.xori %or3A_710, %add3A_705 : i32
      %add3A_712 = arith.addi %add3A_705, %add3A_580 : i32
      %add3A_713 = arith.addi %xor3A_711, %xor3A_583 : i32
      %add3A_714 = arith.constant 4 : i32
      %add3A_715 = arith.addi %add3A_713, %add3A_714 : i32
      %add3A_716 = arith.addi %add3A_712, %add3A_715 : i32
      %shift_left3A_717 = arith.constant 13 : i32
      %shift_left3A_718 = arith.shli %add3A_715, %shift_left3A_717 : i32
      %shift_right_logical3A_719 = arith.constant 19 : i32
      %shift_right_logical3A_720 = arith.shrui %add3A_715, %shift_right_logical3A_719 : i32
      %or3A_721 = arith.ori %shift_left3A_718, %shift_right_logical3A_720 : i32
      %xor3A_722 = arith.xori %or3A_721, %add3A_716 : i32
      %add3A_723 = arith.addi %add3A_716, %xor3A_722 : i32
      %shift_left3A_724 = arith.constant 15 : i32
      %shift_left3A_725 = arith.shli %xor3A_722, %shift_left3A_724 : i32
      %shift_right_logical3A_726 = arith.constant 17 : i32
      %shift_right_logical3A_727 = arith.shrui %xor3A_722, %shift_right_logical3A_726 : i32
      %or3A_728 = arith.ori %shift_left3A_725, %shift_right_logical3A_727 : i32
      %xor3A_729 = arith.xori %or3A_728, %add3A_723 : i32
      %add3A_730 = arith.addi %add3A_723, %xor3A_729 : i32
      %shift_left3A_731 = arith.constant 26 : i32
      %shift_left3A_732 = arith.shli %xor3A_729, %shift_left3A_731 : i32
      %shift_right_logical3A_733 = arith.constant 6 : i32
      %shift_right_logical3A_734 = arith.shrui %xor3A_729, %shift_right_logical3A_733 : i32
      %or3A_735 = arith.ori %shift_left3A_732, %shift_right_logical3A_734 : i32
      %xor3A_736 = arith.xori %or3A_735, %add3A_730 : i32
      %add3A_737 = arith.addi %add3A_730, %xor3A_736 : i32
      %shift_left3A_738 = arith.constant 6 : i32
      %shift_left3A_739 = arith.shli %xor3A_736, %shift_left3A_738 : i32
      %shift_right_logical3A_740 = arith.constant 26 : i32
      %shift_right_logical3A_741 = arith.shrui %xor3A_736, %shift_right_logical3A_740 : i32
      %or3A_742 = arith.ori %shift_left3A_739, %shift_right_logical3A_741 : i32
      %xor3A_743 = arith.xori %or3A_742, %add3A_737 : i32
      %add3A_744 = arith.addi %add3A_737, %xor3A_583 : i32
      %add3A_745 = arith.addi %xor3A_743, %add3A_577 : i32
      %add3A_746 = arith.constant 5 : i32
      %add3A_747 = arith.addi %add3A_745, %add3A_746 : i32
      %xor3A_748 = arith.xori %add3A_577, %add3A_580 : i32
      %xor3A_749 = arith.constant 466688986 : i32
      %xor3A_750 = arith.xori %xor3A_748, %xor3A_749 : i32
      %add3A_751 = arith.constant 0 : i32
      %add3A_752 = arith.addi %add3A_751, %add3A_577 : i32
      %add3A_753 = arith.constant 1 : i32
      %add3A_754 = arith.addi %add3A_753, %add3A_580 : i32
      %add3A_755 = arith.addi %add3A_752, %add3A_754 : i32
      %shift_left3A_756 = arith.constant 13 : i32
      %shift_left3A_757 = arith.shli %add3A_754, %shift_left3A_756 : i32
      %shift_right_logical3A_758 = arith.constant 19 : i32
      %shift_right_logical3A_759 = arith.shrui %add3A_754, %shift_right_logical3A_758 : i32
      %or3A_760 = arith.ori %shift_left3A_757, %shift_right_logical3A_759 : i32
      %xor3A_761 = arith.xori %or3A_760, %add3A_755 : i32
      %add3A_762 = arith.addi %add3A_755, %xor3A_761 : i32
      %shift_left3A_763 = arith.constant 15 : i32
      %shift_left3A_764 = arith.shli %xor3A_761, %shift_left3A_763 : i32
      %shift_right_logical3A_765 = arith.constant 17 : i32
      %shift_right_logical3A_766 = arith.shrui %xor3A_761, %shift_right_logical3A_765 : i32
      %or3A_767 = arith.ori %shift_left3A_764, %shift_right_logical3A_766 : i32
      %xor3A_768 = arith.xori %or3A_767, %add3A_762 : i32
      %add3A_769 = arith.addi %add3A_762, %xor3A_768 : i32
      %shift_left3A_770 = arith.constant 26 : i32
      %shift_left3A_771 = arith.shli %xor3A_768, %shift_left3A_770 : i32
      %shift_right_logical3A_772 = arith.constant 6 : i32
      %shift_right_logical3A_773 = arith.shrui %xor3A_768, %shift_right_logical3A_772 : i32
      %or3A_774 = arith.ori %shift_left3A_771, %shift_right_logical3A_773 : i32
      %xor3A_775 = arith.xori %or3A_774, %add3A_769 : i32
      %add3A_776 = arith.addi %add3A_769, %xor3A_775 : i32
      %shift_left3A_777 = arith.constant 6 : i32
      %shift_left3A_778 = arith.shli %xor3A_775, %shift_left3A_777 : i32
      %shift_right_logical3A_779 = arith.constant 26 : i32
      %shift_right_logical3A_780 = arith.shrui %xor3A_775, %shift_right_logical3A_779 : i32
      %or3A_781 = arith.ori %shift_left3A_778, %shift_right_logical3A_780 : i32
      %xor3A_782 = arith.xori %or3A_781, %add3A_776 : i32
      %add3A_783 = arith.addi %add3A_776, %add3A_580 : i32
      %add3A_784 = arith.addi %xor3A_782, %xor3A_750 : i32
      %add3A_785 = arith.constant 1 : i32
      %add3A_786 = arith.addi %add3A_784, %add3A_785 : i32
      %add3A_787 = arith.addi %add3A_783, %add3A_786 : i32
      %shift_left3A_788 = arith.constant 17 : i32
      %shift_left3A_789 = arith.shli %add3A_786, %shift_left3A_788 : i32
      %shift_right_logical3A_790 = arith.constant 15 : i32
      %shift_right_logical3A_791 = arith.shrui %add3A_786, %shift_right_logical3A_790 : i32
      %or3A_792 = arith.ori %shift_left3A_789, %shift_right_logical3A_791 : i32
      %xor3A_793 = arith.xori %or3A_792, %add3A_787 : i32
      %add3A_794 = arith.addi %add3A_787, %xor3A_793 : i32
      %shift_left3A_795 = arith.constant 29 : i32
      %shift_left3A_796 = arith.shli %xor3A_793, %shift_left3A_795 : i32
      %shift_right_logical3A_797 = arith.constant 3 : i32
      %shift_right_logical3A_798 = arith.shrui %xor3A_793, %shift_right_logical3A_797 : i32
      %or3A_799 = arith.ori %shift_left3A_796, %shift_right_logical3A_798 : i32
      %xor3A_800 = arith.xori %or3A_799, %add3A_794 : i32
      %add3A_801 = arith.addi %add3A_794, %xor3A_800 : i32
      %shift_left3A_802 = arith.constant 16 : i32
      %shift_left3A_803 = arith.shli %xor3A_800, %shift_left3A_802 : i32
      %shift_right_logical3A_804 = arith.constant 16 : i32
      %shift_right_logical3A_805 = arith.shrui %xor3A_800, %shift_right_logical3A_804 : i32
      %or3A_806 = arith.ori %shift_left3A_803, %shift_right_logical3A_805 : i32
      %xor3A_807 = arith.xori %or3A_806, %add3A_801 : i32
      %add3A_808 = arith.addi %add3A_801, %xor3A_807 : i32
      %shift_left3A_809 = arith.constant 24 : i32
      %shift_left3A_810 = arith.shli %xor3A_807, %shift_left3A_809 : i32
      %shift_right_logical3A_811 = arith.constant 8 : i32
      %shift_right_logical3A_812 = arith.shrui %xor3A_807, %shift_right_logical3A_811 : i32
      %or3A_813 = arith.ori %shift_left3A_810, %shift_right_logical3A_812 : i32
      %xor3A_814 = arith.xori %or3A_813, %add3A_808 : i32
      %add3A_815 = arith.addi %add3A_808, %xor3A_750 : i32
      %add3A_816 = arith.addi %xor3A_814, %add3A_577 : i32
      %add3A_817 = arith.constant 2 : i32
      %add3A_818 = arith.addi %add3A_816, %add3A_817 : i32
      %add3A_819 = arith.addi %add3A_815, %add3A_818 : i32
      %shift_left3A_820 = arith.constant 13 : i32
      %shift_left3A_821 = arith.shli %add3A_818, %shift_left3A_820 : i32
      %shift_right_logical3A_822 = arith.constant 19 : i32
      %shift_right_logical3A_823 = arith.shrui %add3A_818, %shift_right_logical3A_822 : i32
      %or3A_824 = arith.ori %shift_left3A_821, %shift_right_logical3A_823 : i32
      %xor3A_825 = arith.xori %or3A_824, %add3A_819 : i32
      %add3A_826 = arith.addi %add3A_819, %xor3A_825 : i32
      %shift_left3A_827 = arith.constant 15 : i32
      %shift_left3A_828 = arith.shli %xor3A_825, %shift_left3A_827 : i32
      %shift_right_logical3A_829 = arith.constant 17 : i32
      %shift_right_logical3A_830 = arith.shrui %xor3A_825, %shift_right_logical3A_829 : i32
      %or3A_831 = arith.ori %shift_left3A_828, %shift_right_logical3A_830 : i32
      %xor3A_832 = arith.xori %or3A_831, %add3A_826 : i32
      %add3A_833 = arith.addi %add3A_826, %xor3A_832 : i32
      %shift_left3A_834 = arith.constant 26 : i32
      %shift_left3A_835 = arith.shli %xor3A_832, %shift_left3A_834 : i32
      %shift_right_logical3A_836 = arith.constant 6 : i32
      %shift_right_logical3A_837 = arith.shrui %xor3A_832, %shift_right_logical3A_836 : i32
      %or3A_838 = arith.ori %shift_left3A_835, %shift_right_logical3A_837 : i32
      %xor3A_839 = arith.xori %or3A_838, %add3A_833 : i32
      %add3A_840 = arith.addi %add3A_833, %xor3A_839 : i32
      %shift_left3A_841 = arith.constant 6 : i32
      %shift_left3A_842 = arith.shli %xor3A_839, %shift_left3A_841 : i32
      %shift_right_logical3A_843 = arith.constant 26 : i32
      %shift_right_logical3A_844 = arith.shrui %xor3A_839, %shift_right_logical3A_843 : i32
      %or3A_845 = arith.ori %shift_left3A_842, %shift_right_logical3A_844 : i32
      %xor3A_846 = arith.xori %or3A_845, %add3A_840 : i32
      %add3A_847 = arith.addi %add3A_840, %add3A_577 : i32
      %add3A_848 = arith.addi %xor3A_846, %add3A_580 : i32
      %add3A_849 = arith.constant 3 : i32
      %add3A_850 = arith.addi %add3A_848, %add3A_849 : i32
      %add3A_851 = arith.addi %add3A_847, %add3A_850 : i32
      %shift_left3A_852 = arith.constant 17 : i32
      %shift_left3A_853 = arith.shli %add3A_850, %shift_left3A_852 : i32
      %shift_right_logical3A_854 = arith.constant 15 : i32
      %shift_right_logical3A_855 = arith.shrui %add3A_850, %shift_right_logical3A_854 : i32
      %or3A_856 = arith.ori %shift_left3A_853, %shift_right_logical3A_855 : i32
      %xor3A_857 = arith.xori %or3A_856, %add3A_851 : i32
      %add3A_858 = arith.addi %add3A_851, %xor3A_857 : i32
      %shift_left3A_859 = arith.constant 29 : i32
      %shift_left3A_860 = arith.shli %xor3A_857, %shift_left3A_859 : i32
      %shift_right_logical3A_861 = arith.constant 3 : i32
      %shift_right_logical3A_862 = arith.shrui %xor3A_857, %shift_right_logical3A_861 : i32
      %or3A_863 = arith.ori %shift_left3A_860, %shift_right_logical3A_862 : i32
      %xor3A_864 = arith.xori %or3A_863, %add3A_858 : i32
      %add3A_865 = arith.addi %add3A_858, %xor3A_864 : i32
      %shift_left3A_866 = arith.constant 16 : i32
      %shift_left3A_867 = arith.shli %xor3A_864, %shift_left3A_866 : i32
      %shift_right_logical3A_868 = arith.constant 16 : i32
      %shift_right_logical3A_869 = arith.shrui %xor3A_864, %shift_right_logical3A_868 : i32
      %or3A_870 = arith.ori %shift_left3A_867, %shift_right_logical3A_869 : i32
      %xor3A_871 = arith.xori %or3A_870, %add3A_865 : i32
      %add3A_872 = arith.addi %add3A_865, %xor3A_871 : i32
      %shift_left3A_873 = arith.constant 24 : i32
      %shift_left3A_874 = arith.shli %xor3A_871, %shift_left3A_873 : i32
      %shift_right_logical3A_875 = arith.constant 8 : i32
      %shift_right_logical3A_876 = arith.shrui %xor3A_871, %shift_right_logical3A_875 : i32
      %or3A_877 = arith.ori %shift_left3A_874, %shift_right_logical3A_876 : i32
      %xor3A_878 = arith.xori %or3A_877, %add3A_872 : i32
      %add3A_879 = arith.addi %add3A_872, %add3A_580 : i32
      %add3A_880 = arith.addi %xor3A_878, %xor3A_750 : i32
      %add3A_881 = arith.constant 4 : i32
      %add3A_882 = arith.addi %add3A_880, %add3A_881 : i32
      %add3A_883 = arith.addi %add3A_879, %add3A_882 : i32
      %shift_left3A_884 = arith.constant 13 : i32
      %shift_left3A_885 = arith.shli %add3A_882, %shift_left3A_884 : i32
      %shift_right_logical3A_886 = arith.constant 19 : i32
      %shift_right_logical3A_887 = arith.shrui %add3A_882, %shift_right_logical3A_886 : i32
      %or3A_888 = arith.ori %shift_left3A_885, %shift_right_logical3A_887 : i32
      %xor3A_889 = arith.xori %or3A_888, %add3A_883 : i32
      %add3A_890 = arith.addi %add3A_883, %xor3A_889 : i32
      %shift_left3A_891 = arith.constant 15 : i32
      %shift_left3A_892 = arith.shli %xor3A_889, %shift_left3A_891 : i32
      %shift_right_logical3A_893 = arith.constant 17 : i32
      %shift_right_logical3A_894 = arith.shrui %xor3A_889, %shift_right_logical3A_893 : i32
      %or3A_895 = arith.ori %shift_left3A_892, %shift_right_logical3A_894 : i32
      %xor3A_896 = arith.xori %or3A_895, %add3A_890 : i32
      %add3A_897 = arith.addi %add3A_890, %xor3A_896 : i32
      %shift_left3A_898 = arith.constant 26 : i32
      %shift_left3A_899 = arith.shli %xor3A_896, %shift_left3A_898 : i32
      %shift_right_logical3A_900 = arith.constant 6 : i32
      %shift_right_logical3A_901 = arith.shrui %xor3A_896, %shift_right_logical3A_900 : i32
      %or3A_902 = arith.ori %shift_left3A_899, %shift_right_logical3A_901 : i32
      %xor3A_903 = arith.xori %or3A_902, %add3A_897 : i32
      %add3A_904 = arith.addi %add3A_897, %xor3A_903 : i32
      %shift_left3A_905 = arith.constant 6 : i32
      %shift_left3A_906 = arith.shli %xor3A_903, %shift_left3A_905 : i32
      %shift_right_logical3A_907 = arith.constant 26 : i32
      %shift_right_logical3A_908 = arith.shrui %xor3A_903, %shift_right_logical3A_907 : i32
      %or3A_909 = arith.ori %shift_left3A_906, %shift_right_logical3A_908 : i32
      %xor3A_910 = arith.xori %or3A_909, %add3A_904 : i32
      %add3A_911 = arith.addi %add3A_904, %xor3A_750 : i32
      %add3A_912 = arith.addi %xor3A_910, %add3A_577 : i32
      %add3A_913 = arith.constant 5 : i32
      %add3A_914 = arith.addi %add3A_912, %add3A_913 : i32
      %xor3A_915 = arith.xori %add3A_911, %add3A_914 : i32
      %xor3A_916 = arith.constant 466688986 : i32
      %xor3A_917 = arith.xori %xor3A_915, %xor3A_916 : i32
      %add3A_918 = arith.constant 0 : i32
      %add3A_919 = arith.addi %add3A_918, %add3A_911 : i32
      %add3A_920 = arith.constant 0 : i32
      %add3A_921 = arith.addi %add3A_920, %add3A_914 : i32
      %add3A_922 = arith.addi %add3A_919, %add3A_921 : i32
      %shift_left3A_923 = arith.constant 13 : i32
      %shift_left3A_924 = arith.shli %add3A_921, %shift_left3A_923 : i32
      %shift_right_logical3A_925 = arith.constant 19 : i32
      %shift_right_logical3A_926 = arith.shrui %add3A_921, %shift_right_logical3A_925 : i32
      %or3A_927 = arith.ori %shift_left3A_924, %shift_right_logical3A_926 : i32
      %xor3A_928 = arith.xori %or3A_927, %add3A_922 : i32
      %add3A_929 = arith.addi %add3A_922, %xor3A_928 : i32
      %shift_left3A_930 = arith.constant 15 : i32
      %shift_left3A_931 = arith.shli %xor3A_928, %shift_left3A_930 : i32
      %shift_right_logical3A_932 = arith.constant 17 : i32
      %shift_right_logical3A_933 = arith.shrui %xor3A_928, %shift_right_logical3A_932 : i32
      %or3A_934 = arith.ori %shift_left3A_931, %shift_right_logical3A_933 : i32
      %xor3A_935 = arith.xori %or3A_934, %add3A_929 : i32
      %add3A_936 = arith.addi %add3A_929, %xor3A_935 : i32
      %shift_left3A_937 = arith.constant 26 : i32
      %shift_left3A_938 = arith.shli %xor3A_935, %shift_left3A_937 : i32
      %shift_right_logical3A_939 = arith.constant 6 : i32
      %shift_right_logical3A_940 = arith.shrui %xor3A_935, %shift_right_logical3A_939 : i32
      %or3A_941 = arith.ori %shift_left3A_938, %shift_right_logical3A_940 : i32
      %xor3A_942 = arith.xori %or3A_941, %add3A_936 : i32
      %add3A_943 = arith.addi %add3A_936, %xor3A_942 : i32
      %shift_left3A_944 = arith.constant 6 : i32
      %shift_left3A_945 = arith.shli %xor3A_942, %shift_left3A_944 : i32
      %shift_right_logical3A_946 = arith.constant 26 : i32
      %shift_right_logical3A_947 = arith.shrui %xor3A_942, %shift_right_logical3A_946 : i32
      %or3A_948 = arith.ori %shift_left3A_945, %shift_right_logical3A_947 : i32
      %xor3A_949 = arith.xori %or3A_948, %add3A_943 : i32
      %add3A_950 = arith.addi %add3A_943, %add3A_914 : i32
      %add3A_951 = arith.addi %xor3A_949, %xor3A_917 : i32
      %add3A_952 = arith.constant 1 : i32
      %add3A_953 = arith.addi %add3A_951, %add3A_952 : i32
      %add3A_954 = arith.addi %add3A_950, %add3A_953 : i32
      %shift_left3A_955 = arith.constant 17 : i32
      %shift_left3A_956 = arith.shli %add3A_953, %shift_left3A_955 : i32
      %shift_right_logical3A_957 = arith.constant 15 : i32
      %shift_right_logical3A_958 = arith.shrui %add3A_953, %shift_right_logical3A_957 : i32
      %or3A_959 = arith.ori %shift_left3A_956, %shift_right_logical3A_958 : i32
      %xor3A_960 = arith.xori %or3A_959, %add3A_954 : i32
      %add3A_961 = arith.addi %add3A_954, %xor3A_960 : i32
      %shift_left3A_962 = arith.constant 29 : i32
      %shift_left3A_963 = arith.shli %xor3A_960, %shift_left3A_962 : i32
      %shift_right_logical3A_964 = arith.constant 3 : i32
      %shift_right_logical3A_965 = arith.shrui %xor3A_960, %shift_right_logical3A_964 : i32
      %or3A_966 = arith.ori %shift_left3A_963, %shift_right_logical3A_965 : i32
      %xor3A_967 = arith.xori %or3A_966, %add3A_961 : i32
      %add3A_968 = arith.addi %add3A_961, %xor3A_967 : i32
      %shift_left3A_969 = arith.constant 16 : i32
      %shift_left3A_970 = arith.shli %xor3A_967, %shift_left3A_969 : i32
      %shift_right_logical3A_971 = arith.constant 16 : i32
      %shift_right_logical3A_972 = arith.shrui %xor3A_967, %shift_right_logical3A_971 : i32
      %or3A_973 = arith.ori %shift_left3A_970, %shift_right_logical3A_972 : i32
      %xor3A_974 = arith.xori %or3A_973, %add3A_968 : i32
      %add3A_975 = arith.addi %add3A_968, %xor3A_974 : i32
      %shift_left3A_976 = arith.constant 24 : i32
      %shift_left3A_977 = arith.shli %xor3A_974, %shift_left3A_976 : i32
      %shift_right_logical3A_978 = arith.constant 8 : i32
      %shift_right_logical3A_979 = arith.shrui %xor3A_974, %shift_right_logical3A_978 : i32
      %or3A_980 = arith.ori %shift_left3A_977, %shift_right_logical3A_979 : i32
      %xor3A_981 = arith.xori %or3A_980, %add3A_975 : i32
      %add3A_982 = arith.addi %add3A_975, %xor3A_917 : i32
      %add3A_983 = arith.addi %xor3A_981, %add3A_911 : i32
      %add3A_984 = arith.constant 2 : i32
      %add3A_985 = arith.addi %add3A_983, %add3A_984 : i32
      %add3A_986 = arith.addi %add3A_982, %add3A_985 : i32
      %shift_left3A_987 = arith.constant 13 : i32
      %shift_left3A_988 = arith.shli %add3A_985, %shift_left3A_987 : i32
      %shift_right_logical3A_989 = arith.constant 19 : i32
      %shift_right_logical3A_990 = arith.shrui %add3A_985, %shift_right_logical3A_989 : i32
      %or3A_991 = arith.ori %shift_left3A_988, %shift_right_logical3A_990 : i32
      %xor3A_992 = arith.xori %or3A_991, %add3A_986 : i32
      %add3A_993 = arith.addi %add3A_986, %xor3A_992 : i32
      %shift_left3A_994 = arith.constant 15 : i32
      %shift_left3A_995 = arith.shli %xor3A_992, %shift_left3A_994 : i32
      %shift_right_logical3A_996 = arith.constant 17 : i32
      %shift_right_logical3A_997 = arith.shrui %xor3A_992, %shift_right_logical3A_996 : i32
      %or3A_998 = arith.ori %shift_left3A_995, %shift_right_logical3A_997 : i32
      %xor3A_999 = arith.xori %or3A_998, %add3A_993 : i32
      %add3A_1000 = arith.addi %add3A_993, %xor3A_999 : i32
      %shift_left3A_1001 = arith.constant 26 : i32
      %shift_left3A_1002 = arith.shli %xor3A_999, %shift_left3A_1001 : i32
      %shift_right_logical3A_1003 = arith.constant 6 : i32
      %shift_right_logical3A_1004 = arith.shrui %xor3A_999, %shift_right_logical3A_1003 : i32
      %or3A_1005 = arith.ori %shift_left3A_1002, %shift_right_logical3A_1004 : i32
      %xor3A_1006 = arith.xori %or3A_1005, %add3A_1000 : i32
      %add3A_1007 = arith.addi %add3A_1000, %xor3A_1006 : i32
      %shift_left3A_1008 = arith.constant 6 : i32
      %shift_left3A_1009 = arith.shli %xor3A_1006, %shift_left3A_1008 : i32
      %shift_right_logical3A_1010 = arith.constant 26 : i32
      %shift_right_logical3A_1011 = arith.shrui %xor3A_1006, %shift_right_logical3A_1010 : i32
      %or3A_1012 = arith.ori %shift_left3A_1009, %shift_right_logical3A_1011 : i32
      %xor3A_1013 = arith.xori %or3A_1012, %add3A_1007 : i32
      %add3A_1014 = arith.addi %add3A_1007, %add3A_911 : i32
      %add3A_1015 = arith.addi %xor3A_1013, %add3A_914 : i32
      %add3A_1016 = arith.constant 3 : i32
      %add3A_1017 = arith.addi %add3A_1015, %add3A_1016 : i32
      %add3A_1018 = arith.addi %add3A_1014, %add3A_1017 : i32
      %shift_left3A_1019 = arith.constant 17 : i32
      %shift_left3A_1020 = arith.shli %add3A_1017, %shift_left3A_1019 : i32
      %shift_right_logical3A_1021 = arith.constant 15 : i32
      %shift_right_logical3A_1022 = arith.shrui %add3A_1017, %shift_right_logical3A_1021 : i32
      %or3A_1023 = arith.ori %shift_left3A_1020, %shift_right_logical3A_1022 : i32
      %xor3A_1024 = arith.xori %or3A_1023, %add3A_1018 : i32
      %add3A_1025 = arith.addi %add3A_1018, %xor3A_1024 : i32
      %shift_left3A_1026 = arith.constant 29 : i32
      %shift_left3A_1027 = arith.shli %xor3A_1024, %shift_left3A_1026 : i32
      %shift_right_logical3A_1028 = arith.constant 3 : i32
      %shift_right_logical3A_1029 = arith.shrui %xor3A_1024, %shift_right_logical3A_1028 : i32
      %or3A_1030 = arith.ori %shift_left3A_1027, %shift_right_logical3A_1029 : i32
      %xor3A_1031 = arith.xori %or3A_1030, %add3A_1025 : i32
      %add3A_1032 = arith.addi %add3A_1025, %xor3A_1031 : i32
      %shift_left3A_1033 = arith.constant 16 : i32
      %shift_left3A_1034 = arith.shli %xor3A_1031, %shift_left3A_1033 : i32
      %shift_right_logical3A_1035 = arith.constant 16 : i32
      %shift_right_logical3A_1036 = arith.shrui %xor3A_1031, %shift_right_logical3A_1035 : i32
      %or3A_1037 = arith.ori %shift_left3A_1034, %shift_right_logical3A_1036 : i32
      %xor3A_1038 = arith.xori %or3A_1037, %add3A_1032 : i32
      %add3A_1039 = arith.addi %add3A_1032, %xor3A_1038 : i32
      %shift_left3A_1040 = arith.constant 24 : i32
      %shift_left3A_1041 = arith.shli %xor3A_1038, %shift_left3A_1040 : i32
      %shift_right_logical3A_1042 = arith.constant 8 : i32
      %shift_right_logical3A_1043 = arith.shrui %xor3A_1038, %shift_right_logical3A_1042 : i32
      %or3A_1044 = arith.ori %shift_left3A_1041, %shift_right_logical3A_1043 : i32
      %xor3A_1045 = arith.xori %or3A_1044, %add3A_1039 : i32
      %add3A_1046 = arith.addi %add3A_1039, %add3A_914 : i32
      %add3A_1047 = arith.addi %xor3A_1045, %xor3A_917 : i32
      %add3A_1048 = arith.constant 4 : i32
      %add3A_1049 = arith.addi %add3A_1047, %add3A_1048 : i32
      %add3A_1050 = arith.addi %add3A_1046, %add3A_1049 : i32
      %shift_left3A_1051 = arith.constant 13 : i32
      %shift_left3A_1052 = arith.shli %add3A_1049, %shift_left3A_1051 : i32
      %shift_right_logical3A_1053 = arith.constant 19 : i32
      %shift_right_logical3A_1054 = arith.shrui %add3A_1049, %shift_right_logical3A_1053 : i32
      %or3A_1055 = arith.ori %shift_left3A_1052, %shift_right_logical3A_1054 : i32
      %xor3A_1056 = arith.xori %or3A_1055, %add3A_1050 : i32
      %add3A_1057 = arith.addi %add3A_1050, %xor3A_1056 : i32
      %shift_left3A_1058 = arith.constant 15 : i32
      %shift_left3A_1059 = arith.shli %xor3A_1056, %shift_left3A_1058 : i32
      %shift_right_logical3A_1060 = arith.constant 17 : i32
      %shift_right_logical3A_1061 = arith.shrui %xor3A_1056, %shift_right_logical3A_1060 : i32
      %or3A_1062 = arith.ori %shift_left3A_1059, %shift_right_logical3A_1061 : i32
      %xor3A_1063 = arith.xori %or3A_1062, %add3A_1057 : i32
      %add3A_1064 = arith.addi %add3A_1057, %xor3A_1063 : i32
      %shift_left3A_1065 = arith.constant 26 : i32
      %shift_left3A_1066 = arith.shli %xor3A_1063, %shift_left3A_1065 : i32
      %shift_right_logical3A_1067 = arith.constant 6 : i32
      %shift_right_logical3A_1068 = arith.shrui %xor3A_1063, %shift_right_logical3A_1067 : i32
      %or3A_1069 = arith.ori %shift_left3A_1066, %shift_right_logical3A_1068 : i32
      %xor3A_1070 = arith.xori %or3A_1069, %add3A_1064 : i32
      %add3A_1071 = arith.addi %add3A_1064, %xor3A_1070 : i32
      %shift_left3A_1072 = arith.constant 6 : i32
      %shift_left3A_1073 = arith.shli %xor3A_1070, %shift_left3A_1072 : i32
      %shift_right_logical3A_1074 = arith.constant 26 : i32
      %shift_right_logical3A_1075 = arith.shrui %xor3A_1070, %shift_right_logical3A_1074 : i32
      %or3A_1076 = arith.ori %shift_left3A_1073, %shift_right_logical3A_1075 : i32
      %xor3A_1077 = arith.xori %or3A_1076, %add3A_1071 : i32
      %add3A_1078 = arith.addi %add3A_1071, %xor3A_917 : i32
      %add3A_1079 = arith.addi %xor3A_1077, %add3A_911 : i32
      %add3A_1080 = arith.constant 5 : i32
      %add3A_1081 = arith.addi %add3A_1079, %add3A_1080 : i32
      %xor3A_1082 = arith.xori %add3A_1078, %add3A_1081 : i32
      %shift_right_logical3A_1083 = arith.constant 9 : i32
      %shift_right_logical3A_1084 = arith.shrui %xor3A_1082, %shift_right_logical3A_1083 : i32
      %or3A_1085 = arith.constant 1065353216 : i32
      %or3A_1086 = arith.ori %shift_right_logical3A_1084, %or3A_1085 : i32
      %bitcast_convert_type3A_1087 = arith.bitcast %or3A_1086 : i32 to f32
      %sub3A = arith.constant 1.000000e+00 : f32
      %sub3A_1088 = arith.subf %bitcast_convert_type3A_1087, %sub3A : f32
      %lt3A = arith.constant 5.000000e-01 : f32
      %lt3A_1089 = arith.cmpf olt, %sub3A_1088, %lt3A : f32
      %xor3A_1090 = arith.xori %add3A_744, %add3A_747 : i32
      %xor3A_1091 = arith.constant 466688986 : i32
      %xor3A_1092 = arith.xori %xor3A_1090, %xor3A_1091 : i32
      %add3A_1093 = arith.constant 0 : i32
      %add3A_1094 = arith.addi %add3A_1093, %add3A_744 : i32
      %add3A_1095 = arith.constant 0 : i32
      %add3A_1096 = arith.addi %add3A_1095, %add3A_747 : i32
      %add3A_1097 = arith.addi %add3A_1094, %add3A_1096 : i32
      %shift_left3A_1098 = arith.constant 13 : i32
      %shift_left3A_1099 = arith.shli %add3A_1096, %shift_left3A_1098 : i32
      %shift_right_logical3A_1100 = arith.constant 19 : i32
      %shift_right_logical3A_1101 = arith.shrui %add3A_1096, %shift_right_logical3A_1100 : i32
      %or3A_1102 = arith.ori %shift_left3A_1099, %shift_right_logical3A_1101 : i32
      %xor3A_1103 = arith.xori %or3A_1102, %add3A_1097 : i32
      %add3A_1104 = arith.addi %add3A_1097, %xor3A_1103 : i32
      %shift_left3A_1105 = arith.constant 15 : i32
      %shift_left3A_1106 = arith.shli %xor3A_1103, %shift_left3A_1105 : i32
      %shift_right_logical3A_1107 = arith.constant 17 : i32
      %shift_right_logical3A_1108 = arith.shrui %xor3A_1103, %shift_right_logical3A_1107 : i32
      %or3A_1109 = arith.ori %shift_left3A_1106, %shift_right_logical3A_1108 : i32
      %xor3A_1110 = arith.xori %or3A_1109, %add3A_1104 : i32
      %add3A_1111 = arith.addi %add3A_1104, %xor3A_1110 : i32
      %shift_left3A_1112 = arith.constant 26 : i32
      %shift_left3A_1113 = arith.shli %xor3A_1110, %shift_left3A_1112 : i32
      %shift_right_logical3A_1114 = arith.constant 6 : i32
      %shift_right_logical3A_1115 = arith.shrui %xor3A_1110, %shift_right_logical3A_1114 : i32
      %or3A_1116 = arith.ori %shift_left3A_1113, %shift_right_logical3A_1115 : i32
      %xor3A_1117 = arith.xori %or3A_1116, %add3A_1111 : i32
      %add3A_1118 = arith.addi %add3A_1111, %xor3A_1117 : i32
      %shift_left3A_1119 = arith.constant 6 : i32
      %shift_left3A_1120 = arith.shli %xor3A_1117, %shift_left3A_1119 : i32
      %shift_right_logical3A_1121 = arith.constant 26 : i32
      %shift_right_logical3A_1122 = arith.shrui %xor3A_1117, %shift_right_logical3A_1121 : i32
      %or3A_1123 = arith.ori %shift_left3A_1120, %shift_right_logical3A_1122 : i32
      %xor3A_1124 = arith.xori %or3A_1123, %add3A_1118 : i32
      %add3A_1125 = arith.addi %add3A_1118, %add3A_747 : i32
      %add3A_1126 = arith.addi %xor3A_1124, %xor3A_1092 : i32
      %add3A_1127 = arith.constant 1 : i32
      %add3A_1128 = arith.addi %add3A_1126, %add3A_1127 : i32
      %add3A_1129 = arith.addi %add3A_1125, %add3A_1128 : i32
      %shift_left3A_1130 = arith.constant 17 : i32
      %shift_left3A_1131 = arith.shli %add3A_1128, %shift_left3A_1130 : i32
      %shift_right_logical3A_1132 = arith.constant 15 : i32
      %shift_right_logical3A_1133 = arith.shrui %add3A_1128, %shift_right_logical3A_1132 : i32
      %or3A_1134 = arith.ori %shift_left3A_1131, %shift_right_logical3A_1133 : i32
      %xor3A_1135 = arith.xori %or3A_1134, %add3A_1129 : i32
      %add3A_1136 = arith.addi %add3A_1129, %xor3A_1135 : i32
      %shift_left3A_1137 = arith.constant 29 : i32
      %shift_left3A_1138 = arith.shli %xor3A_1135, %shift_left3A_1137 : i32
      %shift_right_logical3A_1139 = arith.constant 3 : i32
      %shift_right_logical3A_1140 = arith.shrui %xor3A_1135, %shift_right_logical3A_1139 : i32
      %or3A_1141 = arith.ori %shift_left3A_1138, %shift_right_logical3A_1140 : i32
      %xor3A_1142 = arith.xori %or3A_1141, %add3A_1136 : i32
      %add3A_1143 = arith.addi %add3A_1136, %xor3A_1142 : i32
      %shift_left3A_1144 = arith.constant 16 : i32
      %shift_left3A_1145 = arith.shli %xor3A_1142, %shift_left3A_1144 : i32
      %shift_right_logical3A_1146 = arith.constant 16 : i32
      %shift_right_logical3A_1147 = arith.shrui %xor3A_1142, %shift_right_logical3A_1146 : i32
      %or3A_1148 = arith.ori %shift_left3A_1145, %shift_right_logical3A_1147 : i32
      %xor3A_1149 = arith.xori %or3A_1148, %add3A_1143 : i32
      %add3A_1150 = arith.addi %add3A_1143, %xor3A_1149 : i32
      %shift_left3A_1151 = arith.constant 24 : i32
      %shift_left3A_1152 = arith.shli %xor3A_1149, %shift_left3A_1151 : i32
      %shift_right_logical3A_1153 = arith.constant 8 : i32
      %shift_right_logical3A_1154 = arith.shrui %xor3A_1149, %shift_right_logical3A_1153 : i32
      %or3A_1155 = arith.ori %shift_left3A_1152, %shift_right_logical3A_1154 : i32
      %xor3A_1156 = arith.xori %or3A_1155, %add3A_1150 : i32
      %add3A_1157 = arith.addi %add3A_1150, %xor3A_1092 : i32
      %add3A_1158 = arith.addi %xor3A_1156, %add3A_744 : i32
      %add3A_1159 = arith.constant 2 : i32
      %add3A_1160 = arith.addi %add3A_1158, %add3A_1159 : i32
      %add3A_1161 = arith.addi %add3A_1157, %add3A_1160 : i32
      %shift_left3A_1162 = arith.constant 13 : i32
      %shift_left3A_1163 = arith.shli %add3A_1160, %shift_left3A_1162 : i32
      %shift_right_logical3A_1164 = arith.constant 19 : i32
      %shift_right_logical3A_1165 = arith.shrui %add3A_1160, %shift_right_logical3A_1164 : i32
      %or3A_1166 = arith.ori %shift_left3A_1163, %shift_right_logical3A_1165 : i32
      %xor3A_1167 = arith.xori %or3A_1166, %add3A_1161 : i32
      %add3A_1168 = arith.addi %add3A_1161, %xor3A_1167 : i32
      %shift_left3A_1169 = arith.constant 15 : i32
      %shift_left3A_1170 = arith.shli %xor3A_1167, %shift_left3A_1169 : i32
      %shift_right_logical3A_1171 = arith.constant 17 : i32
      %shift_right_logical3A_1172 = arith.shrui %xor3A_1167, %shift_right_logical3A_1171 : i32
      %or3A_1173 = arith.ori %shift_left3A_1170, %shift_right_logical3A_1172 : i32
      %xor3A_1174 = arith.xori %or3A_1173, %add3A_1168 : i32
      %add3A_1175 = arith.addi %add3A_1168, %xor3A_1174 : i32
      %shift_left3A_1176 = arith.constant 26 : i32
      %shift_left3A_1177 = arith.shli %xor3A_1174, %shift_left3A_1176 : i32
      %shift_right_logical3A_1178 = arith.constant 6 : i32
      %shift_right_logical3A_1179 = arith.shrui %xor3A_1174, %shift_right_logical3A_1178 : i32
      %or3A_1180 = arith.ori %shift_left3A_1177, %shift_right_logical3A_1179 : i32
      %xor3A_1181 = arith.xori %or3A_1180, %add3A_1175 : i32
      %add3A_1182 = arith.addi %add3A_1175, %xor3A_1181 : i32
      %shift_left3A_1183 = arith.constant 6 : i32
      %shift_left3A_1184 = arith.shli %xor3A_1181, %shift_left3A_1183 : i32
      %shift_right_logical3A_1185 = arith.constant 26 : i32
      %shift_right_logical3A_1186 = arith.shrui %xor3A_1181, %shift_right_logical3A_1185 : i32
      %or3A_1187 = arith.ori %shift_left3A_1184, %shift_right_logical3A_1186 : i32
      %xor3A_1188 = arith.xori %or3A_1187, %add3A_1182 : i32
      %add3A_1189 = arith.addi %add3A_1182, %add3A_744 : i32
      %add3A_1190 = arith.addi %xor3A_1188, %add3A_747 : i32
      %add3A_1191 = arith.constant 3 : i32
      %add3A_1192 = arith.addi %add3A_1190, %add3A_1191 : i32
      %add3A_1193 = arith.addi %add3A_1189, %add3A_1192 : i32
      %shift_left3A_1194 = arith.constant 17 : i32
      %shift_left3A_1195 = arith.shli %add3A_1192, %shift_left3A_1194 : i32
      %shift_right_logical3A_1196 = arith.constant 15 : i32
      %shift_right_logical3A_1197 = arith.shrui %add3A_1192, %shift_right_logical3A_1196 : i32
      %or3A_1198 = arith.ori %shift_left3A_1195, %shift_right_logical3A_1197 : i32
      %xor3A_1199 = arith.xori %or3A_1198, %add3A_1193 : i32
      %add3A_1200 = arith.addi %add3A_1193, %xor3A_1199 : i32
      %shift_left3A_1201 = arith.constant 29 : i32
      %shift_left3A_1202 = arith.shli %xor3A_1199, %shift_left3A_1201 : i32
      %shift_right_logical3A_1203 = arith.constant 3 : i32
      %shift_right_logical3A_1204 = arith.shrui %xor3A_1199, %shift_right_logical3A_1203 : i32
      %or3A_1205 = arith.ori %shift_left3A_1202, %shift_right_logical3A_1204 : i32
      %xor3A_1206 = arith.xori %or3A_1205, %add3A_1200 : i32
      %add3A_1207 = arith.addi %add3A_1200, %xor3A_1206 : i32
      %shift_left3A_1208 = arith.constant 16 : i32
      %shift_left3A_1209 = arith.shli %xor3A_1206, %shift_left3A_1208 : i32
      %shift_right_logical3A_1210 = arith.constant 16 : i32
      %shift_right_logical3A_1211 = arith.shrui %xor3A_1206, %shift_right_logical3A_1210 : i32
      %or3A_1212 = arith.ori %shift_left3A_1209, %shift_right_logical3A_1211 : i32
      %xor3A_1213 = arith.xori %or3A_1212, %add3A_1207 : i32
      %add3A_1214 = arith.addi %add3A_1207, %xor3A_1213 : i32
      %shift_left3A_1215 = arith.constant 24 : i32
      %shift_left3A_1216 = arith.shli %xor3A_1213, %shift_left3A_1215 : i32
      %shift_right_logical3A_1217 = arith.constant 8 : i32
      %shift_right_logical3A_1218 = arith.shrui %xor3A_1213, %shift_right_logical3A_1217 : i32
      %or3A_1219 = arith.ori %shift_left3A_1216, %shift_right_logical3A_1218 : i32
      %xor3A_1220 = arith.xori %or3A_1219, %add3A_1214 : i32
      %add3A_1221 = arith.addi %add3A_1214, %add3A_747 : i32
      %add3A_1222 = arith.addi %xor3A_1220, %xor3A_1092 : i32
      %add3A_1223 = arith.constant 4 : i32
      %add3A_1224 = arith.addi %add3A_1222, %add3A_1223 : i32
      %add3A_1225 = arith.addi %add3A_1221, %add3A_1224 : i32
      %shift_left3A_1226 = arith.constant 13 : i32
      %shift_left3A_1227 = arith.shli %add3A_1224, %shift_left3A_1226 : i32
      %shift_right_logical3A_1228 = arith.constant 19 : i32
      %shift_right_logical3A_1229 = arith.shrui %add3A_1224, %shift_right_logical3A_1228 : i32
      %or3A_1230 = arith.ori %shift_left3A_1227, %shift_right_logical3A_1229 : i32
      %xor3A_1231 = arith.xori %or3A_1230, %add3A_1225 : i32
      %add3A_1232 = arith.addi %add3A_1225, %xor3A_1231 : i32
      %shift_left3A_1233 = arith.constant 15 : i32
      %shift_left3A_1234 = arith.shli %xor3A_1231, %shift_left3A_1233 : i32
      %shift_right_logical3A_1235 = arith.constant 17 : i32
      %shift_right_logical3A_1236 = arith.shrui %xor3A_1231, %shift_right_logical3A_1235 : i32
      %or3A_1237 = arith.ori %shift_left3A_1234, %shift_right_logical3A_1236 : i32
      %xor3A_1238 = arith.xori %or3A_1237, %add3A_1232 : i32
      %add3A_1239 = arith.addi %add3A_1232, %xor3A_1238 : i32
      %shift_left3A_1240 = arith.constant 26 : i32
      %shift_left3A_1241 = arith.shli %xor3A_1238, %shift_left3A_1240 : i32
      %shift_right_logical3A_1242 = arith.constant 6 : i32
      %shift_right_logical3A_1243 = arith.shrui %xor3A_1238, %shift_right_logical3A_1242 : i32
      %or3A_1244 = arith.ori %shift_left3A_1241, %shift_right_logical3A_1243 : i32
      %xor3A_1245 = arith.xori %or3A_1244, %add3A_1239 : i32
      %add3A_1246 = arith.addi %add3A_1239, %xor3A_1245 : i32
      %shift_left3A_1247 = arith.constant 6 : i32
      %shift_left3A_1248 = arith.shli %xor3A_1245, %shift_left3A_1247 : i32
      %shift_right_logical3A_1249 = arith.constant 26 : i32
      %shift_right_logical3A_1250 = arith.shrui %xor3A_1245, %shift_right_logical3A_1249 : i32
      %or3A_1251 = arith.ori %shift_left3A_1248, %shift_right_logical3A_1250 : i32
      %xor3A_1252 = arith.xori %or3A_1251, %add3A_1246 : i32
      %add3A_1253 = arith.addi %add3A_1246, %xor3A_1092 : i32
      %add3A_1254 = arith.addi %xor3A_1252, %add3A_744 : i32
      %add3A_1255 = arith.constant 5 : i32
      %add3A_1256 = arith.addi %add3A_1254, %add3A_1255 : i32
      %xor3A_1257 = arith.xori %add3A_744, %add3A_747 : i32
      %xor3A_1258 = arith.constant 466688986 : i32
      %xor3A_1259 = arith.xori %xor3A_1257, %xor3A_1258 : i32
      %add3A_1260 = arith.constant 0 : i32
      %add3A_1261 = arith.addi %add3A_1260, %add3A_744 : i32
      %add3A_1262 = arith.constant 1 : i32
      %add3A_1263 = arith.addi %add3A_1262, %add3A_747 : i32
      %add3A_1264 = arith.addi %add3A_1261, %add3A_1263 : i32
      %shift_left3A_1265 = arith.constant 13 : i32
      %shift_left3A_1266 = arith.shli %add3A_1263, %shift_left3A_1265 : i32
      %shift_right_logical3A_1267 = arith.constant 19 : i32
      %shift_right_logical3A_1268 = arith.shrui %add3A_1263, %shift_right_logical3A_1267 : i32
      %or3A_1269 = arith.ori %shift_left3A_1266, %shift_right_logical3A_1268 : i32
      %xor3A_1270 = arith.xori %or3A_1269, %add3A_1264 : i32
      %add3A_1271 = arith.addi %add3A_1264, %xor3A_1270 : i32
      %shift_left3A_1272 = arith.constant 15 : i32
      %shift_left3A_1273 = arith.shli %xor3A_1270, %shift_left3A_1272 : i32
      %shift_right_logical3A_1274 = arith.constant 17 : i32
      %shift_right_logical3A_1275 = arith.shrui %xor3A_1270, %shift_right_logical3A_1274 : i32
      %or3A_1276 = arith.ori %shift_left3A_1273, %shift_right_logical3A_1275 : i32
      %xor3A_1277 = arith.xori %or3A_1276, %add3A_1271 : i32
      %add3A_1278 = arith.addi %add3A_1271, %xor3A_1277 : i32
      %shift_left3A_1279 = arith.constant 26 : i32
      %shift_left3A_1280 = arith.shli %xor3A_1277, %shift_left3A_1279 : i32
      %shift_right_logical3A_1281 = arith.constant 6 : i32
      %shift_right_logical3A_1282 = arith.shrui %xor3A_1277, %shift_right_logical3A_1281 : i32
      %or3A_1283 = arith.ori %shift_left3A_1280, %shift_right_logical3A_1282 : i32
      %xor3A_1284 = arith.xori %or3A_1283, %add3A_1278 : i32
      %add3A_1285 = arith.addi %add3A_1278, %xor3A_1284 : i32
      %shift_left3A_1286 = arith.constant 6 : i32
      %shift_left3A_1287 = arith.shli %xor3A_1284, %shift_left3A_1286 : i32
      %shift_right_logical3A_1288 = arith.constant 26 : i32
      %shift_right_logical3A_1289 = arith.shrui %xor3A_1284, %shift_right_logical3A_1288 : i32
      %or3A_1290 = arith.ori %shift_left3A_1287, %shift_right_logical3A_1289 : i32
      %xor3A_1291 = arith.xori %or3A_1290, %add3A_1285 : i32
      %add3A_1292 = arith.addi %add3A_1285, %add3A_747 : i32
      %add3A_1293 = arith.addi %xor3A_1291, %xor3A_1259 : i32
      %add3A_1294 = arith.constant 1 : i32
      %add3A_1295 = arith.addi %add3A_1293, %add3A_1294 : i32
      %add3A_1296 = arith.addi %add3A_1292, %add3A_1295 : i32
      %shift_left3A_1297 = arith.constant 17 : i32
      %shift_left3A_1298 = arith.shli %add3A_1295, %shift_left3A_1297 : i32
      %shift_right_logical3A_1299 = arith.constant 15 : i32
      %shift_right_logical3A_1300 = arith.shrui %add3A_1295, %shift_right_logical3A_1299 : i32
      %or3A_1301 = arith.ori %shift_left3A_1298, %shift_right_logical3A_1300 : i32
      %xor3A_1302 = arith.xori %or3A_1301, %add3A_1296 : i32
      %add3A_1303 = arith.addi %add3A_1296, %xor3A_1302 : i32
      %shift_left3A_1304 = arith.constant 29 : i32
      %shift_left3A_1305 = arith.shli %xor3A_1302, %shift_left3A_1304 : i32
      %shift_right_logical3A_1306 = arith.constant 3 : i32
      %shift_right_logical3A_1307 = arith.shrui %xor3A_1302, %shift_right_logical3A_1306 : i32
      %or3A_1308 = arith.ori %shift_left3A_1305, %shift_right_logical3A_1307 : i32
      %xor3A_1309 = arith.xori %or3A_1308, %add3A_1303 : i32
      %add3A_1310 = arith.addi %add3A_1303, %xor3A_1309 : i32
      %shift_left3A_1311 = arith.constant 16 : i32
      %shift_left3A_1312 = arith.shli %xor3A_1309, %shift_left3A_1311 : i32
      %shift_right_logical3A_1313 = arith.constant 16 : i32
      %shift_right_logical3A_1314 = arith.shrui %xor3A_1309, %shift_right_logical3A_1313 : i32
      %or3A_1315 = arith.ori %shift_left3A_1312, %shift_right_logical3A_1314 : i32
      %xor3A_1316 = arith.xori %or3A_1315, %add3A_1310 : i32
      %add3A_1317 = arith.addi %add3A_1310, %xor3A_1316 : i32
      %shift_left3A_1318 = arith.constant 24 : i32
      %shift_left3A_1319 = arith.shli %xor3A_1316, %shift_left3A_1318 : i32
      %shift_right_logical3A_1320 = arith.constant 8 : i32
      %shift_right_logical3A_1321 = arith.shrui %xor3A_1316, %shift_right_logical3A_1320 : i32
      %or3A_1322 = arith.ori %shift_left3A_1319, %shift_right_logical3A_1321 : i32
      %xor3A_1323 = arith.xori %or3A_1322, %add3A_1317 : i32
      %add3A_1324 = arith.addi %add3A_1317, %xor3A_1259 : i32
      %add3A_1325 = arith.addi %xor3A_1323, %add3A_744 : i32
      %add3A_1326 = arith.constant 2 : i32
      %add3A_1327 = arith.addi %add3A_1325, %add3A_1326 : i32
      %add3A_1328 = arith.addi %add3A_1324, %add3A_1327 : i32
      %shift_left3A_1329 = arith.constant 13 : i32
      %shift_left3A_1330 = arith.shli %add3A_1327, %shift_left3A_1329 : i32
      %shift_right_logical3A_1331 = arith.constant 19 : i32
      %shift_right_logical3A_1332 = arith.shrui %add3A_1327, %shift_right_logical3A_1331 : i32
      %or3A_1333 = arith.ori %shift_left3A_1330, %shift_right_logical3A_1332 : i32
      %xor3A_1334 = arith.xori %or3A_1333, %add3A_1328 : i32
      %add3A_1335 = arith.addi %add3A_1328, %xor3A_1334 : i32
      %shift_left3A_1336 = arith.constant 15 : i32
      %shift_left3A_1337 = arith.shli %xor3A_1334, %shift_left3A_1336 : i32
      %shift_right_logical3A_1338 = arith.constant 17 : i32
      %shift_right_logical3A_1339 = arith.shrui %xor3A_1334, %shift_right_logical3A_1338 : i32
      %or3A_1340 = arith.ori %shift_left3A_1337, %shift_right_logical3A_1339 : i32
      %xor3A_1341 = arith.xori %or3A_1340, %add3A_1335 : i32
      %add3A_1342 = arith.addi %add3A_1335, %xor3A_1341 : i32
      %shift_left3A_1343 = arith.constant 26 : i32
      %shift_left3A_1344 = arith.shli %xor3A_1341, %shift_left3A_1343 : i32
      %shift_right_logical3A_1345 = arith.constant 6 : i32
      %shift_right_logical3A_1346 = arith.shrui %xor3A_1341, %shift_right_logical3A_1345 : i32
      %or3A_1347 = arith.ori %shift_left3A_1344, %shift_right_logical3A_1346 : i32
      %xor3A_1348 = arith.xori %or3A_1347, %add3A_1342 : i32
      %add3A_1349 = arith.addi %add3A_1342, %xor3A_1348 : i32
      %shift_left3A_1350 = arith.constant 6 : i32
      %shift_left3A_1351 = arith.shli %xor3A_1348, %shift_left3A_1350 : i32
      %shift_right_logical3A_1352 = arith.constant 26 : i32
      %shift_right_logical3A_1353 = arith.shrui %xor3A_1348, %shift_right_logical3A_1352 : i32
      %or3A_1354 = arith.ori %shift_left3A_1351, %shift_right_logical3A_1353 : i32
      %xor3A_1355 = arith.xori %or3A_1354, %add3A_1349 : i32
      %add3A_1356 = arith.addi %add3A_1349, %add3A_744 : i32
      %add3A_1357 = arith.addi %xor3A_1355, %add3A_747 : i32
      %add3A_1358 = arith.constant 3 : i32
      %add3A_1359 = arith.addi %add3A_1357, %add3A_1358 : i32
      %add3A_1360 = arith.addi %add3A_1356, %add3A_1359 : i32
      %shift_left3A_1361 = arith.constant 17 : i32
      %shift_left3A_1362 = arith.shli %add3A_1359, %shift_left3A_1361 : i32
      %shift_right_logical3A_1363 = arith.constant 15 : i32
      %shift_right_logical3A_1364 = arith.shrui %add3A_1359, %shift_right_logical3A_1363 : i32
      %or3A_1365 = arith.ori %shift_left3A_1362, %shift_right_logical3A_1364 : i32
      %xor3A_1366 = arith.xori %or3A_1365, %add3A_1360 : i32
      %add3A_1367 = arith.addi %add3A_1360, %xor3A_1366 : i32
      %shift_left3A_1368 = arith.constant 29 : i32
      %shift_left3A_1369 = arith.shli %xor3A_1366, %shift_left3A_1368 : i32
      %shift_right_logical3A_1370 = arith.constant 3 : i32
      %shift_right_logical3A_1371 = arith.shrui %xor3A_1366, %shift_right_logical3A_1370 : i32
      %or3A_1372 = arith.ori %shift_left3A_1369, %shift_right_logical3A_1371 : i32
      %xor3A_1373 = arith.xori %or3A_1372, %add3A_1367 : i32
      %add3A_1374 = arith.addi %add3A_1367, %xor3A_1373 : i32
      %shift_left3A_1375 = arith.constant 16 : i32
      %shift_left3A_1376 = arith.shli %xor3A_1373, %shift_left3A_1375 : i32
      %shift_right_logical3A_1377 = arith.constant 16 : i32
      %shift_right_logical3A_1378 = arith.shrui %xor3A_1373, %shift_right_logical3A_1377 : i32
      %or3A_1379 = arith.ori %shift_left3A_1376, %shift_right_logical3A_1378 : i32
      %xor3A_1380 = arith.xori %or3A_1379, %add3A_1374 : i32
      %add3A_1381 = arith.addi %add3A_1374, %xor3A_1380 : i32
      %shift_left3A_1382 = arith.constant 24 : i32
      %shift_left3A_1383 = arith.shli %xor3A_1380, %shift_left3A_1382 : i32
      %shift_right_logical3A_1384 = arith.constant 8 : i32
      %shift_right_logical3A_1385 = arith.shrui %xor3A_1380, %shift_right_logical3A_1384 : i32
      %or3A_1386 = arith.ori %shift_left3A_1383, %shift_right_logical3A_1385 : i32
      %xor3A_1387 = arith.xori %or3A_1386, %add3A_1381 : i32
      %add3A_1388 = arith.addi %add3A_1381, %add3A_747 : i32
      %add3A_1389 = arith.addi %xor3A_1387, %xor3A_1259 : i32
      %add3A_1390 = arith.constant 4 : i32
      %add3A_1391 = arith.addi %add3A_1389, %add3A_1390 : i32
      %add3A_1392 = arith.addi %add3A_1388, %add3A_1391 : i32
      %shift_left3A_1393 = arith.constant 13 : i32
      %shift_left3A_1394 = arith.shli %add3A_1391, %shift_left3A_1393 : i32
      %shift_right_logical3A_1395 = arith.constant 19 : i32
      %shift_right_logical3A_1396 = arith.shrui %add3A_1391, %shift_right_logical3A_1395 : i32
      %or3A_1397 = arith.ori %shift_left3A_1394, %shift_right_logical3A_1396 : i32
      %xor3A_1398 = arith.xori %or3A_1397, %add3A_1392 : i32
      %add3A_1399 = arith.addi %add3A_1392, %xor3A_1398 : i32
      %shift_left3A_1400 = arith.constant 15 : i32
      %shift_left3A_1401 = arith.shli %xor3A_1398, %shift_left3A_1400 : i32
      %shift_right_logical3A_1402 = arith.constant 17 : i32
      %shift_right_logical3A_1403 = arith.shrui %xor3A_1398, %shift_right_logical3A_1402 : i32
      %or3A_1404 = arith.ori %shift_left3A_1401, %shift_right_logical3A_1403 : i32
      %xor3A_1405 = arith.xori %or3A_1404, %add3A_1399 : i32
      %add3A_1406 = arith.addi %add3A_1399, %xor3A_1405 : i32
      %shift_left3A_1407 = arith.constant 26 : i32
      %shift_left3A_1408 = arith.shli %xor3A_1405, %shift_left3A_1407 : i32
      %shift_right_logical3A_1409 = arith.constant 6 : i32
      %shift_right_logical3A_1410 = arith.shrui %xor3A_1405, %shift_right_logical3A_1409 : i32
      %or3A_1411 = arith.ori %shift_left3A_1408, %shift_right_logical3A_1410 : i32
      %xor3A_1412 = arith.xori %or3A_1411, %add3A_1406 : i32
      %add3A_1413 = arith.addi %add3A_1406, %xor3A_1412 : i32
      %shift_left3A_1414 = arith.constant 6 : i32
      %shift_left3A_1415 = arith.shli %xor3A_1412, %shift_left3A_1414 : i32
      %shift_right_logical3A_1416 = arith.constant 26 : i32
      %shift_right_logical3A_1417 = arith.shrui %xor3A_1412, %shift_right_logical3A_1416 : i32
      %or3A_1418 = arith.ori %shift_left3A_1415, %shift_right_logical3A_1417 : i32
      %xor3A_1419 = arith.xori %or3A_1418, %add3A_1413 : i32
      %add3A_1420 = arith.addi %add3A_1413, %xor3A_1259 : i32
      %add3A_1421 = arith.addi %xor3A_1419, %add3A_744 : i32
      %add3A_1422 = arith.constant 5 : i32
      %add3A_1423 = arith.addi %add3A_1421, %add3A_1422 : i32
      %xor3A_1424 = arith.xori %add3A_1420, %add3A_1423 : i32
      %xor3A_1425 = arith.constant 466688986 : i32
      %xor3A_1426 = arith.xori %xor3A_1424, %xor3A_1425 : i32
      %add3A_1427 = arith.constant 0 : i32
      %add3A_1428 = arith.addi %add3A_1427, %add3A_1420 : i32
      %add3A_1429 = arith.constant 0 : i32
      %add3A_1430 = arith.addi %add3A_1429, %add3A_1423 : i32
      %add3A_1431 = arith.addi %add3A_1428, %add3A_1430 : i32
      %shift_left3A_1432 = arith.constant 13 : i32
      %shift_left3A_1433 = arith.shli %add3A_1430, %shift_left3A_1432 : i32
      %shift_right_logical3A_1434 = arith.constant 19 : i32
      %shift_right_logical3A_1435 = arith.shrui %add3A_1430, %shift_right_logical3A_1434 : i32
      %or3A_1436 = arith.ori %shift_left3A_1433, %shift_right_logical3A_1435 : i32
      %xor3A_1437 = arith.xori %or3A_1436, %add3A_1431 : i32
      %add3A_1438 = arith.addi %add3A_1431, %xor3A_1437 : i32
      %shift_left3A_1439 = arith.constant 15 : i32
      %shift_left3A_1440 = arith.shli %xor3A_1437, %shift_left3A_1439 : i32
      %shift_right_logical3A_1441 = arith.constant 17 : i32
      %shift_right_logical3A_1442 = arith.shrui %xor3A_1437, %shift_right_logical3A_1441 : i32
      %or3A_1443 = arith.ori %shift_left3A_1440, %shift_right_logical3A_1442 : i32
      %xor3A_1444 = arith.xori %or3A_1443, %add3A_1438 : i32
      %add3A_1445 = arith.addi %add3A_1438, %xor3A_1444 : i32
      %shift_left3A_1446 = arith.constant 26 : i32
      %shift_left3A_1447 = arith.shli %xor3A_1444, %shift_left3A_1446 : i32
      %shift_right_logical3A_1448 = arith.constant 6 : i32
      %shift_right_logical3A_1449 = arith.shrui %xor3A_1444, %shift_right_logical3A_1448 : i32
      %or3A_1450 = arith.ori %shift_left3A_1447, %shift_right_logical3A_1449 : i32
      %xor3A_1451 = arith.xori %or3A_1450, %add3A_1445 : i32
      %add3A_1452 = arith.addi %add3A_1445, %xor3A_1451 : i32
      %shift_left3A_1453 = arith.constant 6 : i32
      %shift_left3A_1454 = arith.shli %xor3A_1451, %shift_left3A_1453 : i32
      %shift_right_logical3A_1455 = arith.constant 26 : i32
      %shift_right_logical3A_1456 = arith.shrui %xor3A_1451, %shift_right_logical3A_1455 : i32
      %or3A_1457 = arith.ori %shift_left3A_1454, %shift_right_logical3A_1456 : i32
      %xor3A_1458 = arith.xori %or3A_1457, %add3A_1452 : i32
      %add3A_1459 = arith.addi %add3A_1452, %add3A_1423 : i32
      %add3A_1460 = arith.addi %xor3A_1458, %xor3A_1426 : i32
      %add3A_1461 = arith.constant 1 : i32
      %add3A_1462 = arith.addi %add3A_1460, %add3A_1461 : i32
      %add3A_1463 = arith.addi %add3A_1459, %add3A_1462 : i32
      %shift_left3A_1464 = arith.constant 17 : i32
      %shift_left3A_1465 = arith.shli %add3A_1462, %shift_left3A_1464 : i32
      %shift_right_logical3A_1466 = arith.constant 15 : i32
      %shift_right_logical3A_1467 = arith.shrui %add3A_1462, %shift_right_logical3A_1466 : i32
      %or3A_1468 = arith.ori %shift_left3A_1465, %shift_right_logical3A_1467 : i32
      %xor3A_1469 = arith.xori %or3A_1468, %add3A_1463 : i32
      %add3A_1470 = arith.addi %add3A_1463, %xor3A_1469 : i32
      %shift_left3A_1471 = arith.constant 29 : i32
      %shift_left3A_1472 = arith.shli %xor3A_1469, %shift_left3A_1471 : i32
      %shift_right_logical3A_1473 = arith.constant 3 : i32
      %shift_right_logical3A_1474 = arith.shrui %xor3A_1469, %shift_right_logical3A_1473 : i32
      %or3A_1475 = arith.ori %shift_left3A_1472, %shift_right_logical3A_1474 : i32
      %xor3A_1476 = arith.xori %or3A_1475, %add3A_1470 : i32
      %add3A_1477 = arith.addi %add3A_1470, %xor3A_1476 : i32
      %shift_left3A_1478 = arith.constant 16 : i32
      %shift_left3A_1479 = arith.shli %xor3A_1476, %shift_left3A_1478 : i32
      %shift_right_logical3A_1480 = arith.constant 16 : i32
      %shift_right_logical3A_1481 = arith.shrui %xor3A_1476, %shift_right_logical3A_1480 : i32
      %or3A_1482 = arith.ori %shift_left3A_1479, %shift_right_logical3A_1481 : i32
      %xor3A_1483 = arith.xori %or3A_1482, %add3A_1477 : i32
      %add3A_1484 = arith.addi %add3A_1477, %xor3A_1483 : i32
      %shift_left3A_1485 = arith.constant 24 : i32
      %shift_left3A_1486 = arith.shli %xor3A_1483, %shift_left3A_1485 : i32
      %shift_right_logical3A_1487 = arith.constant 8 : i32
      %shift_right_logical3A_1488 = arith.shrui %xor3A_1483, %shift_right_logical3A_1487 : i32
      %or3A_1489 = arith.ori %shift_left3A_1486, %shift_right_logical3A_1488 : i32
      %xor3A_1490 = arith.xori %or3A_1489, %add3A_1484 : i32
      %add3A_1491 = arith.addi %add3A_1484, %xor3A_1426 : i32
      %add3A_1492 = arith.addi %xor3A_1490, %add3A_1420 : i32
      %add3A_1493 = arith.constant 2 : i32
      %add3A_1494 = arith.addi %add3A_1492, %add3A_1493 : i32
      %add3A_1495 = arith.addi %add3A_1491, %add3A_1494 : i32
      %shift_left3A_1496 = arith.constant 13 : i32
      %shift_left3A_1497 = arith.shli %add3A_1494, %shift_left3A_1496 : i32
      %shift_right_logical3A_1498 = arith.constant 19 : i32
      %shift_right_logical3A_1499 = arith.shrui %add3A_1494, %shift_right_logical3A_1498 : i32
      %or3A_1500 = arith.ori %shift_left3A_1497, %shift_right_logical3A_1499 : i32
      %xor3A_1501 = arith.xori %or3A_1500, %add3A_1495 : i32
      %add3A_1502 = arith.addi %add3A_1495, %xor3A_1501 : i32
      %shift_left3A_1503 = arith.constant 15 : i32
      %shift_left3A_1504 = arith.shli %xor3A_1501, %shift_left3A_1503 : i32
      %shift_right_logical3A_1505 = arith.constant 17 : i32
      %shift_right_logical3A_1506 = arith.shrui %xor3A_1501, %shift_right_logical3A_1505 : i32
      %or3A_1507 = arith.ori %shift_left3A_1504, %shift_right_logical3A_1506 : i32
      %xor3A_1508 = arith.xori %or3A_1507, %add3A_1502 : i32
      %add3A_1509 = arith.addi %add3A_1502, %xor3A_1508 : i32
      %shift_left3A_1510 = arith.constant 26 : i32
      %shift_left3A_1511 = arith.shli %xor3A_1508, %shift_left3A_1510 : i32
      %shift_right_logical3A_1512 = arith.constant 6 : i32
      %shift_right_logical3A_1513 = arith.shrui %xor3A_1508, %shift_right_logical3A_1512 : i32
      %or3A_1514 = arith.ori %shift_left3A_1511, %shift_right_logical3A_1513 : i32
      %xor3A_1515 = arith.xori %or3A_1514, %add3A_1509 : i32
      %add3A_1516 = arith.addi %add3A_1509, %xor3A_1515 : i32
      %shift_left3A_1517 = arith.constant 6 : i32
      %shift_left3A_1518 = arith.shli %xor3A_1515, %shift_left3A_1517 : i32
      %shift_right_logical3A_1519 = arith.constant 26 : i32
      %shift_right_logical3A_1520 = arith.shrui %xor3A_1515, %shift_right_logical3A_1519 : i32
      %or3A_1521 = arith.ori %shift_left3A_1518, %shift_right_logical3A_1520 : i32
      %xor3A_1522 = arith.xori %or3A_1521, %add3A_1516 : i32
      %add3A_1523 = arith.addi %add3A_1516, %add3A_1420 : i32
      %add3A_1524 = arith.addi %xor3A_1522, %add3A_1423 : i32
      %add3A_1525 = arith.constant 3 : i32
      %add3A_1526 = arith.addi %add3A_1524, %add3A_1525 : i32
      %add3A_1527 = arith.addi %add3A_1523, %add3A_1526 : i32
      %shift_left3A_1528 = arith.constant 17 : i32
      %shift_left3A_1529 = arith.shli %add3A_1526, %shift_left3A_1528 : i32
      %shift_right_logical3A_1530 = arith.constant 15 : i32
      %shift_right_logical3A_1531 = arith.shrui %add3A_1526, %shift_right_logical3A_1530 : i32
      %or3A_1532 = arith.ori %shift_left3A_1529, %shift_right_logical3A_1531 : i32
      %xor3A_1533 = arith.xori %or3A_1532, %add3A_1527 : i32
      %add3A_1534 = arith.addi %add3A_1527, %xor3A_1533 : i32
      %shift_left3A_1535 = arith.constant 29 : i32
      %shift_left3A_1536 = arith.shli %xor3A_1533, %shift_left3A_1535 : i32
      %shift_right_logical3A_1537 = arith.constant 3 : i32
      %shift_right_logical3A_1538 = arith.shrui %xor3A_1533, %shift_right_logical3A_1537 : i32
      %or3A_1539 = arith.ori %shift_left3A_1536, %shift_right_logical3A_1538 : i32
      %xor3A_1540 = arith.xori %or3A_1539, %add3A_1534 : i32
      %add3A_1541 = arith.addi %add3A_1534, %xor3A_1540 : i32
      %shift_left3A_1542 = arith.constant 16 : i32
      %shift_left3A_1543 = arith.shli %xor3A_1540, %shift_left3A_1542 : i32
      %shift_right_logical3A_1544 = arith.constant 16 : i32
      %shift_right_logical3A_1545 = arith.shrui %xor3A_1540, %shift_right_logical3A_1544 : i32
      %or3A_1546 = arith.ori %shift_left3A_1543, %shift_right_logical3A_1545 : i32
      %xor3A_1547 = arith.xori %or3A_1546, %add3A_1541 : i32
      %add3A_1548 = arith.addi %add3A_1541, %xor3A_1547 : i32
      %shift_left3A_1549 = arith.constant 24 : i32
      %shift_left3A_1550 = arith.shli %xor3A_1547, %shift_left3A_1549 : i32
      %shift_right_logical3A_1551 = arith.constant 8 : i32
      %shift_right_logical3A_1552 = arith.shrui %xor3A_1547, %shift_right_logical3A_1551 : i32
      %or3A_1553 = arith.ori %shift_left3A_1550, %shift_right_logical3A_1552 : i32
      %xor3A_1554 = arith.xori %or3A_1553, %add3A_1548 : i32
      %add3A_1555 = arith.addi %add3A_1548, %add3A_1423 : i32
      %add3A_1556 = arith.addi %xor3A_1554, %xor3A_1426 : i32
      %add3A_1557 = arith.constant 4 : i32
      %add3A_1558 = arith.addi %add3A_1556, %add3A_1557 : i32
      %add3A_1559 = arith.addi %add3A_1555, %add3A_1558 : i32
      %shift_left3A_1560 = arith.constant 13 : i32
      %shift_left3A_1561 = arith.shli %add3A_1558, %shift_left3A_1560 : i32
      %shift_right_logical3A_1562 = arith.constant 19 : i32
      %shift_right_logical3A_1563 = arith.shrui %add3A_1558, %shift_right_logical3A_1562 : i32
      %or3A_1564 = arith.ori %shift_left3A_1561, %shift_right_logical3A_1563 : i32
      %xor3A_1565 = arith.xori %or3A_1564, %add3A_1559 : i32
      %add3A_1566 = arith.addi %add3A_1559, %xor3A_1565 : i32
      %shift_left3A_1567 = arith.constant 15 : i32
      %shift_left3A_1568 = arith.shli %xor3A_1565, %shift_left3A_1567 : i32
      %shift_right_logical3A_1569 = arith.constant 17 : i32
      %shift_right_logical3A_1570 = arith.shrui %xor3A_1565, %shift_right_logical3A_1569 : i32
      %or3A_1571 = arith.ori %shift_left3A_1568, %shift_right_logical3A_1570 : i32
      %xor3A_1572 = arith.xori %or3A_1571, %add3A_1566 : i32
      %add3A_1573 = arith.addi %add3A_1566, %xor3A_1572 : i32
      %shift_left3A_1574 = arith.constant 26 : i32
      %shift_left3A_1575 = arith.shli %xor3A_1572, %shift_left3A_1574 : i32
      %shift_right_logical3A_1576 = arith.constant 6 : i32
      %shift_right_logical3A_1577 = arith.shrui %xor3A_1572, %shift_right_logical3A_1576 : i32
      %or3A_1578 = arith.ori %shift_left3A_1575, %shift_right_logical3A_1577 : i32
      %xor3A_1579 = arith.xori %or3A_1578, %add3A_1573 : i32
      %add3A_1580 = arith.addi %add3A_1573, %xor3A_1579 : i32
      %shift_left3A_1581 = arith.constant 6 : i32
      %shift_left3A_1582 = arith.shli %xor3A_1579, %shift_left3A_1581 : i32
      %shift_right_logical3A_1583 = arith.constant 26 : i32
      %shift_right_logical3A_1584 = arith.shrui %xor3A_1579, %shift_right_logical3A_1583 : i32
      %or3A_1585 = arith.ori %shift_left3A_1582, %shift_right_logical3A_1584 : i32
      %xor3A_1586 = arith.xori %or3A_1585, %add3A_1580 : i32
      %add3A_1587 = arith.addi %add3A_1580, %xor3A_1426 : i32
      %add3A_1588 = arith.addi %xor3A_1586, %add3A_1420 : i32
      %add3A_1589 = arith.constant 5 : i32
      %add3A_1590 = arith.addi %add3A_1588, %add3A_1589 : i32
      %xor3A_1591 = arith.xori %add3A_1420, %add3A_1423 : i32
      %xor3A_1592 = arith.constant 466688986 : i32
      %xor3A_1593 = arith.xori %xor3A_1591, %xor3A_1592 : i32
      %add3A_1594 = arith.constant 0 : i32
      %add3A_1595 = arith.addi %add3A_1594, %add3A_1420 : i32
      %add3A_1596 = arith.constant 1 : i32
      %add3A_1597 = arith.addi %add3A_1596, %add3A_1423 : i32
      %add3A_1598 = arith.addi %add3A_1595, %add3A_1597 : i32
      %shift_left3A_1599 = arith.constant 13 : i32
      %shift_left3A_1600 = arith.shli %add3A_1597, %shift_left3A_1599 : i32
      %shift_right_logical3A_1601 = arith.constant 19 : i32
      %shift_right_logical3A_1602 = arith.shrui %add3A_1597, %shift_right_logical3A_1601 : i32
      %or3A_1603 = arith.ori %shift_left3A_1600, %shift_right_logical3A_1602 : i32
      %xor3A_1604 = arith.xori %or3A_1603, %add3A_1598 : i32
      %add3A_1605 = arith.addi %add3A_1598, %xor3A_1604 : i32
      %shift_left3A_1606 = arith.constant 15 : i32
      %shift_left3A_1607 = arith.shli %xor3A_1604, %shift_left3A_1606 : i32
      %shift_right_logical3A_1608 = arith.constant 17 : i32
      %shift_right_logical3A_1609 = arith.shrui %xor3A_1604, %shift_right_logical3A_1608 : i32
      %or3A_1610 = arith.ori %shift_left3A_1607, %shift_right_logical3A_1609 : i32
      %xor3A_1611 = arith.xori %or3A_1610, %add3A_1605 : i32
      %add3A_1612 = arith.addi %add3A_1605, %xor3A_1611 : i32
      %shift_left3A_1613 = arith.constant 26 : i32
      %shift_left3A_1614 = arith.shli %xor3A_1611, %shift_left3A_1613 : i32
      %shift_right_logical3A_1615 = arith.constant 6 : i32
      %shift_right_logical3A_1616 = arith.shrui %xor3A_1611, %shift_right_logical3A_1615 : i32
      %or3A_1617 = arith.ori %shift_left3A_1614, %shift_right_logical3A_1616 : i32
      %xor3A_1618 = arith.xori %or3A_1617, %add3A_1612 : i32
      %add3A_1619 = arith.addi %add3A_1612, %xor3A_1618 : i32
      %shift_left3A_1620 = arith.constant 6 : i32
      %shift_left3A_1621 = arith.shli %xor3A_1618, %shift_left3A_1620 : i32
      %shift_right_logical3A_1622 = arith.constant 26 : i32
      %shift_right_logical3A_1623 = arith.shrui %xor3A_1618, %shift_right_logical3A_1622 : i32
      %or3A_1624 = arith.ori %shift_left3A_1621, %shift_right_logical3A_1623 : i32
      %xor3A_1625 = arith.xori %or3A_1624, %add3A_1619 : i32
      %add3A_1626 = arith.addi %add3A_1619, %add3A_1423 : i32
      %add3A_1627 = arith.addi %xor3A_1625, %xor3A_1593 : i32
      %add3A_1628 = arith.constant 1 : i32
      %add3A_1629 = arith.addi %add3A_1627, %add3A_1628 : i32
      %add3A_1630 = arith.addi %add3A_1626, %add3A_1629 : i32
      %shift_left3A_1631 = arith.constant 17 : i32
      %shift_left3A_1632 = arith.shli %add3A_1629, %shift_left3A_1631 : i32
      %shift_right_logical3A_1633 = arith.constant 15 : i32
      %shift_right_logical3A_1634 = arith.shrui %add3A_1629, %shift_right_logical3A_1633 : i32
      %or3A_1635 = arith.ori %shift_left3A_1632, %shift_right_logical3A_1634 : i32
      %xor3A_1636 = arith.xori %or3A_1635, %add3A_1630 : i32
      %add3A_1637 = arith.addi %add3A_1630, %xor3A_1636 : i32
      %shift_left3A_1638 = arith.constant 29 : i32
      %shift_left3A_1639 = arith.shli %xor3A_1636, %shift_left3A_1638 : i32
      %shift_right_logical3A_1640 = arith.constant 3 : i32
      %shift_right_logical3A_1641 = arith.shrui %xor3A_1636, %shift_right_logical3A_1640 : i32
      %or3A_1642 = arith.ori %shift_left3A_1639, %shift_right_logical3A_1641 : i32
      %xor3A_1643 = arith.xori %or3A_1642, %add3A_1637 : i32
      %add3A_1644 = arith.addi %add3A_1637, %xor3A_1643 : i32
      %shift_left3A_1645 = arith.constant 16 : i32
      %shift_left3A_1646 = arith.shli %xor3A_1643, %shift_left3A_1645 : i32
      %shift_right_logical3A_1647 = arith.constant 16 : i32
      %shift_right_logical3A_1648 = arith.shrui %xor3A_1643, %shift_right_logical3A_1647 : i32
      %or3A_1649 = arith.ori %shift_left3A_1646, %shift_right_logical3A_1648 : i32
      %xor3A_1650 = arith.xori %or3A_1649, %add3A_1644 : i32
      %add3A_1651 = arith.addi %add3A_1644, %xor3A_1650 : i32
      %shift_left3A_1652 = arith.constant 24 : i32
      %shift_left3A_1653 = arith.shli %xor3A_1650, %shift_left3A_1652 : i32
      %shift_right_logical3A_1654 = arith.constant 8 : i32
      %shift_right_logical3A_1655 = arith.shrui %xor3A_1650, %shift_right_logical3A_1654 : i32
      %or3A_1656 = arith.ori %shift_left3A_1653, %shift_right_logical3A_1655 : i32
      %xor3A_1657 = arith.xori %or3A_1656, %add3A_1651 : i32
      %add3A_1658 = arith.addi %add3A_1651, %xor3A_1593 : i32
      %add3A_1659 = arith.addi %xor3A_1657, %add3A_1420 : i32
      %add3A_1660 = arith.constant 2 : i32
      %add3A_1661 = arith.addi %add3A_1659, %add3A_1660 : i32
      %add3A_1662 = arith.addi %add3A_1658, %add3A_1661 : i32
      %shift_left3A_1663 = arith.constant 13 : i32
      %shift_left3A_1664 = arith.shli %add3A_1661, %shift_left3A_1663 : i32
      %shift_right_logical3A_1665 = arith.constant 19 : i32
      %shift_right_logical3A_1666 = arith.shrui %add3A_1661, %shift_right_logical3A_1665 : i32
      %or3A_1667 = arith.ori %shift_left3A_1664, %shift_right_logical3A_1666 : i32
      %xor3A_1668 = arith.xori %or3A_1667, %add3A_1662 : i32
      %add3A_1669 = arith.addi %add3A_1662, %xor3A_1668 : i32
      %shift_left3A_1670 = arith.constant 15 : i32
      %shift_left3A_1671 = arith.shli %xor3A_1668, %shift_left3A_1670 : i32
      %shift_right_logical3A_1672 = arith.constant 17 : i32
      %shift_right_logical3A_1673 = arith.shrui %xor3A_1668, %shift_right_logical3A_1672 : i32
      %or3A_1674 = arith.ori %shift_left3A_1671, %shift_right_logical3A_1673 : i32
      %xor3A_1675 = arith.xori %or3A_1674, %add3A_1669 : i32
      %add3A_1676 = arith.addi %add3A_1669, %xor3A_1675 : i32
      %shift_left3A_1677 = arith.constant 26 : i32
      %shift_left3A_1678 = arith.shli %xor3A_1675, %shift_left3A_1677 : i32
      %shift_right_logical3A_1679 = arith.constant 6 : i32
      %shift_right_logical3A_1680 = arith.shrui %xor3A_1675, %shift_right_logical3A_1679 : i32
      %or3A_1681 = arith.ori %shift_left3A_1678, %shift_right_logical3A_1680 : i32
      %xor3A_1682 = arith.xori %or3A_1681, %add3A_1676 : i32
      %add3A_1683 = arith.addi %add3A_1676, %xor3A_1682 : i32
      %shift_left3A_1684 = arith.constant 6 : i32
      %shift_left3A_1685 = arith.shli %xor3A_1682, %shift_left3A_1684 : i32
      %shift_right_logical3A_1686 = arith.constant 26 : i32
      %shift_right_logical3A_1687 = arith.shrui %xor3A_1682, %shift_right_logical3A_1686 : i32
      %or3A_1688 = arith.ori %shift_left3A_1685, %shift_right_logical3A_1687 : i32
      %xor3A_1689 = arith.xori %or3A_1688, %add3A_1683 : i32
      %add3A_1690 = arith.addi %add3A_1683, %add3A_1420 : i32
      %add3A_1691 = arith.addi %xor3A_1689, %add3A_1423 : i32
      %add3A_1692 = arith.constant 3 : i32
      %add3A_1693 = arith.addi %add3A_1691, %add3A_1692 : i32
      %add3A_1694 = arith.addi %add3A_1690, %add3A_1693 : i32
      %shift_left3A_1695 = arith.constant 17 : i32
      %shift_left3A_1696 = arith.shli %add3A_1693, %shift_left3A_1695 : i32
      %shift_right_logical3A_1697 = arith.constant 15 : i32
      %shift_right_logical3A_1698 = arith.shrui %add3A_1693, %shift_right_logical3A_1697 : i32
      %or3A_1699 = arith.ori %shift_left3A_1696, %shift_right_logical3A_1698 : i32
      %xor3A_1700 = arith.xori %or3A_1699, %add3A_1694 : i32
      %add3A_1701 = arith.addi %add3A_1694, %xor3A_1700 : i32
      %shift_left3A_1702 = arith.constant 29 : i32
      %shift_left3A_1703 = arith.shli %xor3A_1700, %shift_left3A_1702 : i32
      %shift_right_logical3A_1704 = arith.constant 3 : i32
      %shift_right_logical3A_1705 = arith.shrui %xor3A_1700, %shift_right_logical3A_1704 : i32
      %or3A_1706 = arith.ori %shift_left3A_1703, %shift_right_logical3A_1705 : i32
      %xor3A_1707 = arith.xori %or3A_1706, %add3A_1701 : i32
      %add3A_1708 = arith.addi %add3A_1701, %xor3A_1707 : i32
      %shift_left3A_1709 = arith.constant 16 : i32
      %shift_left3A_1710 = arith.shli %xor3A_1707, %shift_left3A_1709 : i32
      %shift_right_logical3A_1711 = arith.constant 16 : i32
      %shift_right_logical3A_1712 = arith.shrui %xor3A_1707, %shift_right_logical3A_1711 : i32
      %or3A_1713 = arith.ori %shift_left3A_1710, %shift_right_logical3A_1712 : i32
      %xor3A_1714 = arith.xori %or3A_1713, %add3A_1708 : i32
      %add3A_1715 = arith.addi %add3A_1708, %xor3A_1714 : i32
      %shift_left3A_1716 = arith.constant 24 : i32
      %shift_left3A_1717 = arith.shli %xor3A_1714, %shift_left3A_1716 : i32
      %shift_right_logical3A_1718 = arith.constant 8 : i32
      %shift_right_logical3A_1719 = arith.shrui %xor3A_1714, %shift_right_logical3A_1718 : i32
      %or3A_1720 = arith.ori %shift_left3A_1717, %shift_right_logical3A_1719 : i32
      %xor3A_1721 = arith.xori %or3A_1720, %add3A_1715 : i32
      %add3A_1722 = arith.addi %add3A_1715, %add3A_1423 : i32
      %add3A_1723 = arith.addi %xor3A_1721, %xor3A_1593 : i32
      %add3A_1724 = arith.constant 4 : i32
      %add3A_1725 = arith.addi %add3A_1723, %add3A_1724 : i32
      %add3A_1726 = arith.addi %add3A_1722, %add3A_1725 : i32
      %shift_left3A_1727 = arith.constant 13 : i32
      %shift_left3A_1728 = arith.shli %add3A_1725, %shift_left3A_1727 : i32
      %shift_right_logical3A_1729 = arith.constant 19 : i32
      %shift_right_logical3A_1730 = arith.shrui %add3A_1725, %shift_right_logical3A_1729 : i32
      %or3A_1731 = arith.ori %shift_left3A_1728, %shift_right_logical3A_1730 : i32
      %xor3A_1732 = arith.xori %or3A_1731, %add3A_1726 : i32
      %add3A_1733 = arith.addi %add3A_1726, %xor3A_1732 : i32
      %shift_left3A_1734 = arith.constant 15 : i32
      %shift_left3A_1735 = arith.shli %xor3A_1732, %shift_left3A_1734 : i32
      %shift_right_logical3A_1736 = arith.constant 17 : i32
      %shift_right_logical3A_1737 = arith.shrui %xor3A_1732, %shift_right_logical3A_1736 : i32
      %or3A_1738 = arith.ori %shift_left3A_1735, %shift_right_logical3A_1737 : i32
      %xor3A_1739 = arith.xori %or3A_1738, %add3A_1733 : i32
      %add3A_1740 = arith.addi %add3A_1733, %xor3A_1739 : i32
      %shift_left3A_1741 = arith.constant 26 : i32
      %shift_left3A_1742 = arith.shli %xor3A_1739, %shift_left3A_1741 : i32
      %shift_right_logical3A_1743 = arith.constant 6 : i32
      %shift_right_logical3A_1744 = arith.shrui %xor3A_1739, %shift_right_logical3A_1743 : i32
      %or3A_1745 = arith.ori %shift_left3A_1742, %shift_right_logical3A_1744 : i32
      %xor3A_1746 = arith.xori %or3A_1745, %add3A_1740 : i32
      %add3A_1747 = arith.addi %add3A_1740, %xor3A_1746 : i32
      %shift_left3A_1748 = arith.constant 6 : i32
      %shift_left3A_1749 = arith.shli %xor3A_1746, %shift_left3A_1748 : i32
      %shift_right_logical3A_1750 = arith.constant 26 : i32
      %shift_right_logical3A_1751 = arith.shrui %xor3A_1746, %shift_right_logical3A_1750 : i32
      %or3A_1752 = arith.ori %shift_left3A_1749, %shift_right_logical3A_1751 : i32
      %xor3A_1753 = arith.xori %or3A_1752, %add3A_1747 : i32
      %add3A_1754 = arith.addi %add3A_1747, %xor3A_1593 : i32
      %add3A_1755 = arith.addi %xor3A_1753, %add3A_1420 : i32
      %add3A_1756 = arith.constant 5 : i32
      %add3A_1757 = arith.addi %add3A_1755, %add3A_1756 : i32
      %xor3A_1758 = arith.xori %add3A_1587, %add3A_1590 : i32
      %xor3A_1759 = arith.constant 466688986 : i32
      %xor3A_1760 = arith.xori %xor3A_1758, %xor3A_1759 : i32
      %add3A_1761 = arith.constant 0 : i32
      %add3A_1762 = arith.addi %add3A_1761, %add3A_1587 : i32
      %add3A_1763 = arith.constant 0 : i32
      %add3A_1764 = arith.addi %add3A_1763, %add3A_1590 : i32
      %add3A_1765 = arith.addi %add3A_1762, %add3A_1764 : i32
      %shift_left3A_1766 = arith.constant 13 : i32
      %shift_left3A_1767 = arith.shli %add3A_1764, %shift_left3A_1766 : i32
      %shift_right_logical3A_1768 = arith.constant 19 : i32
      %shift_right_logical3A_1769 = arith.shrui %add3A_1764, %shift_right_logical3A_1768 : i32
      %or3A_1770 = arith.ori %shift_left3A_1767, %shift_right_logical3A_1769 : i32
      %xor3A_1771 = arith.xori %or3A_1770, %add3A_1765 : i32
      %add3A_1772 = arith.addi %add3A_1765, %xor3A_1771 : i32
      %shift_left3A_1773 = arith.constant 15 : i32
      %shift_left3A_1774 = arith.shli %xor3A_1771, %shift_left3A_1773 : i32
      %shift_right_logical3A_1775 = arith.constant 17 : i32
      %shift_right_logical3A_1776 = arith.shrui %xor3A_1771, %shift_right_logical3A_1775 : i32
      %or3A_1777 = arith.ori %shift_left3A_1774, %shift_right_logical3A_1776 : i32
      %xor3A_1778 = arith.xori %or3A_1777, %add3A_1772 : i32
      %add3A_1779 = arith.addi %add3A_1772, %xor3A_1778 : i32
      %shift_left3A_1780 = arith.constant 26 : i32
      %shift_left3A_1781 = arith.shli %xor3A_1778, %shift_left3A_1780 : i32
      %shift_right_logical3A_1782 = arith.constant 6 : i32
      %shift_right_logical3A_1783 = arith.shrui %xor3A_1778, %shift_right_logical3A_1782 : i32
      %or3A_1784 = arith.ori %shift_left3A_1781, %shift_right_logical3A_1783 : i32
      %xor3A_1785 = arith.xori %or3A_1784, %add3A_1779 : i32
      %add3A_1786 = arith.addi %add3A_1779, %xor3A_1785 : i32
      %shift_left3A_1787 = arith.constant 6 : i32
      %shift_left3A_1788 = arith.shli %xor3A_1785, %shift_left3A_1787 : i32
      %shift_right_logical3A_1789 = arith.constant 26 : i32
      %shift_right_logical3A_1790 = arith.shrui %xor3A_1785, %shift_right_logical3A_1789 : i32
      %or3A_1791 = arith.ori %shift_left3A_1788, %shift_right_logical3A_1790 : i32
      %xor3A_1792 = arith.xori %or3A_1791, %add3A_1786 : i32
      %add3A_1793 = arith.addi %add3A_1786, %add3A_1590 : i32
      %add3A_1794 = arith.addi %xor3A_1792, %xor3A_1760 : i32
      %add3A_1795 = arith.constant 1 : i32
      %add3A_1796 = arith.addi %add3A_1794, %add3A_1795 : i32
      %add3A_1797 = arith.addi %add3A_1793, %add3A_1796 : i32
      %shift_left3A_1798 = arith.constant 17 : i32
      %shift_left3A_1799 = arith.shli %add3A_1796, %shift_left3A_1798 : i32
      %shift_right_logical3A_1800 = arith.constant 15 : i32
      %shift_right_logical3A_1801 = arith.shrui %add3A_1796, %shift_right_logical3A_1800 : i32
      %or3A_1802 = arith.ori %shift_left3A_1799, %shift_right_logical3A_1801 : i32
      %xor3A_1803 = arith.xori %or3A_1802, %add3A_1797 : i32
      %add3A_1804 = arith.addi %add3A_1797, %xor3A_1803 : i32
      %shift_left3A_1805 = arith.constant 29 : i32
      %shift_left3A_1806 = arith.shli %xor3A_1803, %shift_left3A_1805 : i32
      %shift_right_logical3A_1807 = arith.constant 3 : i32
      %shift_right_logical3A_1808 = arith.shrui %xor3A_1803, %shift_right_logical3A_1807 : i32
      %or3A_1809 = arith.ori %shift_left3A_1806, %shift_right_logical3A_1808 : i32
      %xor3A_1810 = arith.xori %or3A_1809, %add3A_1804 : i32
      %add3A_1811 = arith.addi %add3A_1804, %xor3A_1810 : i32
      %shift_left3A_1812 = arith.constant 16 : i32
      %shift_left3A_1813 = arith.shli %xor3A_1810, %shift_left3A_1812 : i32
      %shift_right_logical3A_1814 = arith.constant 16 : i32
      %shift_right_logical3A_1815 = arith.shrui %xor3A_1810, %shift_right_logical3A_1814 : i32
      %or3A_1816 = arith.ori %shift_left3A_1813, %shift_right_logical3A_1815 : i32
      %xor3A_1817 = arith.xori %or3A_1816, %add3A_1811 : i32
      %add3A_1818 = arith.addi %add3A_1811, %xor3A_1817 : i32
      %shift_left3A_1819 = arith.constant 24 : i32
      %shift_left3A_1820 = arith.shli %xor3A_1817, %shift_left3A_1819 : i32
      %shift_right_logical3A_1821 = arith.constant 8 : i32
      %shift_right_logical3A_1822 = arith.shrui %xor3A_1817, %shift_right_logical3A_1821 : i32
      %or3A_1823 = arith.ori %shift_left3A_1820, %shift_right_logical3A_1822 : i32
      %xor3A_1824 = arith.xori %or3A_1823, %add3A_1818 : i32
      %add3A_1825 = arith.addi %add3A_1818, %xor3A_1760 : i32
      %add3A_1826 = arith.addi %xor3A_1824, %add3A_1587 : i32
      %add3A_1827 = arith.constant 2 : i32
      %add3A_1828 = arith.addi %add3A_1826, %add3A_1827 : i32
      %add3A_1829 = arith.addi %add3A_1825, %add3A_1828 : i32
      %shift_left3A_1830 = arith.constant 13 : i32
      %shift_left3A_1831 = arith.shli %add3A_1828, %shift_left3A_1830 : i32
      %shift_right_logical3A_1832 = arith.constant 19 : i32
      %shift_right_logical3A_1833 = arith.shrui %add3A_1828, %shift_right_logical3A_1832 : i32
      %or3A_1834 = arith.ori %shift_left3A_1831, %shift_right_logical3A_1833 : i32
      %xor3A_1835 = arith.xori %or3A_1834, %add3A_1829 : i32
      %add3A_1836 = arith.addi %add3A_1829, %xor3A_1835 : i32
      %shift_left3A_1837 = arith.constant 15 : i32
      %shift_left3A_1838 = arith.shli %xor3A_1835, %shift_left3A_1837 : i32
      %shift_right_logical3A_1839 = arith.constant 17 : i32
      %shift_right_logical3A_1840 = arith.shrui %xor3A_1835, %shift_right_logical3A_1839 : i32
      %or3A_1841 = arith.ori %shift_left3A_1838, %shift_right_logical3A_1840 : i32
      %xor3A_1842 = arith.xori %or3A_1841, %add3A_1836 : i32
      %add3A_1843 = arith.addi %add3A_1836, %xor3A_1842 : i32
      %shift_left3A_1844 = arith.constant 26 : i32
      %shift_left3A_1845 = arith.shli %xor3A_1842, %shift_left3A_1844 : i32
      %shift_right_logical3A_1846 = arith.constant 6 : i32
      %shift_right_logical3A_1847 = arith.shrui %xor3A_1842, %shift_right_logical3A_1846 : i32
      %or3A_1848 = arith.ori %shift_left3A_1845, %shift_right_logical3A_1847 : i32
      %xor3A_1849 = arith.xori %or3A_1848, %add3A_1843 : i32
      %add3A_1850 = arith.addi %add3A_1843, %xor3A_1849 : i32
      %shift_left3A_1851 = arith.constant 6 : i32
      %shift_left3A_1852 = arith.shli %xor3A_1849, %shift_left3A_1851 : i32
      %shift_right_logical3A_1853 = arith.constant 26 : i32
      %shift_right_logical3A_1854 = arith.shrui %xor3A_1849, %shift_right_logical3A_1853 : i32
      %or3A_1855 = arith.ori %shift_left3A_1852, %shift_right_logical3A_1854 : i32
      %xor3A_1856 = arith.xori %or3A_1855, %add3A_1850 : i32
      %add3A_1857 = arith.addi %add3A_1850, %add3A_1587 : i32
      %add3A_1858 = arith.addi %xor3A_1856, %add3A_1590 : i32
      %add3A_1859 = arith.constant 3 : i32
      %add3A_1860 = arith.addi %add3A_1858, %add3A_1859 : i32
      %add3A_1861 = arith.addi %add3A_1857, %add3A_1860 : i32
      %shift_left3A_1862 = arith.constant 17 : i32
      %shift_left3A_1863 = arith.shli %add3A_1860, %shift_left3A_1862 : i32
      %shift_right_logical3A_1864 = arith.constant 15 : i32
      %shift_right_logical3A_1865 = arith.shrui %add3A_1860, %shift_right_logical3A_1864 : i32
      %or3A_1866 = arith.ori %shift_left3A_1863, %shift_right_logical3A_1865 : i32
      %xor3A_1867 = arith.xori %or3A_1866, %add3A_1861 : i32
      %add3A_1868 = arith.addi %add3A_1861, %xor3A_1867 : i32
      %shift_left3A_1869 = arith.constant 29 : i32
      %shift_left3A_1870 = arith.shli %xor3A_1867, %shift_left3A_1869 : i32
      %shift_right_logical3A_1871 = arith.constant 3 : i32
      %shift_right_logical3A_1872 = arith.shrui %xor3A_1867, %shift_right_logical3A_1871 : i32
      %or3A_1873 = arith.ori %shift_left3A_1870, %shift_right_logical3A_1872 : i32
      %xor3A_1874 = arith.xori %or3A_1873, %add3A_1868 : i32
      %add3A_1875 = arith.addi %add3A_1868, %xor3A_1874 : i32
      %shift_left3A_1876 = arith.constant 16 : i32
      %shift_left3A_1877 = arith.shli %xor3A_1874, %shift_left3A_1876 : i32
      %shift_right_logical3A_1878 = arith.constant 16 : i32
      %shift_right_logical3A_1879 = arith.shrui %xor3A_1874, %shift_right_logical3A_1878 : i32
      %or3A_1880 = arith.ori %shift_left3A_1877, %shift_right_logical3A_1879 : i32
      %xor3A_1881 = arith.xori %or3A_1880, %add3A_1875 : i32
      %add3A_1882 = arith.addi %add3A_1875, %xor3A_1881 : i32
      %shift_left3A_1883 = arith.constant 24 : i32
      %shift_left3A_1884 = arith.shli %xor3A_1881, %shift_left3A_1883 : i32
      %shift_right_logical3A_1885 = arith.constant 8 : i32
      %shift_right_logical3A_1886 = arith.shrui %xor3A_1881, %shift_right_logical3A_1885 : i32
      %or3A_1887 = arith.ori %shift_left3A_1884, %shift_right_logical3A_1886 : i32
      %xor3A_1888 = arith.xori %or3A_1887, %add3A_1882 : i32
      %add3A_1889 = arith.addi %add3A_1882, %add3A_1590 : i32
      %add3A_1890 = arith.addi %xor3A_1888, %xor3A_1760 : i32
      %add3A_1891 = arith.constant 4 : i32
      %add3A_1892 = arith.addi %add3A_1890, %add3A_1891 : i32
      %add3A_1893 = arith.addi %add3A_1889, %add3A_1892 : i32
      %shift_left3A_1894 = arith.constant 13 : i32
      %shift_left3A_1895 = arith.shli %add3A_1892, %shift_left3A_1894 : i32
      %shift_right_logical3A_1896 = arith.constant 19 : i32
      %shift_right_logical3A_1897 = arith.shrui %add3A_1892, %shift_right_logical3A_1896 : i32
      %or3A_1898 = arith.ori %shift_left3A_1895, %shift_right_logical3A_1897 : i32
      %xor3A_1899 = arith.xori %or3A_1898, %add3A_1893 : i32
      %add3A_1900 = arith.addi %add3A_1893, %xor3A_1899 : i32
      %shift_left3A_1901 = arith.constant 15 : i32
      %shift_left3A_1902 = arith.shli %xor3A_1899, %shift_left3A_1901 : i32
      %shift_right_logical3A_1903 = arith.constant 17 : i32
      %shift_right_logical3A_1904 = arith.shrui %xor3A_1899, %shift_right_logical3A_1903 : i32
      %or3A_1905 = arith.ori %shift_left3A_1902, %shift_right_logical3A_1904 : i32
      %xor3A_1906 = arith.xori %or3A_1905, %add3A_1900 : i32
      %add3A_1907 = arith.addi %add3A_1900, %xor3A_1906 : i32
      %shift_left3A_1908 = arith.constant 26 : i32
      %shift_left3A_1909 = arith.shli %xor3A_1906, %shift_left3A_1908 : i32
      %shift_right_logical3A_1910 = arith.constant 6 : i32
      %shift_right_logical3A_1911 = arith.shrui %xor3A_1906, %shift_right_logical3A_1910 : i32
      %or3A_1912 = arith.ori %shift_left3A_1909, %shift_right_logical3A_1911 : i32
      %xor3A_1913 = arith.xori %or3A_1912, %add3A_1907 : i32
      %add3A_1914 = arith.addi %add3A_1907, %xor3A_1913 : i32
      %shift_left3A_1915 = arith.constant 6 : i32
      %shift_left3A_1916 = arith.shli %xor3A_1913, %shift_left3A_1915 : i32
      %shift_right_logical3A_1917 = arith.constant 26 : i32
      %shift_right_logical3A_1918 = arith.shrui %xor3A_1913, %shift_right_logical3A_1917 : i32
      %or3A_1919 = arith.ori %shift_left3A_1916, %shift_right_logical3A_1918 : i32
      %xor3A_1920 = arith.xori %or3A_1919, %add3A_1914 : i32
      %add3A_1921 = arith.addi %add3A_1914, %xor3A_1760 : i32
      %add3A_1922 = arith.addi %xor3A_1920, %add3A_1587 : i32
      %add3A_1923 = arith.constant 5 : i32
      %add3A_1924 = arith.addi %add3A_1922, %add3A_1923 : i32
      %xor3A_1925 = arith.xori %add3A_1921, %add3A_1924 : i32
      %xor3A_1926 = arith.xori %add3A_1754, %add3A_1757 : i32
      %xor3A_1927 = arith.constant 466688986 : i32
      %xor3A_1928 = arith.xori %xor3A_1926, %xor3A_1927 : i32
      %add3A_1929 = arith.constant 0 : i32
      %add3A_1930 = arith.addi %add3A_1929, %add3A_1754 : i32
      %add3A_1931 = arith.constant 0 : i32
      %add3A_1932 = arith.addi %add3A_1931, %add3A_1757 : i32
      %add3A_1933 = arith.addi %add3A_1930, %add3A_1932 : i32
      %shift_left3A_1934 = arith.constant 13 : i32
      %shift_left3A_1935 = arith.shli %add3A_1932, %shift_left3A_1934 : i32
      %shift_right_logical3A_1936 = arith.constant 19 : i32
      %shift_right_logical3A_1937 = arith.shrui %add3A_1932, %shift_right_logical3A_1936 : i32
      %or3A_1938 = arith.ori %shift_left3A_1935, %shift_right_logical3A_1937 : i32
      %xor3A_1939 = arith.xori %or3A_1938, %add3A_1933 : i32
      %add3A_1940 = arith.addi %add3A_1933, %xor3A_1939 : i32
      %shift_left3A_1941 = arith.constant 15 : i32
      %shift_left3A_1942 = arith.shli %xor3A_1939, %shift_left3A_1941 : i32
      %shift_right_logical3A_1943 = arith.constant 17 : i32
      %shift_right_logical3A_1944 = arith.shrui %xor3A_1939, %shift_right_logical3A_1943 : i32
      %or3A_1945 = arith.ori %shift_left3A_1942, %shift_right_logical3A_1944 : i32
      %xor3A_1946 = arith.xori %or3A_1945, %add3A_1940 : i32
      %add3A_1947 = arith.addi %add3A_1940, %xor3A_1946 : i32
      %shift_left3A_1948 = arith.constant 26 : i32
      %shift_left3A_1949 = arith.shli %xor3A_1946, %shift_left3A_1948 : i32
      %shift_right_logical3A_1950 = arith.constant 6 : i32
      %shift_right_logical3A_1951 = arith.shrui %xor3A_1946, %shift_right_logical3A_1950 : i32
      %or3A_1952 = arith.ori %shift_left3A_1949, %shift_right_logical3A_1951 : i32
      %xor3A_1953 = arith.xori %or3A_1952, %add3A_1947 : i32
      %add3A_1954 = arith.addi %add3A_1947, %xor3A_1953 : i32
      %shift_left3A_1955 = arith.constant 6 : i32
      %shift_left3A_1956 = arith.shli %xor3A_1953, %shift_left3A_1955 : i32
      %shift_right_logical3A_1957 = arith.constant 26 : i32
      %shift_right_logical3A_1958 = arith.shrui %xor3A_1953, %shift_right_logical3A_1957 : i32
      %or3A_1959 = arith.ori %shift_left3A_1956, %shift_right_logical3A_1958 : i32
      %xor3A_1960 = arith.xori %or3A_1959, %add3A_1954 : i32
      %add3A_1961 = arith.addi %add3A_1954, %add3A_1757 : i32
      %add3A_1962 = arith.addi %xor3A_1960, %xor3A_1928 : i32
      %add3A_1963 = arith.constant 1 : i32
      %add3A_1964 = arith.addi %add3A_1962, %add3A_1963 : i32
      %add3A_1965 = arith.addi %add3A_1961, %add3A_1964 : i32
      %shift_left3A_1966 = arith.constant 17 : i32
      %shift_left3A_1967 = arith.shli %add3A_1964, %shift_left3A_1966 : i32
      %shift_right_logical3A_1968 = arith.constant 15 : i32
      %shift_right_logical3A_1969 = arith.shrui %add3A_1964, %shift_right_logical3A_1968 : i32
      %or3A_1970 = arith.ori %shift_left3A_1967, %shift_right_logical3A_1969 : i32
      %xor3A_1971 = arith.xori %or3A_1970, %add3A_1965 : i32
      %add3A_1972 = arith.addi %add3A_1965, %xor3A_1971 : i32
      %shift_left3A_1973 = arith.constant 29 : i32
      %shift_left3A_1974 = arith.shli %xor3A_1971, %shift_left3A_1973 : i32
      %shift_right_logical3A_1975 = arith.constant 3 : i32
      %shift_right_logical3A_1976 = arith.shrui %xor3A_1971, %shift_right_logical3A_1975 : i32
      %or3A_1977 = arith.ori %shift_left3A_1974, %shift_right_logical3A_1976 : i32
      %xor3A_1978 = arith.xori %or3A_1977, %add3A_1972 : i32
      %add3A_1979 = arith.addi %add3A_1972, %xor3A_1978 : i32
      %shift_left3A_1980 = arith.constant 16 : i32
      %shift_left3A_1981 = arith.shli %xor3A_1978, %shift_left3A_1980 : i32
      %shift_right_logical3A_1982 = arith.constant 16 : i32
      %shift_right_logical3A_1983 = arith.shrui %xor3A_1978, %shift_right_logical3A_1982 : i32
      %or3A_1984 = arith.ori %shift_left3A_1981, %shift_right_logical3A_1983 : i32
      %xor3A_1985 = arith.xori %or3A_1984, %add3A_1979 : i32
      %add3A_1986 = arith.addi %add3A_1979, %xor3A_1985 : i32
      %shift_left3A_1987 = arith.constant 24 : i32
      %shift_left3A_1988 = arith.shli %xor3A_1985, %shift_left3A_1987 : i32
      %shift_right_logical3A_1989 = arith.constant 8 : i32
      %shift_right_logical3A_1990 = arith.shrui %xor3A_1985, %shift_right_logical3A_1989 : i32
      %or3A_1991 = arith.ori %shift_left3A_1988, %shift_right_logical3A_1990 : i32
      %xor3A_1992 = arith.xori %or3A_1991, %add3A_1986 : i32
      %add3A_1993 = arith.addi %add3A_1986, %xor3A_1928 : i32
      %add3A_1994 = arith.addi %xor3A_1992, %add3A_1754 : i32
      %add3A_1995 = arith.constant 2 : i32
      %add3A_1996 = arith.addi %add3A_1994, %add3A_1995 : i32
      %add3A_1997 = arith.addi %add3A_1993, %add3A_1996 : i32
      %shift_left3A_1998 = arith.constant 13 : i32
      %shift_left3A_1999 = arith.shli %add3A_1996, %shift_left3A_1998 : i32
      %shift_right_logical3A_2000 = arith.constant 19 : i32
      %shift_right_logical3A_2001 = arith.shrui %add3A_1996, %shift_right_logical3A_2000 : i32
      %or3A_2002 = arith.ori %shift_left3A_1999, %shift_right_logical3A_2001 : i32
      %xor3A_2003 = arith.xori %or3A_2002, %add3A_1997 : i32
      %add3A_2004 = arith.addi %add3A_1997, %xor3A_2003 : i32
      %shift_left3A_2005 = arith.constant 15 : i32
      %shift_left3A_2006 = arith.shli %xor3A_2003, %shift_left3A_2005 : i32
      %shift_right_logical3A_2007 = arith.constant 17 : i32
      %shift_right_logical3A_2008 = arith.shrui %xor3A_2003, %shift_right_logical3A_2007 : i32
      %or3A_2009 = arith.ori %shift_left3A_2006, %shift_right_logical3A_2008 : i32
      %xor3A_2010 = arith.xori %or3A_2009, %add3A_2004 : i32
      %add3A_2011 = arith.addi %add3A_2004, %xor3A_2010 : i32
      %shift_left3A_2012 = arith.constant 26 : i32
      %shift_left3A_2013 = arith.shli %xor3A_2010, %shift_left3A_2012 : i32
      %shift_right_logical3A_2014 = arith.constant 6 : i32
      %shift_right_logical3A_2015 = arith.shrui %xor3A_2010, %shift_right_logical3A_2014 : i32
      %or3A_2016 = arith.ori %shift_left3A_2013, %shift_right_logical3A_2015 : i32
      %xor3A_2017 = arith.xori %or3A_2016, %add3A_2011 : i32
      %add3A_2018 = arith.addi %add3A_2011, %xor3A_2017 : i32
      %shift_left3A_2019 = arith.constant 6 : i32
      %shift_left3A_2020 = arith.shli %xor3A_2017, %shift_left3A_2019 : i32
      %shift_right_logical3A_2021 = arith.constant 26 : i32
      %shift_right_logical3A_2022 = arith.shrui %xor3A_2017, %shift_right_logical3A_2021 : i32
      %or3A_2023 = arith.ori %shift_left3A_2020, %shift_right_logical3A_2022 : i32
      %xor3A_2024 = arith.xori %or3A_2023, %add3A_2018 : i32
      %add3A_2025 = arith.addi %add3A_2018, %add3A_1754 : i32
      %add3A_2026 = arith.addi %xor3A_2024, %add3A_1757 : i32
      %add3A_2027 = arith.constant 3 : i32
      %add3A_2028 = arith.addi %add3A_2026, %add3A_2027 : i32
      %add3A_2029 = arith.addi %add3A_2025, %add3A_2028 : i32
      %shift_left3A_2030 = arith.constant 17 : i32
      %shift_left3A_2031 = arith.shli %add3A_2028, %shift_left3A_2030 : i32
      %shift_right_logical3A_2032 = arith.constant 15 : i32
      %shift_right_logical3A_2033 = arith.shrui %add3A_2028, %shift_right_logical3A_2032 : i32
      %or3A_2034 = arith.ori %shift_left3A_2031, %shift_right_logical3A_2033 : i32
      %xor3A_2035 = arith.xori %or3A_2034, %add3A_2029 : i32
      %add3A_2036 = arith.addi %add3A_2029, %xor3A_2035 : i32
      %shift_left3A_2037 = arith.constant 29 : i32
      %shift_left3A_2038 = arith.shli %xor3A_2035, %shift_left3A_2037 : i32
      %shift_right_logical3A_2039 = arith.constant 3 : i32
      %shift_right_logical3A_2040 = arith.shrui %xor3A_2035, %shift_right_logical3A_2039 : i32
      %or3A_2041 = arith.ori %shift_left3A_2038, %shift_right_logical3A_2040 : i32
      %xor3A_2042 = arith.xori %or3A_2041, %add3A_2036 : i32
      %add3A_2043 = arith.addi %add3A_2036, %xor3A_2042 : i32
      %shift_left3A_2044 = arith.constant 16 : i32
      %shift_left3A_2045 = arith.shli %xor3A_2042, %shift_left3A_2044 : i32
      %shift_right_logical3A_2046 = arith.constant 16 : i32
      %shift_right_logical3A_2047 = arith.shrui %xor3A_2042, %shift_right_logical3A_2046 : i32
      %or3A_2048 = arith.ori %shift_left3A_2045, %shift_right_logical3A_2047 : i32
      %xor3A_2049 = arith.xori %or3A_2048, %add3A_2043 : i32
      %add3A_2050 = arith.addi %add3A_2043, %xor3A_2049 : i32
      %shift_left3A_2051 = arith.constant 24 : i32
      %shift_left3A_2052 = arith.shli %xor3A_2049, %shift_left3A_2051 : i32
      %shift_right_logical3A_2053 = arith.constant 8 : i32
      %shift_right_logical3A_2054 = arith.shrui %xor3A_2049, %shift_right_logical3A_2053 : i32
      %or3A_2055 = arith.ori %shift_left3A_2052, %shift_right_logical3A_2054 : i32
      %xor3A_2056 = arith.xori %or3A_2055, %add3A_2050 : i32
      %add3A_2057 = arith.addi %add3A_2050, %add3A_1757 : i32
      %add3A_2058 = arith.addi %xor3A_2056, %xor3A_1928 : i32
      %add3A_2059 = arith.constant 4 : i32
      %add3A_2060 = arith.addi %add3A_2058, %add3A_2059 : i32
      %add3A_2061 = arith.addi %add3A_2057, %add3A_2060 : i32
      %shift_left3A_2062 = arith.constant 13 : i32
      %shift_left3A_2063 = arith.shli %add3A_2060, %shift_left3A_2062 : i32
      %shift_right_logical3A_2064 = arith.constant 19 : i32
      %shift_right_logical3A_2065 = arith.shrui %add3A_2060, %shift_right_logical3A_2064 : i32
      %or3A_2066 = arith.ori %shift_left3A_2063, %shift_right_logical3A_2065 : i32
      %xor3A_2067 = arith.xori %or3A_2066, %add3A_2061 : i32
      %add3A_2068 = arith.addi %add3A_2061, %xor3A_2067 : i32
      %shift_left3A_2069 = arith.constant 15 : i32
      %shift_left3A_2070 = arith.shli %xor3A_2067, %shift_left3A_2069 : i32
      %shift_right_logical3A_2071 = arith.constant 17 : i32
      %shift_right_logical3A_2072 = arith.shrui %xor3A_2067, %shift_right_logical3A_2071 : i32
      %or3A_2073 = arith.ori %shift_left3A_2070, %shift_right_logical3A_2072 : i32
      %xor3A_2074 = arith.xori %or3A_2073, %add3A_2068 : i32
      %add3A_2075 = arith.addi %add3A_2068, %xor3A_2074 : i32
      %shift_left3A_2076 = arith.constant 26 : i32
      %shift_left3A_2077 = arith.shli %xor3A_2074, %shift_left3A_2076 : i32
      %shift_right_logical3A_2078 = arith.constant 6 : i32
      %shift_right_logical3A_2079 = arith.shrui %xor3A_2074, %shift_right_logical3A_2078 : i32
      %or3A_2080 = arith.ori %shift_left3A_2077, %shift_right_logical3A_2079 : i32
      %xor3A_2081 = arith.xori %or3A_2080, %add3A_2075 : i32
      %add3A_2082 = arith.addi %add3A_2075, %xor3A_2081 : i32
      %shift_left3A_2083 = arith.constant 6 : i32
      %shift_left3A_2084 = arith.shli %xor3A_2081, %shift_left3A_2083 : i32
      %shift_right_logical3A_2085 = arith.constant 26 : i32
      %shift_right_logical3A_2086 = arith.shrui %xor3A_2081, %shift_right_logical3A_2085 : i32
      %or3A_2087 = arith.ori %shift_left3A_2084, %shift_right_logical3A_2086 : i32
      %xor3A_2088 = arith.xori %or3A_2087, %add3A_2082 : i32
      %add3A_2089 = arith.addi %add3A_2082, %xor3A_1928 : i32
      %add3A_2090 = arith.addi %xor3A_2088, %add3A_1754 : i32
      %add3A_2091 = arith.constant 5 : i32
      %add3A_2092 = arith.addi %add3A_2090, %add3A_2091 : i32
      %xor3A_2093 = arith.xori %add3A_2089, %add3A_2092 : i32
      %mul3A_2094 = arith.constant 16 : i32
      %mul3A_2095 = vector.broadcast %mul3A_2094 : i32 to vector<16xi32>
      %mul3A_2096 = arith.muli %iota3A, %mul3A_2095 : vector<16xi32>
      %gather3A_2097 = tpu.vector_load_idx %arg14[%mul3A_2096] : memref<256xi32, #tpu.memory_space<vmem>>[vector<16xi32>], vector<16xi32>,
      %reduce_sum3A_2098 = arith.constant true
      %reduce_sum3A_2099 = vector.broadcast %reduce_sum3A_2098 : i1 to vector<16xi1>
      %reduce_sum3A_2100 = tpu.scan <sum>, %gather3A_2097 masked %reduce_sum3A_2099 : vector<16xi32>, vector<16xi1> -> vector<16xi32>
      %reduce_sum3A_2101 = vector.extract %reduce_sum3A_2100[15] : i32 from vector<16xi32>
      %le3A = arith.constant 0 : i32
      %le3A_2102 = arith.cmpi sle, %reduce_sum3A_2101, %le3A : i32
      %jit3A = arith.constant 1 : i32
      %select_n3A = arith.select %le3A_2102, %jit3A, %reduce_sum3A_2101 : i32
      %jit3A_2103 = arith.constant 65536 : i32
      %eq3A_2104 = arith.constant 0 : i32
      %eq3A_2105 = arith.cmpi eq, %select_n3A, %eq3A_2104 : i32
      %jit3A_2106 = arith.constant 1 : i32
      %select_n3A_2107 = arith.select %eq3A_2105, %jit3A_2106, %select_n3A : i32
      %rem3A = arith.remui %jit3A_2103, %select_n3A_2107 : i32
      %ne3A = arith.constant 0 : i32
      %ne3A_2108 = arith.cmpi ne, %rem3A, %ne3A : i32
      %lt3A_2109 = arith.constant 0 : i32
      %lt3A_2110 = arith.cmpi ult, %rem3A, %lt3A_2109 : i32
      %lt3A_2111 = arith.constant 0 : i32
      %lt3A_2112 = arith.cmpi ult, %select_n3A_2107, %lt3A_2111 : i32
      %ne3A_2113 = arith.xori %lt3A_2110, %lt3A_2112 : i1
      %and3A_2114 = arith.andi %ne3A_2113, %ne3A_2108 : i1
      %add3A_2115 = arith.addi %rem3A, %select_n3A_2107 : i32
      %select_n3A_2116 = arith.select %and3A_2114, %add3A_2115, %rem3A : i32
      %mul3A_2117 = arith.muli %select_n3A_2116, %select_n3A_2116 : i32
      %eq3A_2118 = arith.constant 0 : i32
      %eq3A_2119 = arith.cmpi eq, %select_n3A, %eq3A_2118 : i32
      %jit3A_2120 = arith.constant 1 : i32
      %select_n3A_2121 = arith.select %eq3A_2119, %jit3A_2120, %select_n3A : i32
      %rem3A_2122 = arith.remui %mul3A_2117, %select_n3A_2121 : i32
      %ne3A_2123 = arith.constant 0 : i32
      %ne3A_2124 = arith.cmpi ne, %rem3A_2122, %ne3A_2123 : i32
      %lt3A_2125 = arith.constant 0 : i32
      %lt3A_2126 = arith.cmpi ult, %rem3A_2122, %lt3A_2125 : i32
      %lt3A_2127 = arith.constant 0 : i32
      %lt3A_2128 = arith.cmpi ult, %select_n3A_2121, %lt3A_2127 : i32
      %ne3A_2129 = arith.xori %lt3A_2126, %lt3A_2128 : i1
      %and3A_2130 = arith.andi %ne3A_2129, %ne3A_2124 : i1
      %add3A_2131 = arith.addi %rem3A_2122, %select_n3A_2121 : i32
      %select_n3A_2132 = arith.select %and3A_2130, %add3A_2131, %rem3A_2122 : i32
      %eq3A_2133 = arith.constant 0 : i32
      %eq3A_2134 = arith.cmpi eq, %select_n3A, %eq3A_2133 : i32
      %jit3A_2135 = arith.constant 1 : i32
      %select_n3A_2136 = arith.select %eq3A_2134, %jit3A_2135, %select_n3A : i32
      %rem3A_2137 = arith.remui %xor3A_1925, %select_n3A_2136 : i32
      %ne3A_2138 = arith.constant 0 : i32
      %ne3A_2139 = arith.cmpi ne, %rem3A_2137, %ne3A_2138 : i32
      %lt3A_2140 = arith.constant 0 : i32
      %lt3A_2141 = arith.cmpi ult, %rem3A_2137, %lt3A_2140 : i32
      %lt3A_2142 = arith.constant 0 : i32
      %lt3A_2143 = arith.cmpi ult, %select_n3A_2136, %lt3A_2142 : i32
      %ne3A_2144 = arith.xori %lt3A_2141, %lt3A_2143 : i1
      %and3A_2145 = arith.andi %ne3A_2144, %ne3A_2139 : i1
      %add3A_2146 = arith.addi %rem3A_2137, %select_n3A_2136 : i32
      %select_n3A_2147 = arith.select %and3A_2145, %add3A_2146, %rem3A_2137 : i32
      %mul3A_2148 = arith.muli %select_n3A_2147, %select_n3A_2132 : i32
      %eq3A_2149 = arith.constant 0 : i32
      %eq3A_2150 = arith.cmpi eq, %select_n3A, %eq3A_2149 : i32
      %jit3A_2151 = arith.constant 1 : i32
      %select_n3A_2152 = arith.select %eq3A_2150, %jit3A_2151, %select_n3A : i32
      %rem3A_2153 = arith.remui %xor3A_2093, %select_n3A_2152 : i32
      %ne3A_2154 = arith.constant 0 : i32
      %ne3A_2155 = arith.cmpi ne, %rem3A_2153, %ne3A_2154 : i32
      %lt3A_2156 = arith.constant 0 : i32
      %lt3A_2157 = arith.cmpi ult, %rem3A_2153, %lt3A_2156 : i32
      %lt3A_2158 = arith.constant 0 : i32
      %lt3A_2159 = arith.cmpi ult, %select_n3A_2152, %lt3A_2158 : i32
      %ne3A_2160 = arith.xori %lt3A_2157, %lt3A_2159 : i1
      %and3A_2161 = arith.andi %ne3A_2160, %ne3A_2155 : i1
      %add3A_2162 = arith.addi %rem3A_2153, %select_n3A_2152 : i32
      %select_n3A_2163 = arith.select %and3A_2161, %add3A_2162, %rem3A_2153 : i32
      %add3A_2164 = arith.addi %mul3A_2148, %select_n3A_2163 : i32
      %eq3A_2165 = arith.constant 0 : i32
      %eq3A_2166 = arith.cmpi eq, %select_n3A, %eq3A_2165 : i32
      %jit3A_2167 = arith.constant 1 : i32
      %select_n3A_2168 = arith.select %eq3A_2166, %jit3A_2167, %select_n3A : i32
      %rem3A_2169 = arith.remui %add3A_2164, %select_n3A_2168 : i32
      %ne3A_2170 = arith.constant 0 : i32
      %ne3A_2171 = arith.cmpi ne, %rem3A_2169, %ne3A_2170 : i32
      %lt3A_2172 = arith.constant 0 : i32
      %lt3A_2173 = arith.cmpi ult, %rem3A_2169, %lt3A_2172 : i32
      %lt3A_2174 = arith.constant 0 : i32
      %lt3A_2175 = arith.cmpi ult, %select_n3A_2168, %lt3A_2174 : i32
      %ne3A_2176 = arith.xori %lt3A_2173, %lt3A_2175 : i1
      %and3A_2177 = arith.andi %ne3A_2176, %ne3A_2171 : i1
      %add3A_2178 = arith.addi %rem3A_2169, %select_n3A_2168 : i32
      %select_n3A_2179 = arith.select %and3A_2177, %add3A_2178, %rem3A_2169 : i32
      %cumsum3A = arith.constant true
      %cumsum3A_2180 = vector.broadcast %cumsum3A : i1 to vector<16xi1>
      %cumsum3A_2181 = tpu.scan <sum>, %gather3A_2097 masked %cumsum3A_2180 : vector<16xi32>, vector<16xi1> -> vector<16xi32>
      %gt3A = vector.broadcast %select_n3A_2179 : i32 to vector<16xi32>
      %gt3A_2182 = arith.cmpi sgt, %cumsum3A_2181, %gt3A : vector<16xi32>
      %jit3A_2183 = arith.constant 16 : i32
      %broadcast_in_dim3A_2184 = vector.broadcast %jit3A_2183 : i32 to vector<16xi32>
      %select_n3A_2185 = arith.select %gt3A_2182, %iota3A, %broadcast_in_dim3A_2184 : vector<16xi1>, vector<16xi32>
      %reduce_min3A = arith.constant true
      %reduce_min3A_2186 = vector.broadcast %reduce_min3A : i1 to vector<16xi1>
      %reduce_min3A_2187 = arith.constant -2147483648 : i32
      %reduce_min3A_2188 = vector.broadcast %reduce_min3A_2187 : i32 to vector<16xi32>
      %reduce_min3A_2189 = arith.xori %select_n3A_2185, %reduce_min3A_2188 : vector<16xi32>
      %reduce_min3A_2190 = tpu.scan <min>, %reduce_min3A_2189 masked %reduce_min3A_2186 : vector<16xi32>, vector<16xi1> -> vector<16xi32>
      %reduce_min3A_2191 = arith.xori %reduce_min3A_2190, %reduce_min3A_2188 : vector<16xi32>
      %reduce_min3A_2192 = vector.extract %reduce_min3A_2191[15] : i32 from vector<16xi32>
      %eq3A_2193 = vector.broadcast %reduce_min3A_2192 : i32 to vector<16xi32>
      %eq3A_2194 = arith.cmpi eq, %iota3A, %eq3A_2193 : vector<16xi32>
      %jit3A_2195 = arith.constant 0 : i32
      %broadcast_in_dim3A_2196 = vector.broadcast %jit3A_2195 : i32 to vector<16xi32>
      %select_n3A_2197 = arith.select %eq3A_2194, %cumsum3A_2181, %broadcast_in_dim3A_2196 : vector<16xi1>, vector<16xi32>
      %reduce_sum3A_2198 = arith.constant true
      %reduce_sum3A_2199 = vector.broadcast %reduce_sum3A_2198 : i1 to vector<16xi1>
      %reduce_sum3A_2200 = tpu.scan <sum>, %select_n3A_2197 masked %reduce_sum3A_2199 : vector<16xi32>, vector<16xi1> -> vector<16xi32>
      %reduce_sum3A_2201 = vector.extract %reduce_sum3A_2200[15] : i32 from vector<16xi32>
      %eq3A_2202 = vector.broadcast %reduce_min3A_2192 : i32 to vector<16xi32>
      %eq3A_2203 = arith.cmpi eq, %iota3A, %eq3A_2202 : vector<16xi32>
      %jit3A_2204 = arith.constant 0 : i32
      %broadcast_in_dim3A_2205 = vector.broadcast %jit3A_2204 : i32 to vector<16xi32>
      %select_n3A_2206 = arith.select %eq3A_2203, %gather3A_2097, %broadcast_in_dim3A_2205 : vector<16xi1>, vector<16xi32>
      %reduce_sum3A_2207 = arith.constant true
      %reduce_sum3A_2208 = vector.broadcast %reduce_sum3A_2207 : i1 to vector<16xi1>
      %reduce_sum3A_2209 = tpu.scan <sum>, %select_n3A_2206 masked %reduce_sum3A_2208 : vector<16xi32>, vector<16xi1> -> vector<16xi32>
      %reduce_sum3A_2210 = vector.extract %reduce_sum3A_2209[15] : i32 from vector<16xi32>
      %sub3A_2211 = arith.subi %reduce_sum3A_2201, %reduce_sum3A_2210 : i32
      %sub3A_2212 = arith.subi %select_n3A_2179, %sub3A_2211 : i32
      %scan3A_2213 = arith.constant 0 : i32
      %scan3A_2214 = arith.constant 0 : i32
      %scan3A_2215 = arith.constant 0 : i32
      %scan3A_2216 = arith.constant 0 : i32
      %scan3A_2217 = arith.constant 4 : i32
      %scan3A_2218 = arith.addi %scan3A_2216, %scan3A_2217 : i32
      %scan3A_2219 = arith.constant 1 : i32
      %scan3A_2220:4 = scf.for %scan3A_3106 = %scan3A_2216 to %scan3A_2218 step %scan3A_2219 iter_args(%scan3A_3107 = %scan3A_2213, %scan3A_3108 = %scan3A_2214, %scan3A_3109 = %scan3A_2215, %scan3A_3110 = %sub3A_2212) -> (i32, i32, i32, i32)  : i32 {
        %mul3A_3111 = arith.constant 64 : i32
        %mul3A_3112 = arith.muli %reduce_min3A_2192, %mul3A_3111 : i32
        %mul3A_3113 = arith.constant 16 : i32
        %mul3A_3114 = arith.muli %scan3A_3106, %mul3A_3113 : i32
        %add3A_3115 = arith.addi %mul3A_3112, %mul3A_3114 : i32
        %get3A_3116 = arith.index_cast %add3A_3115 : i32 to index
        %get3A_3117 = tpu.vector_load %arg13[%get3A_3116] {strides = array<i32>} : memref<1024xi32, #tpu.memory_space<vmem>>, vector<16xi32>,
        %reduce_sum3A_3118 = arith.constant true
        %reduce_sum3A_3119 = vector.broadcast %reduce_sum3A_3118 : i1 to vector<16xi1>
        %reduce_sum3A_3120 = tpu.scan <sum>, %get3A_3117 masked %reduce_sum3A_3119 : vector<16xi32>, vector<16xi1> -> vector<16xi32>
        %reduce_sum3A_3121 = vector.extract %reduce_sum3A_3120[15] : i32 from vector<16xi32>
        %cumsum3A_3122 = arith.constant true
        %cumsum3A_3123 = vector.broadcast %cumsum3A_3122 : i1 to vector<16xi1>
        %cumsum3A_3124 = tpu.scan <sum>, %get3A_3117 masked %cumsum3A_3123 : vector<16xi32>, vector<16xi1> -> vector<16xi32>
        %eq3A_3125 = arith.constant 0 : i32
        %eq3A_3126 = arith.cmpi eq, %scan3A_3107, %eq3A_3125 : i32
        %gt3A_3127 = arith.cmpi sgt, %reduce_sum3A_3121, %scan3A_3110 : i32
        %and3A_3128 = arith.andi %eq3A_3126, %gt3A_3127 : i1
        %gt3A_3129 = vector.broadcast %scan3A_3110 : i32 to vector<16xi32>
        %gt3A_3130 = arith.cmpi sgt, %cumsum3A_3124, %gt3A_3129 : vector<16xi32>
        %jit3A_3131 = arith.constant 16 : i32
        %broadcast_in_dim3A_3132 = vector.broadcast %jit3A_3131 : i32 to vector<16xi32>
        %select_n3A_3133 = arith.select %gt3A_3130, %iota3A, %broadcast_in_dim3A_3132 : vector<16xi1>, vector<16xi32>
        %reduce_min3A_3134 = arith.constant true
        %reduce_min3A_3135 = vector.broadcast %reduce_min3A_3134 : i1 to vector<16xi1>
        %reduce_min3A_3136 = arith.constant -2147483648 : i32
        %reduce_min3A_3137 = vector.broadcast %reduce_min3A_3136 : i32 to vector<16xi32>
        %reduce_min3A_3138 = arith.xori %select_n3A_3133, %reduce_min3A_3137 : vector<16xi32>
        %reduce_min3A_3139 = tpu.scan <min>, %reduce_min3A_3138 masked %reduce_min3A_3135 : vector<16xi32>, vector<16xi1> -> vector<16xi32>
        %reduce_min3A_3140 = arith.xori %reduce_min3A_3139, %reduce_min3A_3137 : vector<16xi32>
        %reduce_min3A_3141 = vector.extract %reduce_min3A_3140[15] : i32 from vector<16xi32>
        %eq3A_3142 = vector.broadcast %reduce_min3A_3141 : i32 to vector<16xi32>
        %eq3A_3143 = arith.cmpi eq, %iota3A, %eq3A_3142 : vector<16xi32>
        %jit3A_3144 = arith.constant 0 : i32
        %broadcast_in_dim3A_3145 = vector.broadcast %jit3A_3144 : i32 to vector<16xi32>
        %select_n3A_3146 = arith.select %eq3A_3143, %cumsum3A_3124, %broadcast_in_dim3A_3145 : vector<16xi1>, vector<16xi32>
        %reduce_sum3A_3147 = arith.constant true
        %reduce_sum3A_3148 = vector.broadcast %reduce_sum3A_3147 : i1 to vector<16xi1>
        %reduce_sum3A_3149 = tpu.scan <sum>, %select_n3A_3146 masked %reduce_sum3A_3148 : vector<16xi32>, vector<16xi1> -> vector<16xi32>
        %reduce_sum3A_3150 = vector.extract %reduce_sum3A_3149[15] : i32 from vector<16xi32>
        %eq3A_3151 = vector.broadcast %reduce_min3A_3141 : i32 to vector<16xi32>
        %eq3A_3152 = arith.cmpi eq, %iota3A, %eq3A_3151 : vector<16xi32>
        %jit3A_3153 = arith.constant 0 : i32
        %broadcast_in_dim3A_3154 = vector.broadcast %jit3A_3153 : i32 to vector<16xi32>
        %select_n3A_3155 = arith.select %eq3A_3152, %get3A_3117, %broadcast_in_dim3A_3154 : vector<16xi1>, vector<16xi32>
        %reduce_sum3A_3156 = arith.constant true
        %reduce_sum3A_3157 = vector.broadcast %reduce_sum3A_3156 : i1 to vector<16xi1>
        %reduce_sum3A_3158 = tpu.scan <sum>, %select_n3A_3155 masked %reduce_sum3A_3157 : vector<16xi32>, vector<16xi1> -> vector<16xi32>
        %reduce_sum3A_3159 = vector.extract %reduce_sum3A_3158[15] : i32 from vector<16xi32>
        %mul3A_3160 = arith.constant 64 : i32
        %mul3A_3161 = arith.muli %reduce_min3A_2192, %mul3A_3160 : i32
        %mul3A_3162 = arith.constant 16 : i32
        %mul3A_3163 = arith.muli %scan3A_3106, %mul3A_3162 : i32
        %add3A_3164 = arith.addi %mul3A_3161, %mul3A_3163 : i32
        %add3A_3165 = arith.addi %add3A_3164, %reduce_min3A_3141 : i32
        %select_n3A_3166 = arith.select %and3A_3128, %add3A_3165, %scan3A_3108 : i32
        %sub3A_3167 = arith.subi %reduce_sum3A_3150, %reduce_sum3A_3159 : i32
        %sub3A_3168 = arith.subi %scan3A_3110, %sub3A_3167 : i32
        %select_n3A_3169 = arith.select %and3A_3128, %sub3A_3168, %scan3A_3109 : i32
        %eq3A_3170 = arith.constant 0 : i32
        %eq3A_3171 = arith.cmpi eq, %scan3A_3107, %eq3A_3170 : i32
        %not3A = arith.constant true
        %not3A_3172 = arith.xori %and3A_3128, %not3A : i1
        %and3A_3173 = arith.andi %eq3A_3171, %not3A_3172 : i1
        %sub3A_3174 = arith.subi %scan3A_3110, %reduce_sum3A_3121 : i32
        %select_n3A_3175 = arith.select %and3A_3173, %sub3A_3174, %scan3A_3110 : i32
        %jit3A_3176 = arith.constant 1 : i32
        %select_n3A_3177 = arith.select %and3A_3128, %jit3A_3176, %scan3A_3107 : i32
        scf.yield %select_n3A_3177, %select_n3A_3166, %select_n3A_3169, %select_n3A_3175 : i32, i32, i32, i32
      }
      %scan3A_2221 = arith.constant 4 : i32
      "tpu.region"() ({
        %run_scoped3A = tpu.sem_alloc : memref<!tpu.dma_semaphore, #tpu.memory_space<semaphore_mem>>
        %dma_start3A_3106 = arith.constant 0 : i32
        %dma_start3A_3107 = tpu.memref_slice %arg2[%scan3A_2220#1, %dma_start3A_3106] : memref<1024x1024xf32, #tpu.memory_space<hbm>> -> memref<1x1024xf32, #tpu.memory_space<hbm>>
        %dma_start3A_3108 = tpu.memref_squeeze %dma_start3A_3107 : memref<1x1024xf32, #tpu.memory_space<hbm>> -> memref<1024xf32, #tpu.memory_space<hbm>>
        %dma_start3A_3109 = arith.constant 0 : i32
        %dma_start3A_3110 = tpu.memref_slice %arg2[%scan3A_2220#1, %dma_start3A_3109] : memref<1024x1024xf32, #tpu.memory_space<hbm>> -> memref<1x1024xf32, #tpu.memory_space<hbm>>
        %dma_start3A_3111 = tpu.memref_squeeze %dma_start3A_3110 : memref<1x1024xf32, #tpu.memory_space<hbm>> -> memref<1024xf32, #tpu.memory_space<hbm>>
        tpu.enqueue_dma source(%dma_start3A_3111 : memref<1024xf32, #tpu.memory_space<hbm>>) target(%arg15 : memref<1024xf32, #tpu.memory_space<vmem>>) target_semaphore(%run_scoped3A : memref<!tpu.dma_semaphore, #tpu.memory_space<semaphore_mem>>)
        %dma_wait3A_3112 = arith.constant 0 : i32
        %dma_wait3A_3113 = tpu.memref_slice %arg2[%scan3A_2220#1, %dma_wait3A_3112] : memref<1024x1024xf32, #tpu.memory_space<hbm>> -> memref<1x1024xf32, #tpu.memory_space<hbm>>
        %dma_wait3A_3114 = tpu.memref_squeeze %dma_wait3A_3113 : memref<1x1024xf32, #tpu.memory_space<hbm>> -> memref<1024xf32, #tpu.memory_space<hbm>>
        %dma_wait3A_3115 = arith.constant 0 : i32
        %dma_wait3A_3116 = tpu.memref_slice %arg2[%scan3A_2220#1, %dma_wait3A_3115] : memref<1024x1024xf32, #tpu.memory_space<hbm>> -> memref<1x1024xf32, #tpu.memory_space<hbm>>
        %dma_wait3A_3117 = tpu.memref_squeeze %dma_wait3A_3116 : memref<1x1024xf32, #tpu.memory_space<hbm>> -> memref<1024xf32, #tpu.memory_space<hbm>>
        tpu.wait_dma2 semaphore(%run_scoped3A : memref<!tpu.dma_semaphore, #tpu.memory_space<semaphore_mem>>) src(%dma_wait3A_3117 : memref<1024xf32, #tpu.memory_space<hbm>>) dst(%arg15 : memref<1024xf32, #tpu.memory_space<vmem>>)
        tpu.yield
      }) : () -> ()
      %scan3A_2222 = arith.constant 0 : i32
      %scan3A_2223 = arith.constant 0 : i32
      %scan3A_2224 = arith.constant 0 : i32
      %scan3A_2225 = arith.constant 64 : i32
      %scan3A_2226 = arith.addi %scan3A_2224, %scan3A_2225 : i32
      %scan3A_2227 = arith.constant 1 : i32
      %scan3A_2228:3 = scf.for %scan3A_3106 = %scan3A_2224 to %scan3A_2226 step %scan3A_2227 iter_args(%scan3A_3107 = %scan3A_2222, %scan3A_3108 = %scan3A_2223, %scan3A_3109 = %scan3A_2220#2) -> (i32, i32, i32)  : i32 {
        %mul3A_3110 = arith.constant 16 : i32
        %mul3A_3111 = arith.muli %scan3A_3106, %mul3A_3110 : i32
        %get3A_3112 = arith.index_cast %mul3A_3111 : i32 to index
        %get3A_3113 = tpu.vector_load %arg15[%get3A_3112] {strides = array<i32>} : memref<1024xf32, #tpu.memory_space<vmem>>, vector<16xf32>,
        %eq3A_3114 = arith.constant 2.000000e+00 : f32
        %eq3A_3115 = vector.broadcast %eq3A_3114 : f32 to vector<16xf32>
        %eq3A_3116 = arith.cmpf oeq, %get3A_3113, %eq3A_3115 : vector<16xf32>
        %jit3A_3117 = arith.constant 1 : i32
        %jit3A_3118 = arith.constant 0 : i32
        %broadcast_in_dim3A_3119 = vector.broadcast %jit3A_3117 : i32 to vector<16xi32>
        %broadcast_in_dim3A_3120 = vector.broadcast %jit3A_3118 : i32 to vector<16xi32>
        %select_n3A_3121 = arith.select %eq3A_3116, %broadcast_in_dim3A_3119, %broadcast_in_dim3A_3120 : vector<16xi1>, vector<16xi32>
        %reduce_sum3A_3122 = arith.constant true
        %reduce_sum3A_3123 = vector.broadcast %reduce_sum3A_3122 : i1 to vector<16xi1>
        %reduce_sum3A_3124 = tpu.scan <sum>, %select_n3A_3121 masked %reduce_sum3A_3123 : vector<16xi32>, vector<16xi1> -> vector<16xi32>
        %reduce_sum3A_3125 = vector.extract %reduce_sum3A_3124[15] : i32 from vector<16xi32>
        %cumsum3A_3126 = arith.constant true
        %cumsum3A_3127 = vector.broadcast %cumsum3A_3126 : i1 to vector<16xi1>
        %cumsum3A_3128 = tpu.scan <sum>, %select_n3A_3121 masked %cumsum3A_3127 : vector<16xi32>, vector<16xi1> -> vector<16xi32>
        %eq3A_3129 = arith.constant 0 : i32
        %eq3A_3130 = arith.cmpi eq, %scan3A_3107, %eq3A_3129 : i32
        %gt3A_3131 = arith.cmpi sgt, %reduce_sum3A_3125, %scan3A_3109 : i32
        %and3A_3132 = arith.andi %eq3A_3130, %gt3A_3131 : i1
        %gt3A_3133 = vector.broadcast %scan3A_3109 : i32 to vector<16xi32>
        %gt3A_3134 = arith.cmpi sgt, %cumsum3A_3128, %gt3A_3133 : vector<16xi32>
        %jit3A_3135 = arith.constant 16 : i32
        %broadcast_in_dim3A_3136 = vector.broadcast %jit3A_3135 : i32 to vector<16xi32>
        %select_n3A_3137 = arith.select %gt3A_3134, %iota3A, %broadcast_in_dim3A_3136 : vector<16xi1>, vector<16xi32>
        %reduce_min3A_3138 = arith.constant true
        %reduce_min3A_3139 = vector.broadcast %reduce_min3A_3138 : i1 to vector<16xi1>
        %reduce_min3A_3140 = arith.constant -2147483648 : i32
        %reduce_min3A_3141 = vector.broadcast %reduce_min3A_3140 : i32 to vector<16xi32>
        %reduce_min3A_3142 = arith.xori %select_n3A_3137, %reduce_min3A_3141 : vector<16xi32>
        %reduce_min3A_3143 = tpu.scan <min>, %reduce_min3A_3142 masked %reduce_min3A_3139 : vector<16xi32>, vector<16xi1> -> vector<16xi32>
        %reduce_min3A_3144 = arith.xori %reduce_min3A_3143, %reduce_min3A_3141 : vector<16xi32>
        %reduce_min3A_3145 = vector.extract %reduce_min3A_3144[15] : i32 from vector<16xi32>
        %mul3A_3146 = arith.constant 16 : i32
        %mul3A_3147 = arith.muli %scan3A_3106, %mul3A_3146 : i32
        %add3A_3148 = arith.addi %mul3A_3147, %reduce_min3A_3145 : i32
        %select_n3A_3149 = arith.select %and3A_3132, %add3A_3148, %scan3A_3108 : i32
        %eq3A_3150 = arith.constant 0 : i32
        %eq3A_3151 = arith.cmpi eq, %scan3A_3107, %eq3A_3150 : i32
        %not3A = arith.constant true
        %not3A_3152 = arith.xori %and3A_3132, %not3A : i1
        %and3A_3153 = arith.andi %eq3A_3151, %not3A_3152 : i1
        %sub3A_3154 = arith.subi %scan3A_3109, %reduce_sum3A_3125 : i32
        %select_n3A_3155 = arith.select %and3A_3153, %sub3A_3154, %scan3A_3109 : i32
        %jit3A_3156 = arith.constant 1 : i32
        %select_n3A_3157 = arith.select %and3A_3132, %jit3A_3156, %scan3A_3107 : i32
        scf.yield %select_n3A_3157, %select_n3A_3149, %select_n3A_3155 : i32, i32, i32
      }
      %scan3A_2229 = arith.constant 64 : i32
      %gt3A_2230 = arith.constant 0 : i32
      %gt3A_2231 = arith.cmpi sgt, %reduce_sum3A_2101, %gt3A_2230 : i32
      %and3A_2232 = arith.andi %lt3A_1089, %gt3A_2231 : i1
      %mul3A_2233 = arith.constant 1024 : i32
      %mul3A_2234 = arith.muli %scan3A_2220#1, %mul3A_2233 : i32
      %add3A_2235 = arith.addi %mul3A_2234, %scan3A_2228#1 : i32
      %shift_right_arithmetic3A = arith.constant 10 : i32
      %shift_right_arithmetic3A_2236 = vector.broadcast %shift_right_arithmetic3A : i32 to vector<16xi32>
      %shift_right_arithmetic3A_2237 = arith.shrsi %get3A_232, %shift_right_arithmetic3A_2236 : vector<16xi32>
      %and3A_2238 = arith.constant 1023 : i32
      %and3A_2239 = vector.broadcast %and3A_2238 : i32 to vector<16xi32>
      %and3A_2240 = arith.andi %get3A_232, %and3A_2239 : vector<16xi32>
      %jit3A_2241 = arith.constant 0 : i32
      %jit3A_2242 = arith.constant 4 : i32
      %max3A = vector.broadcast %jit3A_2241 : i32 to vector<16xi32>
      %max3A_2243 = arith.maxsi %max3A, %gather3A_247 : vector<16xi32>
      %min3A = vector.broadcast %jit3A_2242 : i32 to vector<16xi32>
      %min3A_2244 = arith.minsi %min3A, %max3A_2243 : vector<16xi32>
      %eq3A_2245 = arith.constant 1 : i32
      %eq3A_2246 = vector.broadcast %eq3A_2245 : i32 to vector<16xi32>
      %eq3A_2247 = arith.cmpi eq, %min3A_2244, %eq3A_2246 : vector<16xi32>
      %jit3A_2248 = arith.constant -1 : i32
      %jit3A_2249 = arith.constant 0 : i32
      %broadcast_in_dim3A_2250 = vector.broadcast %jit3A_2248 : i32 to vector<16xi32>
      %broadcast_in_dim3A_2251 = vector.broadcast %jit3A_2249 : i32 to vector<16xi32>
      %select_n3A_2252 = arith.select %eq3A_2247, %broadcast_in_dim3A_2250, %broadcast_in_dim3A_2251 : vector<16xi1>, vector<16xi32>
      %eq3A_2253 = arith.constant 2 : i32
      %eq3A_2254 = vector.broadcast %eq3A_2253 : i32 to vector<16xi32>
      %eq3A_2255 = arith.cmpi eq, %min3A_2244, %eq3A_2254 : vector<16xi32>
      %jit3A_2256 = arith.constant 1 : i32
      %jit3A_2257 = arith.constant 0 : i32
      %broadcast_in_dim3A_2258 = vector.broadcast %jit3A_2256 : i32 to vector<16xi32>
      %broadcast_in_dim3A_2259 = vector.broadcast %jit3A_2257 : i32 to vector<16xi32>
      %select_n3A_2260 = arith.select %eq3A_2255, %broadcast_in_dim3A_2258, %broadcast_in_dim3A_2259 : vector<16xi1>, vector<16xi32>
      %add3A_2261 = arith.addi %select_n3A_2252, %select_n3A_2260 : vector<16xi32>
      %eq3A_2262 = arith.constant 3 : i32
      %eq3A_2263 = vector.broadcast %eq3A_2262 : i32 to vector<16xi32>
      %eq3A_2264 = arith.cmpi eq, %min3A_2244, %eq3A_2263 : vector<16xi32>
      %jit3A_2265 = arith.constant -1 : i32
      %jit3A_2266 = arith.constant 0 : i32
      %broadcast_in_dim3A_2267 = vector.broadcast %jit3A_2265 : i32 to vector<16xi32>
      %broadcast_in_dim3A_2268 = vector.broadcast %jit3A_2266 : i32 to vector<16xi32>
      %select_n3A_2269 = arith.select %eq3A_2264, %broadcast_in_dim3A_2267, %broadcast_in_dim3A_2268 : vector<16xi1>, vector<16xi32>
      %eq3A_2270 = arith.constant 4 : i32
      %eq3A_2271 = vector.broadcast %eq3A_2270 : i32 to vector<16xi32>
      %eq3A_2272 = arith.cmpi eq, %min3A_2244, %eq3A_2271 : vector<16xi32>
      %jit3A_2273 = arith.constant 1 : i32
      %jit3A_2274 = arith.constant 0 : i32
      %broadcast_in_dim3A_2275 = vector.broadcast %jit3A_2273 : i32 to vector<16xi32>
      %broadcast_in_dim3A_2276 = vector.broadcast %jit3A_2274 : i32 to vector<16xi32>
      %select_n3A_2277 = arith.select %eq3A_2272, %broadcast_in_dim3A_2275, %broadcast_in_dim3A_2276 : vector<16xi1>, vector<16xi32>
      %add3A_2278 = arith.addi %select_n3A_2269, %select_n3A_2277 : vector<16xi32>
      %add3A_2279 = arith.addi %shift_right_arithmetic3A_2237, %add3A_2261 : vector<16xi32>
      %jit3A_2280 = arith.constant 0 : i32
      %jit3A_2281 = arith.constant 1023 : i32
      %max3A_2282 = vector.broadcast %jit3A_2280 : i32 to vector<16xi32>
      %max3A_2283 = arith.maxsi %max3A_2282, %add3A_2279 : vector<16xi32>
      %min3A_2284 = vector.broadcast %jit3A_2281 : i32 to vector<16xi32>
      %min3A_2285 = arith.minsi %min3A_2284, %max3A_2283 : vector<16xi32>
      %add3A_2286 = arith.addi %and3A_2240, %add3A_2278 : vector<16xi32>
      %jit3A_2287 = arith.constant 0 : i32
      %jit3A_2288 = arith.constant 1023 : i32
      %max3A_2289 = vector.broadcast %jit3A_2287 : i32 to vector<16xi32>
      %max3A_2290 = arith.maxsi %max3A_2289, %add3A_2286 : vector<16xi32>
      %min3A_2291 = vector.broadcast %jit3A_2288 : i32 to vector<16xi32>
      %min3A_2292 = arith.minsi %min3A_2291, %max3A_2290 : vector<16xi32>
      %mul3A_2293 = arith.constant 1024 : i32
      %mul3A_2294 = vector.broadcast %mul3A_2293 : i32 to vector<16xi32>
      %mul3A_2295 = arith.muli %min3A_2285, %mul3A_2294 : vector<16xi32>
      %add3A_2296 = arith.addi %mul3A_2295, %min3A_2292 : vector<16xi32>
      %swap3A_2297 = arith.constant 0 : index
      %swap3A_2298 = tpu.vector_load %arg20[%swap3A_2297] {strides = array<i32>} : memref<16xi32, #tpu.memory_space<vmem>>, vector<16xi32>,
      tpu.vector_store %arg20[%swap3A_2297], %add3A_2296 {strides = array<i32>} : memref<16xi32, #tpu.memory_space<vmem>>, vector<16xi32>,
      %slice3A_2299 = vector.extract_strided_slice %min3A_2285 {offsets = [0], sizes = [1], strides = [1]} : vector<16xi32> to vector<1xi32>
      %squeeze3A_2300 = vector.extract %slice3A_2299[0] : i32 from vector<1xi32>
      %select_n3A_2301 = arith.select %and3A_2232, %scan3A_2220#1, %squeeze3A_2300 : i32
      %lt3A_2302 = arith.constant 8 : i32
      %lt3A_2303 = vector.broadcast %lt3A_2302 : i32 to vector<16xi32>
      %lt3A_2304 = arith.cmpi slt, %iota3A, %lt3A_2303 : vector<16xi32>
      %eq3A_2305 = arith.constant 8 : i32
      %eq3A_2306 = vector.broadcast %eq3A_2305 : i32 to vector<16xi32>
      %eq3A_2307 = arith.cmpi eq, %iota3A, %eq3A_2306 : vector<16xi32>
      %broadcast_in_dim3A_2308 = vector.broadcast %select_n3A_2301 : i32 to vector<16xi32>
      %broadcast_in_dim3A_2309 = vector.broadcast %squeeze3A_2300 : i32 to vector<16xi32>
      %select_n3A_2310 = arith.select %eq3A_2307, %broadcast_in_dim3A_2308, %broadcast_in_dim3A_2309 : vector<16xi1>, vector<16xi32>
      %select_n3A_2311 = arith.select %lt3A_2304, %min3A_2285, %select_n3A_2310 : vector<16xi1>, vector<16xi32>
      %swap3A_2312 = arith.constant 0 : index
      %swap3A_2313 = tpu.vector_load %arg19[%swap3A_2312] {strides = array<i32>} : memref<16xi32, #tpu.memory_space<vmem>>, vector<16xi32>,
      tpu.vector_store %arg19[%swap3A_2312], %select_n3A_2311 {strides = array<i32>} : memref<16xi32, #tpu.memory_space<vmem>>, vector<16xi32>,
      %dma_start3A_2314 = arith.constant 0 : i32
      %dma_start3A_2315 = arith.constant 0 : i32
      %dma_start3A_2316 = tpu.memref_slice %arg2[%dma_start3A_2314, %dma_start3A_2315] : memref<1024x1024xf32, #tpu.memory_space<hbm>> -> memref<1024x1024xf32, #tpu.memory_space<hbm>>
      tpu.enqueue_indirect_dma source(%dma_start3A_2316 : memref<1024x1024xf32, #tpu.memory_space<hbm>>) target(%arg18 : memref<16x1024xf32, #tpu.memory_space<vmem>>) offsets(%arg19 : memref<16xi32, #tpu.memory_space<vmem>>) semaphore(%arg27 : memref<!tpu.dma_semaphore, #tpu.memory_space<semaphore_mem>>)
      %dma_wait3A_2317 = arith.constant 0 : i32
      %dma_wait3A_2318 = arith.constant 0 : i32
      %dma_wait3A_2319 = tpu.memref_slice %arg2[%dma_wait3A_2317, %dma_wait3A_2318] : memref<1024x1024xf32, #tpu.memory_space<hbm>> -> memref<1024x1024xf32, #tpu.memory_space<hbm>>
      tpu.wait_indirect_dma semaphore(%arg27 : memref<!tpu.dma_semaphore, #tpu.memory_space<semaphore_mem>>) src(%dma_wait3A_2319 : memref<1024x1024xf32, #tpu.memory_space<hbm>>) dst(%arg18 : memref<16x1024xf32, #tpu.memory_space<vmem>>)
      %gather3A_2320 = tpu.vector_load_idx %arg18[%iota3A, %min3A_2292] : memref<16x1024xf32, #tpu.memory_space<vmem>>[vector<16xi32>, vector<16xi32>], vector<16xf32>,
      %eq3A_2321 = vector.broadcast %add3A_2235 : i32 to vector<16xi32>
      %eq3A_2322 = arith.cmpi eq, %add3A_2296, %eq3A_2321 : vector<16xi32>
      %and3A_2323 = vector.broadcast %and3A_2232 : i1 to vector<16xi1>
      %and3A_2324 = arith.andi %and3A_2323, %eq3A_2322 : vector<16xi1>
      %jit3A_2325 = arith.constant 1 : i32
      %convert_element_type3A_2326 = arith.sitofp %jit3A_2325 : i32 to f32
      %broadcast_in_dim3A_2327 = vector.broadcast %convert_element_type3A_2326 : f32 to vector<16xf32>
      %select_n3A_2328 = arith.select %and3A_2324, %broadcast_in_dim3A_2327, %gather3A_2320 : vector<16xi1>, vector<16xf32>
      %broadcast_in_dim3A_2329 = arith.constant 0 : i32
      %broadcast_in_dim3A_2330 = vector.broadcast %broadcast_in_dim3A_2329 : i32 to vector<16xi32>
      %gt3A_2331 = arith.constant 0 : i32
      %gt3A_2332 = vector.broadcast %gt3A_2331 : i32 to vector<16xi32>
      %gt3A_2333 = arith.cmpi sgt, %broadcast_in_dim3A_2330, %gt3A_2332 : vector<16xi32>
      %slice3A_2334 = vector.extract_strided_slice %add3A_2296 {offsets = [7], sizes = [1], strides = [1]} : vector<16xi32> to vector<1xi32>
      %squeeze3A_2335 = vector.extract %slice3A_2334[0] : i32 from vector<1xi32>
      %eq3A_2336 = vector.broadcast %squeeze3A_2335 : i32 to vector<16xi32>
      %eq3A_2337 = arith.cmpi eq, %add3A_2296, %eq3A_2336 : vector<16xi32>
      %and3A_2338 = arith.andi %gt3A_2333, %eq3A_2337 : vector<16xi1>
      %jit3A_2339 = arith.constant 1 : i32
      %jit3A_2340 = arith.constant 0 : i32
      %broadcast_in_dim3A_2341 = vector.broadcast %jit3A_2339 : i32 to vector<16xi32>
      %broadcast_in_dim3A_2342 = vector.broadcast %jit3A_2340 : i32 to vector<16xi32>
      %select_n3A_2343 = arith.select %and3A_2338, %broadcast_in_dim3A_2341, %broadcast_in_dim3A_2342 : vector<16xi1>, vector<16xi32>
      %reduce_sum3A_2344 = arith.constant true
      %reduce_sum3A_2345 = vector.broadcast %reduce_sum3A_2344 : i1 to vector<16xi1>
      %reduce_sum3A_2346 = tpu.scan <sum>, %select_n3A_2343 masked %reduce_sum3A_2345 : vector<16xi32>, vector<16xi1> -> vector<16xi32>
      %reduce_sum3A_2347 = vector.extract %reduce_sum3A_2346[15] : i32 from vector<16xi32>
      %gt3A_2348 = arith.constant 0 : i32
      %gt3A_2349 = arith.cmpi sgt, %reduce_sum3A_2347, %gt3A_2348 : i32
      %slice3A_2350 = vector.extract_strided_slice %select_n3A_2328 {offsets = [7], sizes = [1], strides = [1]} : vector<16xf32> to vector<1xf32>
      %squeeze3A_2351 = vector.extract %slice3A_2350[0] : f32 from vector<1xf32>
      %jit3A_2352 = arith.constant 2 : i32
      %convert_element_type3A_2353 = arith.sitofp %jit3A_2352 : i32 to f32
      %select_n3A_2354 = arith.select %gt3A_2349, %convert_element_type3A_2353, %squeeze3A_2351 : f32
      %slice3A_2355 = vector.extract_strided_slice %gather3A {offsets = [7], sizes = [1], strides = [1]} : vector<16xi32> to vector<1xi32>
      %squeeze3A_2356 = vector.extract %slice3A_2355[0] : i32 from vector<1xi32>
      %ge3A = arith.constant 1 : i32
      %ge3A_2357 = arith.cmpi sge, %squeeze3A_2356, %ge3A : i32
      %eq3A_2358 = arith.constant 1.000000e+00 : f32
      %eq3A_2359 = arith.cmpf oeq, %select_n3A_2354, %eq3A_2358 : f32
      %and3A_2360 = arith.andi %ge3A_2357, %eq3A_2359 : i1
      %eq3A_2361 = arith.constant 7 : i32
      %eq3A_2362 = vector.broadcast %eq3A_2361 : i32 to vector<16xi32>
      %eq3A_2363 = arith.cmpi eq, %iota3A, %eq3A_2362 : vector<16xi32>
      %and3A_2364 = vector.broadcast %and3A_2360 : i1 to vector<16xi1>
      %and3A_2365 = arith.andi %eq3A_2363, %and3A_2364 : vector<16xi1>
      %jit3A_2366 = arith.constant 1 : i32
      %broadcast_in_dim3A_2367 = vector.broadcast %jit3A_2366 : i32 to vector<16xi32>
      %select_n3A_2368 = arith.select %and3A_2365, %broadcast_in_dim3A_2367, %broadcast_in_dim3A_2330 : vector<16xi1>, vector<16xi32>
      %gt3A_2369 = arith.constant 0 : i32
      %gt3A_2370 = vector.broadcast %gt3A_2369 : i32 to vector<16xi32>
      %gt3A_2371 = arith.cmpi sgt, %select_n3A_2368, %gt3A_2370 : vector<16xi32>
      %slice3A_2372 = vector.extract_strided_slice %add3A_2296 {offsets = [6], sizes = [1], strides = [1]} : vector<16xi32> to vector<1xi32>
      %squeeze3A_2373 = vector.extract %slice3A_2372[0] : i32 from vector<1xi32>
      %eq3A_2374 = vector.broadcast %squeeze3A_2373 : i32 to vector<16xi32>
      %eq3A_2375 = arith.cmpi eq, %add3A_2296, %eq3A_2374 : vector<16xi32>
      %and3A_2376 = arith.andi %gt3A_2371, %eq3A_2375 : vector<16xi1>
      %jit3A_2377 = arith.constant 1 : i32
      %jit3A_2378 = arith.constant 0 : i32
      %broadcast_in_dim3A_2379 = vector.broadcast %jit3A_2377 : i32 to vector<16xi32>
      %broadcast_in_dim3A_2380 = vector.broadcast %jit3A_2378 : i32 to vector<16xi32>
      %select_n3A_2381 = arith.select %and3A_2376, %broadcast_in_dim3A_2379, %broadcast_in_dim3A_2380 : vector<16xi1>, vector<16xi32>
      %reduce_sum3A_2382 = arith.constant true
      %reduce_sum3A_2383 = vector.broadcast %reduce_sum3A_2382 : i1 to vector<16xi1>
      %reduce_sum3A_2384 = tpu.scan <sum>, %select_n3A_2381 masked %reduce_sum3A_2383 : vector<16xi32>, vector<16xi1> -> vector<16xi32>
      %reduce_sum3A_2385 = vector.extract %reduce_sum3A_2384[15] : i32 from vector<16xi32>
      %gt3A_2386 = arith.constant 0 : i32
      %gt3A_2387 = arith.cmpi sgt, %reduce_sum3A_2385, %gt3A_2386 : i32
      %slice3A_2388 = vector.extract_strided_slice %select_n3A_2328 {offsets = [6], sizes = [1], strides = [1]} : vector<16xf32> to vector<1xf32>
      %squeeze3A_2389 = vector.extract %slice3A_2388[0] : f32 from vector<1xf32>
      %jit3A_2390 = arith.constant 2 : i32
      %convert_element_type3A_2391 = arith.sitofp %jit3A_2390 : i32 to f32
      %select_n3A_2392 = arith.select %gt3A_2387, %convert_element_type3A_2391, %squeeze3A_2389 : f32
      %slice3A_2393 = vector.extract_strided_slice %gather3A {offsets = [6], sizes = [1], strides = [1]} : vector<16xi32> to vector<1xi32>
      %squeeze3A_2394 = vector.extract %slice3A_2393[0] : i32 from vector<1xi32>
      %ge3A_2395 = arith.constant 1 : i32
      %ge3A_2396 = arith.cmpi sge, %squeeze3A_2394, %ge3A_2395 : i32
      %eq3A_2397 = arith.constant 1.000000e+00 : f32
      %eq3A_2398 = arith.cmpf oeq, %select_n3A_2392, %eq3A_2397 : f32
      %and3A_2399 = arith.andi %ge3A_2396, %eq3A_2398 : i1
      %eq3A_2400 = arith.constant 6 : i32
      %eq3A_2401 = vector.broadcast %eq3A_2400 : i32 to vector<16xi32>
      %eq3A_2402 = arith.cmpi eq, %iota3A, %eq3A_2401 : vector<16xi32>
      %and3A_2403 = vector.broadcast %and3A_2399 : i1 to vector<16xi1>
      %and3A_2404 = arith.andi %eq3A_2402, %and3A_2403 : vector<16xi1>
      %jit3A_2405 = arith.constant 1 : i32
      %broadcast_in_dim3A_2406 = vector.broadcast %jit3A_2405 : i32 to vector<16xi32>
      %select_n3A_2407 = arith.select %and3A_2404, %broadcast_in_dim3A_2406, %select_n3A_2368 : vector<16xi1>, vector<16xi32>
      %gt3A_2408 = arith.constant 0 : i32
      %gt3A_2409 = vector.broadcast %gt3A_2408 : i32 to vector<16xi32>
      %gt3A_2410 = arith.cmpi sgt, %select_n3A_2407, %gt3A_2409 : vector<16xi32>
      %slice3A_2411 = vector.extract_strided_slice %add3A_2296 {offsets = [5], sizes = [1], strides = [1]} : vector<16xi32> to vector<1xi32>
      %squeeze3A_2412 = vector.extract %slice3A_2411[0] : i32 from vector<1xi32>
      %eq3A_2413 = vector.broadcast %squeeze3A_2412 : i32 to vector<16xi32>
      %eq3A_2414 = arith.cmpi eq, %add3A_2296, %eq3A_2413 : vector<16xi32>
      %and3A_2415 = arith.andi %gt3A_2410, %eq3A_2414 : vector<16xi1>
      %jit3A_2416 = arith.constant 1 : i32
      %jit3A_2417 = arith.constant 0 : i32
      %broadcast_in_dim3A_2418 = vector.broadcast %jit3A_2416 : i32 to vector<16xi32>
      %broadcast_in_dim3A_2419 = vector.broadcast %jit3A_2417 : i32 to vector<16xi32>
      %select_n3A_2420 = arith.select %and3A_2415, %broadcast_in_dim3A_2418, %broadcast_in_dim3A_2419 : vector<16xi1>, vector<16xi32>
      %reduce_sum3A_2421 = arith.constant true
      %reduce_sum3A_2422 = vector.broadcast %reduce_sum3A_2421 : i1 to vector<16xi1>
      %reduce_sum3A_2423 = tpu.scan <sum>, %select_n3A_2420 masked %reduce_sum3A_2422 : vector<16xi32>, vector<16xi1> -> vector<16xi32>
      %reduce_sum3A_2424 = vector.extract %reduce_sum3A_2423[15] : i32 from vector<16xi32>
      %gt3A_2425 = arith.constant 0 : i32
      %gt3A_2426 = arith.cmpi sgt, %reduce_sum3A_2424, %gt3A_2425 : i32
      %slice3A_2427 = vector.extract_strided_slice %select_n3A_2328 {offsets = [5], sizes = [1], strides = [1]} : vector<16xf32> to vector<1xf32>
      %squeeze3A_2428 = vector.extract %slice3A_2427[0] : f32 from vector<1xf32>
      %jit3A_2429 = arith.constant 2 : i32
      %convert_element_type3A_2430 = arith.sitofp %jit3A_2429 : i32 to f32
      %select_n3A_2431 = arith.select %gt3A_2426, %convert_element_type3A_2430, %squeeze3A_2428 : f32
      %slice3A_2432 = vector.extract_strided_slice %gather3A {offsets = [5], sizes = [1], strides = [1]} : vector<16xi32> to vector<1xi32>
      %squeeze3A_2433 = vector.extract %slice3A_2432[0] : i32 from vector<1xi32>
      %ge3A_2434 = arith.constant 1 : i32
      %ge3A_2435 = arith.cmpi sge, %squeeze3A_2433, %ge3A_2434 : i32
      %eq3A_2436 = arith.constant 1.000000e+00 : f32
      %eq3A_2437 = arith.cmpf oeq, %select_n3A_2431, %eq3A_2436 : f32
      %and3A_2438 = arith.andi %ge3A_2435, %eq3A_2437 : i1
      %eq3A_2439 = arith.constant 5 : i32
      %eq3A_2440 = vector.broadcast %eq3A_2439 : i32 to vector<16xi32>
      %eq3A_2441 = arith.cmpi eq, %iota3A, %eq3A_2440 : vector<16xi32>
      %and3A_2442 = vector.broadcast %and3A_2438 : i1 to vector<16xi1>
      %and3A_2443 = arith.andi %eq3A_2441, %and3A_2442 : vector<16xi1>
      %jit3A_2444 = arith.constant 1 : i32
      %broadcast_in_dim3A_2445 = vector.broadcast %jit3A_2444 : i32 to vector<16xi32>
      %select_n3A_2446 = arith.select %and3A_2443, %broadcast_in_dim3A_2445, %select_n3A_2407 : vector<16xi1>, vector<16xi32>
      %gt3A_2447 = arith.constant 0 : i32
      %gt3A_2448 = vector.broadcast %gt3A_2447 : i32 to vector<16xi32>
      %gt3A_2449 = arith.cmpi sgt, %select_n3A_2446, %gt3A_2448 : vector<16xi32>
      %slice3A_2450 = vector.extract_strided_slice %add3A_2296 {offsets = [4], sizes = [1], strides = [1]} : vector<16xi32> to vector<1xi32>
      %squeeze3A_2451 = vector.extract %slice3A_2450[0] : i32 from vector<1xi32>
      %eq3A_2452 = vector.broadcast %squeeze3A_2451 : i32 to vector<16xi32>
      %eq3A_2453 = arith.cmpi eq, %add3A_2296, %eq3A_2452 : vector<16xi32>
      %and3A_2454 = arith.andi %gt3A_2449, %eq3A_2453 : vector<16xi1>
      %jit3A_2455 = arith.constant 1 : i32
      %jit3A_2456 = arith.constant 0 : i32
      %broadcast_in_dim3A_2457 = vector.broadcast %jit3A_2455 : i32 to vector<16xi32>
      %broadcast_in_dim3A_2458 = vector.broadcast %jit3A_2456 : i32 to vector<16xi32>
      %select_n3A_2459 = arith.select %and3A_2454, %broadcast_in_dim3A_2457, %broadcast_in_dim3A_2458 : vector<16xi1>, vector<16xi32>
      %reduce_sum3A_2460 = arith.constant true
      %reduce_sum3A_2461 = vector.broadcast %reduce_sum3A_2460 : i1 to vector<16xi1>
      %reduce_sum3A_2462 = tpu.scan <sum>, %select_n3A_2459 masked %reduce_sum3A_2461 : vector<16xi32>, vector<16xi1> -> vector<16xi32>
      %reduce_sum3A_2463 = vector.extract %reduce_sum3A_2462[15] : i32 from vector<16xi32>
      %gt3A_2464 = arith.constant 0 : i32
      %gt3A_2465 = arith.cmpi sgt, %reduce_sum3A_2463, %gt3A_2464 : i32
      %slice3A_2466 = vector.extract_strided_slice %select_n3A_2328 {offsets = [4], sizes = [1], strides = [1]} : vector<16xf32> to vector<1xf32>
      %squeeze3A_2467 = vector.extract %slice3A_2466[0] : f32 from vector<1xf32>
      %jit3A_2468 = arith.constant 2 : i32
      %convert_element_type3A_2469 = arith.sitofp %jit3A_2468 : i32 to f32
      %select_n3A_2470 = arith.select %gt3A_2465, %convert_element_type3A_2469, %squeeze3A_2467 : f32
      %slice3A_2471 = vector.extract_strided_slice %gather3A {offsets = [4], sizes = [1], strides = [1]} : vector<16xi32> to vector<1xi32>
      %squeeze3A_2472 = vector.extract %slice3A_2471[0] : i32 from vector<1xi32>
      %ge3A_2473 = arith.constant 1 : i32
      %ge3A_2474 = arith.cmpi sge, %squeeze3A_2472, %ge3A_2473 : i32
      %eq3A_2475 = arith.constant 1.000000e+00 : f32
      %eq3A_2476 = arith.cmpf oeq, %select_n3A_2470, %eq3A_2475 : f32
      %and3A_2477 = arith.andi %ge3A_2474, %eq3A_2476 : i1
      %eq3A_2478 = arith.constant 4 : i32
      %eq3A_2479 = vector.broadcast %eq3A_2478 : i32 to vector<16xi32>
      %eq3A_2480 = arith.cmpi eq, %iota3A, %eq3A_2479 : vector<16xi32>
      %and3A_2481 = vector.broadcast %and3A_2477 : i1 to vector<16xi1>
      %and3A_2482 = arith.andi %eq3A_2480, %and3A_2481 : vector<16xi1>
      %jit3A_2483 = arith.constant 1 : i32
      %broadcast_in_dim3A_2484 = vector.broadcast %jit3A_2483 : i32 to vector<16xi32>
      %select_n3A_2485 = arith.select %and3A_2482, %broadcast_in_dim3A_2484, %select_n3A_2446 : vector<16xi1>, vector<16xi32>
      %gt3A_2486 = arith.constant 0 : i32
      %gt3A_2487 = vector.broadcast %gt3A_2486 : i32 to vector<16xi32>
      %gt3A_2488 = arith.cmpi sgt, %select_n3A_2485, %gt3A_2487 : vector<16xi32>
      %slice3A_2489 = vector.extract_strided_slice %add3A_2296 {offsets = [3], sizes = [1], strides = [1]} : vector<16xi32> to vector<1xi32>
      %squeeze3A_2490 = vector.extract %slice3A_2489[0] : i32 from vector<1xi32>
      %eq3A_2491 = vector.broadcast %squeeze3A_2490 : i32 to vector<16xi32>
      %eq3A_2492 = arith.cmpi eq, %add3A_2296, %eq3A_2491 : vector<16xi32>
      %and3A_2493 = arith.andi %gt3A_2488, %eq3A_2492 : vector<16xi1>
      %jit3A_2494 = arith.constant 1 : i32
      %jit3A_2495 = arith.constant 0 : i32
      %broadcast_in_dim3A_2496 = vector.broadcast %jit3A_2494 : i32 to vector<16xi32>
      %broadcast_in_dim3A_2497 = vector.broadcast %jit3A_2495 : i32 to vector<16xi32>
      %select_n3A_2498 = arith.select %and3A_2493, %broadcast_in_dim3A_2496, %broadcast_in_dim3A_2497 : vector<16xi1>, vector<16xi32>
      %reduce_sum3A_2499 = arith.constant true
      %reduce_sum3A_2500 = vector.broadcast %reduce_sum3A_2499 : i1 to vector<16xi1>
      %reduce_sum3A_2501 = tpu.scan <sum>, %select_n3A_2498 masked %reduce_sum3A_2500 : vector<16xi32>, vector<16xi1> -> vector<16xi32>
      %reduce_sum3A_2502 = vector.extract %reduce_sum3A_2501[15] : i32 from vector<16xi32>
      %gt3A_2503 = arith.constant 0 : i32
      %gt3A_2504 = arith.cmpi sgt, %reduce_sum3A_2502, %gt3A_2503 : i32
      %slice3A_2505 = vector.extract_strided_slice %select_n3A_2328 {offsets = [3], sizes = [1], strides = [1]} : vector<16xf32> to vector<1xf32>
      %squeeze3A_2506 = vector.extract %slice3A_2505[0] : f32 from vector<1xf32>
      %jit3A_2507 = arith.constant 2 : i32
      %convert_element_type3A_2508 = arith.sitofp %jit3A_2507 : i32 to f32
      %select_n3A_2509 = arith.select %gt3A_2504, %convert_element_type3A_2508, %squeeze3A_2506 : f32
      %slice3A_2510 = vector.extract_strided_slice %gather3A {offsets = [3], sizes = [1], strides = [1]} : vector<16xi32> to vector<1xi32>
      %squeeze3A_2511 = vector.extract %slice3A_2510[0] : i32 from vector<1xi32>
      %ge3A_2512 = arith.constant 1 : i32
      %ge3A_2513 = arith.cmpi sge, %squeeze3A_2511, %ge3A_2512 : i32
      %eq3A_2514 = arith.constant 1.000000e+00 : f32
      %eq3A_2515 = arith.cmpf oeq, %select_n3A_2509, %eq3A_2514 : f32
      %and3A_2516 = arith.andi %ge3A_2513, %eq3A_2515 : i1
      %eq3A_2517 = arith.constant 3 : i32
      %eq3A_2518 = vector.broadcast %eq3A_2517 : i32 to vector<16xi32>
      %eq3A_2519 = arith.cmpi eq, %iota3A, %eq3A_2518 : vector<16xi32>
      %and3A_2520 = vector.broadcast %and3A_2516 : i1 to vector<16xi1>
      %and3A_2521 = arith.andi %eq3A_2519, %and3A_2520 : vector<16xi1>
      %jit3A_2522 = arith.constant 1 : i32
      %broadcast_in_dim3A_2523 = vector.broadcast %jit3A_2522 : i32 to vector<16xi32>
      %select_n3A_2524 = arith.select %and3A_2521, %broadcast_in_dim3A_2523, %select_n3A_2485 : vector<16xi1>, vector<16xi32>
      %gt3A_2525 = arith.constant 0 : i32
      %gt3A_2526 = vector.broadcast %gt3A_2525 : i32 to vector<16xi32>
      %gt3A_2527 = arith.cmpi sgt, %select_n3A_2524, %gt3A_2526 : vector<16xi32>
      %slice3A_2528 = vector.extract_strided_slice %add3A_2296 {offsets = [2], sizes = [1], strides = [1]} : vector<16xi32> to vector<1xi32>
      %squeeze3A_2529 = vector.extract %slice3A_2528[0] : i32 from vector<1xi32>
      %eq3A_2530 = vector.broadcast %squeeze3A_2529 : i32 to vector<16xi32>
      %eq3A_2531 = arith.cmpi eq, %add3A_2296, %eq3A_2530 : vector<16xi32>
      %and3A_2532 = arith.andi %gt3A_2527, %eq3A_2531 : vector<16xi1>
      %jit3A_2533 = arith.constant 1 : i32
      %jit3A_2534 = arith.constant 0 : i32
      %broadcast_in_dim3A_2535 = vector.broadcast %jit3A_2533 : i32 to vector<16xi32>
      %broadcast_in_dim3A_2536 = vector.broadcast %jit3A_2534 : i32 to vector<16xi32>
      %select_n3A_2537 = arith.select %and3A_2532, %broadcast_in_dim3A_2535, %broadcast_in_dim3A_2536 : vector<16xi1>, vector<16xi32>
      %reduce_sum3A_2538 = arith.constant true
      %reduce_sum3A_2539 = vector.broadcast %reduce_sum3A_2538 : i1 to vector<16xi1>
      %reduce_sum3A_2540 = tpu.scan <sum>, %select_n3A_2537 masked %reduce_sum3A_2539 : vector<16xi32>, vector<16xi1> -> vector<16xi32>
      %reduce_sum3A_2541 = vector.extract %reduce_sum3A_2540[15] : i32 from vector<16xi32>
      %gt3A_2542 = arith.constant 0 : i32
      %gt3A_2543 = arith.cmpi sgt, %reduce_sum3A_2541, %gt3A_2542 : i32
      %slice3A_2544 = vector.extract_strided_slice %select_n3A_2328 {offsets = [2], sizes = [1], strides = [1]} : vector<16xf32> to vector<1xf32>
      %squeeze3A_2545 = vector.extract %slice3A_2544[0] : f32 from vector<1xf32>
      %jit3A_2546 = arith.constant 2 : i32
      %convert_element_type3A_2547 = arith.sitofp %jit3A_2546 : i32 to f32
      %select_n3A_2548 = arith.select %gt3A_2543, %convert_element_type3A_2547, %squeeze3A_2545 : f32
      %slice3A_2549 = vector.extract_strided_slice %gather3A {offsets = [2], sizes = [1], strides = [1]} : vector<16xi32> to vector<1xi32>
      %squeeze3A_2550 = vector.extract %slice3A_2549[0] : i32 from vector<1xi32>
      %ge3A_2551 = arith.constant 1 : i32
      %ge3A_2552 = arith.cmpi sge, %squeeze3A_2550, %ge3A_2551 : i32
      %eq3A_2553 = arith.constant 1.000000e+00 : f32
      %eq3A_2554 = arith.cmpf oeq, %select_n3A_2548, %eq3A_2553 : f32
      %and3A_2555 = arith.andi %ge3A_2552, %eq3A_2554 : i1
      %eq3A_2556 = arith.constant 2 : i32
      %eq3A_2557 = vector.broadcast %eq3A_2556 : i32 to vector<16xi32>
      %eq3A_2558 = arith.cmpi eq, %iota3A, %eq3A_2557 : vector<16xi32>
      %and3A_2559 = vector.broadcast %and3A_2555 : i1 to vector<16xi1>
      %and3A_2560 = arith.andi %eq3A_2558, %and3A_2559 : vector<16xi1>
      %jit3A_2561 = arith.constant 1 : i32
      %broadcast_in_dim3A_2562 = vector.broadcast %jit3A_2561 : i32 to vector<16xi32>
      %select_n3A_2563 = arith.select %and3A_2560, %broadcast_in_dim3A_2562, %select_n3A_2524 : vector<16xi1>, vector<16xi32>
      %gt3A_2564 = arith.constant 0 : i32
      %gt3A_2565 = vector.broadcast %gt3A_2564 : i32 to vector<16xi32>
      %gt3A_2566 = arith.cmpi sgt, %select_n3A_2563, %gt3A_2565 : vector<16xi32>
      %slice3A_2567 = vector.extract_strided_slice %add3A_2296 {offsets = [1], sizes = [1], strides = [1]} : vector<16xi32> to vector<1xi32>
      %squeeze3A_2568 = vector.extract %slice3A_2567[0] : i32 from vector<1xi32>
      %eq3A_2569 = vector.broadcast %squeeze3A_2568 : i32 to vector<16xi32>
      %eq3A_2570 = arith.cmpi eq, %add3A_2296, %eq3A_2569 : vector<16xi32>
      %and3A_2571 = arith.andi %gt3A_2566, %eq3A_2570 : vector<16xi1>
      %jit3A_2572 = arith.constant 1 : i32
      %jit3A_2573 = arith.constant 0 : i32
      %broadcast_in_dim3A_2574 = vector.broadcast %jit3A_2572 : i32 to vector<16xi32>
      %broadcast_in_dim3A_2575 = vector.broadcast %jit3A_2573 : i32 to vector<16xi32>
      %select_n3A_2576 = arith.select %and3A_2571, %broadcast_in_dim3A_2574, %broadcast_in_dim3A_2575 : vector<16xi1>, vector<16xi32>
      %reduce_sum3A_2577 = arith.constant true
      %reduce_sum3A_2578 = vector.broadcast %reduce_sum3A_2577 : i1 to vector<16xi1>
      %reduce_sum3A_2579 = tpu.scan <sum>, %select_n3A_2576 masked %reduce_sum3A_2578 : vector<16xi32>, vector<16xi1> -> vector<16xi32>
      %reduce_sum3A_2580 = vector.extract %reduce_sum3A_2579[15] : i32 from vector<16xi32>
      %gt3A_2581 = arith.constant 0 : i32
      %gt3A_2582 = arith.cmpi sgt, %reduce_sum3A_2580, %gt3A_2581 : i32
      %slice3A_2583 = vector.extract_strided_slice %select_n3A_2328 {offsets = [1], sizes = [1], strides = [1]} : vector<16xf32> to vector<1xf32>
      %squeeze3A_2584 = vector.extract %slice3A_2583[0] : f32 from vector<1xf32>
      %jit3A_2585 = arith.constant 2 : i32
      %convert_element_type3A_2586 = arith.sitofp %jit3A_2585 : i32 to f32
      %select_n3A_2587 = arith.select %gt3A_2582, %convert_element_type3A_2586, %squeeze3A_2584 : f32
      %slice3A_2588 = vector.extract_strided_slice %gather3A {offsets = [1], sizes = [1], strides = [1]} : vector<16xi32> to vector<1xi32>
      %squeeze3A_2589 = vector.extract %slice3A_2588[0] : i32 from vector<1xi32>
      %ge3A_2590 = arith.constant 1 : i32
      %ge3A_2591 = arith.cmpi sge, %squeeze3A_2589, %ge3A_2590 : i32
      %eq3A_2592 = arith.constant 1.000000e+00 : f32
      %eq3A_2593 = arith.cmpf oeq, %select_n3A_2587, %eq3A_2592 : f32
      %and3A_2594 = arith.andi %ge3A_2591, %eq3A_2593 : i1
      %eq3A_2595 = arith.constant 1 : i32
      %eq3A_2596 = vector.broadcast %eq3A_2595 : i32 to vector<16xi32>
      %eq3A_2597 = arith.cmpi eq, %iota3A, %eq3A_2596 : vector<16xi32>
      %and3A_2598 = vector.broadcast %and3A_2594 : i1 to vector<16xi1>
      %and3A_2599 = arith.andi %eq3A_2597, %and3A_2598 : vector<16xi1>
      %jit3A_2600 = arith.constant 1 : i32
      %broadcast_in_dim3A_2601 = vector.broadcast %jit3A_2600 : i32 to vector<16xi32>
      %select_n3A_2602 = arith.select %and3A_2599, %broadcast_in_dim3A_2601, %select_n3A_2563 : vector<16xi1>, vector<16xi32>
      %gt3A_2603 = arith.constant 0 : i32
      %gt3A_2604 = vector.broadcast %gt3A_2603 : i32 to vector<16xi32>
      %gt3A_2605 = arith.cmpi sgt, %select_n3A_2602, %gt3A_2604 : vector<16xi32>
      %slice3A_2606 = vector.extract_strided_slice %add3A_2296 {offsets = [0], sizes = [1], strides = [1]} : vector<16xi32> to vector<1xi32>
      %squeeze3A_2607 = vector.extract %slice3A_2606[0] : i32 from vector<1xi32>
      %eq3A_2608 = vector.broadcast %squeeze3A_2607 : i32 to vector<16xi32>
      %eq3A_2609 = arith.cmpi eq, %add3A_2296, %eq3A_2608 : vector<16xi32>
      %and3A_2610 = arith.andi %gt3A_2605, %eq3A_2609 : vector<16xi1>
      %jit3A_2611 = arith.constant 1 : i32
      %jit3A_2612 = arith.constant 0 : i32
      %broadcast_in_dim3A_2613 = vector.broadcast %jit3A_2611 : i32 to vector<16xi32>
      %broadcast_in_dim3A_2614 = vector.broadcast %jit3A_2612 : i32 to vector<16xi32>
      %select_n3A_2615 = arith.select %and3A_2610, %broadcast_in_dim3A_2613, %broadcast_in_dim3A_2614 : vector<16xi1>, vector<16xi32>
      %reduce_sum3A_2616 = arith.constant true
      %reduce_sum3A_2617 = vector.broadcast %reduce_sum3A_2616 : i1 to vector<16xi1>
      %reduce_sum3A_2618 = tpu.scan <sum>, %select_n3A_2615 masked %reduce_sum3A_2617 : vector<16xi32>, vector<16xi1> -> vector<16xi32>
      %reduce_sum3A_2619 = vector.extract %reduce_sum3A_2618[15] : i32 from vector<16xi32>
      %gt3A_2620 = arith.constant 0 : i32
      %gt3A_2621 = arith.cmpi sgt, %reduce_sum3A_2619, %gt3A_2620 : i32
      %slice3A_2622 = vector.extract_strided_slice %select_n3A_2328 {offsets = [0], sizes = [1], strides = [1]} : vector<16xf32> to vector<1xf32>
      %squeeze3A_2623 = vector.extract %slice3A_2622[0] : f32 from vector<1xf32>
      %jit3A_2624 = arith.constant 2 : i32
      %convert_element_type3A_2625 = arith.sitofp %jit3A_2624 : i32 to f32
      %select_n3A_2626 = arith.select %gt3A_2621, %convert_element_type3A_2625, %squeeze3A_2623 : f32
      %slice3A_2627 = vector.extract_strided_slice %gather3A {offsets = [0], sizes = [1], strides = [1]} : vector<16xi32> to vector<1xi32>
      %squeeze3A_2628 = vector.extract %slice3A_2627[0] : i32 from vector<1xi32>
      %ge3A_2629 = arith.constant 1 : i32
      %ge3A_2630 = arith.cmpi sge, %squeeze3A_2628, %ge3A_2629 : i32
      %eq3A_2631 = arith.constant 1.000000e+00 : f32
      %eq3A_2632 = arith.cmpf oeq, %select_n3A_2626, %eq3A_2631 : f32
      %and3A_2633 = arith.andi %ge3A_2630, %eq3A_2632 : i1
      %eq3A_2634 = arith.constant 0 : i32
      %eq3A_2635 = vector.broadcast %eq3A_2634 : i32 to vector<16xi32>
      %eq3A_2636 = arith.cmpi eq, %iota3A, %eq3A_2635 : vector<16xi32>
      %and3A_2637 = vector.broadcast %and3A_2633 : i1 to vector<16xi1>
      %and3A_2638 = arith.andi %eq3A_2636, %and3A_2637 : vector<16xi1>
      %jit3A_2639 = arith.constant 1 : i32
      %broadcast_in_dim3A_2640 = vector.broadcast %jit3A_2639 : i32 to vector<16xi32>
      %select_n3A_2641 = arith.select %and3A_2638, %broadcast_in_dim3A_2640, %select_n3A_2602 : vector<16xi1>, vector<16xi32>
      %broadcast_in_dim3A_2642 = arith.constant 0 : i32
      %broadcast_in_dim3A_2643 = vector.broadcast %broadcast_in_dim3A_2642 : i32 to vector<16xi32>
      %slice3A_2644 = vector.extract_strided_slice %add3A_2296 {offsets = [0], sizes = [1], strides = [1]} : vector<16xi32> to vector<1xi32>
      %squeeze3A_2645 = vector.extract %slice3A_2644[0] : i32 from vector<1xi32>
      %eq3A_2646 = vector.broadcast %squeeze3A_2645 : i32 to vector<16xi32>
      %eq3A_2647 = arith.cmpi eq, %add3A_2296, %eq3A_2646 : vector<16xi32>
      %and3A_2648 = vector.broadcast %and3A_2633 : i1 to vector<16xi1>
      %and3A_2649 = arith.andi %eq3A_2647, %and3A_2648 : vector<16xi1>
      %jit3A_2650 = arith.constant 1 : i32
      %jit3A_2651 = arith.constant 0 : i32
      %broadcast_in_dim3A_2652 = vector.broadcast %jit3A_2650 : i32 to vector<16xi32>
      %broadcast_in_dim3A_2653 = vector.broadcast %jit3A_2651 : i32 to vector<16xi32>
      %select_n3A_2654 = arith.select %and3A_2649, %broadcast_in_dim3A_2652, %broadcast_in_dim3A_2653 : vector<16xi1>, vector<16xi32>
      %or3A_2655 = arith.ori %broadcast_in_dim3A_2643, %select_n3A_2654 : vector<16xi32>
      %slice3A_2656 = vector.extract_strided_slice %add3A_2296 {offsets = [1], sizes = [1], strides = [1]} : vector<16xi32> to vector<1xi32>
      %squeeze3A_2657 = vector.extract %slice3A_2656[0] : i32 from vector<1xi32>
      %eq3A_2658 = vector.broadcast %squeeze3A_2657 : i32 to vector<16xi32>
      %eq3A_2659 = arith.cmpi eq, %add3A_2296, %eq3A_2658 : vector<16xi32>
      %and3A_2660 = vector.broadcast %and3A_2594 : i1 to vector<16xi1>
      %and3A_2661 = arith.andi %eq3A_2659, %and3A_2660 : vector<16xi1>
      %jit3A_2662 = arith.constant 1 : i32
      %jit3A_2663 = arith.constant 0 : i32
      %broadcast_in_dim3A_2664 = vector.broadcast %jit3A_2662 : i32 to vector<16xi32>
      %broadcast_in_dim3A_2665 = vector.broadcast %jit3A_2663 : i32 to vector<16xi32>
      %select_n3A_2666 = arith.select %and3A_2661, %broadcast_in_dim3A_2664, %broadcast_in_dim3A_2665 : vector<16xi1>, vector<16xi32>
      %or3A_2667 = arith.ori %or3A_2655, %select_n3A_2666 : vector<16xi32>
      %slice3A_2668 = vector.extract_strided_slice %add3A_2296 {offsets = [2], sizes = [1], strides = [1]} : vector<16xi32> to vector<1xi32>
      %squeeze3A_2669 = vector.extract %slice3A_2668[0] : i32 from vector<1xi32>
      %eq3A_2670 = vector.broadcast %squeeze3A_2669 : i32 to vector<16xi32>
      %eq3A_2671 = arith.cmpi eq, %add3A_2296, %eq3A_2670 : vector<16xi32>
      %and3A_2672 = vector.broadcast %and3A_2555 : i1 to vector<16xi1>
      %and3A_2673 = arith.andi %eq3A_2671, %and3A_2672 : vector<16xi1>
      %jit3A_2674 = arith.constant 1 : i32
      %jit3A_2675 = arith.constant 0 : i32
      %broadcast_in_dim3A_2676 = vector.broadcast %jit3A_2674 : i32 to vector<16xi32>
      %broadcast_in_dim3A_2677 = vector.broadcast %jit3A_2675 : i32 to vector<16xi32>
      %select_n3A_2678 = arith.select %and3A_2673, %broadcast_in_dim3A_2676, %broadcast_in_dim3A_2677 : vector<16xi1>, vector<16xi32>
      %or3A_2679 = arith.ori %or3A_2667, %select_n3A_2678 : vector<16xi32>
      %slice3A_2680 = vector.extract_strided_slice %add3A_2296 {offsets = [3], sizes = [1], strides = [1]} : vector<16xi32> to vector<1xi32>
      %squeeze3A_2681 = vector.extract %slice3A_2680[0] : i32 from vector<1xi32>
      %eq3A_2682 = vector.broadcast %squeeze3A_2681 : i32 to vector<16xi32>
      %eq3A_2683 = arith.cmpi eq, %add3A_2296, %eq3A_2682 : vector<16xi32>
      %and3A_2684 = vector.broadcast %and3A_2516 : i1 to vector<16xi1>
      %and3A_2685 = arith.andi %eq3A_2683, %and3A_2684 : vector<16xi1>
      %jit3A_2686 = arith.constant 1 : i32
      %jit3A_2687 = arith.constant 0 : i32
      %broadcast_in_dim3A_2688 = vector.broadcast %jit3A_2686 : i32 to vector<16xi32>
      %broadcast_in_dim3A_2689 = vector.broadcast %jit3A_2687 : i32 to vector<16xi32>
      %select_n3A_2690 = arith.select %and3A_2685, %broadcast_in_dim3A_2688, %broadcast_in_dim3A_2689 : vector<16xi1>, vector<16xi32>
      %or3A_2691 = arith.ori %or3A_2679, %select_n3A_2690 : vector<16xi32>
      %slice3A_2692 = vector.extract_strided_slice %add3A_2296 {offsets = [4], sizes = [1], strides = [1]} : vector<16xi32> to vector<1xi32>
      %squeeze3A_2693 = vector.extract %slice3A_2692[0] : i32 from vector<1xi32>
      %eq3A_2694 = vector.broadcast %squeeze3A_2693 : i32 to vector<16xi32>
      %eq3A_2695 = arith.cmpi eq, %add3A_2296, %eq3A_2694 : vector<16xi32>
      %and3A_2696 = vector.broadcast %and3A_2477 : i1 to vector<16xi1>
      %and3A_2697 = arith.andi %eq3A_2695, %and3A_2696 : vector<16xi1>
      %jit3A_2698 = arith.constant 1 : i32
      %jit3A_2699 = arith.constant 0 : i32
      %broadcast_in_dim3A_2700 = vector.broadcast %jit3A_2698 : i32 to vector<16xi32>
      %broadcast_in_dim3A_2701 = vector.broadcast %jit3A_2699 : i32 to vector<16xi32>
      %select_n3A_2702 = arith.select %and3A_2697, %broadcast_in_dim3A_2700, %broadcast_in_dim3A_2701 : vector<16xi1>, vector<16xi32>
      %or3A_2703 = arith.ori %or3A_2691, %select_n3A_2702 : vector<16xi32>
      %slice3A_2704 = vector.extract_strided_slice %add3A_2296 {offsets = [5], sizes = [1], strides = [1]} : vector<16xi32> to vector<1xi32>
      %squeeze3A_2705 = vector.extract %slice3A_2704[0] : i32 from vector<1xi32>
      %eq3A_2706 = vector.broadcast %squeeze3A_2705 : i32 to vector<16xi32>
      %eq3A_2707 = arith.cmpi eq, %add3A_2296, %eq3A_2706 : vector<16xi32>
      %and3A_2708 = vector.broadcast %and3A_2438 : i1 to vector<16xi1>
      %and3A_2709 = arith.andi %eq3A_2707, %and3A_2708 : vector<16xi1>
      %jit3A_2710 = arith.constant 1 : i32
      %jit3A_2711 = arith.constant 0 : i32
      %broadcast_in_dim3A_2712 = vector.broadcast %jit3A_2710 : i32 to vector<16xi32>
      %broadcast_in_dim3A_2713 = vector.broadcast %jit3A_2711 : i32 to vector<16xi32>
      %select_n3A_2714 = arith.select %and3A_2709, %broadcast_in_dim3A_2712, %broadcast_in_dim3A_2713 : vector<16xi1>, vector<16xi32>
      %or3A_2715 = arith.ori %or3A_2703, %select_n3A_2714 : vector<16xi32>
      %slice3A_2716 = vector.extract_strided_slice %add3A_2296 {offsets = [6], sizes = [1], strides = [1]} : vector<16xi32> to vector<1xi32>
      %squeeze3A_2717 = vector.extract %slice3A_2716[0] : i32 from vector<1xi32>
      %eq3A_2718 = vector.broadcast %squeeze3A_2717 : i32 to vector<16xi32>
      %eq3A_2719 = arith.cmpi eq, %add3A_2296, %eq3A_2718 : vector<16xi32>
      %and3A_2720 = vector.broadcast %and3A_2399 : i1 to vector<16xi1>
      %and3A_2721 = arith.andi %eq3A_2719, %and3A_2720 : vector<16xi1>
      %jit3A_2722 = arith.constant 1 : i32
      %jit3A_2723 = arith.constant 0 : i32
      %broadcast_in_dim3A_2724 = vector.broadcast %jit3A_2722 : i32 to vector<16xi32>
      %broadcast_in_dim3A_2725 = vector.broadcast %jit3A_2723 : i32 to vector<16xi32>
      %select_n3A_2726 = arith.select %and3A_2721, %broadcast_in_dim3A_2724, %broadcast_in_dim3A_2725 : vector<16xi1>, vector<16xi32>
      %or3A_2727 = arith.ori %or3A_2715, %select_n3A_2726 : vector<16xi32>
      %slice3A_2728 = vector.extract_strided_slice %add3A_2296 {offsets = [7], sizes = [1], strides = [1]} : vector<16xi32> to vector<1xi32>
      %squeeze3A_2729 = vector.extract %slice3A_2728[0] : i32 from vector<1xi32>
      %eq3A_2730 = vector.broadcast %squeeze3A_2729 : i32 to vector<16xi32>
      %eq3A_2731 = arith.cmpi eq, %add3A_2296, %eq3A_2730 : vector<16xi32>
      %and3A_2732 = vector.broadcast %and3A_2360 : i1 to vector<16xi1>
      %and3A_2733 = arith.andi %eq3A_2731, %and3A_2732 : vector<16xi1>
      %jit3A_2734 = arith.constant 1 : i32
      %jit3A_2735 = arith.constant 0 : i32
      %broadcast_in_dim3A_2736 = vector.broadcast %jit3A_2734 : i32 to vector<16xi32>
      %broadcast_in_dim3A_2737 = vector.broadcast %jit3A_2735 : i32 to vector<16xi32>
      %select_n3A_2738 = arith.select %and3A_2733, %broadcast_in_dim3A_2736, %broadcast_in_dim3A_2737 : vector<16xi1>, vector<16xi32>
      %or3A_2739 = arith.ori %or3A_2727, %select_n3A_2738 : vector<16xi32>
      %gt3A_2740 = arith.constant 0 : i32
      %gt3A_2741 = vector.broadcast %gt3A_2740 : i32 to vector<16xi32>
      %gt3A_2742 = arith.cmpi sgt, %or3A_2739, %gt3A_2741 : vector<16xi32>
      %jit3A_2743 = arith.constant 2 : i32
      %convert_element_type3A_2744 = arith.sitofp %jit3A_2743 : i32 to f32
      %broadcast_in_dim3A_2745 = vector.broadcast %convert_element_type3A_2744 : f32 to vector<16xf32>
      %select_n3A_2746 = arith.select %gt3A_2742, %broadcast_in_dim3A_2745, %select_n3A_2328 : vector<16xi1>, vector<16xf32>
      %eq3A_2747 = arith.constant 1 : i32
      %eq3A_2748 = vector.broadcast %eq3A_2747 : i32 to vector<16xi32>
      %eq3A_2749 = arith.cmpi eq, %min3A_2285, %eq3A_2748 : vector<16xi32>
      %eq3A_2750 = arith.constant 1.000000e+00 : f32
      %eq3A_2751 = vector.broadcast %eq3A_2750 : f32 to vector<16xf32>
      %eq3A_2752 = arith.cmpf oeq, %select_n3A_2746, %eq3A_2751 : vector<16xf32>
      %jit3A_2753 = arith.constant 1.000000e+00 : f32
      %jit3A_2754 = arith.constant 2.000000e+00 : f32
      %broadcast_in_dim3A_2755 = vector.broadcast %jit3A_2753 : f32 to vector<16xf32>
      %broadcast_in_dim3A_2756 = vector.broadcast %jit3A_2754 : f32 to vector<16xf32>
      %select_n3A_2757 = arith.select %eq3A_2752, %broadcast_in_dim3A_2755, %broadcast_in_dim3A_2756 : vector<16xi1>, vector<16xf32>
      %jit3A_2758 = arith.constant 0.000000e+00 : f32
      %broadcast_in_dim3A_2759 = vector.broadcast %jit3A_2758 : f32 to vector<16xf32>
      %select_n3A_2760 = arith.select %eq3A_2749, %broadcast_in_dim3A_2759, %select_n3A_2757 : vector<16xi1>, vector<16xf32>
      %convert_element_type3A_2761 = arith.sitofp %add3A_2296 : vector<16xi32> to vector<16xf32>
      %swap3A_2762 = arith.constant 0 : index
      %swap3A_2763 = tpu.vector_load %arg21[%swap3A_2762] {strides = array<i32>} : memref<64xf32, #tpu.memory_space<vmem>>, vector<16xf32>,
      tpu.vector_store %arg21[%swap3A_2762], %convert_element_type3A_2761 {strides = array<i32>} : memref<64xf32, #tpu.memory_space<vmem>>, vector<16xf32>,
      %swap3A_2764 = arith.constant 16 : index
      %swap3A_2765 = tpu.vector_load %arg21[%swap3A_2764] {strides = array<i32>} : memref<64xf32, #tpu.memory_space<vmem>>, vector<16xf32>,
      tpu.vector_store %arg21[%swap3A_2764], %select_n3A_2760 {strides = array<i32>} : memref<64xf32, #tpu.memory_space<vmem>>, vector<16xf32>,
      %convert_element_type3A_2766 = arith.sitofp %select_n3A_2641 : vector<16xi32> to vector<16xf32>
      %swap3A_2767 = arith.constant 32 : index
      %swap3A_2768 = tpu.vector_load %arg21[%swap3A_2767] {strides = array<i32>} : memref<64xf32, #tpu.memory_space<vmem>>, vector<16xf32>,
      tpu.vector_store %arg21[%swap3A_2767], %convert_element_type3A_2766 {strides = array<i32>} : memref<64xf32, #tpu.memory_space<vmem>>, vector<16xf32>,
      %broadcast_in_dim3A_2769 = arith.constant 0.000000e+00 : f32
      %broadcast_in_dim3A_2770 = vector.broadcast %broadcast_in_dim3A_2769 : f32 to vector<16xf32>
      %swap3A_2771 = arith.constant 48 : index
      %swap3A_2772 = tpu.vector_load %arg21[%swap3A_2771] {strides = array<i32>} : memref<64xf32, #tpu.memory_space<vmem>>, vector<16xf32>,
      tpu.vector_store %arg21[%swap3A_2771], %broadcast_in_dim3A_2770 {strides = array<i32>} : memref<64xf32, #tpu.memory_space<vmem>>, vector<16xf32>,
      "tpu.region"() ({
        %run_scoped3A = tpu.sem_alloc : memref<!tpu.dma_semaphore, #tpu.memory_space<semaphore_mem>>
        tpu.enqueue_dma source(%arg21 : memref<64xf32, #tpu.memory_space<vmem>>) target(%arg6 : memref<64xf32, #tpu.memory_space<hbm>>) target_semaphore(%run_scoped3A : memref<!tpu.dma_semaphore, #tpu.memory_space<semaphore_mem>>)
        tpu.wait_dma2 semaphore(%run_scoped3A : memref<!tpu.dma_semaphore, #tpu.memory_space<semaphore_mem>>) src(%arg21 : memref<64xf32, #tpu.memory_space<vmem>>) dst(%arg6 : memref<64xf32, #tpu.memory_space<hbm>>)
        tpu.yield
      }) : () -> ()
      "tpu.region"() ({
        %run_scoped3A = tpu.sem_alloc : memref<!tpu.dma_semaphore, #tpu.memory_space<semaphore_mem>>
        tpu.enqueue_dma source(%arg20 : memref<16xi32, #tpu.memory_space<vmem>>) target(%arg7 : memref<16xi32, #tpu.memory_space<hbm>>) target_semaphore(%run_scoped3A : memref<!tpu.dma_semaphore, #tpu.memory_space<semaphore_mem>>)
        tpu.wait_dma2 semaphore(%run_scoped3A : memref<!tpu.dma_semaphore, #tpu.memory_space<semaphore_mem>>) src(%arg20 : memref<16xi32, #tpu.memory_space<vmem>>) dst(%arg7 : memref<16xi32, #tpu.memory_space<hbm>>)
        tpu.yield
      }) : () -> ()
      %gt3A_2773 = arith.constant 0 : i32
      %gt3A_2774 = vector.broadcast %gt3A_2773 : i32 to vector<16xi32>
      %gt3A_2775 = arith.cmpi sgt, %select_n3A_2641, %gt3A_2774 : vector<16xi32>
      %broadcast_in_dim3A_2776 = arith.constant 1.000000e+00 : f32
      %broadcast_in_dim3A_2777 = vector.broadcast %broadcast_in_dim3A_2776 : f32 to vector<16xf32>
      %broadcast_in_dim3A_2778 = arith.constant 2.000000e+00 : f32
      %broadcast_in_dim3A_2779 = vector.broadcast %broadcast_in_dim3A_2778 : f32 to vector<16xf32>
      %slice3A_2780 = vector.extract_strided_slice %select_n3A_2311 {offsets = [0], sizes = [1], strides = [1]} : vector<16xi32> to vector<1xi32>
      %squeeze3A_2781 = vector.extract %slice3A_2780[0] : i32 from vector<1xi32>
      %broadcast_in_dim3A_2782 = arith.constant 0 : i32
      %broadcast_in_dim3A_2783 = vector.broadcast %broadcast_in_dim3A_2782 : i32 to vector<16xi32>
      %broadcast_in_dim3A_2784 = vector.broadcast %scan3A_2228#1 : i32 to vector<16xi32>
      %eq3A_2785 = arith.constant 0 : i32
      %eq3A_2786 = vector.broadcast %eq3A_2785 : i32 to vector<16xi32>
      %eq3A_2787 = arith.cmpi eq, %iota3A, %eq3A_2786 : vector<16xi32>
      %and3A_2788 = vector.broadcast %and3A_2232 : i1 to vector<16xi1>
      %and3A_2789 = arith.andi %eq3A_2787, %and3A_2788 : vector<16xi1>
      %eq3A_2790 = arith.cmpi eq, %scan3A_2220#1, %squeeze3A_2781 : i32
      %and3A_2791 = vector.broadcast %eq3A_2790 : i1 to vector<16xi1>
      %and3A_2792 = arith.andi %and3A_2789, %and3A_2791 : vector<16xi1>
      tpu.vector_store_idx %arg18[%broadcast_in_dim3A_2783, %broadcast_in_dim3A_2784], %broadcast_in_dim3A_2777 masked %and3A_2792 : memref<16x1024xf32, #tpu.memory_space<vmem>>[vector<16xi32>, vector<16xi32>], vector<16xf32>, vector<16xi1>
      %lt3A_2793 = arith.constant 8 : i32
      %lt3A_2794 = vector.broadcast %lt3A_2793 : i32 to vector<16xi32>
      %lt3A_2795 = arith.cmpi slt, %iota3A, %lt3A_2794 : vector<16xi32>
      %and3A_2796 = arith.andi %lt3A_2795, %gt3A_2775 : vector<16xi1>
      %eq3A_2797 = vector.broadcast %squeeze3A_2781 : i32 to vector<16xi32>
      %eq3A_2798 = arith.cmpi eq, %min3A_2285, %eq3A_2797 : vector<16xi32>
      %and3A_2799 = arith.andi %and3A_2796, %eq3A_2798 : vector<16xi1>
      tpu.vector_store_idx %arg18[%broadcast_in_dim3A_2783, %min3A_2292], %broadcast_in_dim3A_2779 masked %and3A_2799 : memref<16x1024xf32, #tpu.memory_space<vmem>>[vector<16xi32>, vector<16xi32>], vector<16xf32>, vector<16xi1>
      %slice3A_2800 = vector.extract_strided_slice %select_n3A_2311 {offsets = [1], sizes = [1], strides = [1]} : vector<16xi32> to vector<1xi32>
      %squeeze3A_2801 = vector.extract %slice3A_2800[0] : i32 from vector<1xi32>
      %broadcast_in_dim3A_2802 = arith.constant 1 : i32
      %broadcast_in_dim3A_2803 = vector.broadcast %broadcast_in_dim3A_2802 : i32 to vector<16xi32>
      %broadcast_in_dim3A_2804 = vector.broadcast %scan3A_2228#1 : i32 to vector<16xi32>
      %eq3A_2805 = arith.constant 0 : i32
      %eq3A_2806 = vector.broadcast %eq3A_2805 : i32 to vector<16xi32>
      %eq3A_2807 = arith.cmpi eq, %iota3A, %eq3A_2806 : vector<16xi32>
      %and3A_2808 = vector.broadcast %and3A_2232 : i1 to vector<16xi1>
      %and3A_2809 = arith.andi %eq3A_2807, %and3A_2808 : vector<16xi1>
      %eq3A_2810 = arith.cmpi eq, %scan3A_2220#1, %squeeze3A_2801 : i32
      %and3A_2811 = vector.broadcast %eq3A_2810 : i1 to vector<16xi1>
      %and3A_2812 = arith.andi %and3A_2809, %and3A_2811 : vector<16xi1>
      tpu.vector_store_idx %arg18[%broadcast_in_dim3A_2803, %broadcast_in_dim3A_2804], %broadcast_in_dim3A_2777 masked %and3A_2812 : memref<16x1024xf32, #tpu.memory_space<vmem>>[vector<16xi32>, vector<16xi32>], vector<16xf32>, vector<16xi1>
      %lt3A_2813 = arith.constant 8 : i32
      %lt3A_2814 = vector.broadcast %lt3A_2813 : i32 to vector<16xi32>
      %lt3A_2815 = arith.cmpi slt, %iota3A, %lt3A_2814 : vector<16xi32>
      %and3A_2816 = arith.andi %lt3A_2815, %gt3A_2775 : vector<16xi1>
      %eq3A_2817 = vector.broadcast %squeeze3A_2801 : i32 to vector<16xi32>
      %eq3A_2818 = arith.cmpi eq, %min3A_2285, %eq3A_2817 : vector<16xi32>
      %and3A_2819 = arith.andi %and3A_2816, %eq3A_2818 : vector<16xi1>
      tpu.vector_store_idx %arg18[%broadcast_in_dim3A_2803, %min3A_2292], %broadcast_in_dim3A_2779 masked %and3A_2819 : memref<16x1024xf32, #tpu.memory_space<vmem>>[vector<16xi32>, vector<16xi32>], vector<16xf32>, vector<16xi1>
      %slice3A_2820 = vector.extract_strided_slice %select_n3A_2311 {offsets = [2], sizes = [1], strides = [1]} : vector<16xi32> to vector<1xi32>
      %squeeze3A_2821 = vector.extract %slice3A_2820[0] : i32 from vector<1xi32>
      %broadcast_in_dim3A_2822 = arith.constant 2 : i32
      %broadcast_in_dim3A_2823 = vector.broadcast %broadcast_in_dim3A_2822 : i32 to vector<16xi32>
      %broadcast_in_dim3A_2824 = vector.broadcast %scan3A_2228#1 : i32 to vector<16xi32>
      %eq3A_2825 = arith.constant 0 : i32
      %eq3A_2826 = vector.broadcast %eq3A_2825 : i32 to vector<16xi32>
      %eq3A_2827 = arith.cmpi eq, %iota3A, %eq3A_2826 : vector<16xi32>
      %and3A_2828 = vector.broadcast %and3A_2232 : i1 to vector<16xi1>
      %and3A_2829 = arith.andi %eq3A_2827, %and3A_2828 : vector<16xi1>
      %eq3A_2830 = arith.cmpi eq, %scan3A_2220#1, %squeeze3A_2821 : i32
      %and3A_2831 = vector.broadcast %eq3A_2830 : i1 to vector<16xi1>
      %and3A_2832 = arith.andi %and3A_2829, %and3A_2831 : vector<16xi1>
      tpu.vector_store_idx %arg18[%broadcast_in_dim3A_2823, %broadcast_in_dim3A_2824], %broadcast_in_dim3A_2777 masked %and3A_2832 : memref<16x1024xf32, #tpu.memory_space<vmem>>[vector<16xi32>, vector<16xi32>], vector<16xf32>, vector<16xi1>
      %lt3A_2833 = arith.constant 8 : i32
      %lt3A_2834 = vector.broadcast %lt3A_2833 : i32 to vector<16xi32>
      %lt3A_2835 = arith.cmpi slt, %iota3A, %lt3A_2834 : vector<16xi32>
      %and3A_2836 = arith.andi %lt3A_2835, %gt3A_2775 : vector<16xi1>
      %eq3A_2837 = vector.broadcast %squeeze3A_2821 : i32 to vector<16xi32>
      %eq3A_2838 = arith.cmpi eq, %min3A_2285, %eq3A_2837 : vector<16xi32>
      %and3A_2839 = arith.andi %and3A_2836, %eq3A_2838 : vector<16xi1>
      tpu.vector_store_idx %arg18[%broadcast_in_dim3A_2823, %min3A_2292], %broadcast_in_dim3A_2779 masked %and3A_2839 : memref<16x1024xf32, #tpu.memory_space<vmem>>[vector<16xi32>, vector<16xi32>], vector<16xf32>, vector<16xi1>
      %slice3A_2840 = vector.extract_strided_slice %select_n3A_2311 {offsets = [3], sizes = [1], strides = [1]} : vector<16xi32> to vector<1xi32>
      %squeeze3A_2841 = vector.extract %slice3A_2840[0] : i32 from vector<1xi32>
      %broadcast_in_dim3A_2842 = arith.constant 3 : i32
      %broadcast_in_dim3A_2843 = vector.broadcast %broadcast_in_dim3A_2842 : i32 to vector<16xi32>
      %broadcast_in_dim3A_2844 = vector.broadcast %scan3A_2228#1 : i32 to vector<16xi32>
      %eq3A_2845 = arith.constant 0 : i32
      %eq3A_2846 = vector.broadcast %eq3A_2845 : i32 to vector<16xi32>
      %eq3A_2847 = arith.cmpi eq, %iota3A, %eq3A_2846 : vector<16xi32>
      %and3A_2848 = vector.broadcast %and3A_2232 : i1 to vector<16xi1>
      %and3A_2849 = arith.andi %eq3A_2847, %and3A_2848 : vector<16xi1>
      %eq3A_2850 = arith.cmpi eq, %scan3A_2220#1, %squeeze3A_2841 : i32
      %and3A_2851 = vector.broadcast %eq3A_2850 : i1 to vector<16xi1>
      %and3A_2852 = arith.andi %and3A_2849, %and3A_2851 : vector<16xi1>
      tpu.vector_store_idx %arg18[%broadcast_in_dim3A_2843, %broadcast_in_dim3A_2844], %broadcast_in_dim3A_2777 masked %and3A_2852 : memref<16x1024xf32, #tpu.memory_space<vmem>>[vector<16xi32>, vector<16xi32>], vector<16xf32>, vector<16xi1>
      %lt3A_2853 = arith.constant 8 : i32
      %lt3A_2854 = vector.broadcast %lt3A_2853 : i32 to vector<16xi32>
      %lt3A_2855 = arith.cmpi slt, %iota3A, %lt3A_2854 : vector<16xi32>
      %and3A_2856 = arith.andi %lt3A_2855, %gt3A_2775 : vector<16xi1>
      %eq3A_2857 = vector.broadcast %squeeze3A_2841 : i32 to vector<16xi32>
      %eq3A_2858 = arith.cmpi eq, %min3A_2285, %eq3A_2857 : vector<16xi32>
      %and3A_2859 = arith.andi %and3A_2856, %eq3A_2858 : vector<16xi1>
      tpu.vector_store_idx %arg18[%broadcast_in_dim3A_2843, %min3A_2292], %broadcast_in_dim3A_2779 masked %and3A_2859 : memref<16x1024xf32, #tpu.memory_space<vmem>>[vector<16xi32>, vector<16xi32>], vector<16xf32>, vector<16xi1>
      %slice3A_2860 = vector.extract_strided_slice %select_n3A_2311 {offsets = [4], sizes = [1], strides = [1]} : vector<16xi32> to vector<1xi32>
      %squeeze3A_2861 = vector.extract %slice3A_2860[0] : i32 from vector<1xi32>
      %broadcast_in_dim3A_2862 = arith.constant 4 : i32
      %broadcast_in_dim3A_2863 = vector.broadcast %broadcast_in_dim3A_2862 : i32 to vector<16xi32>
      %broadcast_in_dim3A_2864 = vector.broadcast %scan3A_2228#1 : i32 to vector<16xi32>
      %eq3A_2865 = arith.constant 0 : i32
      %eq3A_2866 = vector.broadcast %eq3A_2865 : i32 to vector<16xi32>
      %eq3A_2867 = arith.cmpi eq, %iota3A, %eq3A_2866 : vector<16xi32>
      %and3A_2868 = vector.broadcast %and3A_2232 : i1 to vector<16xi1>
      %and3A_2869 = arith.andi %eq3A_2867, %and3A_2868 : vector<16xi1>
      %eq3A_2870 = arith.cmpi eq, %scan3A_2220#1, %squeeze3A_2861 : i32
      %and3A_2871 = vector.broadcast %eq3A_2870 : i1 to vector<16xi1>
      %and3A_2872 = arith.andi %and3A_2869, %and3A_2871 : vector<16xi1>
      tpu.vector_store_idx %arg18[%broadcast_in_dim3A_2863, %broadcast_in_dim3A_2864], %broadcast_in_dim3A_2777 masked %and3A_2872 : memref<16x1024xf32, #tpu.memory_space<vmem>>[vector<16xi32>, vector<16xi32>], vector<16xf32>, vector<16xi1>
      %lt3A_2873 = arith.constant 8 : i32
      %lt3A_2874 = vector.broadcast %lt3A_2873 : i32 to vector<16xi32>
      %lt3A_2875 = arith.cmpi slt, %iota3A, %lt3A_2874 : vector<16xi32>
      %and3A_2876 = arith.andi %lt3A_2875, %gt3A_2775 : vector<16xi1>
      %eq3A_2877 = vector.broadcast %squeeze3A_2861 : i32 to vector<16xi32>
      %eq3A_2878 = arith.cmpi eq, %min3A_2285, %eq3A_2877 : vector<16xi32>
      %and3A_2879 = arith.andi %and3A_2876, %eq3A_2878 : vector<16xi1>
      tpu.vector_store_idx %arg18[%broadcast_in_dim3A_2863, %min3A_2292], %broadcast_in_dim3A_2779 masked %and3A_2879 : memref<16x1024xf32, #tpu.memory_space<vmem>>[vector<16xi32>, vector<16xi32>], vector<16xf32>, vector<16xi1>
      %slice3A_2880 = vector.extract_strided_slice %select_n3A_2311 {offsets = [5], sizes = [1], strides = [1]} : vector<16xi32> to vector<1xi32>
      %squeeze3A_2881 = vector.extract %slice3A_2880[0] : i32 from vector<1xi32>
      %broadcast_in_dim3A_2882 = arith.constant 5 : i32
      %broadcast_in_dim3A_2883 = vector.broadcast %broadcast_in_dim3A_2882 : i32 to vector<16xi32>
      %broadcast_in_dim3A_2884 = vector.broadcast %scan3A_2228#1 : i32 to vector<16xi32>
      %eq3A_2885 = arith.constant 0 : i32
      %eq3A_2886 = vector.broadcast %eq3A_2885 : i32 to vector<16xi32>
      %eq3A_2887 = arith.cmpi eq, %iota3A, %eq3A_2886 : vector<16xi32>
      %and3A_2888 = vector.broadcast %and3A_2232 : i1 to vector<16xi1>
      %and3A_2889 = arith.andi %eq3A_2887, %and3A_2888 : vector<16xi1>
      %eq3A_2890 = arith.cmpi eq, %scan3A_2220#1, %squeeze3A_2881 : i32
      %and3A_2891 = vector.broadcast %eq3A_2890 : i1 to vector<16xi1>
      %and3A_2892 = arith.andi %and3A_2889, %and3A_2891 : vector<16xi1>
      tpu.vector_store_idx %arg18[%broadcast_in_dim3A_2883, %broadcast_in_dim3A_2884], %broadcast_in_dim3A_2777 masked %and3A_2892 : memref<16x1024xf32, #tpu.memory_space<vmem>>[vector<16xi32>, vector<16xi32>], vector<16xf32>, vector<16xi1>
      %lt3A_2893 = arith.constant 8 : i32
      %lt3A_2894 = vector.broadcast %lt3A_2893 : i32 to vector<16xi32>
      %lt3A_2895 = arith.cmpi slt, %iota3A, %lt3A_2894 : vector<16xi32>
      %and3A_2896 = arith.andi %lt3A_2895, %gt3A_2775 : vector<16xi1>
      %eq3A_2897 = vector.broadcast %squeeze3A_2881 : i32 to vector<16xi32>
      %eq3A_2898 = arith.cmpi eq, %min3A_2285, %eq3A_2897 : vector<16xi32>
      %and3A_2899 = arith.andi %and3A_2896, %eq3A_2898 : vector<16xi1>
      tpu.vector_store_idx %arg18[%broadcast_in_dim3A_2883, %min3A_2292], %broadcast_in_dim3A_2779 masked %and3A_2899 : memref<16x1024xf32, #tpu.memory_space<vmem>>[vector<16xi32>, vector<16xi32>], vector<16xf32>, vector<16xi1>
      %slice3A_2900 = vector.extract_strided_slice %select_n3A_2311 {offsets = [6], sizes = [1], strides = [1]} : vector<16xi32> to vector<1xi32>
      %squeeze3A_2901 = vector.extract %slice3A_2900[0] : i32 from vector<1xi32>
      %broadcast_in_dim3A_2902 = arith.constant 6 : i32
      %broadcast_in_dim3A_2903 = vector.broadcast %broadcast_in_dim3A_2902 : i32 to vector<16xi32>
      %broadcast_in_dim3A_2904 = vector.broadcast %scan3A_2228#1 : i32 to vector<16xi32>
      %eq3A_2905 = arith.constant 0 : i32
      %eq3A_2906 = vector.broadcast %eq3A_2905 : i32 to vector<16xi32>
      %eq3A_2907 = arith.cmpi eq, %iota3A, %eq3A_2906 : vector<16xi32>
      %and3A_2908 = vector.broadcast %and3A_2232 : i1 to vector<16xi1>
      %and3A_2909 = arith.andi %eq3A_2907, %and3A_2908 : vector<16xi1>
      %eq3A_2910 = arith.cmpi eq, %scan3A_2220#1, %squeeze3A_2901 : i32
      %and3A_2911 = vector.broadcast %eq3A_2910 : i1 to vector<16xi1>
      %and3A_2912 = arith.andi %and3A_2909, %and3A_2911 : vector<16xi1>
      tpu.vector_store_idx %arg18[%broadcast_in_dim3A_2903, %broadcast_in_dim3A_2904], %broadcast_in_dim3A_2777 masked %and3A_2912 : memref<16x1024xf32, #tpu.memory_space<vmem>>[vector<16xi32>, vector<16xi32>], vector<16xf32>, vector<16xi1>
      %lt3A_2913 = arith.constant 8 : i32
      %lt3A_2914 = vector.broadcast %lt3A_2913 : i32 to vector<16xi32>
      %lt3A_2915 = arith.cmpi slt, %iota3A, %lt3A_2914 : vector<16xi32>
      %and3A_2916 = arith.andi %lt3A_2915, %gt3A_2775 : vector<16xi1>
      %eq3A_2917 = vector.broadcast %squeeze3A_2901 : i32 to vector<16xi32>
      %eq3A_2918 = arith.cmpi eq, %min3A_2285, %eq3A_2917 : vector<16xi32>
      %and3A_2919 = arith.andi %and3A_2916, %eq3A_2918 : vector<16xi1>
      tpu.vector_store_idx %arg18[%broadcast_in_dim3A_2903, %min3A_2292], %broadcast_in_dim3A_2779 masked %and3A_2919 : memref<16x1024xf32, #tpu.memory_space<vmem>>[vector<16xi32>, vector<16xi32>], vector<16xf32>, vector<16xi1>
      %slice3A_2920 = vector.extract_strided_slice %select_n3A_2311 {offsets = [7], sizes = [1], strides = [1]} : vector<16xi32> to vector<1xi32>
      %squeeze3A_2921 = vector.extract %slice3A_2920[0] : i32 from vector<1xi32>
      %broadcast_in_dim3A_2922 = arith.constant 7 : i32
      %broadcast_in_dim3A_2923 = vector.broadcast %broadcast_in_dim3A_2922 : i32 to vector<16xi32>
      %broadcast_in_dim3A_2924 = vector.broadcast %scan3A_2228#1 : i32 to vector<16xi32>
      %eq3A_2925 = arith.constant 0 : i32
      %eq3A_2926 = vector.broadcast %eq3A_2925 : i32 to vector<16xi32>
      %eq3A_2927 = arith.cmpi eq, %iota3A, %eq3A_2926 : vector<16xi32>
      %and3A_2928 = vector.broadcast %and3A_2232 : i1 to vector<16xi1>
      %and3A_2929 = arith.andi %eq3A_2927, %and3A_2928 : vector<16xi1>
      %eq3A_2930 = arith.cmpi eq, %scan3A_2220#1, %squeeze3A_2921 : i32
      %and3A_2931 = vector.broadcast %eq3A_2930 : i1 to vector<16xi1>
      %and3A_2932 = arith.andi %and3A_2929, %and3A_2931 : vector<16xi1>
      tpu.vector_store_idx %arg18[%broadcast_in_dim3A_2923, %broadcast_in_dim3A_2924], %broadcast_in_dim3A_2777 masked %and3A_2932 : memref<16x1024xf32, #tpu.memory_space<vmem>>[vector<16xi32>, vector<16xi32>], vector<16xf32>, vector<16xi1>
      %lt3A_2933 = arith.constant 8 : i32
      %lt3A_2934 = vector.broadcast %lt3A_2933 : i32 to vector<16xi32>
      %lt3A_2935 = arith.cmpi slt, %iota3A, %lt3A_2934 : vector<16xi32>
      %and3A_2936 = arith.andi %lt3A_2935, %gt3A_2775 : vector<16xi1>
      %eq3A_2937 = vector.broadcast %squeeze3A_2921 : i32 to vector<16xi32>
      %eq3A_2938 = arith.cmpi eq, %min3A_2285, %eq3A_2937 : vector<16xi32>
      %and3A_2939 = arith.andi %and3A_2936, %eq3A_2938 : vector<16xi1>
      tpu.vector_store_idx %arg18[%broadcast_in_dim3A_2923, %min3A_2292], %broadcast_in_dim3A_2779 masked %and3A_2939 : memref<16x1024xf32, #tpu.memory_space<vmem>>[vector<16xi32>, vector<16xi32>], vector<16xf32>, vector<16xi1>
      %slice3A_2940 = vector.extract_strided_slice %select_n3A_2311 {offsets = [8], sizes = [1], strides = [1]} : vector<16xi32> to vector<1xi32>
      %squeeze3A_2941 = vector.extract %slice3A_2940[0] : i32 from vector<1xi32>
      %broadcast_in_dim3A_2942 = arith.constant 8 : i32
      %broadcast_in_dim3A_2943 = vector.broadcast %broadcast_in_dim3A_2942 : i32 to vector<16xi32>
      %broadcast_in_dim3A_2944 = vector.broadcast %scan3A_2228#1 : i32 to vector<16xi32>
      %eq3A_2945 = arith.constant 0 : i32
      %eq3A_2946 = vector.broadcast %eq3A_2945 : i32 to vector<16xi32>
      %eq3A_2947 = arith.cmpi eq, %iota3A, %eq3A_2946 : vector<16xi32>
      %and3A_2948 = vector.broadcast %and3A_2232 : i1 to vector<16xi1>
      %and3A_2949 = arith.andi %eq3A_2947, %and3A_2948 : vector<16xi1>
      %eq3A_2950 = arith.cmpi eq, %scan3A_2220#1, %squeeze3A_2941 : i32
      %and3A_2951 = vector.broadcast %eq3A_2950 : i1 to vector<16xi1>
      %and3A_2952 = arith.andi %and3A_2949, %and3A_2951 : vector<16xi1>
      tpu.vector_store_idx %arg18[%broadcast_in_dim3A_2943, %broadcast_in_dim3A_2944], %broadcast_in_dim3A_2777 masked %and3A_2952 : memref<16x1024xf32, #tpu.memory_space<vmem>>[vector<16xi32>, vector<16xi32>], vector<16xf32>, vector<16xi1>
      %lt3A_2953 = arith.constant 8 : i32
      %lt3A_2954 = vector.broadcast %lt3A_2953 : i32 to vector<16xi32>
      %lt3A_2955 = arith.cmpi slt, %iota3A, %lt3A_2954 : vector<16xi32>
      %and3A_2956 = arith.andi %lt3A_2955, %gt3A_2775 : vector<16xi1>
      %eq3A_2957 = vector.broadcast %squeeze3A_2941 : i32 to vector<16xi32>
      %eq3A_2958 = arith.cmpi eq, %min3A_2285, %eq3A_2957 : vector<16xi32>
      %and3A_2959 = arith.andi %and3A_2956, %eq3A_2958 : vector<16xi1>
      tpu.vector_store_idx %arg18[%broadcast_in_dim3A_2943, %min3A_2292], %broadcast_in_dim3A_2779 masked %and3A_2959 : memref<16x1024xf32, #tpu.memory_space<vmem>>[vector<16xi32>, vector<16xi32>], vector<16xf32>, vector<16xi1>
      %slice3A_2960 = vector.extract_strided_slice %select_n3A_2311 {offsets = [9], sizes = [1], strides = [1]} : vector<16xi32> to vector<1xi32>
      %squeeze3A_2961 = vector.extract %slice3A_2960[0] : i32 from vector<1xi32>
      %broadcast_in_dim3A_2962 = arith.constant 9 : i32
      %broadcast_in_dim3A_2963 = vector.broadcast %broadcast_in_dim3A_2962 : i32 to vector<16xi32>
      %broadcast_in_dim3A_2964 = vector.broadcast %scan3A_2228#1 : i32 to vector<16xi32>
      %eq3A_2965 = arith.constant 0 : i32
      %eq3A_2966 = vector.broadcast %eq3A_2965 : i32 to vector<16xi32>
      %eq3A_2967 = arith.cmpi eq, %iota3A, %eq3A_2966 : vector<16xi32>
      %and3A_2968 = vector.broadcast %and3A_2232 : i1 to vector<16xi1>
      %and3A_2969 = arith.andi %eq3A_2967, %and3A_2968 : vector<16xi1>
      %eq3A_2970 = arith.cmpi eq, %scan3A_2220#1, %squeeze3A_2961 : i32
      %and3A_2971 = vector.broadcast %eq3A_2970 : i1 to vector<16xi1>
      %and3A_2972 = arith.andi %and3A_2969, %and3A_2971 : vector<16xi1>
      tpu.vector_store_idx %arg18[%broadcast_in_dim3A_2963, %broadcast_in_dim3A_2964], %broadcast_in_dim3A_2777 masked %and3A_2972 : memref<16x1024xf32, #tpu.memory_space<vmem>>[vector<16xi32>, vector<16xi32>], vector<16xf32>, vector<16xi1>
      %lt3A_2973 = arith.constant 8 : i32
      %lt3A_2974 = vector.broadcast %lt3A_2973 : i32 to vector<16xi32>
      %lt3A_2975 = arith.cmpi slt, %iota3A, %lt3A_2974 : vector<16xi32>
      %and3A_2976 = arith.andi %lt3A_2975, %gt3A_2775 : vector<16xi1>
      %eq3A_2977 = vector.broadcast %squeeze3A_2961 : i32 to vector<16xi32>
      %eq3A_2978 = arith.cmpi eq, %min3A_2285, %eq3A_2977 : vector<16xi32>
      %and3A_2979 = arith.andi %and3A_2976, %eq3A_2978 : vector<16xi1>
      tpu.vector_store_idx %arg18[%broadcast_in_dim3A_2963, %min3A_2292], %broadcast_in_dim3A_2779 masked %and3A_2979 : memref<16x1024xf32, #tpu.memory_space<vmem>>[vector<16xi32>, vector<16xi32>], vector<16xf32>, vector<16xi1>
      %slice3A_2980 = vector.extract_strided_slice %select_n3A_2311 {offsets = [10], sizes = [1], strides = [1]} : vector<16xi32> to vector<1xi32>
      %squeeze3A_2981 = vector.extract %slice3A_2980[0] : i32 from vector<1xi32>
      %broadcast_in_dim3A_2982 = arith.constant 10 : i32
      %broadcast_in_dim3A_2983 = vector.broadcast %broadcast_in_dim3A_2982 : i32 to vector<16xi32>
      %broadcast_in_dim3A_2984 = vector.broadcast %scan3A_2228#1 : i32 to vector<16xi32>
      %eq3A_2985 = arith.constant 0 : i32
      %eq3A_2986 = vector.broadcast %eq3A_2985 : i32 to vector<16xi32>
      %eq3A_2987 = arith.cmpi eq, %iota3A, %eq3A_2986 : vector<16xi32>
      %and3A_2988 = vector.broadcast %and3A_2232 : i1 to vector<16xi1>
      %and3A_2989 = arith.andi %eq3A_2987, %and3A_2988 : vector<16xi1>
      %eq3A_2990 = arith.cmpi eq, %scan3A_2220#1, %squeeze3A_2981 : i32
      %and3A_2991 = vector.broadcast %eq3A_2990 : i1 to vector<16xi1>
      %and3A_2992 = arith.andi %and3A_2989, %and3A_2991 : vector<16xi1>
      tpu.vector_store_idx %arg18[%broadcast_in_dim3A_2983, %broadcast_in_dim3A_2984], %broadcast_in_dim3A_2777 masked %and3A_2992 : memref<16x1024xf32, #tpu.memory_space<vmem>>[vector<16xi32>, vector<16xi32>], vector<16xf32>, vector<16xi1>
      %lt3A_2993 = arith.constant 8 : i32
      %lt3A_2994 = vector.broadcast %lt3A_2993 : i32 to vector<16xi32>
      %lt3A_2995 = arith.cmpi slt, %iota3A, %lt3A_2994 : vector<16xi32>
      %and3A_2996 = arith.andi %lt3A_2995, %gt3A_2775 : vector<16xi1>
      %eq3A_2997 = vector.broadcast %squeeze3A_2981 : i32 to vector<16xi32>
      %eq3A_2998 = arith.cmpi eq, %min3A_2285, %eq3A_2997 : vector<16xi32>
      %and3A_2999 = arith.andi %and3A_2996, %eq3A_2998 : vector<16xi1>
      tpu.vector_store_idx %arg18[%broadcast_in_dim3A_2983, %min3A_2292], %broadcast_in_dim3A_2779 masked %and3A_2999 : memref<16x1024xf32, #tpu.memory_space<vmem>>[vector<16xi32>, vector<16xi32>], vector<16xf32>, vector<16xi1>
      %slice3A_3000 = vector.extract_strided_slice %select_n3A_2311 {offsets = [11], sizes = [1], strides = [1]} : vector<16xi32> to vector<1xi32>
      %squeeze3A_3001 = vector.extract %slice3A_3000[0] : i32 from vector<1xi32>
      %broadcast_in_dim3A_3002 = arith.constant 11 : i32
      %broadcast_in_dim3A_3003 = vector.broadcast %broadcast_in_dim3A_3002 : i32 to vector<16xi32>
      %broadcast_in_dim3A_3004 = vector.broadcast %scan3A_2228#1 : i32 to vector<16xi32>
      %eq3A_3005 = arith.constant 0 : i32
      %eq3A_3006 = vector.broadcast %eq3A_3005 : i32 to vector<16xi32>
      %eq3A_3007 = arith.cmpi eq, %iota3A, %eq3A_3006 : vector<16xi32>
      %and3A_3008 = vector.broadcast %and3A_2232 : i1 to vector<16xi1>
      %and3A_3009 = arith.andi %eq3A_3007, %and3A_3008 : vector<16xi1>
      %eq3A_3010 = arith.cmpi eq, %scan3A_2220#1, %squeeze3A_3001 : i32
      %and3A_3011 = vector.broadcast %eq3A_3010 : i1 to vector<16xi1>
      %and3A_3012 = arith.andi %and3A_3009, %and3A_3011 : vector<16xi1>
      tpu.vector_store_idx %arg18[%broadcast_in_dim3A_3003, %broadcast_in_dim3A_3004], %broadcast_in_dim3A_2777 masked %and3A_3012 : memref<16x1024xf32, #tpu.memory_space<vmem>>[vector<16xi32>, vector<16xi32>], vector<16xf32>, vector<16xi1>
      %lt3A_3013 = arith.constant 8 : i32
      %lt3A_3014 = vector.broadcast %lt3A_3013 : i32 to vector<16xi32>
      %lt3A_3015 = arith.cmpi slt, %iota3A, %lt3A_3014 : vector<16xi32>
      %and3A_3016 = arith.andi %lt3A_3015, %gt3A_2775 : vector<16xi1>
      %eq3A_3017 = vector.broadcast %squeeze3A_3001 : i32 to vector<16xi32>
      %eq3A_3018 = arith.cmpi eq, %min3A_2285, %eq3A_3017 : vector<16xi32>
      %and3A_3019 = arith.andi %and3A_3016, %eq3A_3018 : vector<16xi1>
      tpu.vector_store_idx %arg18[%broadcast_in_dim3A_3003, %min3A_2292], %broadcast_in_dim3A_2779 masked %and3A_3019 : memref<16x1024xf32, #tpu.memory_space<vmem>>[vector<16xi32>, vector<16xi32>], vector<16xf32>, vector<16xi1>
      %slice3A_3020 = vector.extract_strided_slice %select_n3A_2311 {offsets = [12], sizes = [1], strides = [1]} : vector<16xi32> to vector<1xi32>
      %squeeze3A_3021 = vector.extract %slice3A_3020[0] : i32 from vector<1xi32>
      %broadcast_in_dim3A_3022 = arith.constant 12 : i32
      %broadcast_in_dim3A_3023 = vector.broadcast %broadcast_in_dim3A_3022 : i32 to vector<16xi32>
      %broadcast_in_dim3A_3024 = vector.broadcast %scan3A_2228#1 : i32 to vector<16xi32>
      %eq3A_3025 = arith.constant 0 : i32
      %eq3A_3026 = vector.broadcast %eq3A_3025 : i32 to vector<16xi32>
      %eq3A_3027 = arith.cmpi eq, %iota3A, %eq3A_3026 : vector<16xi32>
      %and3A_3028 = vector.broadcast %and3A_2232 : i1 to vector<16xi1>
      %and3A_3029 = arith.andi %eq3A_3027, %and3A_3028 : vector<16xi1>
      %eq3A_3030 = arith.cmpi eq, %scan3A_2220#1, %squeeze3A_3021 : i32
      %and3A_3031 = vector.broadcast %eq3A_3030 : i1 to vector<16xi1>
      %and3A_3032 = arith.andi %and3A_3029, %and3A_3031 : vector<16xi1>
      tpu.vector_store_idx %arg18[%broadcast_in_dim3A_3023, %broadcast_in_dim3A_3024], %broadcast_in_dim3A_2777 masked %and3A_3032 : memref<16x1024xf32, #tpu.memory_space<vmem>>[vector<16xi32>, vector<16xi32>], vector<16xf32>, vector<16xi1>
      %lt3A_3033 = arith.constant 8 : i32
      %lt3A_3034 = vector.broadcast %lt3A_3033 : i32 to vector<16xi32>
      %lt3A_3035 = arith.cmpi slt, %iota3A, %lt3A_3034 : vector<16xi32>
      %and3A_3036 = arith.andi %lt3A_3035, %gt3A_2775 : vector<16xi1>
      %eq3A_3037 = vector.broadcast %squeeze3A_3021 : i32 to vector<16xi32>
      %eq3A_3038 = arith.cmpi eq, %min3A_2285, %eq3A_3037 : vector<16xi32>
      %and3A_3039 = arith.andi %and3A_3036, %eq3A_3038 : vector<16xi1>
      tpu.vector_store_idx %arg18[%broadcast_in_dim3A_3023, %min3A_2292], %broadcast_in_dim3A_2779 masked %and3A_3039 : memref<16x1024xf32, #tpu.memory_space<vmem>>[vector<16xi32>, vector<16xi32>], vector<16xf32>, vector<16xi1>
      %slice3A_3040 = vector.extract_strided_slice %select_n3A_2311 {offsets = [13], sizes = [1], strides = [1]} : vector<16xi32> to vector<1xi32>
      %squeeze3A_3041 = vector.extract %slice3A_3040[0] : i32 from vector<1xi32>
      %broadcast_in_dim3A_3042 = arith.constant 13 : i32
      %broadcast_in_dim3A_3043 = vector.broadcast %broadcast_in_dim3A_3042 : i32 to vector<16xi32>
      %broadcast_in_dim3A_3044 = vector.broadcast %scan3A_2228#1 : i32 to vector<16xi32>
      %eq3A_3045 = arith.constant 0 : i32
      %eq3A_3046 = vector.broadcast %eq3A_3045 : i32 to vector<16xi32>
      %eq3A_3047 = arith.cmpi eq, %iota3A, %eq3A_3046 : vector<16xi32>
      %and3A_3048 = vector.broadcast %and3A_2232 : i1 to vector<16xi1>
      %and3A_3049 = arith.andi %eq3A_3047, %and3A_3048 : vector<16xi1>
      %eq3A_3050 = arith.cmpi eq, %scan3A_2220#1, %squeeze3A_3041 : i32
      %and3A_3051 = vector.broadcast %eq3A_3050 : i1 to vector<16xi1>
      %and3A_3052 = arith.andi %and3A_3049, %and3A_3051 : vector<16xi1>
      tpu.vector_store_idx %arg18[%broadcast_in_dim3A_3043, %broadcast_in_dim3A_3044], %broadcast_in_dim3A_2777 masked %and3A_3052 : memref<16x1024xf32, #tpu.memory_space<vmem>>[vector<16xi32>, vector<16xi32>], vector<16xf32>, vector<16xi1>
      %lt3A_3053 = arith.constant 8 : i32
      %lt3A_3054 = vector.broadcast %lt3A_3053 : i32 to vector<16xi32>
      %lt3A_3055 = arith.cmpi slt, %iota3A, %lt3A_3054 : vector<16xi32>
      %and3A_3056 = arith.andi %lt3A_3055, %gt3A_2775 : vector<16xi1>
      %eq3A_3057 = vector.broadcast %squeeze3A_3041 : i32 to vector<16xi32>
      %eq3A_3058 = arith.cmpi eq, %min3A_2285, %eq3A_3057 : vector<16xi32>
      %and3A_3059 = arith.andi %and3A_3056, %eq3A_3058 : vector<16xi1>
      tpu.vector_store_idx %arg18[%broadcast_in_dim3A_3043, %min3A_2292], %broadcast_in_dim3A_2779 masked %and3A_3059 : memref<16x1024xf32, #tpu.memory_space<vmem>>[vector<16xi32>, vector<16xi32>], vector<16xf32>, vector<16xi1>
      %slice3A_3060 = vector.extract_strided_slice %select_n3A_2311 {offsets = [14], sizes = [1], strides = [1]} : vector<16xi32> to vector<1xi32>
      %squeeze3A_3061 = vector.extract %slice3A_3060[0] : i32 from vector<1xi32>
      %broadcast_in_dim3A_3062 = arith.constant 14 : i32
      %broadcast_in_dim3A_3063 = vector.broadcast %broadcast_in_dim3A_3062 : i32 to vector<16xi32>
      %broadcast_in_dim3A_3064 = vector.broadcast %scan3A_2228#1 : i32 to vector<16xi32>
      %eq3A_3065 = arith.constant 0 : i32
      %eq3A_3066 = vector.broadcast %eq3A_3065 : i32 to vector<16xi32>
      %eq3A_3067 = arith.cmpi eq, %iota3A, %eq3A_3066 : vector<16xi32>
      %and3A_3068 = vector.broadcast %and3A_2232 : i1 to vector<16xi1>
      %and3A_3069 = arith.andi %eq3A_3067, %and3A_3068 : vector<16xi1>
      %eq3A_3070 = arith.cmpi eq, %scan3A_2220#1, %squeeze3A_3061 : i32
      %and3A_3071 = vector.broadcast %eq3A_3070 : i1 to vector<16xi1>
      %and3A_3072 = arith.andi %and3A_3069, %and3A_3071 : vector<16xi1>
      tpu.vector_store_idx %arg18[%broadcast_in_dim3A_3063, %broadcast_in_dim3A_3064], %broadcast_in_dim3A_2777 masked %and3A_3072 : memref<16x1024xf32, #tpu.memory_space<vmem>>[vector<16xi32>, vector<16xi32>], vector<16xf32>, vector<16xi1>
      %lt3A_3073 = arith.constant 8 : i32
      %lt3A_3074 = vector.broadcast %lt3A_3073 : i32 to vector<16xi32>
      %lt3A_3075 = arith.cmpi slt, %iota3A, %lt3A_3074 : vector<16xi32>
      %and3A_3076 = arith.andi %lt3A_3075, %gt3A_2775 : vector<16xi1>
      %eq3A_3077 = vector.broadcast %squeeze3A_3061 : i32 to vector<16xi32>
      %eq3A_3078 = arith.cmpi eq, %min3A_2285, %eq3A_3077 : vector<16xi32>
      %and3A_3079 = arith.andi %and3A_3076, %eq3A_3078 : vector<16xi1>
      tpu.vector_store_idx %arg18[%broadcast_in_dim3A_3063, %min3A_2292], %broadcast_in_dim3A_2779 masked %and3A_3079 : memref<16x1024xf32, #tpu.memory_space<vmem>>[vector<16xi32>, vector<16xi32>], vector<16xf32>, vector<16xi1>
      %slice3A_3080 = vector.extract_strided_slice %select_n3A_2311 {offsets = [15], sizes = [1], strides = [1]} : vector<16xi32> to vector<1xi32>
      %squeeze3A_3081 = vector.extract %slice3A_3080[0] : i32 from vector<1xi32>
      %broadcast_in_dim3A_3082 = arith.constant 15 : i32
      %broadcast_in_dim3A_3083 = vector.broadcast %broadcast_in_dim3A_3082 : i32 to vector<16xi32>
      %broadcast_in_dim3A_3084 = vector.broadcast %scan3A_2228#1 : i32 to vector<16xi32>
      %eq3A_3085 = arith.constant 0 : i32
      %eq3A_3086 = vector.broadcast %eq3A_3085 : i32 to vector<16xi32>
      %eq3A_3087 = arith.cmpi eq, %iota3A, %eq3A_3086 : vector<16xi32>
      %and3A_3088 = vector.broadcast %and3A_2232 : i1 to vector<16xi1>
      %and3A_3089 = arith.andi %eq3A_3087, %and3A_3088 : vector<16xi1>
      %eq3A_3090 = arith.cmpi eq, %scan3A_2220#1, %squeeze3A_3081 : i32
      %and3A_3091 = vector.broadcast %eq3A_3090 : i1 to vector<16xi1>
      %and3A_3092 = arith.andi %and3A_3089, %and3A_3091 : vector<16xi1>
      tpu.vector_store_idx %arg18[%broadcast_in_dim3A_3083, %broadcast_in_dim3A_3084], %broadcast_in_dim3A_2777 masked %and3A_3092 : memref<16x1024xf32, #tpu.memory_space<vmem>>[vector<16xi32>, vector<16xi32>], vector<16xf32>, vector<16xi1>
      %lt3A_3093 = arith.constant 8 : i32
      %lt3A_3094 = vector.broadcast %lt3A_3093 : i32 to vector<16xi32>
      %lt3A_3095 = arith.cmpi slt, %iota3A, %lt3A_3094 : vector<16xi32>
      %and3A_3096 = arith.andi %lt3A_3095, %gt3A_2775 : vector<16xi1>
      %eq3A_3097 = vector.broadcast %squeeze3A_3081 : i32 to vector<16xi32>
      %eq3A_3098 = arith.cmpi eq, %min3A_2285, %eq3A_3097 : vector<16xi32>
      %and3A_3099 = arith.andi %and3A_3096, %eq3A_3098 : vector<16xi1>
      tpu.vector_store_idx %arg18[%broadcast_in_dim3A_3083, %min3A_2292], %broadcast_in_dim3A_2779 masked %and3A_3099 : memref<16x1024xf32, #tpu.memory_space<vmem>>[vector<16xi32>, vector<16xi32>], vector<16xf32>, vector<16xi1>
      %dma_start3A_3100 = arith.constant 0 : i32
      %dma_start3A_3101 = arith.constant 0 : i32
      %dma_start3A_3102 = tpu.memref_slice %arg5[%dma_start3A_3100, %dma_start3A_3101] : memref<1024x1024xf32, #tpu.memory_space<hbm>> -> memref<1024x1024xf32, #tpu.memory_space<hbm>>
      tpu.enqueue_indirect_dma source(%arg18 : memref<16x1024xf32, #tpu.memory_space<vmem>>) target(%dma_start3A_3102 : memref<1024x1024xf32, #tpu.memory_space<hbm>>) offsets(%arg19 : memref<16xi32, #tpu.memory_space<vmem>>) semaphore(%arg27 : memref<!tpu.dma_semaphore, #tpu.memory_space<semaphore_mem>>)
      %dma_wait3A_3103 = arith.constant 0 : i32
      %dma_wait3A_3104 = arith.constant 0 : i32
      %dma_wait3A_3105 = tpu.memref_slice %arg5[%dma_wait3A_3103, %dma_wait3A_3104] : memref<1024x1024xf32, #tpu.memory_space<hbm>> -> memref<1024x1024xf32, #tpu.memory_space<hbm>>
      tpu.wait_indirect_dma semaphore(%arg27 : memref<!tpu.dma_semaphore, #tpu.memory_space<semaphore_mem>>) src(%arg18 : memref<16x1024xf32, #tpu.memory_space<vmem>>) dst(%dma_wait3A_3105 : memref<1024x1024xf32, #tpu.memory_space<hbm>>)
    } else {
    }
    return
  }
}

</mosaic_0001>

<sc_bundles>
// kernel: kernel.3.cloned.1.call-start
scs
__scs_entry_jumppad:
0x0: {  	(pc) =	sbr.rel $0x88, $3  }
0x1: {  	(tag) =	ssettag $0x0;
	lr =	simm.s32 $0x1  }
0x2: {  	[smem:$0x3F9D] =	sst lr;
	_ =	strace $0xD0000000  }
0x3: {  	_ = 	snop  }
0x4: {  	_ = 	snop  }
0x5: {  	_ = 	snop  }
0x6: {  	_ = 	snop  }
0x7: {  	_ = 	snop  }
__scs_overlays_trampoline_lowered:
0x8: {  	[smem:$0x3FAC] =	sst s0  }
0x9: {  	[smem:$0x3FAD] =	sst s1  }
0xa: {  	[smem:$0x3FAE] =	sst s2  }
0xb: {  	[smem:$0x3FAF] =	sst s3  }
0xc: {  	[smem:$0x3FB0] =	sst s4  }
0xd: {  	[smem:$0x3FB1] =	sst s5  }
0xe: {  	[smem:$0x3FB2] =	sst s6  }
0xf: {  	[smem:$0x3FB3] =	sst s7  }
0x10: {  	[smem:$0x3FB4] =	sst s8  }
0x11: {  	[smem:$0x3FB5] =	sst s9;
	s0 =	simm.s32 @!p0 $0x0  }
0x12: {  	s1 =	sld [smem:$0x3F9B];
	s0 =	simm.s32 @p0 $0x1  }
0x13: {  	[smem:$0x3FB6] =	sst s0;
	s0 =	simm.s32 @!p1 $0x0  }
0x14: {  	s2 =	sld [smem:$0x3F9A];
	s0 =	simm.s32 @p1 $0x1  }
0x15: {  	[smem:$0x3FB7] =	sst s0;
	s0 =	simm.s32 @!p2 $0x0  }
0x16: {  	s3 =	sld [smem:$0x3FDB];
	s0 =	simm.s32 @p2 $0x1  }
0x17: {  	s4 =	simm.s32 $0x1BF5;
	[smem:$0x3FB9] =	sst s0  }
0x18: {  	s0 =	sld [smem:$0x3F9C];
	_ =	swait.ge [sflag:s4], $0x0  }
0x19: {  	s7 =	sld [smem:$0x3F9D]  }
0x1a: {  	s8 =	sadd.s32 $0xFFFFE003, lr  }
0x1b: {  	s9 =	sadd.s32 $0xFFFFFEF7, lr;
	s5 =	simm.s32 $0xFFFFFFFF;
	p2 =	slt.u32 s8, $0xFFFFF086  }
0x1c: {  	p1 =	slt.u32 s9, $0xF7A;
	s5 =	simm.s32 @!p2 $0x0  }
0x1d: {  	s5 =	simm.s32 @p1 $0x1;
	p0 =	seq.s32 s7, s2  }
0x1e: {  	s7 =	smul.u32 @!p0 $0xF7A, s2;
	p2 =	seq.s32 @!p0 s5, $0x0  }
0x1f: {  	s9 =	smul.u32 $0xF7A, s1;
	s8 =	simm.s32 @!p0 $0x1BF5;
	p2 =	por !p2, p0  }
0x20: {  	[sflag:s8] =	ssyncset.s32 @!p0 $0xFFFFF086;
	s6 =	sadd.s32 @!p0 s3, s7;
	s7 =	simm.s32 @!p0 $0x108  }
0x21: {  	s3 =	sadd.s32 s3, s9;
	s6 =	sadd.s32 @!p0 $0x88, s6;
	s7 =	simm.s32 @p2 $0x1082  }
0x22: {  	[simem:s7], [sflag:s8] =	dma.local @!p0 [hbm:s6], $0xF7A  }
0x23: {  	s9 =	sor.u32 $0xD0000000, s2;
	s6 =	simm.s32 $0x108;
	_ =	swait.ge @!p0 [sflag:s8], $0x0  }
0x24: {  	s3 =	sadd.s32 $0x88, s3;
	s6 =	simm.s32 @!p1 $0x1082;
	[sflag:s4] =	ssyncset.s32 $0xFFFFF086  }
0x25: {  	[simem:s6], [sflag:s4] =	dma.local [hbm:s3], $0xF7A  }
0x26: {  	[smem:$0x3F9D] =	sst s1;
	(tag) =	ssettag s2;
	_ =	strace s9  }
0x27: {  	s1 =	sld [smem:$0x3FAD]  }
0x28: {  	s2 =	sld [smem:$0x3FAE]  }
0x29: {  	s4 =	sld [smem:$0x3FB0]  }
0x2a: {  	p0 =	seq.s32 s5, $0x0;
	s5 =	sld [smem:$0x3FB1]  }
0x2b: {  	s6 =	sld [smem:$0x3FB2]  }
0x2c: {  	s7 =	sld [smem:$0x3FB3]  }
0x2d: {  	s3 =	simm.s32 $0x108;
	s8 =	sld [smem:$0x3FB4]  }
0x2e: {  	s3 =	simm.s32 @!p0 $0x1082;
	s9 =	sld [smem:$0x3FB5]  }
0x2f: {  	lr =	sadd.s32 s0, s3;
	s0 =	sld [smem:$0x3FAC]  }
0x30: {  	s3 =	sld [smem:$0x3FAF]  }
0x31: {  	[smem:$0x3FB8] =	sst s10  }
0x32: {  	s10 =	sld [smem:$0x3FB6];
	_ =	sdelay $0x3  }
0x33: {  	p0 =	seq.s32 s10, $0x1;
	s10 =	sld [smem:$0x3FB8];
	_ =	sdelay $0x3  }
0x34: {  	[smem:$0x3FB8] =	sst s10  }
0x35: {  	s10 =	sld [smem:$0x3FB7];
	_ =	sdelay $0x3  }
0x36: {  	p1 =	seq.s32 s10, $0x1;
	s10 =	sld [smem:$0x3FB8];
	_ =	sdelay $0x3  }
0x37: {  	[smem:$0x3FB8] =	sst s10  }
0x38: {  	s10 =	sld [smem:$0x3FB9]  }
0x39: {  	_ = 	snop;
	(pc) =	sbr.ind lr, $3  }
0x3a: {  	_ = 	snop  }
0x3b: {  	_ = 	snop  }
0x3c: {  	p2 =	seq.s32 s10, $0x1;
	s10 =	sld [smem:$0x3FB8]  }
0x3d: {  	_ =	shalt  }
0x3e: {  	_ =	shalt  }
0x3f: {  	_ =	shalt  }
0x40: {  	_ =	shalt  }
0x41: {  	_ =	shalt  }
0x42: {  	_ =	shalt  }
0x43: {  	_ =	shalt  }
0x44: {  	_ =	shalt  }
0x45: {  	_ =	shalt  }
0x46: {  	_ =	shalt  }
0x47: {  	_ =	shalt  }
0x48: {  	_ =	shalt  }
0x49: {  	_ =	shalt  }
0x4a: {  	_ =	shalt  }
0x4b: {  	_ =	shalt  }
0x4c: {  	_ =	shalt  }
0x4d: {  	_ =	shalt  }
0x4e: {  	_ =	shalt  }
0x4f: {  	_ =	shalt  }
0x50: {  	_ =	shalt  }
0x51: {  	_ =	shalt  }
0x52: {  	_ =	shalt  }
0x53: {  	_ =	shalt  }
0x54: {  	_ =	shalt  }
0x55: {  	_ =	shalt  }
0x56: {  	_ =	shalt  }
0x57: {  	_ =	shalt  }
0x58: {  	_ =	shalt  }
0x59: {  	_ =	shalt  }
0x5a: {  	_ =	shalt  }
0x5b: {  	_ =	shalt  }
0x5c: {  	_ =	shalt  }
0x5d: {  	_ =	shalt  }
0x5e: {  	_ =	shalt  }
0x5f: {  	_ =	shalt  }
0x60: {  	_ =	shalt  }
0x61: {  	_ =	shalt  }
0x62: {  	_ =	shalt  }
0x63: {  	_ =	shalt  }
0x64: {  	_ =	shalt  }
0x65: {  	_ =	shalt  }
0x66: {  	_ =	shalt  }
0x67: {  	_ =	shalt  }
0x68: {  	_ =	shalt  }
0x69: {  	_ =	shalt  }
0x6a: {  	_ =	shalt  }
0x6b: {  	_ =	shalt  }
0x6c: {  	_ =	shalt  }
0x6d: {  	_ =	shalt  }
0x6e: {  	_ =	shalt  }
0x6f: {  	_ =	shalt  }
0x70: {  	_ =	shalt  }
0x71: {  	_ =	shalt  }
0x72: {  	_ =	shalt  }
0x73: {  	_ =	shalt  }
0x74: {  	_ =	shalt  }
0x75: {  	_ =	shalt  }
0x76: {  	_ =	shalt  }
0x77: {  	_ =	shalt  }
0x78: {  	_ =	shalt  }
0x79: {  	_ =	shalt  }
0x7a: {  	_ =	shalt  }
0x7b: {  	_ =	shalt  }
0x7c: {  	_ =	shalt  }
0x7d: {  	_ =	shalt  }
0x7e: {  	_ =	shalt  }
0x7f: {  	_ =	shalt  }
0x80: {  	_ =	shalt  }
0x81: {  	_ =	shalt  }
0x82: {  	_ =	shalt  }
0x83: {  	_ =	shalt  }
0x84: {  	_ =	shalt  }
0x85: {  	_ =	shalt  }
0x86: {  	_ =	shalt  }
0x87: {  	_ =	shalt  }
.Lfunc_end0:
.L_simem_size_0:
called_computation_lowered:
.L_overlay_start_0:
0x88: {  	s0 =	sld [smem:$0x3FD9]  }
0x89: {  	s1 =	sld [smem:$0x3FFE];
	_ =	sdelay $0x3  }
0x8a: {  	s0 =	sadd.s32 s1, s0  }
0x8b: {  	[smem:$0x3FC4] =	sst s0  }
0x8c: {  	_ = 	snop  }
0x8d: {  	s0 =	sld [smem:$0x3FD0];
	_ =	sdelay $0x2  }
0x8e: {  	s2 =	simm.s32 $0xA;
	s3 =	simm.s32 $0x10;
	s13 =	sld [smem:$0x3FC9]  }
0x8f: {  	[smem:s3], [sflag:s2] =	dma.local [hbm:s0], $0x1  }
0x90: {  	_ =	swait.eq [sflag:s2], $0x1  }
0x91: {  	s14 =	sld [smem:$0x10]  }
0x92: {  	s15 =	sld [smem:$0x11];
	[sflag:s2] =	ssyncset.done $0x0  }
0x93: {  	s4 =	sld [smem:$0x13];
	[sflag:s2] =	ssyncadd.s32 $0xFFFFFFFF  }
0x94: {  	s16 =	sld [smem:$0x14];
	(tm) =	ssettm $0x1  }
0x95: {  	s5 =	sld [smem:$0x3FFB];
	_ =	sdelay $0x3  }
0x96: {  	_ =	strace s5  }
0x97: {  	s5 =	sld [smem:$0x3FFC];
	_ =	sdelay $0x3  }
0x98: {  	_ =	strace s5  }
0x99: {  	s5 =	sld [smem:$0x3FFD];
	_ =	sdelay $0x3  }
0x9a: {  	_ =	strace s5  }
0x9b: {  	_ =	strace $0x8FFFFFFF  }
0x9c: {  	s17 =	sld [smem:$0x3FDB];
	_ =	sdelay $0x1  }
0x9d: {  	s6 =	simm.s32 $_scs_section_size  }
0x9e: {  	s7 =	simm.s32 $_size__tile_overlayer_lowered;
	s8 =	simm.s32 $_tile_overlayer_lowered  }
0x9f: {  	s20 =	simm.s32 $0x1BFF;
	s19 =	sshll.u32 s8, $0x1;
	s5 =	sadd.s32 s6, s17  }
0xa0: {  	s9 =	simm.s32 $0x0;
	s18 =	sshll.u32 s7, $0x1;
	s7 =	sadd.s32 s19, s5  }
0xa1: {  	[timem:s9], [sflag:s20] =	dma.local [hbm:s7], s18  }
0xa2: {  	_ =	swait.ge [sflag:s20], s18  }
0xa3: {  	s6 =	ssub.s32 $0x0, s18;
	[sflag:s20] =	ssyncset.done $0x0  }
0xa4: {  	[sflag:s20] =	ssyncadd.s32 s6;
	_ =	sdelay $0x1  }
0xa5: {  	s21 =	simm.s32 $0x1B8B  }
0xa6: {  	_ =	swait.ge [sflag:s21], $0x1  }
0xa7: {  	[sflag:s21] =	ssyncset.done $0x0  }
0xa8: {  	s23 =	simm.s32 $0x1B8E;
	s22 =	sld [smem:$0x3FFE];
	[sflag:s21] =	ssyncadd.s32 $0xFFFFFFFF  }
0xa9: {  	s24 =	simm.s32 $execute0_lowered;
	[smem:$0x3FD2] =	sst s23  }
0xaa: {  	s7 =	sshll.u32 s24, $0x1;
	_ =	strace $0x80000046;
	[dreg:$0x1] =	wrdreg $0xFFFFFFFF  }
0xab: {  	s25 =	simm.s32 $_size_execute0_lowered;
	s5 =	sadd.s32 s5, s7;
	[dreg:$0x0] =	wrdreg $0x0  }
0xac: {  	s7 =	sshll.u32 s25, $0x1;
	[dreg:$0x2] =	wrdreg s5  }
0xad: {  	[dreg:$0x3] =	wrdreg s7  }
0xae: {  	[dreg:$0x4] =	wrdreg $0xC0  }
0xaf: {  	_ =	task [dreg:s9], $0x5FFFF  }
0xb0: {  	[dreg:$0x1] =	wrdreg $0xFFFFFFFF  }
0xb1: {  	[dreg:$0x0] =	wrdreg $0x60  }
0xb2: {  	[dreg:$0x2] =	wrdreg s13  }
0xb3: {  	[dreg:$0x3] =	wrdreg s16  }
0xb4: {  	[dreg:$0x4] =	wrdreg s14  }
0xb5: {  	[dreg:$0x5] =	wrdreg s4  }
0xb6: {  	[dreg:$0x6] =	wrdreg s22  }
0xb7: {  	[dreg:$0x7] =	wrdreg s15  }
0xb8: {  	[dreg:$0x8] =	wrdreg $0x101000  }
0xb9: {  	[dreg:$0x9] =	wrdreg $0x101400  }
0xba: {  	[dreg:$0xa] =	wrdreg $0x9  }
0xbb: {  	_ =	task.clear_ibuf [dreg:s9], $0xBFFFF;
	_ =	strace $0x90000046  }
0xbc: {  	s26 =	simm.s32 $0x9;
	_ =	strace $0x80000048  }
0xbd: {  	_ =	swait.ge [sflag:s26], $0x1  }
0xbe: {  	[sflag:s26] =	ssyncadd.s32 $0xFFFFFFFF  }
0xbf: {  	_ =	strace $0x90000048  }
0xc0: {  	_ =	sfence  }
0xc1: {  	s28 =	sld [smem:$0x0];
	_ =	sdelay $0x1  }
0xc2: {  	s29 =	srdreg.scid  }
0xc3: {  	s30 =	sshll.u32 s29, $0xD;
	s31 =	sshrl.u32 s29, $0x2  }
0xc4: {  	s1 =	sand.u32 $0x1, s29;
	s2 =	sand.u32 $0x4000, s30;
	s0 =	sadd.s32 s31, s28  }
0xc5: {  	s1 =	sor.u32 s2, s1;
	s0 =	sshll.u32 s0, $0x11  }
0xc6: {  	s0 =	sor.u32 s0, s1  }
0xc7: {  	s0 =	sadd.s32 $0x8F2B, s0  }
0xc8: {  	[sflag:s0] =	ssyncadd.remote.s32 $0x1  }
0xc9: {  	_ =	sfence.sel $0xFFFF  }
0xca: {  	[dreg:$0x0] =	wrdreg $0xFFFFFFFF;
	(pc) =	sbr.abs _section_cstart, $3  }
0xcb: {  	[dreg:$0x1] =	wrdreg $0xFFFFFFFF  }
0xcc: {  	_ =	task.clear_ibuf [dreg:s9], $0x2FFFF;
	_ =	strace $0x9FFFFFFF  }
0xcd: {  	(tm) =	ssettm $0x7FFFFFFF  }
tec
execute0_lowered:
.L_overlay_start_1:
0x0: {  	(tag) =	ssettag $0x1  }
0x1: {  	s8 =	rddreg [dreg:$0x0]  }
0x2: {  	s2 =	rddreg [dreg:$0x1]  }
0x3: {  	s3 =	rddreg [dreg:$0x2]  }
0x4: {  	s1 =	rddreg [dreg:$0x3]  }
0x5: {  	s4 =	rddreg [dreg:$0x4]  }
0x6: {  	s13 =	rddreg [dreg:$0x6];
	s0 =	simm.s32 $0x0  }
0x7: {  	[smem:$0x7FF] =	sst s0  }
0x8: {  	s12 =	rddreg [dreg:$0x7];
	v1 =	vimm.s32 $0x0;
	_ =	strace $0x80000047  }
0x9: {  	(xrf0) =	vadd.scan.msk.s32 $0xffff, v1;
	_ =	sdelay $0x5  }
0xa: {  	v0, _, _ =	vpop (xrf0)  }
0xb: {  	(v2sf) =	vpush v0, $0xF;
	_ =	sdelay $0xa  }
0xc: {  	s5 =	stileid.u32  }
0xd: {  	p0 =	sne.s32 s5, $0x0  }
0xe: {  	s6 =	simm.s32 @!p0 $0x0;
	s7 =	simm.s32 @!p0 $0x10A50  }
0xf: {  	[tilespmem:s7], [sflag:$0x7] =	stream.linear.gather @!p0 [hbm4b:s2+s6], $0x80, $0x38;
	[tilespmem:$0x14CD0] =	vst v63  }
0x10: {  	s2 =	simm.s32 @!p0 $0x7;
	s22 =	spop (v2sf)  }
0x11: {  	s9 =	simm.s32 $0x4000;
	s10 =	simm.s32 $0x8000;
	_ =	swait.ge @!p0 [sflag:s2], $0x80  }
0x12: {  	s29 =	simm.s32 $0xC000;
	s30 =	simm.s32 $0x1;
	[sflag:s2] =	ssyncset.done @!p0 $0x0  }
0x13: {  	s18 =	sshll.u32 s5, $0xD;
	s7 =	simm.s32 @!p0 $0x10AD0;
	[sflag:s2] =	ssyncadd.s32 @!p0 $0xFFFFFF80  }
0x14: {  	[tilespmem:s7], [sflag:$0x7] =	stream.linear.gather @!p0 [hbm4b:s3+s6], $0x80, $0x38;
	[tilespmem:$0x14CD0] =	vst v63  }
0x15: {  	s21 =	sadd.s32 $0xA00, s4;
	s31 =	sshll.u32 s5, $0x6;
	_ =	swait.ge @!p0 [sflag:s2], $0x80  }
0x16: {  	s5 =	sshll.u32 s5, $0x4;
	s11 =	sadd.s32 $0x100, s8;
	[sflag:s2] =	ssyncset.done @!p0 $0x0  }
0x17: {  	s19 =	sor.u32 $0x800, s18;
	s20 =	sadd.s32 s8, s18;
	[sflag:s2] =	ssyncadd.s32 @!p0 $0xFFFFFF80  }
0x18: {  	[tilespmem:s0], [sflag:$0x1] =	stream.linear.gather [hbm4b:s20+s0], $0x4000, $0x38;
	[tilespmem:$0x14CD0] =	vst v63  }
0x19: {  	s4 =	sadd.s32 $0x300, s1;
	s24 =	sor.u32 $0x1000, s18;
	s23 =	sadd.s32 s8, s19  }
0x1a: {  	[tilespmem:s9], [sflag:$0x2] =	stream.linear.gather [hbm4b:s23+s0], $0x4000, $0x38;
	[tilespmem:$0x14CD0] =	vst v63  }
0x1b: {  	s25 =	sor.u32 $0x1800, s18;
	s15 =	sadd.s32 s31, s13;
	s26 =	sadd.s32 s8, s24  }
0x1c: {  	[tilespmem:s10], [sflag:$0x3] =	stream.linear.gather [hbm4b:s26+s0], $0x4000, $0x38;
	[tilespmem:$0x14CD0] =	vst v63  }
0x1d: {  	s14 =	sadd.s32 s5, s12;
	s28 =	sadd.s32 s8, s25;
	s17 =	sadd.s32 s1, s24  }
0x1e: {  	[tilespmem:s29], [sflag:$0x4] =	stream.linear.gather [hbm4b:s28+s0], $0x4000, $0x38;
	[tilespmem:$0x14CD0] =	vst v63  }
0x1f: {  	s16 =	sadd.s32 s1, s25;
	s3 =	sadd.s32 s1, s18;
	_ =	swait.ge [sflag:s30], $0x4000  }
0x20: {  	s18 =	sadd.s32 s1, s19;
	s19 =	simm.s32 $0x0;
	[sflag:s30] =	ssyncset.done $0x0  }
0x21: {  	s2 =	sadd.s32 $0x100, s1;
	s20 =	simm.s32 $0x0;
	[sflag:s30] =	ssyncadd.s32 $0xFFFFC000  }
0x22: {  	[hbm4b:s3+s0] =	stream.linear.scatter [tilespmem:s0], [sflag:$0x5], $0x4000, $0x38;
	[tilespmem:$0x14CD0] =	vst v63  }
0x23: {  	v2 =	vlaneseq.u32;
	v0 =	vimm.s32 $0x0;
	s9 =	sadd.s32 $0x300, s8;
	s10 =	sadd.s32 $0x200, s8;
	s3 =	sadd.s32 $0x200, s1  }
.LBB2_1:
0x24: {  	s5 =	sshll.u32 s19, $0x2;
	s6 =	sand.u32 $0x7, s0  }
0x25: {  	s5 =	sand.u32 $0xFFFF8000, s5;
	s6 =	sshll.u32 s6, $0x9  }
0x26: {  	s5 =	sor.u32 s6, s5  }
0x27: {  	s5 =	sshrl.u32 s5, $0x2  }
0x28: {  	s5 =	sor.u32 $0x40, s5  }
0x29: {  	v3 =	vmov s5;
	_ =	sdelay $0x3  }
0x2a: {  	s31 =	simm.s32 $0x0  }
0x2b: {  	v6 =	vld.idx.msk [tilespmem:v3+s31+$0x0 ss:$0x1], $0xffff  }
0x2c: {  	v7 =	vld.idx.msk [tilespmem:v3+s31+$0xFFFFFFF0 ss:$0x1], $0xffff  }
0x2d: {  	v4 =	vld.idx.msk [tilespmem:v3+s31+$0xFFFFFFE0 ss:$0x1], $0xffff  }
0x2e: {  	v9 =	vld.idx.msk [tilespmem:v3+s31+$0xFFFFFFC0 ss:$0x1], $0xffff  }
0x2f: {  	v11 =	vld.idx.msk [tilespmem:v3+s31+$0x20 ss:$0x1], $0xffff  }
0x30: {  	v12 =	vld.idx.msk [tilespmem:v3+s31+$0x30 ss:$0x1], $0xffff  }
0x31: {  	v14 =	vld.idx.msk [tilespmem:v3+s31+$0xFFFFFFD0 ss:$0x1], $0xffff;
	_ =	sdelay $0x1  }
0x32: {  	s5 =	simm.s32 $0x400;
	v5 =	vld.idx.msk [tilespmem:v3+s31+$0x10 ss:$0x1], $0xffff  }
0x33: {  	v8 =	vld.idx.msk [tilespmem:v3+s5+$0x0 ss:$0x1], $0xffff;
	vm0 =	veq.f32 v4, $2.000000000e+00  }
0x34: {  	v10 =	vld.idx.msk [tilespmem:v3+s5+$0xFFFFFFC0 ss:$0x1], $0xffff;
	vm1 =	veq.f32 v9, $2.000000000e+00;
	vm2 =	veq.f32 v7, $2.000000000e+00;
	vm3 =	veq.f32 v6, $2.000000000e+00  }
0x35: {  	v4 =	vld.idx.msk [tilespmem:v3+s5+$0xFFFFFFF0 ss:$0x1], $0xffff;
	vm13 =	veq.f32 v11, $2.000000000e+00;
	vm14 =	veq.f32 v12, $2.000000000e+00;
	vm15 =	veq.f32 v14, $2.000000000e+00  }
0x36: {  	v9 =	vld.idx.msk [tilespmem:v3+s5+$0xFFFFFFE0 ss:$0x1], $0xffff;
	v7 =	vsel vm0, $0x1, v1;
	v15 =	vsel vm2, $0x1, v1;
	v13 =	vsel vm3, $0x1, v1  }
0x37: {  	v6 =	vld.idx.msk [tilespmem:v3+s5+$0x20 ss:$0x1], $0xffff;
	v11 =	vsel vm15, $0x1, v1;
	v17 =	vsel vm1, $0x1, v1;
	v18 =	vsel vm13, $0x1, v1  }
0x38: {  	v16 =	vadd.s32 v7, v1;
	v12 =	vadd.s32 v15, v1;
	v7 =	vld.idx.msk [tilespmem:v3+s5+$0x30 ss:$0x1], $0xffff;
	v15 =	vsel vm14, $0x1, v1  }
0x39: {  	s6 =	simm.s32 $0x2000;
	v14 =	vadd.s32 v11, v1;
	v11 =	vld.idx.msk [tilespmem:v3+s5+$0xFFFFFFD0 ss:$0x1], $0xffff;
	v12 =	vadd.s32 v15, v12;
	v15 =	vimm.s32 $0x0  }
.LBB2_2:
0x3a: {  	p1 =	sne.s32 s6, $0x7000;
	v15 =	vadd.s32 v17, v15;
	vm0 =	veq.f32 v5, $2.000000000e+00;
	v5 =	vld.idx.msk [tilespmem:v3+s5+$0x10 ss:$0x1], $0xffff;
	s5 =	sshra.s32 s6, $0x2;
	s6 =	sadd.s32 $0x1000, s6;
	v16 =	vadd.s32 v18, v16  }
0x3b: {  	vm1 =	veq.f32 v9, $2.000000000e+00;
	v19 =	vld.idx.msk [tilespmem:v3+s5+$0x0 ss:$0x1], $0xffff;
	v15 =	vadd.s32 v13, v15;
	v13 =	vsel vm0, $0x1, v1  }
0x3c: {  	vm0 =	veq.f32 v10, $2.000000000e+00;
	v17 =	vsel vm1, $0x1, v1;
	vm1 =	veq.f32 v4, $2.000000000e+00;
	v4 =	vld.idx.msk [tilespmem:v3+s5+$0xFFFFFFF0 ss:$0x1], $0xffff  }
.Ltmp0:
0x3d: {  	v18 =	vsel vm1, $0x1, v1;
	vm1 =	veq.f32 v8, $2.000000000e+00;
	v8 =	vadd.s32 v13, v14;
	v9 =	vld.idx.msk [tilespmem:v3+s5+$0xFFFFFFE0 ss:$0x1], $0xffff;
	(pc) =	sbr.rel @p1 .LBB2_2-.Ltmp0, $4  }
0x3e: {  	v13 =	vsel vm1, $0x1, v1;
	vm1 =	veq.f32 v6, $2.000000000e+00;
	vm2 =	veq.f32 v7, $2.000000000e+00;
	v10 =	vld.idx.msk [tilespmem:v3+s5+$0xFFFFFFC0 ss:$0x1], $0xffff  }
0x3f: {  	v16 =	vadd.s32 v17, v16;
	v12 =	vadd.s32 v18, v12;
	vm3 =	veq.f32 v11, $2.000000000e+00;
	v6 =	vld.idx.msk [tilespmem:v3+s5+$0x20 ss:$0x1], $0xffff  }
0x40: {  	v17 =	vsel vm0, $0x1, v1;
	v20 =	vsel vm2, $0x1, v1;
	v14 =	vsel vm3, $0x1, v1;
	v7 =	vld.idx.msk [tilespmem:v3+s5+$0x30 ss:$0x1], $0xffff  }
0x41: {  	v18 =	vsel vm1, $0x1, v1;
	v12 =	vadd.s32 v20, v12;
	v14 =	vadd.s32 v14, v8;
	v8 =	vmovc v19;
	v11 =	vld.idx.msk [tilespmem:v3+s5+$0xFFFFFFD0 ss:$0x1], $0xffff  }
0x42: {  	_ =	sdelay $0x2  }
0x43: {  	v15 =	vadd.s32 v17, v15;
	vm0 =	veq.f32 v5, $2.000000000e+00;
	v52 =	vadd.s32 v18, v16  }
0x44: {  	v3 =	vld.idx.msk [tilespmem:v3+s5+$0x10 ss:$0x1], $0xffff;
	vm1 =	veq.f32 v9, $2.000000000e+00;
	vm11 =	veq.f32 v4, $2.000000000e+00;
	vm12 =	veq.f32 v8, $2.000000000e+00  }
0x45: {  	v53 =	vadd.s32 v13, v15;
	v54 =	vsel vm0, $0x1, v1;
	vm10 =	veq.f32 v10, $2.000000000e+00  }
0x46: {  	v55 =	vsel vm1, $0x1, v1;
	v4 =	vsel vm11, $0x1, v1;
	v57 =	vsel vm12, $0x1, v1  }
0x47: {  	v56 =	vadd.s32 v54, v14;
	vm13 =	veq.f32 v6, $2.000000000e+00;
	v5 =	vadd.s32 v55, v52  }
0x48: {  	v4 =	vadd.s32 v4, v12;
	v58 =	vsel vm10, $0x1, v1;
	vm3 =	veq.f32 v11, $2.000000000e+00  }
0x49: {  	vm2 =	veq.f32 v7, $2.000000000e+00;
	v59 =	vsel vm3, $0x1, v1;
	vm14 =	veq.f32 v3, $2.000000000e+00  }
0x4a: {  	v6 =	vadd.s32 v58, v53;
	v3 =	vadd.s32 v59, v56;
	v60 =	vsel vm14, $0x1, v1  }
0x4b: {  	v61 =	vsel vm13, $0x1, v1;
	v6 =	vadd.s32 v57, v6;
	v3 =	vadd.s32 v60, v3  }
0x4c: {  	v62 =	vsel vm2, $0x1, v1;
	v5 =	vadd.s32 v61, v5;
	v3 =	vadd.s32 v6, v3  }
0x4d: {  	v4 =	vadd.s32 v62, v4;
	v3 =	vadd.s32 v5, v3  }
0x4e: {  	v3 =	vadd.s32 v4, v3  }
0x4f: {  	(xrf0) =	vadd.scan.msk.s32 $0xffff, v3;
	_ =	sdelay $0x2  }
0x50: {  	v3 =	vmov s20;
	s20 =	sadd.s32 $0x1, s20  }
0x51: {  	p1 =	sne.s32 s20, $0x10  }
.Ltmp1:
0x52: {  	_ = 	snop;
	(pc) =	sbr.rel @p1 .LBB2_1-.Ltmp1, $4  }
0x53: {  	v63, _, _ =	vpop (xrf0)  }
0x54: {  	v4 =	vbroadcast v63, $0xF  }
0x55: {  	vm15 =	veq.s32 v3, v2  }
0x56: {  	s19 =	sadd.s32 $0x400, s19;
	s0 =	sadd.s32 $0x1, s0;
	v0 =	vsel vm15, v4, v0  }
0x57: {  	[tilespmem:$0x10000] =	vst v0;
	s0 =	simm.s32 $0x2  }
0x58: {  	_ =	swait.ge [sflag:s0], $0x4000  }
0x59: {  	[sflag:s0] =	ssyncset.done $0x0  }
0x5a: {  	s5 =	simm.s32 $0x4000;
	[sflag:s0] =	ssyncadd.s32 $0xFFFFC000;
	s0 =	simm.s32 $0x0  }
0x5b: {  	[hbm4b:s18+s0] =	stream.linear.scatter [tilespmem:s5], [sflag:$0x5], $0x4000, $0x38;
	[tilespmem:$0x14CD0] =	vst v63  }
0x5c: {  	v2 =	vimm.s32 $0x0;
	v3 =	vlaneseq.u32;
	v1 =	vimm.s32 $0x0;
	s19 =	simm.s32 $0x0;
	s18 =	simm.s32 $0x0  }
.LBB2_5:
0x5d: {  	s5 =	sshll.u32 s18, $0x2;
	s6 =	sand.u32 $0x7, s0  }
0x5e: {  	s5 =	sand.u32 $0xFFFF8000, s5;
	s6 =	sshll.u32 s6, $0x9  }
0x5f: {  	s5 =	sor.u32 s6, s5  }
0x60: {  	s5 =	sshrl.u32 s5, $0x2  }
0x61: {  	v4 =	vmov s5;
	_ =	sdelay $0x3  }
0x62: {  	s31 =	simm.s32 $0x0  }
0x63: {  	v7 =	vld.idx.msk [tilespmem:v4+s31+$0x4040 ss:$0x1], $0xffff  }
0x64: {  	v8 =	vld.idx.msk [tilespmem:v4+s31+$0x4030 ss:$0x1], $0xffff  }
0x65: {  	v5 =	vld.idx.msk [tilespmem:v4+s31+$0x4020 ss:$0x1], $0xffff  }
0x66: {  	v10 =	vld.idx.msk [tilespmem:v4+s31+$0x4000 ss:$0x1], $0xffff  }
0x67: {  	v12 =	vld.idx.msk [tilespmem:v4+s31+$0x4060 ss:$0x1], $0xffff  }
0x68: {  	v13 =	vld.idx.msk [tilespmem:v4+s31+$0x4070 ss:$0x1], $0xffff  }
0x69: {  	v15 =	vld.idx.msk [tilespmem:v4+s31+$0x4010 ss:$0x1], $0xffff;
	_ =	sdelay $0x1  }
0x6a: {  	s5 =	simm.s32 $0x400;
	v6 =	vld.idx.msk [tilespmem:v4+s31+$0x4050 ss:$0x1], $0xffff  }
0x6b: {  	v9 =	vld.idx.msk [tilespmem:v4+s5+$0x4040 ss:$0x1], $0xffff;
	vm0 =	veq.f32 v5, $2.000000000e+00  }
0x6c: {  	v11 =	vld.idx.msk [tilespmem:v4+s5+$0x4000 ss:$0x1], $0xffff;
	vm1 =	veq.f32 v10, $2.000000000e+00;
	vm2 =	veq.f32 v8, $2.000000000e+00;
	vm3 =	veq.f32 v7, $2.000000000e+00  }
0x6d: {  	v5 =	vld.idx.msk [tilespmem:v4+s5+$0x4030 ss:$0x1], $0xffff;
	vm13 =	veq.f32 v12, $2.000000000e+00;
	vm14 =	veq.f32 v13, $2.000000000e+00;
	vm15 =	veq.f32 v15, $2.000000000e+00  }
0x6e: {  	v10 =	vld.idx.msk [tilespmem:v4+s5+$0x4020 ss:$0x1], $0xffff;
	v8 =	vsel vm0, $0x1, v2;
	v16 =	vsel vm2, $0x1, v2;
	v14 =	vsel vm3, $0x1, v2  }
0x6f: {  	v7 =	vld.idx.msk [tilespmem:v4+s5+$0x4060 ss:$0x1], $0xffff;
	v12 =	vsel vm15, $0x1, v2;
	v18 =	vsel vm1, $0x1, v2;
	v19 =	vsel vm13, $0x1, v2  }
0x70: {  	v17 =	vadd.s32 v8, v2;
	v13 =	vadd.s32 v16, v2;
	v8 =	vld.idx.msk [tilespmem:v4+s5+$0x4070 ss:$0x1], $0xffff;
	v16 =	vsel vm14, $0x1, v2  }
0x71: {  	s6 =	simm.s32 $0x2000;
	v15 =	vadd.s32 v12, v2;
	v12 =	vld.idx.msk [tilespmem:v4+s5+$0x4010 ss:$0x1], $0xffff;
	v13 =	vadd.s32 v16, v13;
	v16 =	vimm.s32 $0x0  }
.LBB2_6:
0x72: {  	p1 =	sne.s32 s6, $0x7000;
	v16 =	vadd.s32 v18, v16;
	vm0 =	veq.f32 v6, $2.000000000e+00;
	v6 =	vld.idx.msk [tilespmem:v4+s5+$0x4050 ss:$0x1], $0xffff;
	s5 =	sshra.s32 s6, $0x2;
	s6 =	sadd.s32 $0x1000, s6;
	v17 =	vadd.s32 v19, v17  }
0x73: {  	vm1 =	veq.f32 v10, $2.000000000e+00;
	v20 =	vld.idx.msk [tilespmem:v4+s5+$0x4040 ss:$0x1], $0xffff;
	v16 =	vadd.s32 v14, v16;
	v14 =	vsel vm0, $0x1, v2  }
0x74: {  	vm0 =	veq.f32 v11, $2.000000000e+00;
	v18 =	vsel vm1, $0x1, v2;
	vm1 =	veq.f32 v5, $2.000000000e+00;
	v5 =	vld.idx.msk [tilespmem:v4+s5+$0x4030 ss:$0x1], $0xffff  }
.Ltmp2:
0x75: {  	v19 =	vsel vm1, $0x1, v2;
	vm1 =	veq.f32 v9, $2.000000000e+00;
	v9 =	vadd.s32 v14, v15;
	v10 =	vld.idx.msk [tilespmem:v4+s5+$0x4020 ss:$0x1], $0xffff;
	(pc) =	sbr.rel @p1 .LBB2_6-.Ltmp2, $4  }
0x76: {  	v14 =	vsel vm1, $0x1, v2;
	vm1 =	veq.f32 v7, $2.000000000e+00;
	vm2 =	veq.f32 v8, $2.000000000e+00;
	v11 =	vld.idx.msk [tilespmem:v4+s5+$0x4000 ss:$0x1], $0xffff  }
0x77: {  	v17 =	vadd.s32 v18, v17;
	v13 =	vadd.s32 v19, v13;
	vm3 =	veq.f32 v12, $2.000000000e+00;
	v7 =	vld.idx.msk [tilespmem:v4+s5+$0x4060 ss:$0x1], $0xffff  }
0x78: {  	v18 =	vsel vm0, $0x1, v2;
	v21 =	vsel vm2, $0x1, v2;
	v15 =	vsel vm3, $0x1, v2;
	v8 =	vld.idx.msk [tilespmem:v4+s5+$0x4070 ss:$0x1], $0xffff  }
0x79: {  	v19 =	vsel vm1, $0x1, v2;
	v13 =	vadd.s32 v21, v13;
	v15 =	vadd.s32 v15, v9;
	v9 =	vmovc v20;
	v12 =	vld.idx.msk [tilespmem:v4+s5+$0x4010 ss:$0x1], $0xffff  }
0x7a: {  	_ =	sdelay $0x2  }
0x7b: {  	v16 =	vadd.s32 v18, v16;
	vm0 =	veq.f32 v6, $2.000000000e+00;
	v53 =	vadd.s32 v19, v17  }
0x7c: {  	v4 =	vld.idx.msk [tilespmem:v4+s5+$0x4050 ss:$0x1], $0xffff;
	vm1 =	veq.f32 v10, $2.000000000e+00;
	vm11 =	veq.f32 v5, $2.000000000e+00;
	vm12 =	veq.f32 v9, $2.000000000e+00  }
0x7d: {  	v54 =	vadd.s32 v14, v16;
	v55 =	vsel vm0, $0x1, v2;
	vm10 =	veq.f32 v11, $2.000000000e+00  }
0x7e: {  	v56 =	vsel vm1, $0x1, v2;
	v5 =	vsel vm11, $0x1, v2;
	v58 =	vsel vm12, $0x1, v2  }
0x7f: {  	v57 =	vadd.s32 v55, v15;
	vm13 =	veq.f32 v7, $2.000000000e+00;
	v6 =	vadd.s32 v56, v53  }
0x80: {  	v5 =	vadd.s32 v5, v13;
	v59 =	vsel vm10, $0x1, v2;
	vm3 =	veq.f32 v12, $2.000000000e+00  }
0x81: {  	vm2 =	veq.f32 v8, $2.000000000e+00;
	v60 =	vsel vm3, $0x1, v2;
	vm14 =	veq.f32 v4, $2.000000000e+00  }
0x82: {  	v7 =	vadd.s32 v59, v54;
	v4 =	vadd.s32 v60, v57;
	v61 =	vsel vm14, $0x1, v2  }
0x83: {  	v62 =	vsel vm13, $0x1, v2;
	v7 =	vadd.s32 v58, v7;
	v4 =	vadd.s32 v61, v4  }
0x84: {  	v63 =	vsel vm2, $0x1, v2;
	v6 =	vadd.s32 v62, v6;
	v4 =	vadd.s32 v7, v4  }
0x85: {  	v5 =	vadd.s32 v63, v5;
	v4 =	vadd.s32 v6, v4  }
0x86: {  	v4 =	vadd.s32 v5, v4  }
0x87: {  	(xrf0) =	vadd.scan.msk.s32 $0xffff, v4;
	_ =	sdelay $0x2  }
0x88: {  	v4 =	vmov s19;
	s19 =	sadd.s32 $0x1, s19  }
0x89: {  	p1 =	sne.s32 s19, $0x10  }
.Ltmp3:
0x8a: {  	_ = 	snop;
	(pc) =	sbr.rel @p1 .LBB2_5-.Ltmp3, $4  }
0x8b: {  	v5, _, _ =	vpop (xrf0)  }
0x8c: {  	v5 =	vbroadcast v5, $0xF  }
0x8d: {  	vm15 =	veq.s32 v4, v3  }
0x8e: {  	s18 =	sadd.s32 $0x400, s18;
	s0 =	sadd.s32 $0x1, s0;
	v1 =	vsel vm15, v5, v1  }
0x8f: {  	[tilespmem:$0x10010] =	vst v1;
	s0 =	simm.s32 $0x3  }
0x90: {  	_ =	swait.ge [sflag:s0], $0x4000  }
0x91: {  	[sflag:s0] =	ssyncset.done $0x0  }
0x92: {  	s5 =	simm.s32 $0x8000;
	[sflag:s0] =	ssyncadd.s32 $0xFFFFC000;
	s0 =	simm.s32 $0x0  }
0x93: {  	[hbm4b:s17+s0] =	stream.linear.scatter [tilespmem:s5], [sflag:$0x5], $0x4000, $0x38;
	[tilespmem:$0x14CD0] =	vst v63  }
0x94: {  	v3 =	vimm.s32 $0x0;
	v4 =	vlaneseq.u32;
	v2 =	vimm.s32 $0x0;
	s18 =	simm.s32 $0x0;
	s17 =	simm.s32 $0x0  }
.LBB2_9:
0x95: {  	s5 =	sshll.u32 s17, $0x2;
	s6 =	sand.u32 $0x7, s0  }
0x96: {  	s5 =	sand.u32 $0xFFFF8000, s5;
	s6 =	sshll.u32 s6, $0x9  }
0x97: {  	s5 =	sor.u32 s6, s5  }
0x98: {  	s5 =	sshrl.u32 s5, $0x2  }
0x99: {  	v5 =	vmov s5;
	_ =	sdelay $0x3  }
0x9a: {  	s31 =	simm.s32 $0x0  }
0x9b: {  	v8 =	vld.idx.msk [tilespmem:v5+s31+$0x8040 ss:$0x1], $0xffff  }
0x9c: {  	v9 =	vld.idx.msk [tilespmem:v5+s31+$0x8030 ss:$0x1], $0xffff  }
0x9d: {  	v6 =	vld.idx.msk [tilespmem:v5+s31+$0x8020 ss:$0x1], $0xffff  }
0x9e: {  	v11 =	vld.idx.msk [tilespmem:v5+s31+$0x8000 ss:$0x1], $0xffff  }
0x9f: {  	v13 =	vld.idx.msk [tilespmem:v5+s31+$0x8060 ss:$0x1], $0xffff  }
0xa0: {  	v14 =	vld.idx.msk [tilespmem:v5+s31+$0x8070 ss:$0x1], $0xffff  }
0xa1: {  	v16 =	vld.idx.msk [tilespmem:v5+s31+$0x8010 ss:$0x1], $0xffff;
	_ =	sdelay $0x1  }
0xa2: {  	s5 =	simm.s32 $0x400;
	v7 =	vld.idx.msk [tilespmem:v5+s31+$0x8050 ss:$0x1], $0xffff  }
0xa3: {  	v10 =	vld.idx.msk [tilespmem:v5+s5+$0x8040 ss:$0x1], $0xffff;
	vm0 =	veq.f32 v6, $2.000000000e+00  }
0xa4: {  	v12 =	vld.idx.msk [tilespmem:v5+s5+$0x8000 ss:$0x1], $0xffff;
	vm1 =	veq.f32 v11, $2.000000000e+00;
	vm2 =	veq.f32 v9, $2.000000000e+00;
	vm3 =	veq.f32 v8, $2.000000000e+00  }
0xa5: {  	v6 =	vld.idx.msk [tilespmem:v5+s5+$0x8030 ss:$0x1], $0xffff;
	vm13 =	veq.f32 v13, $2.000000000e+00;
	vm14 =	veq.f32 v14, $2.000000000e+00;
	vm15 =	veq.f32 v16, $2.000000000e+00  }
0xa6: {  	v11 =	vld.idx.msk [tilespmem:v5+s5+$0x8020 ss:$0x1], $0xffff;
	v9 =	vsel vm0, $0x1, v3;
	v17 =	vsel vm2, $0x1, v3;
	v15 =	vsel vm3, $0x1, v3  }
0xa7: {  	v8 =	vld.idx.msk [tilespmem:v5+s5+$0x8060 ss:$0x1], $0xffff;
	v13 =	vsel vm15, $0x1, v3;
	v19 =	vsel vm1, $0x1, v3;
	v20 =	vsel vm13, $0x1, v3  }
0xa8: {  	v18 =	vadd.s32 v9, v3;
	v14 =	vadd.s32 v17, v3;
	v9 =	vld.idx.msk [tilespmem:v5+s5+$0x8070 ss:$0x1], $0xffff;
	v17 =	vsel vm14, $0x1, v3  }
0xa9: {  	s6 =	simm.s32 $0x2000;
	v16 =	vadd.s32 v13, v3;
	v13 =	vld.idx.msk [tilespmem:v5+s5+$0x8010 ss:$0x1], $0xffff;
	v14 =	vadd.s32 v17, v14;
	v17 =	vimm.s32 $0x0  }
.LBB2_10:
0xaa: {  	p1 =	sne.s32 s6, $0x7000;
	v17 =	vadd.s32 v19, v17;
	vm0 =	veq.f32 v7, $2.000000000e+00;
	v7 =	vld.idx.msk [tilespmem:v5+s5+$0x8050 ss:$0x1], $0xffff;
	s5 =	sshra.s32 s6, $0x2;
	s6 =	sadd.s32 $0x1000, s6;
	v18 =	vadd.s32 v20, v18  }
0xab: {  	vm1 =	veq.f32 v11, $2.000000000e+00;
	v21 =	vld.idx.msk [tilespmem:v5+s5+$0x8040 ss:$0x1], $0xffff;
	v17 =	vadd.s32 v15, v17;
	v15 =	vsel vm0, $0x1, v3  }
0xac: {  	vm0 =	veq.f32 v12, $2.000000000e+00;
	v19 =	vsel vm1, $0x1, v3;
	vm1 =	veq.f32 v6, $2.000000000e+00;
	v6 =	vld.idx.msk [tilespmem:v5+s5+$0x8030 ss:$0x1], $0xffff  }
.Ltmp4:
0xad: {  	v20 =	vsel vm1, $0x1, v3;
	vm1 =	veq.f32 v10, $2.000000000e+00;
	v10 =	vadd.s32 v15, v16;
	v11 =	vld.idx.msk [tilespmem:v5+s5+$0x8020 ss:$0x1], $0xffff;
	(pc) =	sbr.rel @p1 .LBB2_10-.Ltmp4, $4  }
0xae: {  	v15 =	vsel vm1, $0x1, v3;
	vm1 =	veq.f32 v8, $2.000000000e+00;
	vm2 =	veq.f32 v9, $2.000000000e+00;
	v12 =	vld.idx.msk [tilespmem:v5+s5+$0x8000 ss:$0x1], $0xffff  }
0xaf: {  	v18 =	vadd.s32 v19, v18;
	v14 =	vadd.s32 v20, v14;
	vm3 =	veq.f32 v13, $2.000000000e+00;
	v8 =	vld.idx.msk [tilespmem:v5+s5+$0x8060 ss:$0x1], $0xffff  }
0xb0: {  	v19 =	vsel vm0, $0x1, v3;
	v22 =	vsel vm2, $0x1, v3;
	v16 =	vsel vm3, $0x1, v3;
	v9 =	vld.idx.msk [tilespmem:v5+s5+$0x8070 ss:$0x1], $0xffff  }
0xb1: {  	v20 =	vsel vm1, $0x1, v3;
	v14 =	vadd.s32 v22, v14;
	v16 =	vadd.s32 v16, v10;
	v10 =	vmovc v21;
	v13 =	vld.idx.msk [tilespmem:v5+s5+$0x8010 ss:$0x1], $0xffff  }
0xb2: {  	_ =	sdelay $0x2  }
0xb3: {  	v17 =	vadd.s32 v19, v17;
	vm0 =	veq.f32 v7, $2.000000000e+00;
	v7 =	vadd.s32 v20, v18  }
0xb4: {  	v5 =	vld.idx.msk [tilespmem:v5+s5+$0x8050 ss:$0x1], $0xffff;
	vm1 =	veq.f32 v11, $2.000000000e+00;
	vm11 =	veq.f32 v6, $2.000000000e+00;
	vm12 =	veq.f32 v10, $2.000000000e+00  }
0xb5: {  	v54 =	vadd.s32 v15, v17;
	v55 =	vsel vm0, $0x1, v3;
	vm10 =	veq.f32 v12, $2.000000000e+00  }
0xb6: {  	v56 =	vsel vm1, $0x1, v3;
	v6 =	vsel vm11, $0x1, v3;
	v58 =	vsel vm12, $0x1, v3  }
0xb7: {  	v57 =	vadd.s32 v55, v16;
	vm13 =	veq.f32 v8, $2.000000000e+00;
	v7 =	vadd.s32 v56, v7  }
0xb8: {  	v6 =	vadd.s32 v6, v14;
	v59 =	vsel vm10, $0x1, v3;
	vm3 =	veq.f32 v13, $2.000000000e+00  }
0xb9: {  	vm2 =	veq.f32 v9, $2.000000000e+00;
	v60 =	vsel vm3, $0x1, v3;
	vm14 =	veq.f32 v5, $2.000000000e+00  }
0xba: {  	v8 =	vadd.s32 v59, v54;
	v5 =	vadd.s32 v60, v57;
	v61 =	vsel vm14, $0x1, v3  }
0xbb: {  	v62 =	vsel vm13, $0x1, v3;
	v8 =	vadd.s32 v58, v8;
	v5 =	vadd.s32 v61, v5  }
0xbc: {  	v63 =	vsel vm2, $0x1, v3;
	v7 =	vadd.s32 v62, v7;
	v5 =	vadd.s32 v8, v5  }
0xbd: {  	v6 =	vadd.s32 v63, v6;
	v5 =	vadd.s32 v7, v5  }
0xbe: {  	v5 =	vadd.s32 v6, v5  }
0xbf: {  	(xrf0) =	vadd.scan.msk.s32 $0xffff, v5;
	_ =	sdelay $0x2  }
0xc0: {  	v5 =	vmov s18;
	s18 =	sadd.s32 $0x1, s18  }
0xc1: {  	p1 =	sne.s32 s18, $0x10  }
.Ltmp5:
0xc2: {  	_ = 	snop;
	(pc) =	sbr.rel @p1 .LBB2_9-.Ltmp5, $4  }
0xc3: {  	v6, _, _ =	vpop (xrf0)  }
0xc4: {  	v6 =	vbroadcast v6, $0xF  }
0xc5: {  	vm15 =	veq.s32 v5, v4  }
0xc6: {  	s17 =	sadd.s32 $0x400, s17;
	s0 =	sadd.s32 $0x1, s0;
	v2 =	vsel vm15, v6, v2  }
0xc7: {  	[tilespmem:$0x10020] =	vst v2;
	s0 =	simm.s32 $0x4  }
0xc8: {  	_ =	swait.ge [sflag:s0], $0x4000  }
0xc9: {  	[sflag:s0] =	ssyncset.done $0x0  }
0xca: {  	s5 =	simm.s32 $0xC000;
	[sflag:s0] =	ssyncadd.s32 $0xFFFFC000;
	s0 =	simm.s32 $0x0  }
0xcb: {  	[hbm4b:s16+s0] =	stream.linear.scatter [tilespmem:s5], [sflag:$0x5], $0x4000, $0x38;
	[tilespmem:$0x14CD0] =	vst v63  }
0xcc: {  	v4 =	vimm.s32 $0x0;
	v5 =	vlaneseq.u32;
	v3 =	vimm.s32 $0x0;
	s17 =	simm.s32 $0x0;
	s16 =	simm.s32 $0x0  }
.LBB2_13:
0xcd: {  	s5 =	sshll.u32 s16, $0x2;
	s6 =	sand.u32 $0x7, s0  }
0xce: {  	s5 =	sand.u32 $0xFFFF8000, s5;
	s6 =	sshll.u32 s6, $0x9  }
0xcf: {  	s5 =	sor.u32 s6, s5  }
0xd0: {  	s5 =	sshrl.u32 s5, $0x2  }
0xd1: {  	v6 =	vmov s5;
	_ =	sdelay $0x3  }
0xd2: {  	s31 =	simm.s32 $0x0  }
0xd3: {  	v9 =	vld.idx.msk [tilespmem:v6+s31+$0xC040 ss:$0x1], $0xffff  }
0xd4: {  	v10 =	vld.idx.msk [tilespmem:v6+s31+$0xC030 ss:$0x1], $0xffff  }
0xd5: {  	v7 =	vld.idx.msk [tilespmem:v6+s31+$0xC020 ss:$0x1], $0xffff  }
0xd6: {  	v12 =	vld.idx.msk [tilespmem:v6+s31+$0xC000 ss:$0x1], $0xffff  }
0xd7: {  	v14 =	vld.idx.msk [tilespmem:v6+s31+$0xC060 ss:$0x1], $0xffff  }
0xd8: {  	v15 =	vld.idx.msk [tilespmem:v6+s31+$0xC070 ss:$0x1], $0xffff  }
0xd9: {  	v17 =	vld.idx.msk [tilespmem:v6+s31+$0xC010 ss:$0x1], $0xffff;
	_ =	sdelay $0x1  }
0xda: {  	s5 =	simm.s32 $0x400;
	v8 =	vld.idx.msk [tilespmem:v6+s31+$0xC050 ss:$0x1], $0xffff  }
0xdb: {  	v11 =	vld.idx.msk [tilespmem:v6+s5+$0xC040 ss:$0x1], $0xffff;
	vm0 =	veq.f32 v7, $2.000000000e+00  }
0xdc: {  	v13 =	vld.idx.msk [tilespmem:v6+s5+$0xC000 ss:$0x1], $0xffff;
	vm1 =	veq.f32 v12, $2.000000000e+00;
	vm2 =	veq.f32 v10, $2.000000000e+00;
	vm3 =	veq.f32 v9, $2.000000000e+00  }
0xdd: {  	v7 =	vld.idx.msk [tilespmem:v6+s5+$0xC030 ss:$0x1], $0xffff;
	vm13 =	veq.f32 v14, $2.000000000e+00;
	vm14 =	veq.f32 v15, $2.000000000e+00;
	vm15 =	veq.f32 v17, $2.000000000e+00  }
0xde: {  	v12 =	vld.idx.msk [tilespmem:v6+s5+$0xC020 ss:$0x1], $0xffff;
	v10 =	vsel vm0, $0x1, v4;
	v18 =	vsel vm2, $0x1, v4;
	v16 =	vsel vm3, $0x1, v4  }
0xdf: {  	v9 =	vld.idx.msk [tilespmem:v6+s5+$0xC060 ss:$0x1], $0xffff;
	v14 =	vsel vm15, $0x1, v4;
	v20 =	vsel vm1, $0x1, v4;
	v21 =	vsel vm13, $0x1, v4  }
0xe0: {  	v19 =	vadd.s32 v10, v4;
	v15 =	vadd.s32 v18, v4;
	v10 =	vld.idx.msk [tilespmem:v6+s5+$0xC070 ss:$0x1], $0xffff;
	v18 =	vsel vm14, $0x1, v4  }
0xe1: {  	s6 =	simm.s32 $0x2000;
	v17 =	vadd.s32 v14, v4;
	v14 =	vld.idx.msk [tilespmem:v6+s5+$0xC010 ss:$0x1], $0xffff;
	v15 =	vadd.s32 v18, v15;
	v18 =	vimm.s32 $0x0  }
.LBB2_14:
0xe2: {  	p1 =	sne.s32 s6, $0x7000;
	v18 =	vadd.s32 v20, v18;
	vm0 =	veq.f32 v8, $2.000000000e+00;
	v8 =	vld.idx.msk [tilespmem:v6+s5+$0xC050 ss:$0x1], $0xffff;
	s5 =	sshra.s32 s6, $0x2;
	s6 =	sadd.s32 $0x1000, s6;
	v19 =	vadd.s32 v21, v19  }
0xe3: {  	vm1 =	veq.f32 v12, $2.000000000e+00;
	v22 =	vld.idx.msk [tilespmem:v6+s5+$0xC040 ss:$0x1], $0xffff;
	v18 =	vadd.s32 v16, v18;
	v16 =	vsel vm0, $0x1, v4  }
0xe4: {  	vm0 =	veq.f32 v13, $2.000000000e+00;
	v20 =	vsel vm1, $0x1, v4;
	vm1 =	veq.f32 v7, $2.000000000e+00;
	v7 =	vld.idx.msk [tilespmem:v6+s5+$0xC030 ss:$0x1], $0xffff  }
.Ltmp6:
0xe5: {  	v21 =	vsel vm1, $0x1, v4;
	vm1 =	veq.f32 v11, $2.000000000e+00;
	v11 =	vadd.s32 v16, v17;
	v12 =	vld.idx.msk [tilespmem:v6+s5+$0xC020 ss:$0x1], $0xffff;
	(pc) =	sbr.rel @p1 .LBB2_14-.Ltmp6, $4  }
0xe6: {  	v16 =	vsel vm1, $0x1, v4;
	vm1 =	veq.f32 v9, $2.000000000e+00;
	vm2 =	veq.f32 v10, $2.000000000e+00;
	v13 =	vld.idx.msk [tilespmem:v6+s5+$0xC000 ss:$0x1], $0xffff  }
0xe7: {  	v19 =	vadd.s32 v20, v19;
	v15 =	vadd.s32 v21, v15;
	vm3 =	veq.f32 v14, $2.000000000e+00;
	v9 =	vld.idx.msk [tilespmem:v6+s5+$0xC060 ss:$0x1], $0xffff  }
0xe8: {  	v20 =	vsel vm0, $0x1, v4;
	v23 =	vsel vm2, $0x1, v4;
	v17 =	vsel vm3, $0x1, v4;
	v10 =	vld.idx.msk [tilespmem:v6+s5+$0xC070 ss:$0x1], $0xffff  }
0xe9: {  	v21 =	vsel vm1, $0x1, v4;
	v15 =	vadd.s32 v23, v15;
	v17 =	vadd.s32 v17, v11;
	v11 =	vmovc v22;
	v14 =	vld.idx.msk [tilespmem:v6+s5+$0xC010 ss:$0x1], $0xffff  }
0xea: {  	_ =	sdelay $0x2  }
0xeb: {  	v18 =	vadd.s32 v20, v18;
	vm0 =	veq.f32 v8, $2.000000000e+00;
	v53 =	vadd.s32 v21, v19  }
0xec: {  	v6 =	vld.idx.msk [tilespmem:v6+s5+$0xC050 ss:$0x1], $0xffff;
	vm1 =	veq.f32 v12, $2.000000000e+00;
	vm11 =	veq.f32 v7, $2.000000000e+00;
	vm12 =	veq.f32 v11, $2.000000000e+00  }
0xed: {  	v54 =	vadd.s32 v16, v18;
	v55 =	vsel vm0, $0x1, v4;
	vm10 =	veq.f32 v13, $2.000000000e+00  }
0xee: {  	v56 =	vsel vm1, $0x1, v4;
	v7 =	vsel vm11, $0x1, v4;
	v58 =	vsel vm12, $0x1, v4  }
0xef: {  	v57 =	vadd.s32 v55, v17;
	vm13 =	veq.f32 v9, $2.000000000e+00;
	v8 =	vadd.s32 v56, v53  }
0xf0: {  	v7 =	vadd.s32 v7, v15;
	v59 =	vsel vm10, $0x1, v4;
	vm3 =	veq.f32 v14, $2.000000000e+00  }
0xf1: {  	vm2 =	veq.f32 v10, $2.000000000e+00;
	v60 =	vsel vm3, $0x1, v4;
	vm14 =	veq.f32 v6, $2.000000000e+00  }
0xf2: {  	v9 =	vadd.s32 v59, v54;
	v6 =	vadd.s32 v60, v57;
	v61 =	vsel vm14, $0x1, v4  }
0xf3: {  	v62 =	vsel vm13, $0x1, v4;
	v9 =	vadd.s32 v58, v9;
	v6 =	vadd.s32 v61, v6  }
0xf4: {  	v63 =	vsel vm2, $0x1, v4;
	v8 =	vadd.s32 v62, v8;
	v6 =	vadd.s32 v9, v6  }
0xf5: {  	v7 =	vadd.s32 v63, v7;
	v6 =	vadd.s32 v8, v6  }
0xf6: {  	v6 =	vadd.s32 v7, v6  }
0xf7: {  	(xrf0) =	vadd.scan.msk.s32 $0xffff, v6;
	_ =	sdelay $0x2  }
0xf8: {  	v6 =	vmov s17;
	s17 =	sadd.s32 $0x1, s17  }
0xf9: {  	p1 =	sne.s32 s17, $0x10  }
.Ltmp7:
0xfa: {  	_ = 	snop;
	(pc) =	sbr.rel @p1 .LBB2_13-.Ltmp7, $4  }
0xfb: {  	v7, _, _ =	vpop (xrf0)  }
0xfc: {  	v7 =	vbroadcast v7, $0xF  }
0xfd: {  	vm15 =	veq.s32 v6, v5  }
0xfe: {  	s16 =	sadd.s32 $0x400, s16;
	s0 =	sadd.s32 $0x1, s0;
	v3 =	vsel vm15, v7, v3  }
0xff: {  	v0 =	vadd.s32 v0, v1  }
0x100: {  	v0 =	vadd.s32 v2, v0  }
0x101: {  	v0 =	vadd.s32 v3, v0  }
0x102: {  	(xrf0) =	vadd.scan.msk.s32 $0xffff, v0;
	_ =	sdelay $0x5  }
0x103: {  	v0, _, _ =	vpop (xrf0)  }
0x104: {  	v0 =	vbroadcast v0, $0xF  }
0x105: {  	[tilespmem:$0x10030] =	vst v3  }
0x106: {  	s20 =	simm.s32 $0x10000;
	s0 =	simm.s32 $0x7;
	[tilespmem:$0x10080] =	vst v0  }
0x107: {  	[spmem:s15] =	stream.linear.scatter [tilespmem:s20], [sflag:$0x7], $0x40, $0x38;
	[tilespmem:$0x14CD0] =	vst v63  }
0x108: {  	_ =	swait.ge [sflag:s0], $0x40  }
0x109: {  	[sflag:s0] =	ssyncset.done $0x0  }
0x10a: {  	s5 =	simm.s32 $0x10080;
	[sflag:s0] =	ssyncadd.s32 $0xFFFFFFC0  }
0x10b: {  	[spmem:s14] =	stream.linear.scatter [tilespmem:s5], [sflag:$0x7], $0x10, $0x38;
	[tilespmem:$0x14CD0] =	vst v63  }
0x10c: {  	_ =	swait.ge [sflag:s0], $0x10  }
0x10d: {  	[sflag:s0] =	ssyncset.done $0x0  }
0x10e: {  	s31 =	simm.s32 $0x5;
	[sflag:s0] =	ssyncadd.s32 $0xFFFFFFF0  }
0x10f: {  	_ =	swait.ge [sflag:s31], $0x4000  }
0x110: {  	[sflag:s31] =	ssyncset.done $0x0  }
0x111: {  	[sflag:s31] =	ssyncadd.s32 $0xFFFFC000  }
0x112: {  	_ =	swait.ge [sflag:s31], $0x4000  }
0x113: {  	[sflag:s31] =	ssyncset.done $0x0  }
0x114: {  	[sflag:s31] =	ssyncadd.s32 $0xFFFFC000  }
0x115: {  	_ =	swait.ge [sflag:s31], $0x4000  }
0x116: {  	[sflag:s31] =	ssyncset.done $0x0  }
0x117: {  	[sflag:s31] =	ssyncadd.s32 $0xFFFFC000  }
0x118: {  	_ =	swait.ge [sflag:s31], $0x4000  }
0x119: {  	[sflag:s31] =	ssyncset.done $0x0  }
0x11a: {  	[sflag:s31] =	ssyncadd.s32 $0xFFFFC000  }
0x11b: {  	[bflag:$0x0] =	sbarrier.arrive $0xFFFF  }
0x11c: {  	_ =	sfence.sel @p0 $0x180000  }
0x11d: {  	[bflag:$0x0] =	sbarrier.arrive @p0 $0xFFFF  }
0x11e: {  	_ =	strace @p0 $0x90000047  }
0x11f: {  	[bflag:$0x2] =	sbarrier.arrive @p0 $0xFFFF  }
0x120: {  	_ =	shalt @p0  }
.LBB2_17:
0x121: {  	[dreg:$0xa] =	wrdreg s22  }
0x122: {  	[dreg:$0x9] =	wrdreg s21;
	s5 =	simm.s32 $0x10150  }
0x123: {  	[tilespmem:s5], [sflag:$0x7] =	stream.linear.gather [spmem:s13], $0x400, $0x38;
	[tilespmem:$0x14CD0] =	vst v63  }
0x124: {  	_ =	swait.ge [sflag:s0], $0x400  }
0x125: {  	[sflag:s0] =	ssyncset.done $0x0  }
0x126: {  	s21 =	simm.s32 $0x10550;
	[sflag:s0] =	ssyncadd.s32 $0xFFFFFC00  }
0x127: {  	[tilespmem:s21], [sflag:$0x7] =	stream.linear.gather [spmem:s12], $0x100, $0x38;
	[tilespmem:$0x14CD0] =	vst v63  }
0x128: {  	_ =	swait.ge [sflag:s0], $0x100  }
0x129: {  	[sflag:s0] =	ssyncset.done $0x0  }
0x12a: {  	[sflag:s0] =	ssyncadd.s32 $0xFFFFFF00  }
0x12b: {  	v0 =	vld [tilespmem:$0x10A50];
	_ =	sdelay $0x4  }
0x12c: {  	(v2sf) =	vpush v0, $0x8  }
0x12d: {  	(v2sf) =	vpush v0, $0x9;
	_ =	sdelay $0xd  }
0x12e: {  	s0 =	spop (v2sf)  }
0x12f: {  	s6 =	spop (v2sf)  }
0x130: {  	s19 =	sadd.s32 $0x1, s6  }
0x131: {  	s7 =	sshrl.u32 s19, $0x13;
	s22 =	sshll.u32 s19, $0xD  }
0x132: {  	s5 =	sadd.s32 s0, s19;
	s7 =	sor.u32 s7, s22  }
0x133: {  	s7 =	sxor.u32 s5, s7  }
0x134: {  	s23 =	sshrl.u32 s7, $0x11;
	s24 =	sshll.u32 s7, $0xF  }
0x135: {  	s5 =	sadd.s32 s5, s7;
	s25 =	sor.u32 s23, s24  }
0x136: {  	s7 =	sxor.u32 s5, s25  }
0x137: {  	s26 =	sshrl.u32 s7, $0x6;
	s28 =	sshll.u32 s7, $0x1A  }
0x138: {  	s5 =	sadd.s32 s5, s7;
	s29 =	sor.u32 s26, s28  }
0x139: {  	s7 =	sxor.u32 s5, s29  }
0x13a: {  	s30 =	sshrl.u32 s7, $0x1A;
	s31 =	sshll.u32 s7, $0x6  }
0x13b: {  	s14 =	sxor.u32 s0, s6;
	s7 =	sadd.s32 s5, s7;
	s12 =	sor.u32 s30, s31  }
0x13c: {  	s5 =	sxor.u32 $0x1BD11BDA, s14;
	s12 =	sxor.u32 s7, s12  }
0x13d: {  	s12 =	sadd.s32 s12, s5  }
0x13e: {  	s12 =	sadd.s32 $0x1, s12  }
0x13f: {  	s7 =	sadd.s32 s6, s7;
	s15 =	sshrl.u32 s12, $0xF;
	s16 =	sshll.u32 s12, $0x11  }
0x140: {  	s7 =	sadd.s32 s12, s7;
	s17 =	sor.u32 s15, s16  }
0x141: {  	s12 =	sxor.u32 s7, s17  }
0x142: {  	s18 =	sshrl.u32 s12, $0x3;
	s19 =	sshll.u32 s12, $0x1D  }
0x143: {  	s7 =	sadd.s32 s7, s12;
	s22 =	sor.u32 s18, s19  }
0x144: {  	s12 =	sxor.u32 s7, s22  }
0x145: {  	s23 =	sshrl.u32 s12, $0x10;
	s24 =	sshll.u32 s12, $0x10  }
0x146: {  	s7 =	sadd.s32 s7, s12;
	s25 =	sor.u32 s23, s24  }
0x147: {  	s12 =	sxor.u32 s7, s25  }
0x148: {  	s26 =	sshrl.u32 s12, $0x8;
	s28 =	sshll.u32 s12, $0x18  }
0x149: {  	s7 =	sadd.s32 s7, s12;
	s29 =	sor.u32 s26, s28  }
0x14a: {  	s12 =	sxor.u32 s7, s29  }
0x14b: {  	s12 =	sadd.s32 s12, s0  }
0x14c: {  	s12 =	sadd.s32 $0x2, s12  }
0x14d: {  	s7 =	sadd.s32 s5, s7;
	s30 =	sshrl.u32 s12, $0x13;
	s31 =	sshll.u32 s12, $0xD  }
0x14e: {  	s7 =	sadd.s32 s12, s7;
	s14 =	sor.u32 s30, s31  }
0x14f: {  	s12 =	sxor.u32 s7, s14  }
0x150: {  	s15 =	sshrl.u32 s12, $0x11;
	s16 =	sshll.u32 s12, $0xF  }
0x151: {  	s7 =	sadd.s32 s7, s12;
	s17 =	sor.u32 s15, s16  }
0x152: {  	s12 =	sxor.u32 s7, s17  }
0x153: {  	s18 =	sshrl.u32 s12, $0x6;
	s19 =	sshll.u32 s12, $0x1A  }
0x154: {  	s7 =	sadd.s32 s7, s12;
	s22 =	sor.u32 s18, s19  }
0x155: {  	s12 =	sxor.u32 s7, s22  }
0x156: {  	s23 =	sshrl.u32 s12, $0x1A;
	s24 =	sshll.u32 s12, $0x6  }
0x157: {  	s7 =	sadd.s32 s7, s12;
	s25 =	sor.u32 s23, s24  }
0x158: {  	s12 =	sxor.u32 s7, s25  }
0x159: {  	s12 =	sadd.s32 s12, s6  }
0x15a: {  	s12 =	sadd.s32 $0x3, s12  }
0x15b: {  	s7 =	sadd.s32 s0, s7;
	s26 =	sshrl.u32 s12, $0xF;
	s28 =	sshll.u32 s12, $0x11  }
0x15c: {  	s7 =	sadd.s32 s12, s7;
	s29 =	sor.u32 s26, s28  }
0x15d: {  	s12 =	sxor.u32 s7, s29  }
0x15e: {  	s30 =	sshrl.u32 s12, $0x3;
	s31 =	sshll.u32 s12, $0x1D  }
0x15f: {  	s7 =	sadd.s32 s7, s12;
	s15 =	sor.u32 s30, s31  }
0x160: {  	s12 =	sxor.u32 s7, s15  }
0x161: {  	s16 =	sshrl.u32 s12, $0x10;
	s17 =	sshll.u32 s12, $0x10  }
0x162: {  	s7 =	sadd.s32 s7, s12;
	s18 =	sor.u32 s16, s17  }
0x163: {  	s12 =	sxor.u32 s7, s18  }
0x164: {  	s19 =	sshrl.u32 s12, $0x8;
	s22 =	sshll.u32 s12, $0x18  }
0x165: {  	s7 =	sadd.s32 s7, s12;
	s23 =	sor.u32 s19, s22  }
0x166: {  	s12 =	sxor.u32 s7, s23  }
0x167: {  	s12 =	sadd.s32 s12, s5  }
0x168: {  	s12 =	sadd.s32 $0x4, s12  }
0x169: {  	s6 =	sadd.s32 s6, s7;
	s24 =	sshrl.u32 s12, $0x13;
	s25 =	sshll.u32 s12, $0xD  }
0x16a: {  	s6 =	sadd.s32 s12, s6;
	s7 =	sor.u32 s24, s25  }
0x16b: {  	s7 =	sxor.u32 s6, s7  }
0x16c: {  	s26 =	sshrl.u32 s7, $0x11;
	s28 =	sshll.u32 s7, $0xF  }
0x16d: {  	s6 =	sadd.s32 s6, s7;
	s29 =	sor.u32 s26, s28  }
0x16e: {  	s7 =	sxor.u32 s6, s29  }
0x16f: {  	s30 =	sshrl.u32 s7, $0x6;
	s31 =	sshll.u32 s7, $0x1A  }
0x170: {  	s6 =	sadd.s32 s6, s7;
	s13 =	sor.u32 s30, s31  }
0x171: {  	s7 =	sxor.u32 s6, s13  }
0x172: {  	s14 =	sshrl.u32 s7, $0x1A;
	s15 =	sshll.u32 s7, $0x6  }
0x173: {  	s6 =	sadd.s32 s6, s7;
	s16 =	sor.u32 s14, s15  }
0x174: {  	s7 =	sxor.u32 s6, s16  }
0x175: {  	s15 =	sadd.s32 s0, s7  }
0x176: {  	s14 =	sadd.s32 $0x5, s15  }
0x177: {  	s12 =	sadd.s32 s5, s6;
	s17 =	sshrl.u32 s14, $0x13;
	s18 =	sshll.u32 s14, $0xD  }
0x178: {  	s6 =	sadd.s32 s12, s14;
	s0 =	sor.u32 s17, s18  }
0x179: {  	s0 =	sxor.u32 s6, s0  }
0x17a: {  	s19 =	sshrl.u32 s0, $0x11;
	s22 =	sshll.u32 s0, $0xF  }
0x17b: {  	s0 =	sadd.s32 s6, s0;
	s5 =	sor.u32 s19, s22  }
0x17c: {  	s5 =	sxor.u32 s0, s5  }
0x17d: {  	s23 =	sshrl.u32 s5, $0x6;
	s24 =	sshll.u32 s5, $0x1A  }
0x17e: {  	s0 =	sadd.s32 s0, s5;
	s25 =	sor.u32 s23, s24  }
0x17f: {  	s5 =	sxor.u32 s0, s25  }
0x180: {  	s26 =	sxor.u32 s14, s12;
	s28 =	sshrl.u32 s5, $0x1A;
	s16 =	sshll.u32 s5, $0x6  }
0x181: {  	s13 =	sxor.u32 $0x1BD11BDA, s26;
	s0 =	sadd.s32 s0, s5;
	s29 =	sor.u32 s28, s16  }
0x182: {  	s16 =	sadd.s32 $0x1, s13;
	s5 =	sxor.u32 s0, s29  }
0x183: {  	s5 =	sadd.s32 s5, s16  }
0x184: {  	s0 =	sadd.s32 s14, s0;
	s30 =	sshrl.u32 s5, $0xF;
	s31 =	sshll.u32 s5, $0x11  }
0x185: {  	s0 =	sadd.s32 s5, s0;
	s17 =	sor.u32 s30, s31  }
0x186: {  	s5 =	sxor.u32 s0, s17  }
0x187: {  	s18 =	sshrl.u32 s5, $0x3;
	s19 =	sshll.u32 s5, $0x1D  }
0x188: {  	s0 =	sadd.s32 s0, s5;
	s22 =	sor.u32 s18, s19  }
0x189: {  	s5 =	sxor.u32 s0, s22  }
0x18a: {  	s23 =	sshrl.u32 s5, $0x10;
	s24 =	sshll.u32 s5, $0x10  }
0x18b: {  	s0 =	sadd.s32 s0, s5;
	s25 =	sor.u32 s23, s24  }
0x18c: {  	s5 =	sxor.u32 s0, s25  }
0x18d: {  	s26 =	sshrl.u32 s5, $0x8;
	s28 =	sshll.u32 s5, $0x18  }
0x18e: {  	s0 =	sadd.s32 s0, s5;
	s29 =	sor.u32 s26, s28  }
0x18f: {  	s17 =	sadd.s32 $0x2, s12;
	s5 =	sxor.u32 s0, s29  }
0x190: {  	s5 =	sadd.s32 s5, s17  }
0x191: {  	s0 =	sadd.s32 s13, s0;
	s30 =	sshrl.u32 s5, $0x13;
	s31 =	sshll.u32 s5, $0xD  }
0x192: {  	s0 =	sadd.s32 s5, s0;
	s7 =	sor.u32 s30, s31  }
0x193: {  	s5 =	sxor.u32 s0, s7  }
0x194: {  	s18 =	sshrl.u32 s5, $0x11;
	s19 =	sshll.u32 s5, $0xF  }
0x195: {  	s0 =	sadd.s32 s0, s5;
	s22 =	sor.u32 s18, s19  }
0x196: {  	s5 =	sxor.u32 s0, s22  }
0x197: {  	s23 =	sshrl.u32 s5, $0x6;
	s24 =	sshll.u32 s5, $0x1A  }
0x198: {  	s0 =	sadd.s32 s0, s5;
	s25 =	sor.u32 s23, s24  }
0x199: {  	s5 =	sxor.u32 s0, s25  }
0x19a: {  	s26 =	sshrl.u32 s5, $0x1A;
	s28 =	sshll.u32 s5, $0x6  }
0x19b: {  	s0 =	sadd.s32 s0, s5;
	s29 =	sor.u32 s26, s28  }
0x19c: {  	s18 =	sadd.s32 $0x8, s15;
	s5 =	sxor.u32 s0, s29  }
0x19d: {  	s5 =	sadd.s32 s5, s18  }
0x19e: {  	s0 =	sadd.s32 s12, s0;
	s30 =	sshrl.u32 s5, $0xF;
	s31 =	sshll.u32 s5, $0x11  }
0x19f: {  	s0 =	sadd.s32 s5, s0;
	s6 =	sor.u32 s30, s31  }
0x1a0: {  	s5 =	sxor.u32 s0, s6  }
0x1a1: {  	s7 =	sshrl.u32 s5, $0x3;
	s19 =	sshll.u32 s5, $0x1D  }
0x1a2: {  	s0 =	sadd.s32 s0, s5;
	s22 =	sor.u32 s7, s19  }
0x1a3: {  	s5 =	sxor.u32 s0, s22  }
0x1a4: {  	s23 =	sshrl.u32 s5, $0x10;
	s24 =	sshll.u32 s5, $0x10  }
0x1a5: {  	s0 =	sadd.s32 s0, s5;
	s25 =	sor.u32 s23, s24  }
0x1a6: {  	s5 =	sxor.u32 s0, s25  }
0x1a7: {  	s26 =	sshrl.u32 s5, $0x8;
	s28 =	sshll.u32 s5, $0x18  }
0x1a8: {  	s0 =	sadd.s32 s0, s5;
	s29 =	sor.u32 s26, s28  }
0x1a9: {  	s19 =	sadd.s32 $0x4, s13;
	s5 =	sxor.u32 s0, s29  }
0x1aa: {  	s5 =	sadd.s32 s5, s19  }
0x1ab: {  	s0 =	sadd.s32 s14, s0;
	s30 =	sshrl.u32 s5, $0x13;
	s31 =	sshll.u32 s5, $0xD  }
0x1ac: {  	s0 =	sadd.s32 s5, s0;
	s22 =	sor.u32 s30, s31  }
0x1ad: {  	s5 =	sxor.u32 s0, s22  }
0x1ae: {  	s23 =	sshrl.u32 s5, $0x11;
	s24 =	sshll.u32 s5, $0xF  }
0x1af: {  	s0 =	sadd.s32 s0, s5;
	s25 =	sor.u32 s23, s24  }
0x1b0: {  	s5 =	sxor.u32 s0, s25  }
0x1b1: {  	s26 =	sshrl.u32 s5, $0x6;
	s28 =	sshll.u32 s5, $0x1A  }
0x1b2: {  	s0 =	sadd.s32 s0, s5;
	s29 =	sor.u32 s26, s28  }
0x1b3: {  	s5 =	sxor.u32 s0, s29  }
0x1b4: {  	s30 =	sshrl.u32 s5, $0x1A;
	s31 =	sshll.u32 s5, $0x6  }
0x1b5: {  	s0 =	sadd.s32 s0, s5;
	s22 =	sor.u32 s30, s31  }
0x1b6: {  	s5 =	sxor.u32 s0, s22  }
0x1b7: {  	s7 =	sadd.s32 s12, s5  }
0x1b8: {  	s5 =	sadd.s32 $0x6, s7  }
0x1b9: {  	s0 =	sadd.s32 s13, s0;
	s23 =	sshrl.u32 s5, $0x13;
	s24 =	sshll.u32 s5, $0xD  }
0x1ba: {  	s5 =	sadd.s32 s0, s5;
	s6 =	sor.u32 s23, s24  }
0x1bb: {  	s6 =	sxor.u32 s5, s6  }
0x1bc: {  	s25 =	sshrl.u32 s6, $0x11;
	s23 =	sshll.u32 s6, $0xF  }
0x1bd: {  	s5 =	sadd.s32 s5, s6;
	s26 =	sor.u32 s25, s23  }
0x1be: {  	s6 =	sxor.u32 s5, s26  }
0x1bf: {  	s28 =	sshrl.u32 s6, $0x6;
	s29 =	sshll.u32 s6, $0x1A  }
0x1c0: {  	s5 =	sadd.s32 s5, s6;
	s30 =	sor.u32 s28, s29  }
0x1c1: {  	s22 =	sxor.u32 s5, s30  }
0x1c2: {  	s6 =	sadd.s32 $0x5, s7;
	s31 =	sshrl.u32 s22, $0x1A;
	s24 =	sshll.u32 s22, $0x6  }
0x1c3: {  	s25 =	sxor.u32 s6, s0;
	s22 =	sadd.s32 s5, s22;
	s23 =	sor.u32 s31, s24  }
0x1c4: {  	s5 =	sxor.u32 $0x1BD11BDA, s25;
	s23 =	sxor.u32 s22, s23  }
0x1c5: {  	s23 =	sadd.s32 s23, s5  }
0x1c6: {  	s23 =	sadd.s32 $0x1, s23  }
0x1c7: {  	s22 =	sadd.s32 s6, s22;
	s26 =	sshrl.u32 s23, $0xF;
	s28 =	sshll.u32 s23, $0x11  }
0x1c8: {  	s22 =	sadd.s32 s23, s22;
	s29 =	sor.u32 s26, s28  }
0x1c9: {  	s23 =	sxor.u32 s22, s29  }
0x1ca: {  	s30 =	sshrl.u32 s23, $0x3;
	s31 =	sshll.u32 s23, $0x1D  }
0x1cb: {  	s22 =	sadd.s32 s22, s23;
	s25 =	sor.u32 s30, s31  }
0x1cc: {  	s23 =	sxor.u32 s22, s25  }
0x1cd: {  	s26 =	sshrl.u32 s23, $0x10;
	s28 =	sshll.u32 s23, $0x10  }
0x1ce: {  	s22 =	sadd.s32 s22, s23;
	s29 =	sor.u32 s26, s28  }
0x1cf: {  	s23 =	sxor.u32 s22, s29  }
0x1d0: {  	s30 =	sshrl.u32 s23, $0x8;
	s31 =	sshll.u32 s23, $0x18  }
0x1d1: {  	s22 =	sadd.s32 s22, s23;
	s25 =	sor.u32 s30, s31  }
0x1d2: {  	s23 =	sxor.u32 s22, s25  }
0x1d3: {  	s23 =	sadd.s32 s23, s0  }
0x1d4: {  	s23 =	sadd.s32 $0x2, s23  }
0x1d5: {  	s22 =	sadd.s32 s5, s22;
	s26 =	sshrl.u32 s23, $0x13;
	s28 =	sshll.u32 s23, $0xD  }
0x1d6: {  	s22 =	sadd.s32 s23, s22;
	s29 =	sor.u32 s26, s28  }
0x1d7: {  	s23 =	sxor.u32 s22, s29  }
0x1d8: {  	s30 =	sshrl.u32 s23, $0x11;
	s31 =	sshll.u32 s23, $0xF  }
0x1d9: {  	s22 =	sadd.s32 s22, s23;
	s25 =	sor.u32 s30, s31  }
0x1da: {  	s23 =	sxor.u32 s22, s25  }
0x1db: {  	s26 =	sshrl.u32 s23, $0x6;
	s28 =	sshll.u32 s23, $0x1A  }
0x1dc: {  	s22 =	sadd.s32 s22, s23;
	s29 =	sor.u32 s26, s28  }
0x1dd: {  	s23 =	sxor.u32 s22, s29  }
0x1de: {  	s30 =	sshrl.u32 s23, $0x1A;
	s31 =	sshll.u32 s23, $0x6  }
0x1df: {  	s22 =	sadd.s32 s22, s23;
	s25 =	sor.u32 s30, s31  }
0x1e0: {  	s23 =	sxor.u32 s22, s25  }
0x1e1: {  	s7 =	sadd.s32 s23, s7  }
0x1e2: {  	s7 =	sadd.s32 $0x8, s7  }
0x1e3: {  	s22 =	sadd.s32 s0, s22;
	s26 =	sshrl.u32 s7, $0xF;
	s28 =	sshll.u32 s7, $0x11  }
0x1e4: {  	s7 =	sadd.s32 s7, s22;
	s29 =	sor.u32 s26, s28  }
0x1e5: {  	s22 =	sxor.u32 s7, s29  }
0x1e6: {  	s30 =	sshrl.u32 s22, $0x3;
	s31 =	sshll.u32 s22, $0x1D  }
0x1e7: {  	s7 =	sadd.s32 s7, s22;
	s25 =	sor.u32 s30, s31  }
0x1e8: {  	s22 =	sxor.u32 s7, s25  }
0x1e9: {  	s26 =	sshrl.u32 s22, $0x10;
	s28 =	sshll.u32 s22, $0x10  }
0x1ea: {  	s7 =	sadd.s32 s7, s22;
	s29 =	sor.u32 s26, s28  }
0x1eb: {  	s22 =	sxor.u32 s7, s29  }
0x1ec: {  	s30 =	sshrl.u32 s22, $0x8;
	s31 =	sshll.u32 s22, $0x18  }
0x1ed: {  	s7 =	sadd.s32 s7, s22;
	s23 =	sor.u32 s30, s31  }
0x1ee: {  	s22 =	sxor.u32 s7, s23  }
0x1ef: {  	s22 =	sadd.s32 s22, s5  }
0x1f0: {  	s22 =	sadd.s32 $0x4, s22  }
0x1f1: {  	s6 =	sadd.s32 s6, s7;
	s24 =	sshrl.u32 s22, $0x13;
	s25 =	sshll.u32 s22, $0xD  }
0x1f2: {  	s6 =	sadd.s32 s22, s6;
	s7 =	sor.u32 s24, s25  }
0x1f3: {  	s7 =	sxor.u32 s6, s7  }
0x1f4: {  	s26 =	sshrl.u32 s7, $0x11;
	s28 =	sshll.u32 s7, $0xF  }
0x1f5: {  	s6 =	sadd.s32 s6, s7;
	s29 =	sor.u32 s26, s28  }
0x1f6: {  	s7 =	sxor.u32 s6, s29  }
0x1f7: {  	s30 =	sshrl.u32 s7, $0x6;
	s31 =	sshll.u32 s7, $0x1A  }
0x1f8: {  	s6 =	sadd.s32 s6, s7;
	s24 =	sor.u32 s30, s31  }
0x1f9: {  	s7 =	sxor.u32 s6, s24  }
0x1fa: {  	s25 =	sshrl.u32 s7, $0x1A;
	s26 =	sshll.u32 s7, $0x6  }
0x1fb: {  	s6 =	sadd.s32 s6, s7;
	s28 =	sor.u32 s25, s26  }
0x1fc: {  	s7 =	sxor.u32 s6, s28  }
0x1fd: {  	s24 =	sadd.s32 s0, s7  }
0x1fe: {  	s0 =	sadd.s32 $0x5, s24  }
0x1ff: {  	s23 =	sadd.s32 s5, s6;
	s29 =	sshrl.u32 s0, $0x13;
	s30 =	sshll.u32 s0, $0xD  }
0x200: {  	s31 =	sadd.s32 s23, s0;
	s5 =	sor.u32 s29, s30  }
0x201: {  	s5 =	sxor.u32 s31, s5  }
0x202: {  	s22 =	sshrl.u32 s5, $0x11;
	s25 =	sshll.u32 s5, $0xF  }
0x203: {  	s5 =	sadd.s32 s31, s5;
	s6 =	sor.u32 s22, s25  }
0x204: {  	s6 =	sxor.u32 s5, s6  }
0x205: {  	s26 =	sshrl.u32 s6, $0x6;
	s28 =	sshll.u32 s6, $0x1A  }
0x206: {  	s5 =	sadd.s32 s5, s6;
	s29 =	sor.u32 s26, s28  }
0x207: {  	s6 =	sxor.u32 s5, s29  }
0x208: {  	s30 =	sxor.u32 s0, s23;
	s31 =	sshrl.u32 s6, $0x1A;
	s26 =	sshll.u32 s6, $0x6  }
0x209: {  	s22 =	sxor.u32 $0x1BD11BDA, s30;
	s5 =	sadd.s32 s5, s6;
	s25 =	sor.u32 s31, s26  }
0x20a: {  	s7 =	sadd.s32 $0x1, s22;
	s6 =	sxor.u32 s5, s25  }
0x20b: {  	s6 =	sadd.s32 s6, s7  }
0x20c: {  	s5 =	sadd.s32 s0, s5;
	s26 =	sshrl.u32 s6, $0xF;
	s28 =	sshll.u32 s6, $0x11  }
0x20d: {  	s5 =	sadd.s32 s6, s5;
	s29 =	sor.u32 s26, s28  }
0x20e: {  	s6 =	sxor.u32 s5, s29  }
0x20f: {  	s30 =	sshrl.u32 s6, $0x3;
	s31 =	sshll.u32 s6, $0x1D  }
0x210: {  	s5 =	sadd.s32 s5, s6;
	s25 =	sor.u32 s30, s31  }
0x211: {  	s6 =	sxor.u32 s5, s25  }
0x212: {  	s26 =	sshrl.u32 s6, $0x10;
	s28 =	sshll.u32 s6, $0x10  }
0x213: {  	s5 =	sadd.s32 s5, s6;
	s29 =	sor.u32 s26, s28  }
0x214: {  	s6 =	sxor.u32 s5, s29  }
0x215: {  	s30 =	sshrl.u32 s6, $0x8;
	s31 =	sshll.u32 s6, $0x18  }
0x216: {  	s5 =	sadd.s32 s5, s6;
	s28 =	sor.u32 s30, s31  }
0x217: {  	s6 =	sadd.s32 $0x2, s23;
	s25 =	sxor.u32 s5, s28  }
0x218: {  	s25 =	sadd.s32 s25, s6  }
0x219: {  	s5 =	sadd.s32 s22, s5;
	s29 =	sshrl.u32 s25, $0x13;
	s28 =	sshll.u32 s25, $0xD  }
0x21a: {  	s5 =	sadd.s32 s25, s5;
	s30 =	sor.u32 s29, s28  }
0x21b: {  	s25 =	sxor.u32 s5, s30  }
0x21c: {  	s31 =	sshrl.u32 s25, $0x11;
	s29 =	sshll.u32 s25, $0xF  }
0x21d: {  	s5 =	sadd.s32 s5, s25;
	s30 =	sor.u32 s31, s29;
	s31 =	sadd.s32 $0x6, s24  }
0x21e: {  	s25 =	sxor.u32 s5, s30;
	s29 =	sshrl.u32 s31, $0x13;
	s30 =	sshll.u32 s31, $0xD  }
0x21f: {  	s5 =	sadd.s32 s5, s25;
	s26 =	sshrl.u32 s25, $0x6;
	s25 =	sshll.u32 s25, $0x1A  }
0x220: {  	s25 =	sor.u32 s26, s25;
	s26 =	sadd.s32 s23, s31;
	s31 =	sor.u32 s29, s30  }
0x221: {  	s25 =	sxor.u32 s5, s25;
	s28 =	sxor.u32 s26, s31  }
0x222: {  	s29 =	sshrl.u32 s25, $0x1A;
	s30 =	sshrl.u32 s28, $0x11;
	s31 =	sshll.u32 s28, $0xF  }
0x223: {  	s26 =	sadd.s32 s26, s28;
	s28 =	sshll.u32 s25, $0x6;
	s30 =	sor.u32 s30, s31  }
0x224: {  	s25 =	sadd.s32 s5, s25;
	s29 =	sor.u32 s29, s28;
	s28 =	sxor.u32 s26, s30  }
0x225: {  	s5 =	sadd.s32 $0x8, s24;
	s30 =	sshrl.u32 s28, $0x6;
	s31 =	sshll.u32 s28, $0x1A  }
0x226: {  	s29 =	sxor.u32 s25, s29;
	s24 =	sadd.s32 s26, s28;
	s31 =	sor.u32 s30, s31  }
0x227: {  	s25 =	sadd.s32 s23, s25;
	s28 =	sadd.s32 s29, s5;
	s26 =	sxor.u32 s24, s31  }
0x228: {  	s29 =	sshrl.u32 s28, $0xF;
	s30 =	sshrl.u32 s26, $0x1A;
	s31 =	sshll.u32 s26, $0x6  }
0x229: {  	s24 =	sadd.s32 s24, s26;
	s26 =	sshll.u32 s28, $0x11;
	s30 =	sor.u32 s30, s31  }
0x22a: {  	s25 =	sadd.s32 s28, s25;
	s26 =	sor.u32 s29, s26;
	s29 =	sxor.u32 s24, s30  }
0x22b: {  	s26 =	sxor.u32 s25, s26;
	s7 =	sadd.s32 s29, s7  }
0x22c: {  	s24 =	sadd.s32 s0, s24;
	s28 =	sshrl.u32 s7, $0xF;
	s30 =	sshll.u32 s7, $0x11  }
0x22d: {  	s25 =	sadd.s32 s25, s26;
	s7 =	sadd.s32 s7, s24;
	s31 =	sor.u32 s28, s30  }
0x22e: {  	s29 =	sshrl.u32 s26, $0x3;
	s26 =	sshll.u32 s26, $0x1D;
	s24 =	sxor.u32 s7, s31  }
0x22f: {  	s26 =	sor.u32 s29, s26;
	s30 =	sshrl.u32 s24, $0x3;
	s31 =	sshll.u32 s24, $0x1D  }
0x230: {  	s26 =	sxor.u32 s25, s26;
	s7 =	sadd.s32 s7, s24;
	s30 =	sor.u32 s30, s31  }
0x231: {  	s25 =	sadd.s32 s25, s26;
	s28 =	sshrl.u32 s26, $0x10;
	s24 =	sxor.u32 s7, s30  }
0x232: {  	s26 =	sshll.u32 s26, $0x10;
	s29 =	sshrl.u32 s24, $0x10;
	s31 =	sshll.u32 s24, $0x10  }
0x233: {  	s26 =	sor.u32 s28, s26;
	s7 =	sadd.s32 s7, s24;
	s29 =	sor.u32 s29, s31  }
0x234: {  	s26 =	sxor.u32 s25, s26;
	s24 =	sxor.u32 s7, s29  }
0x235: {  	s28 =	sshrl.u32 s26, $0x8;
	s29 =	sshrl.u32 s24, $0x8;
	s30 =	sshll.u32 s24, $0x18  }
0x236: {  	s31 =	sshll.u32 s26, $0x18;
	s7 =	sadd.s32 s7, s24;
	s30 =	sor.u32 s29, s30  }
0x237: {  	s25 =	sadd.s32 s25, s26;
	s29 =	sor.u32 s28, s31;
	s24 =	sxor.u32 s7, s30  }
0x238: {  	s26 =	sxor.u32 s25, s29;
	s24 =	sadd.s32 s24, s6  }
0x239: {  	s7 =	sadd.s32 s22, s7;
	s30 =	sshrl.u32 s24, $0x13;
	s31 =	sshll.u32 s24, $0xD  }
0x23a: {  	s6 =	sadd.s32 $0x4, s22;
	s7 =	sadd.s32 s24, s7;
	s28 =	sor.u32 s30, s31  }
0x23b: {  	s25 =	sadd.s32 s0, s25;
	s26 =	sadd.s32 s26, s6;
	s24 =	sxor.u32 s7, s28  }
0x23c: {  	s31 =	sshll.u32 s26, $0xD;
	s29 =	sshrl.u32 s24, $0x11;
	s30 =	sshll.u32 s24, $0xF  }
0x23d: {  	s28 =	sshrl.u32 s26, $0x13;
	s7 =	sadd.s32 s7, s24;
	s29 =	sor.u32 s29, s30  }
0x23e: {  	s25 =	sadd.s32 s26, s25;
	s30 =	sor.u32 s28, s31;
	s24 =	sxor.u32 s7, s29  }
0x23f: {  	s26 =	sxor.u32 s25, s30;
	s31 =	sshrl.u32 s24, $0x6;
	s30 =	sshll.u32 s24, $0x1A  }
0x240: {  	s25 =	sadd.s32 s25, s26;
	s7 =	sadd.s32 s7, s24;
	s31 =	sor.u32 s31, s30  }
0x241: {  	s29 =	sshrl.u32 s26, $0x11;
	s26 =	sshll.u32 s26, $0xF;
	s24 =	sxor.u32 s7, s31  }
0x242: {  	s26 =	sor.u32 s29, s26;
	s30 =	sshrl.u32 s24, $0x1A;
	s31 =	sshll.u32 s24, $0x6  }
0x243: {  	s26 =	sxor.u32 s25, s26;
	s7 =	sadd.s32 s7, s24;
	s29 =	sor.u32 s30, s31  }
0x244: {  	s25 =	sadd.s32 s25, s26;
	s24 =	sxor.u32 s7, s29  }
0x245: {  	s30 =	sshrl.u32 s26, $0x6;
	s26 =	sshll.u32 s26, $0x1A;
	s5 =	sadd.s32 s24, s5  }
0x246: {  	s7 =	sadd.s32 s23, s7;
	s24 =	sshrl.u32 s5, $0xF;
	s31 =	sshll.u32 s5, $0x11  }
0x247: {  	s26 =	sor.u32 s30, s26;
	s5 =	sadd.s32 s5, s7;
	s30 =	sor.u32 s24, s31  }
0x248: {  	s24 =	sxor.u32 s25, s26;
	s7 =	sxor.u32 s5, s30  }
0x249: {  	s26 =	sshrl.u32 s24, $0x1A;
	s28 =	sshrl.u32 s7, $0x3;
	s29 =	sshll.u32 s7, $0x1D  }
0x24a: {  	s31 =	sshll.u32 s24, $0x6;
	s7 =	sadd.s32 s5, s7;
	s28 =	sor.u32 s28, s29  }
0x24b: {  	s24 =	sadd.s32 s25, s24;
	s29 =	sor.u32 s26, s31;
	s26 =	sxor.u32 s7, s28  }
0x24c: {  	s5 =	sadd.s32 $0x5, s23;
	s30 =	sshrl.u32 s26, $0x10;
	s31 =	sshll.u32 s26, $0x10  }
0x24d: {  	s25 =	sxor.u32 s24, s29;
	s7 =	sadd.s32 s7, s26;
	s29 =	sor.u32 s30, s31  }
0x24e: {  	s23 =	sadd.s32 s22, s24;
	s25 =	sadd.s32 s25, s5;
	s30 =	sxor.u32 s7, s29  }
0x24f: {  	s31 =	sshrl.u32 s25, $0x13;
	s26 =	sshrl.u32 s30, $0x8;
	s24 =	sshll.u32 s30, $0x18  }
0x250: {  	s7 =	sadd.s32 s7, s30;
	s30 =	sshll.u32 s25, $0xD;
	s24 =	sor.u32 s26, s24  }
0x251: {  	s29 =	sadd.s32 s23, s25;
	s26 =	sor.u32 s31, s30;
	s24 =	sxor.u32 s7, s24  }
0x252: {  	s0 =	sadd.s32 s0, s7;
	s7 =	sxor.u32 s29, s26;
	s6 =	sadd.s32 s24, s6  }
0x253: {  	s26 =	sshrl.u32 s7, $0x11;
	s28 =	sshll.u32 s7, $0xF;
	s7 =	sadd.s32 s29, s7  }
0x254: {  	s24 =	sshrl.u32 s6, $0x13;
	s31 =	sshll.u32 s6, $0xD;
	s26 =	sor.u32 s26, s28  }
0x255: {  	s0 =	sadd.s32 s6, s0;
	s29 =	sor.u32 s24, s31;
	s30 =	sxor.u32 s7, s26  }
0x256: {  	s6 =	sxor.u32 s0, s29;
	s26 =	sshrl.u32 s30, $0x6;
	s31 =	sshll.u32 s30, $0x1A  }
0x257: {  	s7 =	sadd.s32 s7, s30;
	s0 =	sadd.s32 s0, s6;
	s28 =	sor.u32 s26, s31  }
0x258: {  	s29 =	sshrl.u32 s6, $0x11;
	s6 =	sshll.u32 s6, $0xF;
	s24 =	sxor.u32 s7, s28  }
0x259: {  	s31 =	sxor.u32 s25, s23;
	s26 =	sshrl.u32 s24, $0x1A;
	s30 =	sshll.u32 s24, $0x6  }
0x25a: {  	s6 =	sor.u32 s29, s6;
	s7 =	sadd.s32 s7, s24;
	s26 =	sor.u32 s26, s30  }
0x25b: {  	s6 =	sxor.u32 s0, s6;
	s24 =	sxor.u32 $0x1BD11BDA, s31;
	s26 =	sxor.u32 s7, s26  }
0x25c: {  	s30 =	sshrl.u32 s6, $0x6;
	s31 =	sshll.u32 s6, $0x1A;
	s26 =	sadd.s32 s26, s24  }
0x25d: {  	s0 =	sadd.s32 s0, s6;
	s6 =	sor.u32 s30, s31;
	s26 =	sadd.s32 $0x1, s26  }
0x25e: {  	s7 =	sadd.s32 s25, s7;
	s30 =	sshrl.u32 s26, $0xF;
	s31 =	sshll.u32 s26, $0x11  }
0x25f: {  	s6 =	sxor.u32 s0, s6;
	s7 =	sadd.s32 s26, s7;
	s30 =	sor.u32 s30, s31  }
0x260: {  	s0 =	sadd.s32 s0, s6;
	s28 =	sshrl.u32 s6, $0x1A;
	s26 =	sxor.u32 s7, s30  }
0x261: {  	s6 =	sshll.u32 s6, $0x6;
	s29 =	sshrl.u32 s26, $0x3;
	s31 =	sshll.u32 s26, $0x1D  }
0x262: {  	s6 =	sor.u32 s28, s6;
	s7 =	sadd.s32 s7, s26;
	s29 =	sor.u32 s29, s31  }
0x263: {  	s6 =	sxor.u32 s0, s6;
	s26 =	sxor.u32 s7, s29  }
0x264: {  	s0 =	sadd.s32 s22, s0;
	s30 =	sshrl.u32 s26, $0x10;
	s31 =	sshll.u32 s26, $0x10  }
0x265: {  	s28 =	sadd.s32 s6, s5;
	s26 =	sadd.s32 s7, s26;
	s29 =	sor.u32 s30, s31  }
0x266: {  	s30 =	sshrl.u32 s28, $0x13;
	s31 =	sshll.u32 s28, $0xD;
	s6 =	sxor.u32 s26, s29  }
0x267: {  	s7 =	sor.u32 s30, s31;
	s5 =	sadd.s32 s26, s6;
	s26 =	sadd.s32 s0, s28  }
0x268: {  	s29 =	sshrl.u32 s6, $0x8;
	s6 =	sshll.u32 s6, $0x18;
	s7 =	sxor.u32 s26, s7  }
0x269: {  	s6 =	sor.u32 s29, s6;
	s30 =	sshrl.u32 s7, $0x11;
	s31 =	sshll.u32 s7, $0xF  }
0x26a: {  	s6 =	sxor.u32 s5, s6;
	s7 =	sadd.s32 s26, s7;
	s22 =	sor.u32 s30, s31  }
0x26b: {  	s5 =	sadd.s32 s24, s5;
	s6 =	sadd.s32 s6, s23;
	s22 =	sxor.u32 s7, s22  }
0x26c: {  	s6 =	sadd.s32 $0x2, s6;
	s30 =	sshrl.u32 s22, $0x6;
	s31 =	sshll.u32 s22, $0x1A  }
0x26d: {  	s5 =	sadd.s32 s6, s5;
	s7 =	sadd.s32 s7, s22;
	s29 =	sor.u32 s30, s31  }
0x26e: {  	s30 =	sshrl.u32 s6, $0x13;
	s6 =	sshll.u32 s6, $0xD;
	s22 =	sxor.u32 s7, s29  }
0x26f: {  	s31 =	sxor.u32 s28, s0;
	s26 =	sshrl.u32 s22, $0x1A;
	s29 =	sshll.u32 s22, $0x6  }
0x270: {  	s6 =	sor.u32 s30, s6;
	s7 =	sadd.s32 s7, s22;
	s29 =	sor.u32 s26, s29  }
0x271: {  	s6 =	sxor.u32 s5, s6;
	s26 =	sxor.u32 $0x1BD11BDA, s31;
	s22 =	sxor.u32 s7, s29  }
0x272: {  	s5 =	sadd.s32 s5, s6;
	s22 =	sadd.s32 s22, s26  }
0x273: {  	s29 =	sshrl.u32 s6, $0x11;
	s6 =	sshll.u32 s6, $0xF;
	s22 =	sadd.s32 $0x1, s22  }
0x274: {  	s7 =	sadd.s32 s28, s7;
	s30 =	sshrl.u32 s22, $0xF;
	s31 =	sshll.u32 s22, $0x11  }
0x275: {  	s6 =	sor.u32 s29, s6;
	s7 =	sadd.s32 s22, s7;
	s31 =	sor.u32 s30, s31  }
0x276: {  	s6 =	sxor.u32 s5, s6;
	s22 =	sxor.u32 s7, s31  }
0x277: {  	s29 =	sshrl.u32 s6, $0x6;
	s30 =	sshrl.u32 s22, $0x3;
	s31 =	sshll.u32 s22, $0x1D  }
0x278: {  	s7 =	sadd.s32 s7, s22;
	s22 =	sshll.u32 s6, $0x1A;
	s30 =	sor.u32 s30, s31  }
0x279: {  	s29 =	sor.u32 s29, s22;
	s22 =	sxor.u32 s7, s30  }
0x27a: {  	s5 =	sadd.s32 s5, s6;
	s31 =	sshrl.u32 s22, $0x10;
	s30 =	sshll.u32 s22, $0x10  }
0x27b: {  	v3 =	vlaneseq.u32;
	s6 =	sxor.u32 s5, s29;
	s7 =	sadd.s32 s7, s22;
	s31 =	sor.u32 s31, s30  }
0x27c: {  	v1 =	vmul.u32 $0x10, v3;
	s5 =	sadd.s32 s5, s6;
	s30 =	sshrl.u32 s6, $0x1A;
	s22 =	sxor.u32 s7, s31  }
0x27d: {  	s6 =	sshll.u32 s6, $0x6;
	s29 =	sshrl.u32 s22, $0x8;
	s31 =	sshll.u32 s22, $0x18  }
0x27e: {  	s6 =	sor.u32 s30, s6;
	s7 =	sadd.s32 s7, s22;
	s29 =	sor.u32 s29, s31  }
0x27f: {  	s6 =	sxor.u32 s5, s6;
	s22 =	sxor.u32 s7, s29  }
0x280: {  	s5 =	sadd.s32 s23, s5;
	s6 =	sadd.s32 s6, s25;
	s22 =	sadd.s32 s22, s0  }
0x281: {  	s6 =	sadd.s32 $0x3, s6;
	s7 =	sadd.s32 s26, s7;
	s22 =	sadd.s32 $0x2, s22  }
0x282: {  	v1 =	vld.idx.msk [tilespmem:v1+s21+$0x0], $0xffff;
	s21 =	sshrl.u32 s6, $0xF;
	s29 =	sshrl.u32 s22, $0x13;
	s30 =	sshll.u32 s22, $0xD  }
0x283: {  	s31 =	sshll.u32 s6, $0x11;
	s7 =	sadd.s32 s22, s7;
	s30 =	sor.u32 s29, s30  }
0x284: {  	s5 =	sadd.s32 s6, s5;
	s29 =	sor.u32 s21, s31;
	s30 =	sxor.u32 s7, s30  }
0x285: {  	s6 =	sxor.u32 s5, s29;
	s22 =	sshrl.u32 s30, $0x11  }
0x286: {  	s31 =	sshll.u32 s30, $0xF;
	s5 =	sadd.s32 s5, s6;
	s7 =	sadd.s32 s7, s30  }
0x287: {  	(xrf0) =	vadd.scan.msk.s32 $0xffff, v1;
	s29 =	sshrl.u32 s6, $0x3;
	s6 =	sshll.u32 s6, $0x1D;
	s22 =	sor.u32 s22, s31  }
0x288: {  	s6 =	sor.u32 s29, s6;
	s21 =	sxor.u32 s7, s22  }
0x289: {  	s6 =	sxor.u32 s5, s6;
	s30 =	sshrl.u32 s21, $0x6  }
0x28a: {  	s31 =	sshll.u32 s21, $0x1A;
	s7 =	sadd.s32 s7, s21;
	s5 =	sadd.s32 s5, s6  }
0x28b: {  	s22 =	sshrl.u32 s6, $0x10;
	s6 =	sshll.u32 s6, $0x10;
	s30 =	sor.u32 s30, s31  }
0x28c: {  	s6 =	sor.u32 s22, s6;
	s21 =	sxor.u32 s7, s30  }
0x28d: {  	v2, _, _ =	vpop (xrf0);
	s6 =	sxor.u32 s5, s6;
	s29 =	sshrl.u32 s21, $0x1A;
	s31 =	sshll.u32 s21, $0x6  }
0x28e: {  	(v2sf) =	vpush v2, $0xF;
	s7 =	sadd.s32 s7, s21;
	s30 =	sshrl.u32 s6, $0x8;
	s29 =	sor.u32 s29, s31  }
0x28f: {  	s5 =	sadd.s32 s5, s6;
	s31 =	sshll.u32 s6, $0x18;
	s21 =	sxor.u32 s7, s29  }
0x290: {  	s22 =	sor.u32 s30, s31;
	s7 =	sadd.s32 s0, s7;
	s21 =	sadd.s32 s21, s28  }
0x291: {  	s6 =	sxor.u32 s5, s22;
	s5 =	sadd.s32 s25, s5;
	s21 =	sadd.s32 $0x3, s21  }
0x292: {  	s6 =	sadd.s32 s6, s24;
	s30 =	sshrl.u32 s21, $0xF;
	s31 =	sshll.u32 s21, $0x11  }
0x293: {  	s7 =	sadd.s32 s21, s7;
	s6 =	sadd.s32 $0x4, s6;
	s29 =	sor.u32 s30, s31  }
0x294: {  	s5 =	sadd.s32 s6, s5;
	s21 =	sxor.u32 s7, s29  }
0x295: {  	s29 =	sshrl.u32 s6, $0x13;
	s30 =	sshrl.u32 s21, $0x3;
	s31 =	sshll.u32 s21, $0x1D  }
0x296: {  	s6 =	sshll.u32 s6, $0xD;
	s7 =	sadd.s32 s7, s21;
	s25 =	sor.u32 s30, s31  }
0x297: {  	s6 =	sor.u32 s29, s6;
	s21 =	sxor.u32 s7, s25  }
0x298: {  	s6 =	sxor.u32 s5, s6;
	s30 =	sshrl.u32 s21, $0x10;
	s31 =	sshll.u32 s21, $0x10  }
0x299: {  	s5 =	sadd.s32 s5, s6;
	s7 =	sadd.s32 s7, s21;
	s22 =	sor.u32 s30, s31  }
0x29a: {  	s25 =	sshrl.u32 s6, $0x11;
	s6 =	sshll.u32 s6, $0xF;
	s21 =	sxor.u32 s7, s22  }
0x29b: {  	s6 =	sor.u32 s25, s6;
	s30 =	sshrl.u32 s21, $0x8;
	s31 =	sshll.u32 s21, $0x18  }
0x29c: {  	s6 =	sxor.u32 s5, s6;
	s7 =	sadd.s32 s7, s21;
	s30 =	sor.u32 s30, s31  }
0x29d: {  	s22 =	spop (v2sf);
	s25 =	sshrl.u32 s6, $0x6;
	s21 =	sxor.u32 s7, s30  }
0x29e: {  	p0 =	sgt.s32 s22, $0x1;
	s29 =	smov.u32 s22;
	s21 =	sadd.s32 s21, s26  }
0x29f: {  	s29 =	simm.s32 @!p0 $0x1;
	s7 =	sadd.s32 s28, s7;
	s21 =	sadd.s32 $0x4, s21  }
0x2a0: {  	(drf) =	srem.u32 s20, s29;
	s28 =	sshrl.u32 s21, $0x13;
	s31 =	sshll.u32 s21, $0xD  }
0x2a1: {  	s20 =	sshll.u32 s6, $0x1A;
	s7 =	sadd.s32 s21, s7;
	s31 =	sor.u32 s28, s31  }
0x2a2: {  	s5 =	sadd.s32 s5, s6;
	s28 =	sor.u32 s25, s20;
	s30 =	sxor.u32 s7, s31  }
0x2a3: {  	s6 =	sxor.u32 s5, s28;
	s21 =	sshrl.u32 s30, $0x11;
	s31 =	sshll.u32 s30, $0xF  }
0x2a4: {  	s5 =	sadd.s32 s5, s6;
	s7 =	sadd.s32 s7, s30;
	s25 =	sor.u32 s21, s31  }
0x2a5: {  	s28 =	sshrl.u32 s6, $0x1A;
	s6 =	sshll.u32 s6, $0x6;
	s20 =	sxor.u32 s7, s25  }
0x2a6: {  	s6 =	sor.u32 s28, s6;
	s30 =	sshrl.u32 s20, $0x6;
	s31 =	sshll.u32 s20, $0x1A  }
0x2a7: {  	s6 =	sxor.u32 s5, s6;
	s7 =	sadd.s32 s7, s20;
	s25 =	sor.u32 s30, s31  }
0x2a8: {  	s6 =	sadd.s32 s6, s23;
	s20 =	sxor.u32 s7, s25  }
0x2a9: {  	s31 =	spop (drf);
	s28 =	sshrl.u32 s20, $0x1A;
	s30 =	sshll.u32 s20, $0x6  }
0x2aa: {  	s23 =	smul.u32 s31, s31;
	s7 =	sadd.s32 s7, s20;
	s21 =	sor.u32 s28, s30  }
0x2ab: {  	s5 =	sadd.s32 s24, s5;
	s6 =	sadd.s32 $0x5, s6;
	s20 =	sxor.u32 s7, s21  }
0x2ac: {  	s5 =	sxor.u32 s5, s6;
	(drf) =	srem.u32 s23, s29;
	s0 =	sadd.s32 s20, s0  }
0x2ad: {  	s25 =	sadd.s32 s26, s7;
	(drf) =	srem.u32 s5, s29;
	s0 =	sadd.s32 $0x5, s0  }
0x2ae: {  	s0 =	sxor.u32 s25, s0  }
0x2af: {  	(drf) =	srem.u32 s0, s29;
	_ =	sdelay $0x5  }
0x2b0: {  	s26 =	spop (drf)  }
0x2b1: {  	s5 =	spop (drf)  }
0x2b2: {  	s0 =	smul.u32 s26, s5  }
0x2b3: {  	s28 =	spop (drf)  }
0x2b4: {  	s0 =	sadd.s32 s28, s0  }
0x2b5: {  	(drf) =	srem.u32 s0, s29;
	_ =	sdelay $0x8  }
0x2b6: {  	s0 =	spop (drf)  }
0x2b7: {  	v4 =	vor.u32 $0x80000000, v3;
	vm0 =	vgt.s32 v2, s0  }
0x2b8: {  	v5 =	vnsel vm0, $0x80000010, v4  }
0x2b9: {  	(xrf0) =	vmin.scan.msk.u32 $0xffff, v5;
	_ =	sdelay $0x5  }
0x2ba: {  	v5, _, _ =	vpop (xrf0)  }
0x2bb: {  	(v2sf) =	vpush v5, $0xF;
	_ =	sdelay $0xe  }
0x2bc: {  	s30 =	spop (v2sf)  }
0x2bd: {  	s31 =	sxor.u32 $0x80000000, s30  }
0x2be: {  	v5 =	vmov s31  }
0x2bf: {  	vm12 =	veq.s32 v5, v3  }
0x2c0: {  	v2 =	vnsel vm12, $0x0, v2  }
0x2c1: {  	v1 =	vnsel vm12, $0x0, v1;
	(xrf0) =	vadd.scan.msk.s32 $0xffff, v2  }
0x2c2: {  	(xrf0) =	vadd.scan.msk.s32 $0xffff, v1;
	_ =	sdelay $0x3  }
0x2c3: {  	s7 =	sshll.u32 s30, $0x8  }
0x2c4: {  	s6 =	sshra.s32 s7, $0x2;
	v1, _, _ =	vpop (xrf0)  }
0x2c5: {  	s6 =	sadd.s32 $0x10150, s6;
	(v2sf) =	vpush v1, $0xF;
	v1, _, _ =	vpop (xrf0)  }
0x2c6: {  	v5 =	vmov s6;
	(v2sf) =	vpush v1, $0xF;
	_ =	sdelay $0x3  }
0x2c7: {  	s20 =	simm.s32 $0x0  }
0x2c8: {  	v1 =	vld.idx.msk [tilespmem:v5+s20+$0x0 ss:$0x1], $0xffff;
	_ =	sdelay $0x4  }
0x2c9: {  	(xrf0) =	vadd.scan.msk.s32 $0xffff, v1;
	_ =	sdelay $0x3  }
0x2ca: {  	s21 =	spop (v2sf)  }
0x2cb: {  	s23 =	spop (v2sf);
	s0 =	ssub.s32 s0, s21  }
0x2cc: {  	v2, _, _ =	vpop (xrf0);
	s6 =	sadd.s32 s23, s0  }
0x2cd: {  	vm13 =	vgt.s32 v2, s6  }
0x2ce: {  	v6 =	vnsel vm13, $0x80000010, v4  }
0x2cf: {  	(xrf0) =	vmin.scan.msk.u32 $0xffff, v6;
	_ =	sdelay $0x5  }
0x2d0: {  	(v2sf) =	vpush v2, $0xF;
	v6, _, _ =	vpop (xrf0)  }
0x2d1: {  	(v2sf) =	vpush v6, $0xF;
	_ =	sdelay $0x8  }
0x2d2: {  	s24 =	simm.s32 $0x10  }
0x2d3: {  	v6 =	vld.idx.msk [tilespmem:v5+s24+$0x0 ss:$0x1], $0xffff;
	_ =	sdelay $0x3  }
0x2d4: {  	s7 =	spop (v2sf)  }
0x2d5: {  	(xrf0) =	vadd.scan.msk.s32 $0xffff, v6;
	s25 =	spop (v2sf)  }
0x2d6: {  	s26 =	sxor.u32 $0x80000000, s25  }
0x2d7: {  	v7 =	vmov s26  }
0x2d8: {  	vm14 =	veq.s32 v7, v3  }
0x2d9: {  	v2 =	vnsel vm14, $0x0, v2  }
0x2da: {  	v1 =	vnsel vm14, $0x0, v1;
	(xrf0) =	vadd.scan.msk.s32 $0xffff, v2  }
0x2db: {  	p1 =	por $0x1, $0x1;
	p5 =	sgt.s32 s7, s6;
	v7, _, _ =	vpop (xrf0);
	(xrf0) =	vadd.scan.msk.s32 $0xffff, v1  }
0x2dc: {  	p0 =	por !p1, !p5;
	(v2sf) =	vpush v7, $0xF  }
0x2dd: {  	p0 =	por !p0, !p0  }
0x2de: {  	p2 =	por !p0, !p0  }
0x2df: {  	p2 =	por @!p1 p0, p0  }
0x2e0: {  	s7 =	simm.s32 @!p2 $0x0;
	v1, _, _ =	vpop (xrf0)  }
0x2e1: {  	s24 =	ssub.s32 s6, s7;
	(v2sf) =	vpush v1, $0xF;
	v1, _, _ =	vpop (xrf0)  }
0x2e2: {  	vm15 =	vgt.s32 v7, s24;
	(v2sf) =	vpush v1, $0xF;
	v1 =	vand.u32 $0x7, v3  }
0x2e3: {  	v2 =	vmul.u32 $0x2, v1;
	v1 =	vnsel vm15, $0x80000010, v4  }
0x2e4: {  	(xrf0) =	vmin.scan.msk.u32 $0xffff, v1;
	_ =	sdelay $0x5  }
0x2e5: {  	v8, _, _ =	vpop (xrf0)  }
0x2e6: {  	s7 =	spop (v2sf);
	(v2sf) =	vpush v8, $0xF;
	_ =	sdelay $0x2  }
0x2e7: {  	s5 =	simm.s32 $0x0;
	s29 =	simm.s32 $0x10AD0;
	s28 =	sshll.u32 s30, $0x6;
	v1 =	vor.u32 $0x1, v2  }
0x2e8: {  	s20 =	simm.s32 $0x0;
	s23 =	sadd.s32 $0x80000000, s28;
	s5 =	simm.s32 @p0 $0x1  }
0x2e9: {  	s0 =	simm.s32 $0x0;
	p2 =	seq.s32 s5, $0x0;
	s21 =	smov.u32 s24  }
0x2ea: {  	s25 =	sadd.s32 s23, s25;
	s26 =	simm.s32 $0x80;
	s30 =	spop (v2sf)  }
0x2eb: {  	v2 =	vld.idx.msk [tilespmem:v2+s29+$0x0], $0xffff;
	p6 =	sgt.s32 s7, s24;
	s6 =	ssub.s32 s6, s30;
	s31 =	spop (v2sf)  }
0x2ec: {  	s20 =	smov.u32 @p0 s25;
	v1 =	vld.idx.msk [tilespmem:v1+s29+$0x0], $0xffff;
	p3 =	por !p2, !p6;
	s25 =	sadd.s32 s31, s6  }
.LBB2_18:
0x2ed: {  	s0 =	smov.u32 @p0 s25  }
0x2ee: {  	s23 =	sadd.s32 $0x10, s23;
	s25 =	smov.u32 s26;
	s6 =	sadd.s32 $0x40, s26  }
0x2ef: {  	p1 =	sne.s32 s26, $0xC0  }
0x2f0: {  	s25 =	sshra.s32 s25, $0x2  }
0x2f1: {  	v8 =	vld.idx.msk [tilespmem:v5+s25+$0x0 ss:$0x1], $0xffff;
	_ =	sdelay $0x1  }
0x2f2: {  	s25 =	spop (v2sf)  }
0x2f3: {  	s26 =	sxor.u32 $0x80000000, s25  }
0x2f4: {  	v9 =	vmov s26  }
0x2f5: {  	vm0 =	veq.s32 v9, v3  }
0x2f6: {  	(xrf0) =	vadd.scan.msk.s32 $0xffff, v8;
	v7 =	vnsel vm0, $0x0, v7;
	v9 =	vnsel vm0, $0x0, v6;
	v6 =	vmov v8  }
0x2f7: {  	(xrf0) =	vadd.scan.msk.s32 $0xffff, v7  }
0x2f8: {  	p0 =	por !p3, !p3;
	s25 =	sadd.s32 s23, s25;
	(xrf0) =	vadd.scan.msk.s32 $0xffff, v9  }
0x2f9: {  	p3 =	por !p0, !p0;
	s5 =	simm.s32 @p0 $0x1;
	s20 =	smov.u32 @p0 s25  }
0x2fa: {  	p3 =	por @!p2 p0, p0  }
0x2fb: {  	s7 =	simm.s32 @!p3 $0x0  }
0x2fc: {  	s24 =	ssub.s32 s24, s7;
	v7, _, _ =	vpop (xrf0)  }
0x2fd: {  	vm0 =	vgt.s32 v7, s24;
	(v2sf) =	vpush v7, $0xF;
	v8, _, _ =	vpop (xrf0)  }
0x2fe: {  	v9 =	vnsel vm0, $0x80000010, v4;
	(v2sf) =	vpush v8, $0xF;
	v8, _, _ =	vpop (xrf0)  }
0x2ff: {  	(xrf0) =	vmin.scan.msk.u32 $0xffff, v9;
	(v2sf) =	vpush v8, $0xF;
	_ =	sdelay $0x5  }
0x300: {  	v8, _, _ =	vpop (xrf0)  }
0x301: {  	(v2sf) =	vpush v8, $0xF;
	_ =	sdelay $0x4  }
.Ltmp8:
0x302: {  	(pc) =	sbr.rel @p1 .LBB2_18-.Ltmp8, $4  }
0x303: {  	s7 =	spop (v2sf)  }
0x304: {  	p2 =	seq.s32 s5, $0x0;
	p3 =	sgt.s32 s7, s24;
	s25 =	spop (v2sf)  }
0x305: {  	p3 =	por !p2, !p3;
	s21 =	ssub.s32 s21, s25;
	s25 =	spop (v2sf)  }
0x306: {  	s26 =	smov.u32 s6;
	s25 =	sadd.s32 s25, s21;
	s21 =	smov.u32 s24  }
0x307: {  	_ =	sdelay $0x4  }
0x308: {  	s5 =	spop (v2sf)  }
0x309: {  	s6 =	sxor.u32 $0x80000000, s5  }
0x30a: {  	v4 =	vmov s6  }
0x30b: {  	vm0 =	veq.s32 v4, v3  }
0x30c: {  	v3 =	vnsel vm0, $0x0, v7  }
0x30d: {  	(xrf0) =	vadd.scan.msk.s32 $0xffff, v3;
	v3 =	vnsel vm0, $0x0, v6  }
0x30e: {  	(xrf0) =	vadd.scan.msk.s32 $0xffff, v3;
	_ =	sdelay $0x4  }
0x30f: {  	v3, _, _ =	vpop (xrf0)  }
0x310: {  	(v2sf) =	vpush v3, $0xF;
	v3, _, _ =	vpop (xrf0)  }
0x311: {  	(v2sf) =	vpush v3, $0xF;
	_ =	sdelay $0x4  }
0x312: {  	s26 =	sadd.s32 $0x10, s23  }
0x313: {  	p1 =	por !p3, !p3;
	s5 =	sadd.s32 s26, s5  }
0x314: {  	s20 =	smov.u32 @p1 s5  }
0x315: {  	s23 =	sshll.u32 s20, $0xA;
	s5 =	sshll.u32 s20, $0x7  }
0x316: {  	s7 =	sand.u32 $0xFFFFE000, s23;
	s5 =	sand.u32 $0x380, s5  }
0x317: {  	s5 =	sor.u32 s5, s7  }
0x318: {  	s24 =	simm.s32 $0x400;
	s5 =	sshrl.u32 s5, $0x3  }
0x319: {  	s26 =	simm.s32 $0x10650;
	s7 =	simm.s32 $0x80;
	s5 =	sadd.s32 s8, s5  }
0x31a: {  	[tilespmem:s26], [sflag:$0x7] =	stream.strided.gather [hbm4b:s5+s7], $0x400, s24, s7, $0x38;
	[tilespmem:$0x14CD0] =	vst v63  }
0x31b: {  	s6 =	spop (v2sf)  }
0x31c: {  	s24 =	simm.s32 $0x7;
	s5 =	spop (v2sf)  }
0x31d: {  	_ =	swait.ge [sflag:s24], $0x400  }
0x31e: {  	[sflag:s24] =	ssyncset.done $0x0  }
0x31f: {  	[sflag:s24] =	ssyncadd.s32 $0xFFFFFC00  }
0x320: {  	v3 =	vld [tilespmem:s26+$0x0];
	_ =	sdelay $0x4  }
0x321: {  	v5 =	vimm.s32 $0x0;
	vm9 =	veq.f32 v3, $2.000000000e+00  }
0x322: {  	v3 =	vsel vm9, $0x1, v5  }
0x323: {  	s26 =	simm.s32 $0x10660;
	(xrf0) =	vadd.scan.msk.s32 $0xffff, v3  }
0x324: {  	v3 =	vld [tilespmem:s26+$0x0];
	_ =	sdelay $0x4  }
0x325: {  	vm10 =	veq.f32 v3, $2.000000000e+00;
	v4, _, _ =	vpop (xrf0)  }
0x326: {  	v3 =	vsel vm10, $0x1, v5;
	(v2sf) =	vpush v4, $0xF  }
0x327: {  	(xrf0) =	vadd.scan.msk.s32 $0xffff, v3;
	_ =	sdelay $0x3  }
0x328: {  	s24 =	simm.s32 $0x10670  }
0x329: {  	s6 =	ssub.s32 s21, s6;
	v6 =	vld [tilespmem:s24+$0x0]  }
0x32a: {  	s0 =	smov.u32 @p0 s25;
	s5 =	sadd.s32 s5, s6;
	v7, _, _ =	vpop (xrf0)  }
0x32b: {  	s0 =	smov.u32 @p1 s5;
	v3 =	vlaneseq.u32;
	(v2sf) =	vpush v7, $0xF  }
0x32c: {  	vm11 =	vgt.s32 v4, s0;
	v3 =	vor.u32 $0x80000000, v3  }
0x32d: {  	v4 =	vnsel vm11, $0x80000010, v3  }
0x32e: {  	vm1 =	veq.f32 v6, $2.000000000e+00;
	(xrf0) =	vmin.scan.msk.u32 $0xffff, v4  }
0x32f: {  	v6 =	vsel vm1, $0x1, v5  }
0x330: {  	(xrf0) =	vadd.scan.msk.s32 $0xffff, v6;
	_ =	sdelay $0x1  }
0x331: {  	s5 =	spop (v2sf)  }
0x332: {  	p0 =	por $0x1, $0x1;
	p1 =	sgt.s32 s5, s0  }
0x333: {  	v4, _, _ =	vpop (xrf0);
	p1 =	por !p0, !p1  }
0x334: {  	s26 =	simm.s32 $0x10680;
	(v2sf) =	vpush v4, $0xF;
	p1 =	por !p1, !p1  }
0x335: {  	v4 =	vld [tilespmem:s26+$0x0];
	v6, _, _ =	vpop (xrf0);
	p2 =	por !p1, !p1  }
0x336: {  	(v2sf) =	vpush v6, $0xF;
	p2 =	por @!p0 p1, p1  }
0x337: {  	s5 =	simm.s32 @!p2 $0x0  }
0x338: {  	s24 =	simm.s32 $0x0;
	s0 =	ssub.s32 s0, s5  }
0x339: {  	s24 =	simm.s32 @p1 $0x1;
	s6 =	spop (v2sf);
	vm12 =	vgt.s32 v7, s0  }
0x33a: {  	vm13 =	veq.f32 v4, $2.000000000e+00;
	p2 =	seq.s32 s24, $0x0;
	p6 =	sgt.s32 s6, s0;
	v4 =	vnsel vm12, $0x80000010, v3  }
0x33b: {  	v7 =	vsel vm13, $0x1, v5;
	p0 =	por !p2, !p6;
	(xrf0) =	vmin.scan.msk.u32 $0xffff, v4  }
0x33c: {  	s5 =	simm.s32 $0x10690;
	p0 =	por !p0, !p0;
	(xrf0) =	vadd.scan.msk.s32 $0xffff, v7  }
0x33d: {  	v4 =	vld [tilespmem:s5+$0x0];
	p3 =	por !p0, !p0  }
0x33e: {  	p3 =	por @!p2 p0, p0  }
0x33f: {  	s6 =	simm.s32 @!p3 $0x0  }
0x340: {  	s31 =	ssub.s32 s0, s6  }
0x341: {  	s29 =	simm.s32 $0x80000010;
	vm14 =	vgt.s32 v6, s31;
	v6, _, _ =	vpop (xrf0)  }
0x342: {  	s28 =	simm.s32 $0x80000020;
	s25 =	simm.s32 $0x80000040;
	vm15 =	veq.f32 v4, $2.000000000e+00;
	v4, _, _ =	vpop (xrf0);
	(v2sf) =	vpush v6, $0xF  }
0x343: {  	s21 =	simm.s32 $0x0;
	s26 =	simm.s32 $0x80000030;
	s7 =	spop (v2sf);
	v7 =	vnsel vm14, $0x80000010, v3;
	(v2sf) =	vpush v4, $0xF  }
0x344: {  	p1 =	por p1, p1;
	s24 =	simm.s32 @p0 $0x1;
	s30 =	sadd.s32 $0x80000000, s7;
	v6 =	vsel vm15, $0x1, v5;
	(xrf0) =	vmin.scan.msk.u32 $0xffff, v7  }
0x345: {  	p2 =	seq.s32 s24, $0x0;
	s6 =	simm.s32 $0x80000050;
	s0 =	spop (v2sf);
	(xrf0) =	vadd.scan.msk.s32 $0xffff, v6  }
.LBB2_20:
0x346: {  	p3 =	sne.s32 s6, $0x800003F0  }
0x347: {  	p4 =	sgt.s32 s0, s31;
	s21 =	smov.u32 @p1 s30;
	s7 =	smov.u32 s28  }
0x348: {  	s28 =	smov.u32 s26;
	s26 =	smov.u32 s25;
	p1 =	por p0, p0  }
0x349: {  	s25 =	smov.u32 s6;
	s6 =	sadd.s32 $0x10, s6;
	p0 =	por !p2, !p4  }
0x34a: {  	s5 =	sadd.s32 $0x10, s5;
	p0 =	por !p0, !p0  }
0x34b: {  	v6 =	vld [tilespmem:s5+$0x0];
	p4 =	por !p0, !p0;
	s24 =	simm.s32 @p0 $0x1  }
0x34c: {  	p4 =	por @!p2 p0, p0;
	p2 =	seq.s32 s24, $0x0;
	v7, _, _ =	vpop (xrf0)  }
0x34d: {  	v8, _, _ =	vpop (xrf0);
	s0 =	simm.s32 @!p4 $0x0;
	(v2sf) =	vpush v7, $0xF  }
.Ltmp9:
0x34e: {  	(v2sf) =	vpush v8, $0xF;
	s31 =	ssub.s32 s31, s0;
	(pc) =	sbr.rel @p3 .LBB2_20-.Ltmp9, $4  }
0x34f: {  	vm0 =	vgt.s32 v4, s31;
	v4 =	vmov v8  }
0x350: {  	vm1 =	veq.f32 v6, $2.000000000e+00;
	v6 =	vnsel vm0, $0x80000010, v3  }
0x351: {  	v7 =	vsel vm1, $0x1, v5;
	(xrf0) =	vmin.scan.msk.u32 $0xffff, v6;
	s30 =	spop (v2sf)  }
0x352: {  	(xrf0) =	vadd.scan.msk.s32 $0xffff, v7;
	s0 =	spop (v2sf);
	s30 =	sadd.s32 s29, s30;
	s29 =	smov.u32 s7  }
0x353: {  	s5 =	sadd.s32 $0x6, s15  }
0x354: {  	s6 =	sshrl.u32 s5, $0x13;
	s7 =	sshll.u32 s5, $0xD  }
0x355: {  	s5 =	sadd.s32 s12, s5;
	s6 =	sor.u32 s6, s7  }
0x356: {  	s6 =	sxor.u32 s5, s6  }
0x357: {  	s7 =	sshrl.u32 s6, $0x11;
	s15 =	sshll.u32 s6, $0xF  }
0x358: {  	s5 =	sadd.s32 s5, s6;
	s7 =	sor.u32 s7, s15  }
0x359: {  	s6 =	sxor.u32 s5, s7  }
0x35a: {  	s7 =	sshrl.u32 s6, $0x6;
	s15 =	sshll.u32 s6, $0x1A  }
0x35b: {  	s5 =	sadd.s32 s5, s6;
	s15 =	sor.u32 s7, s15  }
0x35c: {  	s6 =	sxor.u32 s5, s15  }
0x35d: {  	s7 =	sshrl.u32 s6, $0x1A;
	s15 =	sshll.u32 s6, $0x6  }
0x35e: {  	s5 =	sadd.s32 s5, s6;
	s7 =	sor.u32 s7, s15  }
0x35f: {  	s6 =	sxor.u32 s5, s7  }
0x360: {  	s6 =	sadd.s32 s6, s16  }
0x361: {  	s5 =	sadd.s32 s14, s5;
	s15 =	sshrl.u32 s6, $0xF;
	s16 =	sshll.u32 s6, $0x11  }
0x362: {  	s5 =	sadd.s32 s6, s5;
	s7 =	sor.u32 s15, s16  }
0x363: {  	s6 =	sxor.u32 s5, s7  }
0x364: {  	s15 =	sshrl.u32 s6, $0x3;
	s16 =	sshll.u32 s6, $0x1D  }
0x365: {  	s5 =	sadd.s32 s5, s6;
	s7 =	sor.u32 s15, s16  }
0x366: {  	s6 =	sxor.u32 s5, s7  }
0x367: {  	s15 =	sshrl.u32 s6, $0x10;
	s16 =	sshll.u32 s6, $0x10  }
0x368: {  	s5 =	sadd.s32 s5, s6;
	s7 =	sor.u32 s15, s16  }
0x369: {  	s6 =	sxor.u32 s5, s7  }
0x36a: {  	s15 =	sshrl.u32 s6, $0x8;
	s16 =	sshll.u32 s6, $0x18  }
0x36b: {  	s5 =	sadd.s32 s5, s6;
	s15 =	sor.u32 s15, s16  }
0x36c: {  	s6 =	sxor.u32 s5, s15  }
0x36d: {  	s6 =	sadd.s32 s6, s17  }
0x36e: {  	s5 =	sadd.s32 s13, s5;
	s16 =	sshrl.u32 s6, $0x13;
	s17 =	sshll.u32 s6, $0xD  }
0x36f: {  	s5 =	sadd.s32 s6, s5;
	s15 =	sor.u32 s16, s17  }
0x370: {  	s6 =	sxor.u32 s5, s15  }
0x371: {  	s16 =	sshrl.u32 s6, $0x11;
	s17 =	sshll.u32 s6, $0xF  }
0x372: {  	s5 =	sadd.s32 s5, s6;
	s15 =	sor.u32 s16, s17  }
0x373: {  	s6 =	sxor.u32 s5, s15  }
0x374: {  	s16 =	sshrl.u32 s6, $0x6;
	s17 =	sshll.u32 s6, $0x1A  }
0x375: {  	s5 =	sadd.s32 s5, s6;
	s15 =	sor.u32 s16, s17  }
0x376: {  	s6 =	sxor.u32 s5, s15  }
0x377: {  	s16 =	sshrl.u32 s6, $0x1A;
	s17 =	sshll.u32 s6, $0x6  }
0x378: {  	s5 =	sadd.s32 s5, s6;
	s16 =	sor.u32 s16, s17  }
0x379: {  	s6 =	sxor.u32 s5, s16  }
0x37a: {  	s6 =	sadd.s32 s6, s18  }
0x37b: {  	s5 =	sadd.s32 s12, s5;
	s17 =	sshrl.u32 s6, $0xF;
	s18 =	sshll.u32 s6, $0x11  }
0x37c: {  	s5 =	sadd.s32 s6, s5;
	s16 =	sor.u32 s17, s18  }
0x37d: {  	s6 =	sxor.u32 s5, s16  }
0x37e: {  	s17 =	sshrl.u32 s6, $0x3;
	s18 =	sshll.u32 s6, $0x1D  }
0x37f: {  	s5 =	sadd.s32 s5, s6;
	s16 =	sor.u32 s17, s18  }
0x380: {  	s6 =	sxor.u32 s5, s16  }
0x381: {  	s17 =	sshrl.u32 s6, $0x10;
	s18 =	sshll.u32 s6, $0x10  }
0x382: {  	s5 =	sadd.s32 s5, s6;
	s16 =	sor.u32 s17, s18  }
0x383: {  	s6 =	sxor.u32 s5, s16  }
0x384: {  	s17 =	sshrl.u32 s6, $0x8;
	s18 =	sshll.u32 s6, $0x18  }
0x385: {  	s5 =	sadd.s32 s5, s6;
	s7 =	sor.u32 s17, s18  }
0x386: {  	s6 =	sxor.u32 s5, s7  }
0x387: {  	s6 =	sadd.s32 s6, s19  }
0x388: {  	s5 =	sadd.s32 s14, s5;
	s15 =	sshrl.u32 s6, $0x13;
	s16 =	sshll.u32 s6, $0xD  }
0x389: {  	s5 =	sadd.s32 s6, s5;
	s17 =	sor.u32 s15, s16  }
0x38a: {  	s6 =	sxor.u32 s5, s17  }
0x38b: {  	s18 =	sshrl.u32 s6, $0x11;
	s19 =	sshll.u32 s6, $0xF  }
0x38c: {  	s5 =	sadd.s32 s5, s6;
	s14 =	sor.u32 s18, s19  }
0x38d: {  	s6 =	sxor.u32 s5, s14  }
0x38e: {  	s15 =	sshrl.u32 s6, $0x6;
	s16 =	sshll.u32 s6, $0x1A  }
0x38f: {  	s5 =	sadd.s32 s5, s6;
	s17 =	sor.u32 s15, s16  }
0x390: {  	s6 =	sxor.u32 s5, s17  }
0x391: {  	s18 =	sshrl.u32 s6, $0x1A;
	s19 =	sshll.u32 s6, $0x6  }
0x392: {  	s5 =	sadd.s32 s5, s6;
	s15 =	sor.u32 s18, s19  }
0x393: {  	s6 =	sxor.u32 s5, s15  }
0x394: {  	s6 =	sadd.s32 s6, s12  }
0x395: {  	s14 =	sadd.s32 $0x5, s6  }
0x396: {  	s12 =	sadd.s32 s13, s5;
	s16 =	sshrl.u32 s14, $0x13;
	s6 =	sshll.u32 s14, $0xD  }
0x397: {  	s17 =	sadd.s32 s12, s14;
	s5 =	sor.u32 s16, s6  }
0x398: {  	s5 =	sxor.u32 s17, s5  }
0x399: {  	s18 =	sshrl.u32 s5, $0x11;
	s19 =	sshll.u32 s5, $0xF  }
0x39a: {  	s5 =	sadd.s32 s17, s5;
	s7 =	sor.u32 s18, s19  }
0x39b: {  	s6 =	sxor.u32 s5, s7  }
0x39c: {  	s13 =	sshrl.u32 s6, $0x6;
	s15 =	sshll.u32 s6, $0x1A  }
0x39d: {  	s5 =	sadd.s32 s5, s6;
	s16 =	sor.u32 s13, s15  }
0x39e: {  	s6 =	sxor.u32 s5, s16  }
0x39f: {  	s17 =	sshrl.u32 s6, $0x1A;
	s18 =	sshll.u32 s6, $0x6  }
0x3a0: {  	s13 =	sxor.u32 s14, s12;
	s5 =	sadd.s32 s5, s6;
	s19 =	sor.u32 s17, s18  }
0x3a1: {  	s13 =	sxor.u32 $0x1BD11BDA, s13;
	s6 =	sxor.u32 s5, s19  }
0x3a2: {  	s6 =	sadd.s32 s6, s13  }
0x3a3: {  	s6 =	sadd.s32 $0x1, s6  }
0x3a4: {  	s5 =	sadd.s32 s14, s5;
	s15 =	sshrl.u32 s6, $0xF;
	s16 =	sshll.u32 s6, $0x11  }
0x3a5: {  	s5 =	sadd.s32 s6, s5;
	s17 =	sor.u32 s15, s16  }
0x3a6: {  	s6 =	sxor.u32 s5, s17  }
0x3a7: {  	s18 =	sshrl.u32 s6, $0x3;
	s19 =	sshll.u32 s6, $0x1D  }
0x3a8: {  	s5 =	sadd.s32 s5, s6;
	s7 =	sor.u32 s18, s19  }
0x3a9: {  	s6 =	sxor.u32 s5, s7  }
0x3aa: {  	s15 =	sshrl.u32 s6, $0x10;
	s16 =	sshll.u32 s6, $0x10  }
0x3ab: {  	s5 =	sadd.s32 s5, s6;
	s17 =	sor.u32 s15, s16  }
0x3ac: {  	s6 =	sxor.u32 s5, s17  }
0x3ad: {  	s18 =	sshrl.u32 s6, $0x8;
	s19 =	sshll.u32 s6, $0x18  }
0x3ae: {  	s5 =	sadd.s32 s5, s6;
	s7 =	sor.u32 s18, s19  }
0x3af: {  	s6 =	sxor.u32 s5, s7  }
0x3b0: {  	s6 =	sadd.s32 s6, s12  }
0x3b1: {  	s6 =	sadd.s32 $0x2, s6  }
0x3b2: {  	s5 =	sadd.s32 s13, s5;
	s15 =	sshrl.u32 s6, $0x13;
	s16 =	sshll.u32 s6, $0xD  }
0x3b3: {  	s5 =	sadd.s32 s6, s5;
	s17 =	sor.u32 s15, s16  }
0x3b4: {  	s6 =	sxor.u32 s5, s17  }
0x3b5: {  	s18 =	sshrl.u32 s6, $0x11;
	s19 =	sshll.u32 s6, $0xF  }
0x3b6: {  	s5 =	sadd.s32 s5, s6;
	s7 =	sor.u32 s18, s19  }
0x3b7: {  	s6 =	sxor.u32 s5, s7  }
0x3b8: {  	s15 =	sshrl.u32 s6, $0x6;
	s16 =	sshll.u32 s6, $0x1A  }
0x3b9: {  	p3 =	sgt.s32 s0, s31;
	s5 =	sadd.s32 s5, s6;
	s17 =	sor.u32 s15, s16  }
0x3ba: {  	p3 =	por !p2, !p3;
	s6 =	sxor.u32 s5, s17  }
0x3bb: {  	p3 =	por !p3, !p3;
	s18 =	sshrl.u32 s6, $0x1A;
	s19 =	sshll.u32 s6, $0x6  }
0x3bc: {  	p4 =	por !p3, !p3;
	s5 =	sadd.s32 s5, s6;
	s15 =	sor.u32 s18, s19  }
0x3bd: {  	p4 =	por @!p2 p3, p3;
	s6 =	sxor.u32 s5, s15  }
0x3be: {  	s0 =	simm.s32 @!p4 $0x0;
	s6 =	sadd.s32 s6, s14  }
0x3bf: {  	s24 =	simm.s32 @p3 $0x1;
	s7 =	ssub.s32 s31, s0;
	s17 =	sadd.s32 $0x3, s6  }
0x3c0: {  	s16 =	sadd.s32 s12, s5;
	s18 =	sshrl.u32 s17, $0xF;
	s5 =	sshll.u32 s17, $0x11  }
0x3c1: {  	s0 =	spop (v2sf);
	s6 =	sadd.s32 s17, s16;
	s5 =	sor.u32 s18, s5  }
0x3c2: {  	p4 =	seq.s32 s24, $0x0;
	s15 =	spop (v2sf);
	s5 =	sxor.u32 s6, s5  }
0x3c3: {  	p6 =	sgt.s32 s15, s7;
	s19 =	sshrl.u32 s5, $0x3;
	s31 =	sshll.u32 s5, $0x1D  }
0x3c4: {  	p2 =	por !p4, !p6;
	s5 =	sadd.s32 s6, s5;
	s18 =	sor.u32 s19, s31  }
0x3c5: {  	p2 =	por !p2, !p2;
	s6 =	sxor.u32 s5, s18  }
0x3c6: {  	p5 =	por !p2, !p2;
	s19 =	sshrl.u32 s6, $0x10;
	s31 =	sshll.u32 s6, $0x10  }
0x3c7: {  	p5 =	por @!p4 p2, p2;
	s5 =	sadd.s32 s5, s6;
	s17 =	sor.u32 s19, s31  }
0x3c8: {  	v5, _, _ =	vpop (xrf0);
	s15 =	simm.s32 @!p5 $0x0;
	s6 =	sxor.u32 s5, s17  }
0x3c9: {  	v28, _, _ =	vpop (xrf0);
	vm0 =	vgt.s32 v4, s7;
	s31 =	ssub.s32 s7, s15;
	s18 =	sshrl.u32 s6, $0x8;
	s19 =	sshll.u32 s6, $0x18  }
0x3ca: {  	v6 =	vnsel vm0, $0x80000010, v3;
	vm13 =	vgt.s32 v28, s31;
	s5 =	sadd.s32 s5, s6;
	s7 =	sor.u32 s18, s19  }
0x3cb: {  	(xrf0) =	vmin.scan.msk.u32 $0xffff, v6;
	v29 =	vnsel vm13, $0x80000010, v3;
	s6 =	sxor.u32 s5, s7  }
0x3cc: {  	(xrf0) =	vmin.scan.msk.u32 $0xffff, v29;
	s6 =	sadd.s32 s6, s13  }
0x3cd: {  	v7 =	vimm.s32 $0x0;
	vm14 =	veq.s32 v2, $0x2;
	s6 =	sadd.s32 $0x4, s6  }
0x3ce: {  	v30 =	vshra.s32 v0, $0xA;
	vm1 =	veq.s32 v2, $0x1;
	v31 =	vsel vm14, $0x1, v7;
	s5 =	sadd.s32 s14, s5;
	s15 =	sshrl.u32 s6, $0x13;
	s16 =	sshll.u32 s6, $0xD  }
0x3cf: {  	v8 =	vsel vm1, $0xFFFFFFFF, v7;
	v3 =	vadd.s32 v31, v30;
	s5 =	sadd.s32 s6, s5;
	s17 =	sor.u32 s15, s16  }
0x3d0: {  	(v2sf) =	vpush v5, $0xF;
	v8 =	vadd.s32 v8, v3;
	s6 =	sxor.u32 s5, s17  }
0x3d1: {  	(v2sf) =	vpush v28, $0xF;
	v32, _, _ =	vpop (xrf0);
	vm15 =	vgt.s32 v8, $0x0;
	s18 =	sshrl.u32 s6, $0x11;
	s19 =	sshll.u32 s6, $0xF  }
0x3d2: {  	(v2sf) =	vpush v32, $0xF;
	v34 =	vnsel vm15, $0x0, v8;
	v33, _, _ =	vpop (xrf0);
	s5 =	sadd.s32 s5, s6;
	s7 =	sor.u32 s18, s19  }
0x3d3: {  	v3 =	vmin.u32 v34, $0x3FF;
	(v2sf) =	vpush v33, $0xF;
	s6 =	sxor.u32 s5, s7  }
0x3d4: {  	(v2sf) =	vpush v3, $0x0;
	s14 =	sshrl.u32 s6, $0x6;
	s15 =	sshll.u32 s6, $0x1A  }
0x3d5: {  	s5 =	sadd.s32 s5, s6;
	s16 =	sor.u32 s14, s15  }
0x3d6: {  	s6 =	sxor.u32 s5, s16  }
0x3d7: {  	s17 =	sshrl.u32 s6, $0x1A;
	s18 =	sshll.u32 s6, $0x6  }
0x3d8: {  	s5 =	sadd.s32 s5, s6;
	s19 =	sor.u32 s17, s18  }
0x3d9: {  	s6 =	sxor.u32 s5, s19  }
0x3da: {  	s6 =	sadd.s32 s6, s12  }
0x3db: {  	s5 =	sadd.s32 s13, s5;
	s6 =	sadd.s32 $0x5, s6  }
0x3dc: {  	s5 =	sxor.u32 s5, s6  }
0x3dd: {  	s5 =	sshrl.u32 s5, $0x9  }
0x3de: {  	s5 =	sor.u32 $0x3F800000, s5  }
0x3df: {  	s6 =	spop (v2sf);
	s5 =	sadd.f32 $-1.000000000e+00, s5  }
0x3e0: {  	s7 =	spop (v2sf)  }
0x3e1: {  	p5 =	slt.f32 s5, $5.000000000e-01;
	s5 =	spop (v2sf)  }
0x3e2: {  	p6 =	sgt.s32 s22, $0x0;
	s22 =	spop (v2sf)  }
0x3e3: {  	p4 =	por !p6, !p5;
	s19 =	spop (v2sf)  }
0x3e4: {  	v35 =	vlaneseq.u32;
	v10 =	vbroadcast v3, $0x0;
	p4 =	por !p4, !p4;
	s16 =	smov.u32 s19  }
0x3e5: {  	vm4 =	veq.s32 v35, $0x8;
	s16 =	smov.u32 @p4 s20  }
0x3e6: {  	v36 =	vand.u32 $0x3FF, v0;
	vm2 =	vmmov $0xff;
	v37 =	vsel vm4, s16, v10  }
0x3e7: {  	vm5 =	veq.s32 v2, $0x3;
	vm6 =	vgt.s32 v2, $0x3;
	v39 =	vsel vm2, v3, v37  }
0x3e8: {  	v40 =	vsel vm5, $0xFFFFFFFF, v7;
	v2 =	vsel vm6, $0x1, v7;
	v9 =	vshll.u32 v39, $0x3  }
0x3e9: {  	v11 =	vshrl.u32 v35, $0x3;
	v41 =	vand.u32 $0x7, v39;
	v9 =	vand.u32 $0xFFFFFFC0, v9  }
0x3ea: {  	v0 =	vadd.s32 v2, v36;
	v2 =	vand.u32 $0x7, v35;
	v9 =	vor.u32 v41, v9  }
0x3eb: {  	v5 =	vadd.s32 v40, v0;
	v0 =	vmul.u32 $0x8, v11;
	v12 =	vperm.xlane v9, v2  }
0x3ec: {  	vm7 =	vgt.s32 v5, $0x0  }
0x3ed: {  	v38 =	vimm.s32 $0x0;
	v5 =	vnsel vm7, $0x0, v5;
	v12 =	vadd.s32 v0, v12  }
0x3ee: {  	v5 =	vmin.u32 v5, $0x3FF;
	v6 =	vsel vm2, $0xFFFFFFFF, v38;
	v42 =	vshll.u32 v3, $0xA  }
0x3ef: {  	[tilespmem:$0x1FFF0] =	vst v6;
	v11 =	vor.u32 v5, v42  }
0x3f0: {  	vm8 =	vcmask $0x300;
	v43 =	vimm.s32 $0x2380;
	[tilespmem:$0x14BD0] =	vst v11  }
0x3f1: {  	vm12 =	vcmask $0x704;
	vm6 =	vmmov $0xffff;
	v6 =	vsel vm8, $0x0, v43;
	s13 =	simm.s32 $0x10B50;
	s12 =	simm.s32 $0x0;
	[tilespmem:$0x14B50] =	vst v39  }
0x3f2: {  	vm3 =	vcmask $0xB08;
	v4 =	vor.u32 $0x8, v35;
	v6 =	vsel vm12, $0x80, v6;
	[tilespmem:s13], [sflag:$0x6] =	stream.indirect_vreg.gather [hbm4b:s8+s12], $0x80, v12, vm6, $0xb8;
	[tilespmem:$0x14CD0] =	vst v63  }
0x3f3: {  	vm8 =	vcmask $0xF0C;
	v6 =	vsel vm3, $0x100, v6;
	s14 =	simm.s32 $0x11350;
	v9 =	vperm.xlane v9, v4  }
0x3f4: {  	vm11 =	vcmask $0x1310;
	v6 =	vsel vm8, $0x180, v6;
	[tilespmem:s14], [sflag:$0x6] =	stream.indirect_vreg.gather [hbm4b:s11+s12], $0x80, v12, vm6, $0xb8;
	[tilespmem:$0x14CD0] =	vst v63  }
0x3f5: {  	v6 =	vsel vm11, $0x200, v6;
	vm13 =	vcmask $0x1714;
	s15 =	simm.s32 $0x11B50;
	v13 =	vadd.s32 v0, v9  }
0x3f6: {  	vm10 =	vcmask $0x1B18;
	v6 =	vsel vm13, $0x280, v6;
	[tilespmem:s15], [sflag:$0x6] =	stream.indirect_vreg.gather [hbm4b:s10+s12], $0x80, v12, vm6, $0xb8;
	[tilespmem:$0x14CD0] =	vst v63  }
0x3f7: {  	vm7 =	vcmask $0x1F1C;
	v6 =	vsel vm10, $0x300, v6;
	s17 =	simm.s32 $0x12350  }
0x3f8: {  	vm9 =	vcmask $0x2320;
	v6 =	vsel vm7, $0x380, v6;
	[tilespmem:s17], [sflag:$0x6] =	stream.indirect_vreg.gather [hbm4b:s9+s12], $0x80, v12, vm6, $0xb8;
	[tilespmem:$0x14CD0] =	vst v63  }
0x3f9: {  	s21 =	smov.u32 @p1 s30;
	vm14 =	vcmask $0x2724;
	v6 =	vsel vm9, $0x2000, v6;
	s18 =	simm.s32 $0x12B50  }
0x3fa: {  	vm15 =	vcmask $0x2B28;
	v6 =	vsel vm14, $0x2080, v6;
	[tilespmem:s18], [sflag:$0x6] =	stream.indirect_vreg.gather [hbm4b:s8+s12], $0x80, v13, vm6, $0xb8;
	[tilespmem:$0x14CD0] =	vst v63  }
0x3fb: {  	p0 =	por p0, p0;
	s0 =	sadd.s32 s29, s0;
	v6 =	vsel vm15, $0x2100, v6;
	vm4 =	vcmask $0x2F2C;
	s8 =	simm.s32 $0x13350  }
0x3fc: {  	vm5 =	vcmask $0x3330;
	v44 =	vand.u32 $0x7F, v5;
	v6 =	vsel vm4, $0x2180, v6;
	[tilespmem:s8], [sflag:$0x6] =	stream.indirect_vreg.gather [hbm4b:s11+s12], $0x80, v13, vm6, $0xb8;
	[tilespmem:$0x14CD0] =	vst v63  }
0x3fd: {  	v45 =	vshll.u32 v5, $0x3;
	s21 =	smov.u32 @p0 s0;
	vm9 =	vcmask $0x3734;
	v6 =	vsel vm5, $0x2200, v6;
	s11 =	simm.s32 $0x13B50  }
0x3fe: {  	vm14 =	vcmask $0x3B38;
	v14 =	vsel vm9, $0x2280, v6;
	v9 =	vand.u32 $0x1C00, v45;
	[tilespmem:s11], [sflag:$0x6] =	stream.indirect_vreg.gather [hbm4b:s10+s12], $0x80, v13, vm6, $0xb8;
	[tilespmem:$0x14CD0] =	vst v63  }
0x3ff: {  	p0 =	por p3, p3;
	s24 =	simm.s32 @p2 $0x1;
	v46 =	vsel vm14, $0x2300, v14;
	v6 =	vor.u32 v44, v9;
	s10 =	simm.s32 $0x14350  }
0x400: {  	v12 =	vor.u32 v46, v6;
	[tilespmem:s10], [sflag:$0x6] =	stream.indirect_vreg.gather [hbm4b:s9+s12], $0x80, v13, vm6, $0xb8;
	[tilespmem:$0x14CD0] =	vst v63  }
0x401: {  	p1 =	por p2, p2;
	p3 =	seq.s32 s24, $0x0;
	s9 =	simm.s32 $0x6  }
0x402: {  	s0 =	sadd.s32 s28, s6;
	p6 =	sgt.s32 s7, s31;
	_ =	swait.ge [sflag:s9], $0x4000  }
0x403: {  	s21 =	smov.u32 @p0 s0;
	p6 =	por !p3, !p6;
	[sflag:s9] =	ssyncset.done $0x0  }
0x404: {  	s0 =	sadd.s32 s26, s5;
	p0 =	por !p6, !p6;
	[sflag:s9] =	ssyncadd.s32 $0xFFFFC000  }
0x405: {  	s21 =	smov.u32 @p1 s0;
	s0 =	sadd.s32 s25, s22;
	p0 =	por p0, p0;
	v12 =	vld.idx.msk [tilespmem:v12+s13+$0x0], $0xffff  }
0x406: {  	s21 =	smov.u32 @p0 s0;
	vm2 =	vmxor vm2, vm2  }
0x407: {  	s0 =	sadd.s32 s23, s21;
	vm5 =	vmmov vm2  }
0x408: {  	vm15 =	veq.s32 v11, s0;
	vm5 =	vmneg @p4 vm5  }
0x409: {  	vm0 =	vmand vm5, vm15  }
0x40a: {  	v12 =	vsel vm0, $0x3F800000, v12  }
0x40b: {  	(v2sf) =	vpush v12, $0x7;
	_ =	sdelay $0x2  }
0x40c: {  	(v2sf) =	vpush v1, $0x7;
	_ =	sdelay $0xb  }
0x40d: {  	s26 =	spop (v2sf)  }
0x40e: {  	s28 =	rddreg [dreg:$0xa];
	p1 =	seq.f32 s26, $1.000000000e+00  }
0x40f: {  	p2 =	slt.s32 s28, $0x1  }
0x410: {  	s29 =	spop (v2sf);
	p0 =	por !p2, !p1  }
0x411: {  	p3 =	sgt.s32 s29, $0x0;
	p0 =	por !p0, !p0  }
0x412: {  	p0 =	por !p3, !p0  }
0x413: {  	v47 =	vbroadcast v11, $0x6;
	vm4 =	vmmov vm2;
	p0 =	por !p0, !p0  }
0x414: {  	vm4 =	vmneg @p0 vm4  }
0x415: {  	vm9 =	veq.s32 v11, v47;
	vm7 =	vmand vm4, vm7  }
0x416: {  	vm1 =	vmand vm9, vm7  }
0x417: {  	v49 =	vsel vm1, $0x1, v7  }
0x418: {  	(xrf0) =	vadd.scan.msk.s32 $0xffff, v49;
	_ =	sdelay $0x1  }
0x419: {  	v48 =	vimm.s32 $0x0  }
0x41a: {  	v13 =	vsel vm9, $0xFFFFFFFF, v48;
	_ =	sdelay $0x2  }
0x41b: {  	[tilespmem:$0x1FFE0] =	vst v13;
	v13, _, _ =	vpop (xrf0)  }
0x41c: {  	(v2sf) =	vpush v13, $0xF  }
0x41d: {  	(v2sf) =	vpush v12, $0x6;
	_ =	sdelay $0x2  }
0x41e: {  	(v2sf) =	vpush v1, $0x6;
	_ =	sdelay $0xa  }
0x41f: {  	s30 =	spop (v2sf)  }
0x420: {  	s31 =	spop (v2sf)  }
0x421: {  	p4 =	seq.f32 s31, $1.000000000e+00  }
0x422: {  	p5 =	slt.s32 s30, $0x1  }
0x423: {  	s6 =	spop (v2sf);
	p0 =	por !p5, !p4  }
0x424: {  	p6 =	sgt.s32 s6, $0x0;
	p0 =	por !p0, !p0  }
0x425: {  	p0 =	por !p6, !p0  }
0x426: {  	vm9 =	vmmov vm2;
	p0 =	por !p0, !p0  }
0x427: {  	v50 =	vbroadcast v11, $0x5;
	vm9 =	vmneg @p0 vm9  }
0x428: {  	vm10 =	vmand vm9, vm10  }
0x429: {  	vm14 =	veq.s32 v11, v50;
	vm0 =	vmor vm10, vm7  }
0x42a: {  	vm1 =	vmand vm14, vm0  }
0x42b: {  	v52 =	vsel vm1, $0x1, v7  }
0x42c: {  	(xrf0) =	vadd.scan.msk.s32 $0xffff, v52;
	_ =	sdelay $0x1  }
0x42d: {  	v51 =	vimm.s32 $0x0  }
0x42e: {  	v13 =	vsel vm14, $0xFFFFFFFF, v51;
	_ =	sdelay $0x2  }
0x42f: {  	[tilespmem:$0x1FFC0] =	vst v13;
	v13, _, _ =	vpop (xrf0)  }
0x430: {  	(v2sf) =	vpush v13, $0xF  }
0x431: {  	(v2sf) =	vpush v12, $0x5;
	_ =	sdelay $0x2  }
0x432: {  	(v2sf) =	vpush v1, $0x5;
	_ =	sdelay $0xa  }
0x433: {  	s7 =	spop (v2sf)  }
0x434: {  	s22 =	spop (v2sf)  }
0x435: {  	p1 =	seq.f32 s22, $1.000000000e+00  }
0x436: {  	p2 =	slt.s32 s7, $0x1  }
0x437: {  	s23 =	spop (v2sf);
	p0 =	por !p2, !p1  }
0x438: {  	p3 =	sgt.s32 s23, $0x0;
	p0 =	por !p0, !p0  }
0x439: {  	p0 =	por !p3, !p0  }
0x43a: {  	vm1 =	vmmov vm2;
	p0 =	por !p0, !p0  }
0x43b: {  	vm1 =	vmneg @p0 vm1  }
0x43c: {  	v53 =	vsel vm1, $0x1, v7  }
0x43d: {  	v13 =	vbroadcast v53, $0x0;
	_ =	sdelay $0x1  }
0x43e: {  	v13 =	vand.u32 $0x1, v13  }
0x43f: {  	v55 =	vbroadcast v11, $0x4;
	vm15 =	veq.s32 v13, $0x1  }
0x440: {  	vm1 =	vmand vm15, vm13  }
0x441: {  	vm13 =	veq.s32 v11, v55;
	vm0 =	vmor vm1, vm0  }
0x442: {  	vm1 =	vmand vm13, vm0  }
0x443: {  	v56 =	vsel vm1, $0x1, v7  }
0x444: {  	(xrf0) =	vadd.scan.msk.s32 $0xffff, v56;
	_ =	sdelay $0x1  }
0x445: {  	v54 =	vimm.s32 $0x0  }
0x446: {  	v13 =	vsel vm15, $0xFFFFFFFF, v54;
	_ =	sdelay $0x2  }
0x447: {  	[tilespmem:$0x1FFD0] =	vst v13;
	v13, _, _ =	vpop (xrf0)  }
0x448: {  	(v2sf) =	vpush v13, $0xF  }
0x449: {  	(v2sf) =	vpush v12, $0x4;
	_ =	sdelay $0x2  }
0x44a: {  	(v2sf) =	vpush v1, $0x4;
	_ =	sdelay $0xa  }
0x44b: {  	s24 =	spop (v2sf)  }
0x44c: {  	s25 =	spop (v2sf)  }
0x44d: {  	p4 =	seq.f32 s25, $1.000000000e+00  }
0x44e: {  	p5 =	slt.s32 s24, $0x1  }
0x44f: {  	s26 =	spop (v2sf);
	p0 =	por !p5, !p4  }
0x450: {  	p6 =	sgt.s32 s26, $0x0;
	p0 =	por !p0, !p0  }
0x451: {  	p0 =	por !p6, !p0  }
0x452: {  	vm1 =	vmmov vm2;
	p0 =	por !p0, !p0  }
0x453: {  	vm1 =	vmneg @p0 vm1  }
0x454: {  	v57 =	vsel vm1, $0x1, v7  }
0x455: {  	v13 =	vbroadcast v57, $0x0;
	_ =	sdelay $0x1  }
0x456: {  	v13 =	vand.u32 $0x1, v13  }
0x457: {  	v58 =	vbroadcast v11, $0x3;
	vm14 =	veq.s32 v13, $0x1  }
0x458: {  	vm7 =	vmand vm14, vm11  }
0x459: {  	vm11 =	veq.s32 v11, v58;
	vm0 =	vmor vm7, vm0  }
0x45a: {  	vm1 =	vmand vm11, vm0  }
0x45b: {  	v59 =	vsel vm1, $0x1, v7  }
0x45c: {  	(xrf0) =	vadd.scan.msk.s32 $0xffff, v59;
	_ =	sdelay $0x5  }
0x45d: {  	v13, _, _ =	vpop (xrf0)  }
0x45e: {  	(v2sf) =	vpush v13, $0xF  }
0x45f: {  	(v2sf) =	vpush v12, $0x3;
	_ =	sdelay $0x2  }
0x460: {  	(v2sf) =	vpush v1, $0x3;
	_ =	sdelay $0xa  }
0x461: {  	s28 =	spop (v2sf)  }
0x462: {  	s29 =	spop (v2sf)  }
0x463: {  	p1 =	seq.f32 s29, $1.000000000e+00  }
0x464: {  	p2 =	slt.s32 s28, $0x1  }
0x465: {  	s30 =	spop (v2sf);
	p0 =	por !p2, !p1  }
0x466: {  	p3 =	sgt.s32 s30, $0x0;
	p0 =	por !p0, !p0  }
0x467: {  	p0 =	por !p3, !p0  }
0x468: {  	vm1 =	vmmov vm2;
	p0 =	por !p0, !p0  }
0x469: {  	vm1 =	vmneg @p0 vm1  }
0x46a: {  	v60 =	vsel vm1, $0x1, v7  }
0x46b: {  	v13 =	vbroadcast v60, $0x0;
	_ =	sdelay $0x1  }
0x46c: {  	v13 =	vand.u32 $0x1, v13  }
0x46d: {  	v61 =	vbroadcast v11, $0x2;
	vm15 =	veq.s32 v13, $0x1  }
0x46e: {  	vm8 =	vmand vm15, vm8  }
0x46f: {  	vm0 =	vmor vm8, vm0;
	vm8 =	veq.s32 v11, v61  }
0x470: {  	vm1 =	vmand vm8, vm0  }
0x471: {  	v62 =	vsel vm1, $0x1, v7  }
0x472: {  	(xrf0) =	vadd.scan.msk.s32 $0xffff, v62;
	_ =	sdelay $0x5  }
0x473: {  	v13, _, _ =	vpop (xrf0)  }
0x474: {  	(v2sf) =	vpush v13, $0xF  }
0x475: {  	(v2sf) =	vpush v12, $0x2;
	_ =	sdelay $0x2  }
0x476: {  	(v2sf) =	vpush v1, $0x2;
	_ =	sdelay $0xa  }
0x477: {  	s31 =	spop (v2sf)  }
0x478: {  	s6 =	spop (v2sf)  }
0x479: {  	p4 =	seq.f32 s6, $1.000000000e+00  }
0x47a: {  	p5 =	slt.s32 s31, $0x1  }
0x47b: {  	s7 =	spop (v2sf);
	p0 =	por !p5, !p4  }
0x47c: {  	p6 =	sgt.s32 s7, $0x0;
	p0 =	por !p0, !p0  }
0x47d: {  	p0 =	por !p6, !p0  }
0x47e: {  	vm1 =	vmmov vm2;
	p0 =	por !p0, !p0  }
0x47f: {  	vm1 =	vmneg @p0 vm1  }
0x480: {  	v63 =	vsel vm1, $0x1, v7  }
0x481: {  	v13 =	vbroadcast v63, $0x0;
	_ =	sdelay $0x1  }
0x482: {  	v13 =	vand.u32 $0x1, v13  }
0x483: {  	v16 =	vbroadcast v11, $0x1;
	vm1 =	veq.s32 v13, $0x1  }
0x484: {  	vm3 =	vmand vm1, vm3  }
0x485: {  	vm0 =	vmor vm3, vm0;
	vm3 =	veq.s32 v11, v16  }
0x486: {  	vm10 =	vmand vm3, vm0  }
0x487: {  	v17 =	vsel vm10, $0x1, v7  }
0x488: {  	(xrf0) =	vadd.scan.msk.s32 $0xffff, v17;
	_ =	sdelay $0x5  }
0x489: {  	v13, _, _ =	vpop (xrf0)  }
0x48a: {  	(v2sf) =	vpush v13, $0xF  }
0x48b: {  	(v2sf) =	vpush v12, $0x1;
	_ =	sdelay $0x2  }
0x48c: {  	(v2sf) =	vpush v1, $0x1;
	_ =	sdelay $0xa  }
0x48d: {  	s22 =	spop (v2sf)  }
0x48e: {  	s23 =	spop (v2sf)  }
0x48f: {  	p1 =	seq.f32 s23, $1.000000000e+00  }
0x490: {  	p2 =	slt.s32 s22, $0x1  }
0x491: {  	s24 =	spop (v2sf);
	p0 =	por !p2, !p1  }
0x492: {  	p3 =	sgt.s32 s24, $0x0;
	p0 =	por !p0, !p0  }
0x493: {  	p0 =	por !p3, !p0  }
0x494: {  	vm7 =	vmmov vm2;
	p0 =	por !p0, !p0  }
0x495: {  	vm7 =	vmneg @p0 vm7  }
0x496: {  	v18 =	vsel vm7, $0x1, v7  }
0x497: {  	v13 =	vbroadcast v18, $0x0;
	_ =	sdelay $0x1  }
0x498: {  	v13 =	vand.u32 $0x1, v13  }
0x499: {  	v19 =	vbroadcast v11, $0x0;
	vm7 =	veq.s32 v13, $0x1  }
0x49a: {  	vm12 =	vmand vm7, vm12  }
0x49b: {  	vm10 =	veq.s32 v11, v19;
	vm0 =	vmor vm12, vm0  }
0x49c: {  	vm12 =	vmand vm10, vm0  }
0x49d: {  	v20 =	vsel vm12, $0x1, v7  }
0x49e: {  	(xrf0) =	vadd.scan.msk.s32 $0xffff, v20;
	_ =	sdelay $0x5  }
0x49f: {  	v13, _, _ =	vpop (xrf0)  }
0x4a0: {  	(v2sf) =	vpush v13, $0xF  }
0x4a1: {  	(v2sf) =	vpush v12, $0x0;
	_ =	sdelay $0x2  }
0x4a2: {  	(v2sf) =	vpush v1, $0x0;
	_ =	sdelay $0xa  }
0x4a3: {  	s25 =	spop (v2sf)  }
0x4a4: {  	s26 =	spop (v2sf)  }
0x4a5: {  	p4 =	seq.f32 s26, $1.000000000e+00  }
0x4a6: {  	p5 =	slt.s32 s25, $0x1  }
0x4a7: {  	s28 =	spop (v2sf);
	p0 =	por !p5, !p4  }
0x4a8: {  	v24 =	vld [tilespmem:$0x1FFE0];
	p6 =	sgt.s32 s28, $0x0;
	p0 =	por !p0, !p0  }
0x4a9: {  	v22 =	vld [tilespmem:$0x1FFC0];
	p0 =	por !p6, !p0  }
0x4aa: {  	v23 =	vld [tilespmem:$0x1FFD0];
	vm12 =	vmmov vm2;
	p0 =	por !p0, !p0  }
0x4ab: {  	v27 =	vimm.f32 $0.0e+00;
	vm12 =	vmneg @p0 vm12  }
0x4ac: {  	v21 =	vbroadcast v11, $0x7;
	vm3 =	vmand vm3, vm7;
	vm10 =	vmand vm10, vm12  }
0x4ad: {  	vm13 =	vmand vm13, vm14;
	vm1 =	vmand vm8, vm1;
	vm3 =	vmor vm3, vm10  }
0x4ae: {  	vm14 =	vnez.u8 v22;
	vm11 =	vmand vm11, vm15;
	vm1 =	vmor vm1, vm3  }
0x4af: {  	vm15 =	vnez.u8 v23;
	vm10 =	vnez.u8 v24;
	vm1 =	vmor vm11, vm1  }
0x4b0: {  	vm3 =	vmand vm14, vm15;
	vm14 =	vne.f32 v12, $1.000000000e+00;
	vm1 =	vmor vm13, vm1  }
0x4b1: {  	vm11 =	veq.s32 v11, v21;
	vm1 =	vmor vm3, vm1;
	vm3 =	vmand vm10, vm9  }
0x4b2: {  	vm15 =	vmmov $0x1;
	vm13 =	vmand vm11, vm4;
	vm1 =	vmor vm3, vm1  }
0x4b3: {  	v11 =	vcvt.s32.f32 v11;
	vm9 =	vmand vm12, vm15;
	vm1 =	vmor vm13, vm1  }
0x4b4: {  	v25 =	vimm.f32 $1.000000000e+00;
	[tilespmem:$0x14C80] =	vst v27;
	vm0 =	vmor vm9, vm0;
	vm1 =	vmor vm1, vm14  }
0x4b5: {  	vm10 =	veq.s32 v8, $0x1;
	[tilespmem:$0x14C50] =	vst v11;
	v7 =	vsel vm0, $0x3F800000, v7;
	v26 =	vsel vm1, $0x40000000, v25  }
0x4b6: {  	[tilespmem:$0x14C70] =	vst v7;
	v8 =	vsel vm10, $0x0, v26  }
0x4b7: {  	s29 =	simm.s32 $0x14C50;
	s30 =	rddreg [dreg:$0x9];
	s31 =	simm.s32 $0x7;
	[tilespmem:$0x14C60] =	vst v8  }
0x4b8: {  	[hbm4b:s30+s12] =	stream.linear.scatter [tilespmem:s29], [sflag:$0x7], $0x80, $0x38;
	[tilespmem:$0x14CD0] =	vst v63  }
0x4b9: {  	_ =	swait.ge [sflag:s31], $0x80  }
0x4ba: {  	[sflag:s31] =	ssyncset.done $0x0  }
0x4bb: {  	[sflag:s31] =	ssyncadd.s32 $0xFFFFFF80  }
0x4bc: {  	s7 =	simm.s32 $0x14BD0;
	s22 =	rddreg [dreg:$0x5]  }
0x4bd: {  	[hbm4b:s22+s12] =	stream.linear.scatter [tilespmem:s7], [sflag:$0x7], $0x80, $0x38;
	[tilespmem:$0x14CD0] =	vst v63  }
0x4be: {  	_ =	swait.ge [sflag:s31], $0x80  }
0x4bf: {  	(v2sf) =	vpush v3, $0x1;
	_ =	sdelay $0x1  }
0x4c0: {  	(v2sf) =	vpush v3, $0x2;
	_ =	sdelay $0x1  }
0x4c1: {  	(v2sf) =	vpush v3, $0x3;
	_ =	sdelay $0x1  }
0x4c2: {  	(v2sf) =	vpush v3, $0x4  }
0x4c3: {  	v29 =	vimm.f32 $2.000000000e+00;
	v32 =	vbroadcast v3, $0x1  }
0x4c4: {  	v36 =	vbroadcast v3, $0x3;
	v38 =	vbroadcast v3, $0x4;
	(v2sf) =	vpush v3, $0x5  }
0x4c5: {  	v42 =	vbroadcast v3, $0x6;
	v33 =	vbroadcast v3, $0x2;
	v28 =	vmov s21  }
0x4c6: {  	v39 =	vbroadcast v3, $0x5;
	v30 =	vshll.u32 v28, $0x3;
	v31 =	vld [tilespmem:$0x1FFF0];
	(v2sf) =	vpush v3, $0x6  }
0x4c7: {  	v45 =	vbroadcast v3, $0x7;
	v5 =	vor.u32 v5, v9;
	v34 =	vor.u32 $0x80, v6  }
0x4c8: {  	v37 =	vor.u32 $0x100, v6;
	v40 =	vor.u32 $0x200, v6;
	(v2sf) =	vpush v3, $0x7  }
0x4c9: {  	v43 =	vor.u32 $0x280, v6;
	v16 =	vor.u32 $0x180, v6;
	vm7 =	vmmov vm2  }
0x4ca: {  	p0 =	seq.s32 s20, s19;
	vm4 =	vmand vm5, vm15;
	v11 =	vand.u32 $0xFFFFFC00, v30;
	vm1 =	vmmov vm2  }
0x4cb: {  	vm12 =	veq.s32 v3, v10;
	vm1 =	vmneg @p0 vm1;
	vm11 =	vnez.u8 v31;
	s23 =	spop (v2sf)  }
0x4cc: {  	vm3 =	vmand vm4, vm1;
	v8 =	vand.u32 $0x7F, v28;
	vm5 =	vmand vm0, vm11;
	p0 =	seq.s32 s20, s23  }
0x4cd: {  	v8 =	vor.u32 v8, v11;
	vm1 =	vmand vm12, vm5;
	s24 =	spop (v2sf);
	vm7 =	vmneg @p0 vm7  }
0x4ce: {  	vm13 =	veq.s32 v3, v32;
	p0 =	seq.s32 s20, s24;
	vm8 =	vmand vm4, vm7;
	vm7 =	vmmov vm2  }
0x4cf: {  	v11 =	vor.u32 $0x80, v8;
	vm9 =	vmand vm13, vm5;
	s25 =	spop (v2sf);
	vm7 =	vmneg @p0 vm7  }
0x4d0: {  	vm14 =	veq.s32 v3, v33;
	[sflag:s31] =	ssyncset.done $0x0;
	p0 =	seq.s32 s20, s25;
	vm0 =	vmand vm4, vm7;
	vm7 =	vmmov vm2  }
0x4d1: {  	v35 =	vor.u32 $0x100, v8;
	[sflag:s31] =	ssyncadd.s32 $0xFFFFFF80;
	vm10 =	vmand vm14, vm5;
	s26 =	spop (v2sf);
	vm7 =	vmneg @p0 vm7  }
0x4d2: {  	[tilespmem:v8+s13+$0x0] =	vst.idx.msk vm3, v25;
	vm11 =	veq.s32 v3, v36;
	vm12 =	vmmov vm2;
	p0 =	seq.s32 s20, s26;
	vm7 =	vmand vm4, vm7  }
0x4d3: {  	v15 =	vor.u32 $0x180, v8;
	vm11 =	vmand vm11, vm5;
	[tilespmem:v6+s13+$0x0] =	vst.idx.msk vm1, v29;
	s28 =	spop (v2sf);
	vm12 =	vmneg @p0 vm12  }
0x4d4: {  	vm13 =	veq.s32 v3, v38;
	vm14 =	vmmov vm2;
	p0 =	seq.s32 s20, s28;
	vm12 =	vmand vm4, vm12;
	[tilespmem:v11+s13+$0x0] =	vst.idx.msk vm8, v25  }
0x4d5: {  	v17 =	vor.u32 $0x200, v8;
	s29 =	spop (v2sf);
	vm14 =	vmneg @p0 vm14;
	vm8 =	vmand vm13, vm5;
	[tilespmem:v34+s13+$0x0] =	vst.idx.msk vm9, v29  }
0x4d6: {  	p0 =	seq.s32 s20, s29;
	vm13 =	vmmov vm2;
	vm9 =	vmand vm4, vm14;
	[tilespmem:v35+s13+$0x0] =	vst.idx.msk vm0, v25;
	vm0 =	veq.s32 v3, v39  }
0x4d7: {  	v41 =	vor.u32 $0x280, v8;
	s30 =	spop (v2sf);
	vm13 =	vmneg @p0 vm13;
	[tilespmem:v37+s13+$0x0] =	vst.idx.msk vm10, v29;
	vm0 =	vmand vm0, vm5  }
0x4d8: {  	p0 =	seq.s32 s20, s30;
	vm10 =	vmand vm4, vm13;
	vm13 =	vmmov vm2;
	[tilespmem:v15+s13+$0x0] =	vst.idx.msk vm7, v25;
	vm7 =	veq.s32 v3, v42  }
0x4d9: {  	v44 =	vor.u32 $0x300, v8;
	vm13 =	vmneg @p0 vm13;
	[tilespmem:v16+s13+$0x0] =	vst.idx.msk vm11, v29;
	vm7 =	vmand vm7, vm5  }
0x4da: {  	v46 =	vor.u32 $0x300, v6;
	p0 =	seq.s32 s20, s16;
	vm11 =	vmand vm4, vm13;
	[tilespmem:v17+s13+$0x0] =	vst.idx.msk vm12, v25;
	vm12 =	veq.s32 v3, v45  }
0x4db: {  	v47 =	vor.u32 $0x380, v8;
	vm2 =	vmneg @p0 vm2;
	[tilespmem:v40+s13+$0x0] =	vst.idx.msk vm8, v29;
	vm8 =	vmand vm12, vm5  }
0x4dc: {  	v48 =	vor.u32 $0x380, v5;
	vm2 =	vmand vm4, vm2;
	vm12 =	veq.s32 v3, s16;
	[tilespmem:v41+s13+$0x0] =	vst.idx.msk vm9, v25  }
0x4dd: {  	v49 =	vadd.s32 $0x2000, v8;
	vm15 =	vmand vm12, vm5;
	[tilespmem:v43+s13+$0x0] =	vst.idx.msk vm0, v29  }
0x4de: {  	v50 =	vor.u32 $0x2000, v6;
	[tilespmem:v44+s13+$0x0] =	vst.idx.msk vm10, v25  }
0x4df: {  	v51 =	vadd.s32 $0x2080, v8;
	[tilespmem:v46+s13+$0x0] =	vst.idx.msk vm7, v29  }
0x4e0: {  	v52 =	vor.u32 $0x2080, v6;
	[tilespmem:v47+s13+$0x0] =	vst.idx.msk vm11, v25  }
0x4e1: {  	v53 =	vadd.s32 $0x2100, v8;
	[tilespmem:v48+s13+$0x0] =	vst.idx.msk vm8, v29  }
0x4e2: {  	v54 =	vor.u32 $0x2100, v6;
	[tilespmem:v49+s13+$0x0] =	vst.idx.msk vm2, v25  }
0x4e3: {  	v55 =	vadd.s32 $0x2180, v8;
	[tilespmem:v50+s13+$0x0] =	vst.idx.msk vm15, v29  }
0x4e4: {  	v56 =	vor.u32 $0x2180, v6;
	[tilespmem:v51+s13+$0x0] =	vst.idx.msk vm3, v25  }
0x4e5: {  	v57 =	vadd.s32 $0x2200, v8;
	[tilespmem:v52+s13+$0x0] =	vst.idx.msk vm1, v29  }
0x4e6: {  	v58 =	vor.u32 $0x2200, v6;
	[tilespmem:v53+s13+$0x0] =	vst.idx.msk vm3, v25  }
0x4e7: {  	v59 =	vadd.s32 $0x2280, v8;
	[tilespmem:v54+s13+$0x0] =	vst.idx.msk vm1, v29  }
0x4e8: {  	v60 =	vor.u32 $0x2280, v6;
	[tilespmem:v55+s13+$0x0] =	vst.idx.msk vm3, v25  }
0x4e9: {  	v61 =	vadd.s32 $0x2300, v8;
	[tilespmem:v56+s13+$0x0] =	vst.idx.msk vm1, v29  }
0x4ea: {  	v6 =	vor.u32 $0x2300, v6;
	[tilespmem:v57+s13+$0x0] =	vst.idx.msk vm3, v25  }
0x4eb: {  	v62 =	vadd.s32 $0x2380, v8;
	[tilespmem:v58+s13+$0x0] =	vst.idx.msk vm1, v29  }
0x4ec: {  	v5 =	vor.u32 $0x2380, v5;
	[tilespmem:v59+s13+$0x0] =	vst.idx.msk vm3, v25  }
0x4ed: {  	[tilespmem:v60+s13+$0x0] =	vst.idx.msk vm1, v29  }
0x4ee: {  	[tilespmem:v61+s13+$0x0] =	vst.idx.msk vm3, v25  }
0x4ef: {  	[tilespmem:v6+s13+$0x0] =	vst.idx.msk vm1, v29  }
0x4f0: {  	[tilespmem:v62+s13+$0x0] =	vst.idx.msk vm3, v25  }
0x4f1: {  	[tilespmem:v5+s13+$0x0] =	vst.idx.msk vm1, v29  }
0x4f2: {  	v1 =	vld [tilespmem:$0x14B50];
	_ =	sdelay $0x4  }
0x4f3: {  	v63 =	vshll.u32 v1, $0x3  }
0x4f4: {  	v1 =	vand.u32 $0x7, v1;
	v3 =	vand.u32 $0xFFFFFFC0, v63  }
0x4f5: {  	v1 =	vor.u32 v1, v3  }
0x4f6: {  	v2 =	vperm.xlane v1, v2;
	_ =	sdelay $0x1  }
0x4f7: {  	v2 =	vadd.s32 v0, v2;
	_ =	sdelay $0x4  }
0x4f8: {  	[hbm4b:s1+s12] =	stream.indirect_vreg.scatter [tilespmem:s13], [sflag:$0x6], $0x80, v2, vm6, $0xb8;
	[tilespmem:$0x14CD0] =	vst v63  }
0x4f9: {  	v1 =	vperm.xlane v1, v4  }
0x4fa: {  	[hbm4b:s2+s12] =	stream.indirect_vreg.scatter [tilespmem:s14], [sflag:$0x6], $0x80, v2, vm6, $0xb8;
	[tilespmem:$0x14CD0] =	vst v63  }
0x4fb: {  	v0 =	vadd.s32 v0, v1  }
0x4fc: {  	[hbm4b:s3+s12] =	stream.indirect_vreg.scatter [tilespmem:s15], [sflag:$0x6], $0x80, v2, vm6, $0xb8;
	[tilespmem:$0x14CD0] =	vst v63  }
0x4fd: {  	_ = 	snop  }
0x4fe: {  	[hbm4b:s4+s12] =	stream.indirect_vreg.scatter [tilespmem:s17], [sflag:$0x6], $0x80, v2, vm6, $0xb8;
	[tilespmem:$0x14CD0] =	vst v63  }
0x4ff: {  	_ = 	snop  }
0x500: {  	[hbm4b:s1+s12] =	stream.indirect_vreg.scatter [tilespmem:s18], [sflag:$0x6], $0x80, v0, vm6, $0xb8;
	[tilespmem:$0x14CD0] =	vst v63  }
0x501: {  	_ = 	snop  }
0x502: {  	[hbm4b:s2+s12] =	stream.indirect_vreg.scatter [tilespmem:s8], [sflag:$0x6], $0x80, v0, vm6, $0xb8;
	[tilespmem:$0x14CD0] =	vst v63  }
0x503: {  	_ = 	snop  }
0x504: {  	[hbm4b:s3+s12] =	stream.indirect_vreg.scatter [tilespmem:s11], [sflag:$0x6], $0x80, v0, vm6, $0xb8;
	[tilespmem:$0x14CD0] =	vst v63  }
0x505: {  	_ = 	snop  }
0x506: {  	[hbm4b:s4+s12] =	stream.indirect_vreg.scatter [tilespmem:s10], [sflag:$0x6], $0x80, v0, vm6, $0xb8;
	[tilespmem:$0x14CD0] =	vst v63  }
0x507: {  	_ =	swait.ge [sflag:s9], $0x4000  }
0x508: {  	[sflag:s9] =	ssyncset.done $0x0  }
0x509: {  	[sflag:s9] =	ssyncadd.s32 $0xFFFFC000  }
0x50a: {  	_ =	sfence.sel $0x180000  }
0x50b: {  	[bflag:$0x0] =	sbarrier.arrive $0xFFFF  }
0x50c: {  	_ =	strace $0x90000047  }
0x50d: {  	[bflag:$0x2] =	sbarrier.arrive $0xFFFF  }
0x50e: {  	s31 =	rddreg [dreg:$0x8]  }
0x50f: {  	s0 =	sadd.s32 $0x100000, s31  }
0x510: {  	[sflag:s0] =	ssyncadd.tile.s32 $0x1;
	_ =	shalt  }
.Lfunc_end2:
_tile_overlayer_lowered:
.L_overlay_start_2:
0x511: {  	(tag) =	ssettag $0x2  }
0x512: {  	s0 =	rddreg [dreg:$0x0];
	s2 =	stileid.u32  }
0x513: {  	s1 =	rddreg [dreg:$0x1];
	p0 =	sne.s32 s2, $0x0  }
0x514: {  	s3 =	rddreg [dreg:$0x2];
	[bflag:$0x3] =	sbarrier.arrive $0xFFFF;
	s2 =	simm.s32 @!p0 $0x1C07  }
0x515: {  	[timem:s3], [sflag:s2] =	dma.local @!p0 [hbm:s0], s1  }
0x516: {  	s0 =	simm.s32 @!p0 $0x7  }
0x517: {  	_ =	swait.ge @!p0 [sflag:s0], s1  }
0x518: {  	s1 =	ssub.s32 @!p0 $0x0, s1;
	[sflag:s0] =	ssyncset.done @!p0 $0x0  }
0x519: {  	[sflag:s0] =	ssyncadd.s32 @!p0 s1  }
0x51a: {  	[bflag:$0x3] =	sbarrier.arrive $0xFFFF  }
0x51b: {  	_ =	shalt  }

</sc_bundles>
